<compile_context>
chip_gen: v7x
topology: tpu7x:2x2x1
jax: 0.10.2.dev20260603
libtpu: 0.0.44.dev20260713+nightly
codegen_flags: <defaults>
</compile_context>

<pallas_src>
import functools

import numpy as np
import jax
import jax.numpy as jnp
from jax import lax
from jax.experimental import pallas as pl
from jax.experimental.pallas import tpu as pltpu
from jax.experimental.pallas import tpu_sc as plsc

VOCAB = 100000
DIM = 64
B = 4096
L = 200

_NCHUNK = DIM // 16


def _make_sums_kernel():
    info = plsc.get_sparse_core_info()
    nc, ns = info.num_cores, info.num_subcores
    nw = nc * ns
    rows_per_w = B // nw

    mesh = plsc.VectorSubcoreMesh(core_axis_name="c", subcore_axis_name="s")

    @functools.partial(
        pl.kernel,
        mesh=mesh,
        compiler_params=pltpu.CompilerParams(
            use_tc_tiling_on_sc=False, needs_layout_passes=False),
        out_type=jax.ShapeDtypeStruct((B, DIM), jnp.float32),
        scratch_types=[
            pltpu.VMEM((rows_per_w * L,), jnp.int32),
            pltpu.VMEM((L, DIM), jnp.bfloat16),
            pltpu.VMEM((L, DIM), jnp.bfloat16),
            pltpu.VMEM((L, DIM), jnp.bfloat16),
            pltpu.VMEM((L, DIM), jnp.bfloat16),
            pltpu.VMEM((rows_per_w, DIM), jnp.float32),
            pltpu.SemaphoreType.DMA,
            pltpu.SemaphoreType.DMA,
            pltpu.SemaphoreType.DMA,
            pltpu.SemaphoreType.DMA,
        ],
    )
    def sums_kernel(idx_hbm, tab_hbm, out_hbm,
                    idx_all, buf0, buf1, buf2, buf3, sums_v,
                    sem0, sem1, sem2, sem3):
        wid = lax.axis_index("s") * nc + lax.axis_index("c")
        base = wid * rows_per_w
        bufs = (buf0, buf1, buf2, buf3)
        sems = (sem0, sem1, sem2, sem3)
        nbuf = 4

        pltpu.sync_copy(
            idx_hbm.at[pl.ds(base * L, rows_per_w * L)], idx_all)

        def start_gather(i, slot):
            pltpu.async_copy(
                tab_hbm.at[idx_all.at[pl.ds(i * L, 128)]],
                bufs[slot].at[pl.ds(0, 128), :], sems[slot])
            pltpu.async_copy(
                tab_hbm.at[idx_all.at[pl.ds(i * L + 128, L - 128)]],
                bufs[slot].at[pl.ds(128, L - 128), :], sems[slot])

        for p in range(nbuf - 1):
            start_gather(p, p)

        def ring_body(g, _):
            for s in range(nbuf):
                i = nbuf * g + s

                @pl.when(i + nbuf - 1 < rows_per_w)
                def _(i=i, s=s):
                    start_gather(i + nbuf - 1, (s + nbuf - 1) % nbuf)

                pltpu.make_async_copy(
                    tab_hbm.at[pl.ds(0, L), :], bufs[s], sems[s]).wait()

                buf = bufs[s]

                def acc_body(r, accs, buf=buf):
                    new = []
                    for c in range(DIM // 32):
                        x = buf[r, pl.ds(32 * c, 32)]
                        ae, ao = plsc.unpack(
                            x, format=plsc.PackFormat.INTERLEAVED)
                        new.append(accs[2 * c] + ae)
                        new.append(accs[2 * c + 1] + ao)
                    return tuple(new)

                zero = jnp.zeros((16,), jnp.float32)
                accs = lax.fori_loop(0, L, acc_body, (zero,) * _NCHUNK,
                                     unroll=8)
                for j in range(_NCHUNK):
                    sums_v[i, pl.ds(16 * j, 16)] = accs[j]
            return 0

        lax.fori_loop(0, rows_per_w // nbuf, ring_body, 0)
        pltpu.sync_copy(sums_v, out_hbm.at[pl.ds(base, rows_per_w)])

    return sums_kernel


def _sc_sums(pan_idx, inst_idx, sem_idx, pan_tab, inst_tab, sem_tab):
    sums_kernel = _make_sums_kernel()
    return [
        sums_kernel(idx.reshape(B * L), tab.astype(jnp.bfloat16))
        for idx, tab in ((pan_idx, pan_tab), (inst_idx, inst_tab),
                         (sem_idx, sem_tab))
    ]


def _proj_body(s0_ref, s1_ref, s2_ref, wt_ref, b3_ref, o_ref):
    wt = wt_ref[...]
    outs = [
        jnp.dot(s_ref[...], wt, preferred_element_type=jnp.float32)
        for s_ref in (s0_ref, s1_ref, s2_ref)
    ]
    o_ref[...] = jnp.concatenate(outs, axis=-1) + b3_ref[...]


def _proj(sums, wt, b3):
    blk = 512
    sblock = pl.BlockSpec((blk, DIM), lambda i: (i, 0))
    return pl.pallas_call(
        _proj_body,
        grid=(B // blk,),
        in_specs=[
            sblock, sblock, sblock,
            pl.BlockSpec((DIM, DIM), lambda i: (0, 0)),
            pl.BlockSpec((1, 3 * DIM), lambda i: (0, 0)),
        ],
        out_specs=pl.BlockSpec((blk, 3 * DIM), lambda i: (i, 0)),
        out_shape=jax.ShapeDtypeStruct((B, 3 * DIM), jnp.float32),
    )(*sums, wt, b3)


def kernel(panoptic_text, instance_text, semantic_text, pan_table, inst_table,
           sem_table, W, b):
    pan_idx = panoptic_text.astype(jnp.int32)
    inst_idx = instance_text.astype(jnp.int32)
    sem_idx = semantic_text.astype(jnp.int32)

    sums = _sc_sums(pan_idx, inst_idx, sem_idx, pan_table, inst_table,
                    sem_table)

    perm = np.concatenate([
        np.arange(0, 32, 2), np.arange(1, 32, 2),
        np.arange(32, 64, 2), np.arange(33, 64, 2)])
    wt = (W.T / jnp.float32(L)).astype(jnp.float32)[perm]
    b3 = jnp.tile(b, 3).reshape(1, 3 * DIM).astype(jnp.float32)
    out2d = _proj(sums, wt, b3)
    return out2d.reshape(B, 3, DIM)

# --- scband reference (transcript-rebuilt; emitter-appended) ---
"""Pipeline reference for scband-text-mapper-46746424050396 (READ-ONLY COPY).

The authoritative reference and input builder live on the scoring server;
editing this copy changes nothing except your own understanding.
"""

import jax, jax.numpy as jnp
import numpy as np

VOCAB = 100000
DIM = 64
B = 4096
L = 200

def setup_inputs(seed: int = 0) -> dict:
    key = jax.random.key(seed)
    k1, k2, k3, k4, k5, k6, k7 = jax.random.split(key, 7)
    panoptic_text = jax.random.randint(k1, (B, L), 0, VOCAB, dtype=jnp.int64 if jax.config.jax_enable_x64 else jnp.int32)
    instance_text = jax.random.randint(k2, (B, L), 0, VOCAB, dtype=jnp.int64 if jax.config.jax_enable_x64 else jnp.int32)
    semantic_text = jax.random.randint(k3, (B, L), 0, VOCAB, dtype=jnp.int64 if jax.config.jax_enable_x64 else jnp.int32)
    pan_table = jax.random.normal(k4, (VOCAB, DIM), dtype=jnp.float32)
    inst_table = jax.random.normal(k5, (VOCAB, DIM), dtype=jnp.float32)
    sem_table = jax.random.normal(k6, (VOCAB, DIM), dtype=jnp.float32)
    kw, kb = jax.random.split(k7)
    bound = 1.0 / np.sqrt(DIM)
    W = jax.random.uniform(kw, (DIM, DIM), minval=-bound, maxval=bound, dtype=jnp.float32)
    b = jax.random.uniform(kb, (DIM,), minval=-bound, maxval=bound, dtype=jnp.float32)
    return {"panoptic_text": panoptic_text, "instance_text": instance_text, "semantic_text": semantic_text,
            "pan_table": pan_table, "inst_table": inst_table, "sem_table": sem_table, "W": W, "b": b}

def reference(panoptic_text, instance_text, semantic_text, pan_table, inst_table, sem_table, W, b):
    pan_emb = jnp.take(pan_table, panoptic_text, axis=0)      # [B, L, D]
    inst_emb = jnp.take(inst_table, instance_text, axis=0)    # [B, L, D]
    sem_emb = jnp.take(sem_table, semantic_text, axis=0)      # [B, L, D]
    pan_proj = jnp.mean(pan_emb, axis=1) @ W.T + b            # [B, D]
    inst_proj = jnp.mean(inst_emb, axis=1) @ W.T + b          # [B, D]
    sem_proj = jnp.mean(sem_emb, axis=1) @ W.T + b            # [B, D]
    combined_query = jnp.stack([pan_proj, inst_proj, sem_proj], axis=1)  # [B, 3, D]
    return combined_query

if __name__ == "__main__":
    import jax
    _d = setup_inputs()
    print(jax.jit(kernel)(*tuple(_d.values())))

</pallas_src>

<mosaic_0001>
#map = affine_map<(d0, d1) -> (0)>
#map1 = affine_map<(d0, d1) -> (0, 0)>
module attributes {stable_mosaic.version = 14 : i64} {
  func.func @sums_kernel(%arg0: i32, %arg1: i32, %arg2: memref<819200xi32, #tpu.memory_space<hbm>>, %arg3: memref<100000x64xbf16, #tpu.memory_space<hbm>>, %arg4: memref<4096x64xf32, #tpu.memory_space<hbm>>, %arg5: memref<25600xi32, #tpu.memory_space<vmem>>, %arg6: memref<200x64xbf16, #tpu.memory_space<vmem>>, %arg7: memref<200x64xbf16, #tpu.memory_space<vmem>>, %arg8: memref<200x64xbf16, #tpu.memory_space<vmem>>, %arg9: memref<200x64xbf16, #tpu.memory_space<vmem>>, %arg10: memref<128x64xf32, #tpu.memory_space<vmem>>, %arg11: memref<!tpu.dma_semaphore, #tpu.memory_space<semaphore_mem>>, %arg12: memref<!tpu.dma_semaphore, #tpu.memory_space<semaphore_mem>>, %arg13: memref<!tpu.dma_semaphore, #tpu.memory_space<semaphore_mem>>, %arg14: memref<!tpu.dma_semaphore, #tpu.memory_space<semaphore_mem>>) attributes {dimension_semantics = [#tpu.dimension_semantics<core_parallel>, #tpu.dimension_semantics<subcore_parallel>], iteration_bounds = array<i64: 2, 16>, scalar_prefetch = 0 : i64, scratch_operands = 10 : i64, tpu.core_type = #tpu.core_type<sc_vector_subcore>, window_params = [{transform_indices = #map}, {transform_indices = #map1}, {transform_indices = #map1}]} {
    %mul3A = arith.constant 2 : i32
    %mul3A_0 = arith.muli %arg1, %mul3A : i32
    %add3A = arith.addi %mul3A_0, %arg0 : i32
    %mul3A_1 = arith.constant 128 : i32
    %mul3A_2 = arith.muli %add3A, %mul3A_1 : i32
    %mul3A_3 = arith.constant 200 : i32
    %mul3A_4 = arith.muli %mul3A_2, %mul3A_3 : i32
    "tpu.region"() ({
      %run_scoped3A = tpu.sem_alloc : memref<!tpu.dma_semaphore, #tpu.memory_space<semaphore_mem>>
      %dma_start3A_58 = tpu.memref_slice %arg2[%mul3A_4] : memref<819200xi32, #tpu.memory_space<hbm>> -> memref<25600xi32, #tpu.memory_space<hbm>>
      %dma_start3A_59 = tpu.memref_slice %arg2[%mul3A_4] : memref<819200xi32, #tpu.memory_space<hbm>> -> memref<25600xi32, #tpu.memory_space<hbm>>
      tpu.enqueue_dma source(%dma_start3A_59 : memref<25600xi32, #tpu.memory_space<hbm>>) target(%arg5 : memref<25600xi32, #tpu.memory_space<vmem>>) target_semaphore(%run_scoped3A : memref<!tpu.dma_semaphore, #tpu.memory_space<semaphore_mem>>)
      %dma_wait3A = tpu.memref_slice %arg2[%mul3A_4] : memref<819200xi32, #tpu.memory_space<hbm>> -> memref<25600xi32, #tpu.memory_space<hbm>>
      %dma_wait3A_60 = tpu.memref_slice %arg2[%mul3A_4] : memref<819200xi32, #tpu.memory_space<hbm>> -> memref<25600xi32, #tpu.memory_space<hbm>>
      tpu.wait_dma2 semaphore(%run_scoped3A : memref<!tpu.dma_semaphore, #tpu.memory_space<semaphore_mem>>) src(%dma_wait3A_60 : memref<25600xi32, #tpu.memory_space<hbm>>) dst(%arg5 : memref<25600xi32, #tpu.memory_space<vmem>>)
      tpu.yield
    }) : () -> ()
    %dma_start3A = arith.constant 0 : i32
    %dma_start3A_5 = arith.constant 0 : i32
    %dma_start3A_6 = tpu.memref_slice %arg6[%dma_start3A, %dma_start3A_5] : memref<200x64xbf16, #tpu.memory_space<vmem>> -> memref<128x64xbf16, #tpu.memory_space<vmem>>
    %dma_start3A_7 = arith.constant 0 : i32
    %dma_start3A_8 = tpu.memref_slice %arg5[%dma_start3A_7] : memref<25600xi32, #tpu.memory_space<vmem>> -> memref<128xi32, #tpu.memory_space<vmem>>
    %dma_start3A_9 = arith.constant 0 : i32
    %dma_start3A_10 = arith.constant 0 : i32
    %dma_start3A_11 = tpu.memref_slice %arg3[%dma_start3A_9, %dma_start3A_10] : memref<100000x64xbf16, #tpu.memory_space<hbm>> -> memref<100000x64xbf16, #tpu.memory_space<hbm>>
    tpu.enqueue_indirect_dma source(%dma_start3A_11 : memref<100000x64xbf16, #tpu.memory_space<hbm>>) target(%dma_start3A_6 : memref<128x64xbf16, #tpu.memory_space<vmem>>) offsets(%dma_start3A_8 : memref<128xi32, #tpu.memory_space<vmem>>) semaphore(%arg11 : memref<!tpu.dma_semaphore, #tpu.memory_space<semaphore_mem>>)
    %dma_start3A_12 = arith.constant 128 : i32
    %dma_start3A_13 = arith.constant 0 : i32
    %dma_start3A_14 = tpu.memref_slice %arg6[%dma_start3A_12, %dma_start3A_13] : memref<200x64xbf16, #tpu.memory_space<vmem>> -> memref<72x64xbf16, #tpu.memory_space<vmem>>
    %dma_start3A_15 = arith.constant 128 : i32
    %dma_start3A_16 = tpu.memref_slice %arg5[%dma_start3A_15] : memref<25600xi32, #tpu.memory_space<vmem>> -> memref<72xi32, #tpu.memory_space<vmem>>
    %dma_start3A_17 = arith.constant 0 : i32
    %dma_start3A_18 = arith.constant 0 : i32
    %dma_start3A_19 = tpu.memref_slice %arg3[%dma_start3A_17, %dma_start3A_18] : memref<100000x64xbf16, #tpu.memory_space<hbm>> -> memref<100000x64xbf16, #tpu.memory_space<hbm>>
    tpu.enqueue_indirect_dma source(%dma_start3A_19 : memref<100000x64xbf16, #tpu.memory_space<hbm>>) target(%dma_start3A_14 : memref<72x64xbf16, #tpu.memory_space<vmem>>) offsets(%dma_start3A_16 : memref<72xi32, #tpu.memory_space<vmem>>) semaphore(%arg11 : memref<!tpu.dma_semaphore, #tpu.memory_space<semaphore_mem>>)
    %dma_start3A_20 = arith.constant 0 : i32
    %dma_start3A_21 = arith.constant 0 : i32
    %dma_start3A_22 = tpu.memref_slice %arg7[%dma_start3A_20, %dma_start3A_21] : memref<200x64xbf16, #tpu.memory_space<vmem>> -> memref<128x64xbf16, #tpu.memory_space<vmem>>
    %dma_start3A_23 = arith.constant 200 : i32
    %dma_start3A_24 = tpu.memref_slice %arg5[%dma_start3A_23] : memref<25600xi32, #tpu.memory_space<vmem>> -> memref<128xi32, #tpu.memory_space<vmem>>
    %dma_start3A_25 = arith.constant 0 : i32
    %dma_start3A_26 = arith.constant 0 : i32
    %dma_start3A_27 = tpu.memref_slice %arg3[%dma_start3A_25, %dma_start3A_26] : memref<100000x64xbf16, #tpu.memory_space<hbm>> -> memref<100000x64xbf16, #tpu.memory_space<hbm>>
    tpu.enqueue_indirect_dma source(%dma_start3A_27 : memref<100000x64xbf16, #tpu.memory_space<hbm>>) target(%dma_start3A_22 : memref<128x64xbf16, #tpu.memory_space<vmem>>) offsets(%dma_start3A_24 : memref<128xi32, #tpu.memory_space<vmem>>) semaphore(%arg12 : memref<!tpu.dma_semaphore, #tpu.memory_space<semaphore_mem>>)
    %dma_start3A_28 = arith.constant 128 : i32
    %dma_start3A_29 = arith.constant 0 : i32
    %dma_start3A_30 = tpu.memref_slice %arg7[%dma_start3A_28, %dma_start3A_29] : memref<200x64xbf16, #tpu.memory_space<vmem>> -> memref<72x64xbf16, #tpu.memory_space<vmem>>
    %dma_start3A_31 = arith.constant 328 : i32
    %dma_start3A_32 = tpu.memref_slice %arg5[%dma_start3A_31] : memref<25600xi32, #tpu.memory_space<vmem>> -> memref<72xi32, #tpu.memory_space<vmem>>
    %dma_start3A_33 = arith.constant 0 : i32
    %dma_start3A_34 = arith.constant 0 : i32
    %dma_start3A_35 = tpu.memref_slice %arg3[%dma_start3A_33, %dma_start3A_34] : memref<100000x64xbf16, #tpu.memory_space<hbm>> -> memref<100000x64xbf16, #tpu.memory_space<hbm>>
    tpu.enqueue_indirect_dma source(%dma_start3A_35 : memref<100000x64xbf16, #tpu.memory_space<hbm>>) target(%dma_start3A_30 : memref<72x64xbf16, #tpu.memory_space<vmem>>) offsets(%dma_start3A_32 : memref<72xi32, #tpu.memory_space<vmem>>) semaphore(%arg12 : memref<!tpu.dma_semaphore, #tpu.memory_space<semaphore_mem>>)
    %dma_start3A_36 = arith.constant 0 : i32
    %dma_start3A_37 = arith.constant 0 : i32
    %dma_start3A_38 = tpu.memref_slice %arg8[%dma_start3A_36, %dma_start3A_37] : memref<200x64xbf16, #tpu.memory_space<vmem>> -> memref<128x64xbf16, #tpu.memory_space<vmem>>
    %dma_start3A_39 = arith.constant 400 : i32
    %dma_start3A_40 = tpu.memref_slice %arg5[%dma_start3A_39] : memref<25600xi32, #tpu.memory_space<vmem>> -> memref<128xi32, #tpu.memory_space<vmem>>
    %dma_start3A_41 = arith.constant 0 : i32
    %dma_start3A_42 = arith.constant 0 : i32
    %dma_start3A_43 = tpu.memref_slice %arg3[%dma_start3A_41, %dma_start3A_42] : memref<100000x64xbf16, #tpu.memory_space<hbm>> -> memref<100000x64xbf16, #tpu.memory_space<hbm>>
    tpu.enqueue_indirect_dma source(%dma_start3A_43 : memref<100000x64xbf16, #tpu.memory_space<hbm>>) target(%dma_start3A_38 : memref<128x64xbf16, #tpu.memory_space<vmem>>) offsets(%dma_start3A_40 : memref<128xi32, #tpu.memory_space<vmem>>) semaphore(%arg13 : memref<!tpu.dma_semaphore, #tpu.memory_space<semaphore_mem>>)
    %dma_start3A_44 = arith.constant 128 : i32
    %dma_start3A_45 = arith.constant 0 : i32
    %dma_start3A_46 = tpu.memref_slice %arg8[%dma_start3A_44, %dma_start3A_45] : memref<200x64xbf16, #tpu.memory_space<vmem>> -> memref<72x64xbf16, #tpu.memory_space<vmem>>
    %dma_start3A_47 = arith.constant 528 : i32
    %dma_start3A_48 = tpu.memref_slice %arg5[%dma_start3A_47] : memref<25600xi32, #tpu.memory_space<vmem>> -> memref<72xi32, #tpu.memory_space<vmem>>
    %dma_start3A_49 = arith.constant 0 : i32
    %dma_start3A_50 = arith.constant 0 : i32
    %dma_start3A_51 = tpu.memref_slice %arg3[%dma_start3A_49, %dma_start3A_50] : memref<100000x64xbf16, #tpu.memory_space<hbm>> -> memref<100000x64xbf16, #tpu.memory_space<hbm>>
    tpu.enqueue_indirect_dma source(%dma_start3A_51 : memref<100000x64xbf16, #tpu.memory_space<hbm>>) target(%dma_start3A_46 : memref<72x64xbf16, #tpu.memory_space<vmem>>) offsets(%dma_start3A_48 : memref<72xi32, #tpu.memory_space<vmem>>) semaphore(%arg13 : memref<!tpu.dma_semaphore, #tpu.memory_space<semaphore_mem>>)
    %scan3A = arith.constant 0 : i32
    %scan3A_52 = arith.constant 0 : i32
    %scan3A_53 = arith.constant 32 : i32
    %scan3A_54 = arith.addi %scan3A_52, %scan3A_53 : i32
    %scan3A_55 = arith.constant 1 : i32
    %scan3A_56 = scf.for %scan3A_58 = %scan3A_52 to %scan3A_54 step %scan3A_55 iter_args(%scan3A_59 = %scan3A) -> (i32)  : i32 {
      %mul3A_60 = arith.constant 4 : i32
      %mul3A_61 = arith.muli %mul3A_60, %scan3A_58 : i32
      %add3A_62 = arith.constant 0 : i32
      %add3A_63 = arith.addi %mul3A_61, %add3A_62 : i32
      %add3A_64 = arith.constant 4 : i32
      %add3A_65 = arith.addi %add3A_63, %add3A_64 : i32
      %sub3A = arith.constant 1 : i32
      %sub3A_66 = arith.subi %add3A_65, %sub3A : i32
      %lt3A = arith.constant 128 : i32
      %lt3A_67 = arith.cmpi slt, %sub3A_66, %lt3A : i32
      %convert_element_type3A = arith.extui %lt3A_67 : i1 to i32
      %cond3A = arith.constant 0 : i32
      %cond3A_68 = arith.cmpi ne, %convert_element_type3A, %cond3A : i32
      scf.if %cond3A_68 {
        %add3A_210 = arith.constant 4 : i32
        %add3A_211 = arith.addi %add3A_63, %add3A_210 : i32
        %sub3A_212 = arith.constant 1 : i32
        %sub3A_213 = arith.subi %add3A_211, %sub3A_212 : i32
        %mul3A_214 = arith.constant 200 : i32
        %mul3A_215 = arith.muli %sub3A_213, %mul3A_214 : i32
        %dma_start3A_216 = arith.constant 0 : i32
        %dma_start3A_217 = arith.constant 0 : i32
        %dma_start3A_218 = tpu.memref_slice %arg9[%dma_start3A_216, %dma_start3A_217] : memref<200x64xbf16, #tpu.memory_space<vmem>> -> memref<128x64xbf16, #tpu.memory_space<vmem>>
        %dma_start3A_219 = tpu.memref_slice %arg5[%mul3A_215] : memref<25600xi32, #tpu.memory_space<vmem>> -> memref<128xi32, #tpu.memory_space<vmem>>
        %dma_start3A_220 = arith.constant 0 : i32
        %dma_start3A_221 = arith.constant 0 : i32
        %dma_start3A_222 = tpu.memref_slice %arg3[%dma_start3A_220, %dma_start3A_221] : memref<100000x64xbf16, #tpu.memory_space<hbm>> -> memref<100000x64xbf16, #tpu.memory_space<hbm>>
        tpu.enqueue_indirect_dma source(%dma_start3A_222 : memref<100000x64xbf16, #tpu.memory_space<hbm>>) target(%dma_start3A_218 : memref<128x64xbf16, #tpu.memory_space<vmem>>) offsets(%dma_start3A_219 : memref<128xi32, #tpu.memory_space<vmem>>) semaphore(%arg14 : memref<!tpu.dma_semaphore, #tpu.memory_space<semaphore_mem>>)
        %mul3A_223 = arith.constant 200 : i32
        %mul3A_224 = arith.muli %sub3A_213, %mul3A_223 : i32
        %add3A_225 = arith.constant 128 : i32
        %add3A_226 = arith.addi %mul3A_224, %add3A_225 : i32
        %dma_start3A_227 = arith.constant 128 : i32
        %dma_start3A_228 = arith.constant 0 : i32
        %dma_start3A_229 = tpu.memref_slice %arg9[%dma_start3A_227, %dma_start3A_228] : memref<200x64xbf16, #tpu.memory_space<vmem>> -> memref<72x64xbf16, #tpu.memory_space<vmem>>
        %dma_start3A_230 = tpu.memref_slice %arg5[%add3A_226] : memref<25600xi32, #tpu.memory_space<vmem>> -> memref<72xi32, #tpu.memory_space<vmem>>
        %dma_start3A_231 = arith.constant 0 : i32
        %dma_start3A_232 = arith.constant 0 : i32
        %dma_start3A_233 = tpu.memref_slice %arg3[%dma_start3A_231, %dma_start3A_232] : memref<100000x64xbf16, #tpu.memory_space<hbm>> -> memref<100000x64xbf16, #tpu.memory_space<hbm>>
        tpu.enqueue_indirect_dma source(%dma_start3A_233 : memref<100000x64xbf16, #tpu.memory_space<hbm>>) target(%dma_start3A_229 : memref<72x64xbf16, #tpu.memory_space<vmem>>) offsets(%dma_start3A_230 : memref<72xi32, #tpu.memory_space<vmem>>) semaphore(%arg14 : memref<!tpu.dma_semaphore, #tpu.memory_space<semaphore_mem>>)
      } else {
      }
      %dma_wait3A = arith.constant 0 : i32
      %dma_wait3A_69 = arith.constant 0 : i32
      %dma_wait3A_70 = tpu.memref_slice %arg3[%dma_wait3A, %dma_wait3A_69] : memref<100000x64xbf16, #tpu.memory_space<hbm>> -> memref<200x64xbf16, #tpu.memory_space<hbm>>
      %dma_wait3A_71 = arith.constant 0 : i32
      %dma_wait3A_72 = arith.constant 0 : i32
      %dma_wait3A_73 = tpu.memref_slice %arg3[%dma_wait3A_71, %dma_wait3A_72] : memref<100000x64xbf16, #tpu.memory_space<hbm>> -> memref<200x64xbf16, #tpu.memory_space<hbm>>
      tpu.wait_dma2 semaphore(%arg11 : memref<!tpu.dma_semaphore, #tpu.memory_space<semaphore_mem>>) src(%dma_wait3A_73 : memref<200x64xbf16, #tpu.memory_space<hbm>>) dst(%arg6 : memref<200x64xbf16, #tpu.memory_space<vmem>>)
      %broadcast_in_dim3A = arith.constant 0.000000e+00 : f32
      %broadcast_in_dim3A_74 = vector.broadcast %broadcast_in_dim3A : f32 to vector<16xf32>
      %scan3A_75 = arith.constant 0 : i32
      %scan3A_76 = arith.constant 200 : i32
      %scan3A_77 = arith.addi %scan3A_75, %scan3A_76 : i32
      %scan3A_78 = arith.constant 8 : i32
      %scan3A_79:4 = scf.for %scan3A_210 = %scan3A_75 to %scan3A_77 step %scan3A_78 iter_args(%scan3A_211 = %broadcast_in_dim3A_74, %scan3A_212 = %broadcast_in_dim3A_74, %scan3A_213 = %broadcast_in_dim3A_74, %scan3A_214 = %broadcast_in_dim3A_74) -> (vector<16xf32>, vector<16xf32>, vector<16xf32>, vector<16xf32>)  : i32 {
        %get3A = arith.index_cast %scan3A_210 : i32 to index
        %get3A_215 = arith.constant 0 : index
        %get3A_216 = tpu.vector_load %arg6[%get3A, %get3A_215] {strides = array<i32>} : memref<200x64xbf16, #tpu.memory_space<vmem>>, vector<32xbf16>,
        %unpack3A = tpu.unpack_subelements %get3A_216, 0 {pack_format = #tpu.pack_format<interleaved>} : vector<32xbf16> -> vector<16xf32>
        %unpack3A_217 = tpu.unpack_subelements %get3A_216, 1 {pack_format = #tpu.pack_format<interleaved>} : vector<32xbf16> -> vector<16xf32>
        %add3A_218 = arith.addf %scan3A_211, %unpack3A : vector<16xf32>
        %add3A_219 = arith.addf %scan3A_212, %unpack3A_217 : vector<16xf32>
        %get3A_220 = arith.index_cast %scan3A_210 : i32 to index
        %get3A_221 = arith.constant 32 : index
        %get3A_222 = tpu.vector_load %arg6[%get3A_220, %get3A_221] {strides = array<i32>} : memref<200x64xbf16, #tpu.memory_space<vmem>>, vector<32xbf16>,
        %unpack3A_223 = tpu.unpack_subelements %get3A_222, 0 {pack_format = #tpu.pack_format<interleaved>} : vector<32xbf16> -> vector<16xf32>
        %unpack3A_224 = tpu.unpack_subelements %get3A_222, 1 {pack_format = #tpu.pack_format<interleaved>} : vector<32xbf16> -> vector<16xf32>
        %add3A_225 = arith.addf %scan3A_213, %unpack3A_223 : vector<16xf32>
        %add3A_226 = arith.addf %scan3A_214, %unpack3A_224 : vector<16xf32>
        %scan3A_227 = arith.constant 1 : i32
        %scan3A_228 = arith.addi %scan3A_210, %scan3A_227 : i32
        %get3A_229 = arith.index_cast %scan3A_228 : i32 to index
        %get3A_230 = arith.constant 0 : index
        %get3A_231 = tpu.vector_load %arg6[%get3A_229, %get3A_230] {strides = array<i32>} : memref<200x64xbf16, #tpu.memory_space<vmem>>, vector<32xbf16>,
        %unpack3A_232 = tpu.unpack_subelements %get3A_231, 0 {pack_format = #tpu.pack_format<interleaved>} : vector<32xbf16> -> vector<16xf32>
        %unpack3A_233 = tpu.unpack_subelements %get3A_231, 1 {pack_format = #tpu.pack_format<interleaved>} : vector<32xbf16> -> vector<16xf32>
        %add3A_234 = arith.addf %add3A_218, %unpack3A_232 : vector<16xf32>
        %add3A_235 = arith.addf %add3A_219, %unpack3A_233 : vector<16xf32>
        %get3A_236 = arith.index_cast %scan3A_228 : i32 to index
        %get3A_237 = arith.constant 32 : index
        %get3A_238 = tpu.vector_load %arg6[%get3A_236, %get3A_237] {strides = array<i32>} : memref<200x64xbf16, #tpu.memory_space<vmem>>, vector<32xbf16>,
        %unpack3A_239 = tpu.unpack_subelements %get3A_238, 0 {pack_format = #tpu.pack_format<interleaved>} : vector<32xbf16> -> vector<16xf32>
        %unpack3A_240 = tpu.unpack_subelements %get3A_238, 1 {pack_format = #tpu.pack_format<interleaved>} : vector<32xbf16> -> vector<16xf32>
        %add3A_241 = arith.addf %add3A_225, %unpack3A_239 : vector<16xf32>
        %add3A_242 = arith.addf %add3A_226, %unpack3A_240 : vector<16xf32>
        %scan3A_243 = arith.constant 2 : i32
        %scan3A_244 = arith.addi %scan3A_210, %scan3A_243 : i32
        %get3A_245 = arith.index_cast %scan3A_244 : i32 to index
        %get3A_246 = arith.constant 0 : index
        %get3A_247 = tpu.vector_load %arg6[%get3A_245, %get3A_246] {strides = array<i32>} : memref<200x64xbf16, #tpu.memory_space<vmem>>, vector<32xbf16>,
        %unpack3A_248 = tpu.unpack_subelements %get3A_247, 0 {pack_format = #tpu.pack_format<interleaved>} : vector<32xbf16> -> vector<16xf32>
        %unpack3A_249 = tpu.unpack_subelements %get3A_247, 1 {pack_format = #tpu.pack_format<interleaved>} : vector<32xbf16> -> vector<16xf32>
        %add3A_250 = arith.addf %add3A_234, %unpack3A_248 : vector<16xf32>
        %add3A_251 = arith.addf %add3A_235, %unpack3A_249 : vector<16xf32>
        %get3A_252 = arith.index_cast %scan3A_244 : i32 to index
        %get3A_253 = arith.constant 32 : index
        %get3A_254 = tpu.vector_load %arg6[%get3A_252, %get3A_253] {strides = array<i32>} : memref<200x64xbf16, #tpu.memory_space<vmem>>, vector<32xbf16>,
        %unpack3A_255 = tpu.unpack_subelements %get3A_254, 0 {pack_format = #tpu.pack_format<interleaved>} : vector<32xbf16> -> vector<16xf32>
        %unpack3A_256 = tpu.unpack_subelements %get3A_254, 1 {pack_format = #tpu.pack_format<interleaved>} : vector<32xbf16> -> vector<16xf32>
        %add3A_257 = arith.addf %add3A_241, %unpack3A_255 : vector<16xf32>
        %add3A_258 = arith.addf %add3A_242, %unpack3A_256 : vector<16xf32>
        %scan3A_259 = arith.constant 3 : i32
        %scan3A_260 = arith.addi %scan3A_210, %scan3A_259 : i32
        %get3A_261 = arith.index_cast %scan3A_260 : i32 to index
        %get3A_262 = arith.constant 0 : index
        %get3A_263 = tpu.vector_load %arg6[%get3A_261, %get3A_262] {strides = array<i32>} : memref<200x64xbf16, #tpu.memory_space<vmem>>, vector<32xbf16>,
        %unpack3A_264 = tpu.unpack_subelements %get3A_263, 0 {pack_format = #tpu.pack_format<interleaved>} : vector<32xbf16> -> vector<16xf32>
        %unpack3A_265 = tpu.unpack_subelements %get3A_263, 1 {pack_format = #tpu.pack_format<interleaved>} : vector<32xbf16> -> vector<16xf32>
        %add3A_266 = arith.addf %add3A_250, %unpack3A_264 : vector<16xf32>
        %add3A_267 = arith.addf %add3A_251, %unpack3A_265 : vector<16xf32>
        %get3A_268 = arith.index_cast %scan3A_260 : i32 to index
        %get3A_269 = arith.constant 32 : index
        %get3A_270 = tpu.vector_load %arg6[%get3A_268, %get3A_269] {strides = array<i32>} : memref<200x64xbf16, #tpu.memory_space<vmem>>, vector<32xbf16>,
        %unpack3A_271 = tpu.unpack_subelements %get3A_270, 0 {pack_format = #tpu.pack_format<interleaved>} : vector<32xbf16> -> vector<16xf32>
        %unpack3A_272 = tpu.unpack_subelements %get3A_270, 1 {pack_format = #tpu.pack_format<interleaved>} : vector<32xbf16> -> vector<16xf32>
        %add3A_273 = arith.addf %add3A_257, %unpack3A_271 : vector<16xf32>
        %add3A_274 = arith.addf %add3A_258, %unpack3A_272 : vector<16xf32>
        %scan3A_275 = arith.constant 4 : i32
        %scan3A_276 = arith.addi %scan3A_210, %scan3A_275 : i32
        %get3A_277 = arith.index_cast %scan3A_276 : i32 to index
        %get3A_278 = arith.constant 0 : index
        %get3A_279 = tpu.vector_load %arg6[%get3A_277, %get3A_278] {strides = array<i32>} : memref<200x64xbf16, #tpu.memory_space<vmem>>, vector<32xbf16>,
        %unpack3A_280 = tpu.unpack_subelements %get3A_279, 0 {pack_format = #tpu.pack_format<interleaved>} : vector<32xbf16> -> vector<16xf32>
        %unpack3A_281 = tpu.unpack_subelements %get3A_279, 1 {pack_format = #tpu.pack_format<interleaved>} : vector<32xbf16> -> vector<16xf32>
        %add3A_282 = arith.addf %add3A_266, %unpack3A_280 : vector<16xf32>
        %add3A_283 = arith.addf %add3A_267, %unpack3A_281 : vector<16xf32>
        %get3A_284 = arith.index_cast %scan3A_276 : i32 to index
        %get3A_285 = arith.constant 32 : index
        %get3A_286 = tpu.vector_load %arg6[%get3A_284, %get3A_285] {strides = array<i32>} : memref<200x64xbf16, #tpu.memory_space<vmem>>, vector<32xbf16>,
        %unpack3A_287 = tpu.unpack_subelements %get3A_286, 0 {pack_format = #tpu.pack_format<interleaved>} : vector<32xbf16> -> vector<16xf32>
        %unpack3A_288 = tpu.unpack_subelements %get3A_286, 1 {pack_format = #tpu.pack_format<interleaved>} : vector<32xbf16> -> vector<16xf32>
        %add3A_289 = arith.addf %add3A_273, %unpack3A_287 : vector<16xf32>
        %add3A_290 = arith.addf %add3A_274, %unpack3A_288 : vector<16xf32>
        %scan3A_291 = arith.constant 5 : i32
        %scan3A_292 = arith.addi %scan3A_210, %scan3A_291 : i32
        %get3A_293 = arith.index_cast %scan3A_292 : i32 to index
        %get3A_294 = arith.constant 0 : index
        %get3A_295 = tpu.vector_load %arg6[%get3A_293, %get3A_294] {strides = array<i32>} : memref<200x64xbf16, #tpu.memory_space<vmem>>, vector<32xbf16>,
        %unpack3A_296 = tpu.unpack_subelements %get3A_295, 0 {pack_format = #tpu.pack_format<interleaved>} : vector<32xbf16> -> vector<16xf32>
        %unpack3A_297 = tpu.unpack_subelements %get3A_295, 1 {pack_format = #tpu.pack_format<interleaved>} : vector<32xbf16> -> vector<16xf32>
        %add3A_298 = arith.addf %add3A_282, %unpack3A_296 : vector<16xf32>
        %add3A_299 = arith.addf %add3A_283, %unpack3A_297 : vector<16xf32>
        %get3A_300 = arith.index_cast %scan3A_292 : i32 to index
        %get3A_301 = arith.constant 32 : index
        %get3A_302 = tpu.vector_load %arg6[%get3A_300, %get3A_301] {strides = array<i32>} : memref<200x64xbf16, #tpu.memory_space<vmem>>, vector<32xbf16>,
        %unpack3A_303 = tpu.unpack_subelements %get3A_302, 0 {pack_format = #tpu.pack_format<interleaved>} : vector<32xbf16> -> vector<16xf32>
        %unpack3A_304 = tpu.unpack_subelements %get3A_302, 1 {pack_format = #tpu.pack_format<interleaved>} : vector<32xbf16> -> vector<16xf32>
        %add3A_305 = arith.addf %add3A_289, %unpack3A_303 : vector<16xf32>
        %add3A_306 = arith.addf %add3A_290, %unpack3A_304 : vector<16xf32>
        %scan3A_307 = arith.constant 6 : i32
        %scan3A_308 = arith.addi %scan3A_210, %scan3A_307 : i32
        %get3A_309 = arith.index_cast %scan3A_308 : i32 to index
        %get3A_310 = arith.constant 0 : index
        %get3A_311 = tpu.vector_load %arg6[%get3A_309, %get3A_310] {strides = array<i32>} : memref<200x64xbf16, #tpu.memory_space<vmem>>, vector<32xbf16>,
        %unpack3A_312 = tpu.unpack_subelements %get3A_311, 0 {pack_format = #tpu.pack_format<interleaved>} : vector<32xbf16> -> vector<16xf32>
        %unpack3A_313 = tpu.unpack_subelements %get3A_311, 1 {pack_format = #tpu.pack_format<interleaved>} : vector<32xbf16> -> vector<16xf32>
        %add3A_314 = arith.addf %add3A_298, %unpack3A_312 : vector<16xf32>
        %add3A_315 = arith.addf %add3A_299, %unpack3A_313 : vector<16xf32>
        %get3A_316 = arith.index_cast %scan3A_308 : i32 to index
        %get3A_317 = arith.constant 32 : index
        %get3A_318 = tpu.vector_load %arg6[%get3A_316, %get3A_317] {strides = array<i32>} : memref<200x64xbf16, #tpu.memory_space<vmem>>, vector<32xbf16>,
        %unpack3A_319 = tpu.unpack_subelements %get3A_318, 0 {pack_format = #tpu.pack_format<interleaved>} : vector<32xbf16> -> vector<16xf32>
        %unpack3A_320 = tpu.unpack_subelements %get3A_318, 1 {pack_format = #tpu.pack_format<interleaved>} : vector<32xbf16> -> vector<16xf32>
        %add3A_321 = arith.addf %add3A_305, %unpack3A_319 : vector<16xf32>
        %add3A_322 = arith.addf %add3A_306, %unpack3A_320 : vector<16xf32>
        %scan3A_323 = arith.constant 7 : i32
        %scan3A_324 = arith.addi %scan3A_210, %scan3A_323 : i32
        %get3A_325 = arith.index_cast %scan3A_324 : i32 to index
        %get3A_326 = arith.constant 0 : index
        %get3A_327 = tpu.vector_load %arg6[%get3A_325, %get3A_326] {strides = array<i32>} : memref<200x64xbf16, #tpu.memory_space<vmem>>, vector<32xbf16>,
        %unpack3A_328 = tpu.unpack_subelements %get3A_327, 0 {pack_format = #tpu.pack_format<interleaved>} : vector<32xbf16> -> vector<16xf32>
        %unpack3A_329 = tpu.unpack_subelements %get3A_327, 1 {pack_format = #tpu.pack_format<interleaved>} : vector<32xbf16> -> vector<16xf32>
        %add3A_330 = arith.addf %add3A_314, %unpack3A_328 : vector<16xf32>
        %add3A_331 = arith.addf %add3A_315, %unpack3A_329 : vector<16xf32>
        %get3A_332 = arith.index_cast %scan3A_324 : i32 to index
        %get3A_333 = arith.constant 32 : index
        %get3A_334 = tpu.vector_load %arg6[%get3A_332, %get3A_333] {strides = array<i32>} : memref<200x64xbf16, #tpu.memory_space<vmem>>, vector<32xbf16>,
        %unpack3A_335 = tpu.unpack_subelements %get3A_334, 0 {pack_format = #tpu.pack_format<interleaved>} : vector<32xbf16> -> vector<16xf32>
        %unpack3A_336 = tpu.unpack_subelements %get3A_334, 1 {pack_format = #tpu.pack_format<interleaved>} : vector<32xbf16> -> vector<16xf32>
        %add3A_337 = arith.addf %add3A_321, %unpack3A_335 : vector<16xf32>
        %add3A_338 = arith.addf %add3A_322, %unpack3A_336 : vector<16xf32>
        scf.yield %add3A_330, %add3A_331, %add3A_337, %add3A_338 : vector<16xf32>, vector<16xf32>, vector<16xf32>, vector<16xf32>
      }
      %scan3A_80 = arith.constant 200 : i32
      %swap3A = arith.index_cast %add3A_63 : i32 to index
      %swap3A_81 = arith.constant 0 : index
      %swap3A_82 = tpu.vector_load %arg10[%swap3A, %swap3A_81] {strides = array<i32>} : memref<128x64xf32, #tpu.memory_space<vmem>>, vector<16xf32>,
      tpu.vector_store %arg10[%swap3A, %swap3A_81], %scan3A_79#0 {strides = array<i32>} : memref<128x64xf32, #tpu.memory_space<vmem>>, vector<16xf32>,
      %swap3A_83 = arith.index_cast %add3A_63 : i32 to index
      %swap3A_84 = arith.constant 16 : index
      %swap3A_85 = tpu.vector_load %arg10[%swap3A_83, %swap3A_84] {strides = array<i32>} : memref<128x64xf32, #tpu.memory_space<vmem>>, vector<16xf32>,
      tpu.vector_store %arg10[%swap3A_83, %swap3A_84], %scan3A_79#1 {strides = array<i32>} : memref<128x64xf32, #tpu.memory_space<vmem>>, vector<16xf32>,
      %swap3A_86 = arith.index_cast %add3A_63 : i32 to index
      %swap3A_87 = arith.constant 32 : index
      %swap3A_88 = tpu.vector_load %arg10[%swap3A_86, %swap3A_87] {strides = array<i32>} : memref<128x64xf32, #tpu.memory_space<vmem>>, vector<16xf32>,
      tpu.vector_store %arg10[%swap3A_86, %swap3A_87], %scan3A_79#2 {strides = array<i32>} : memref<128x64xf32, #tpu.memory_space<vmem>>, vector<16xf32>,
      %swap3A_89 = arith.index_cast %add3A_63 : i32 to index
      %swap3A_90 = arith.constant 48 : index
      %swap3A_91 = tpu.vector_load %arg10[%swap3A_89, %swap3A_90] {strides = array<i32>} : memref<128x64xf32, #tpu.memory_space<vmem>>, vector<16xf32>,
      tpu.vector_store %arg10[%swap3A_89, %swap3A_90], %scan3A_79#3 {strides = array<i32>} : memref<128x64xf32, #tpu.memory_space<vmem>>, vector<16xf32>,
      %mul3A_92 = arith.constant 4 : i32
      %mul3A_93 = arith.muli %mul3A_92, %scan3A_58 : i32
      %add3A_94 = arith.constant 1 : i32
      %add3A_95 = arith.addi %mul3A_93, %add3A_94 : i32
      %add3A_96 = arith.constant 4 : i32
      %add3A_97 = arith.addi %add3A_95, %add3A_96 : i32
      %sub3A_98 = arith.constant 1 : i32
      %sub3A_99 = arith.subi %add3A_97, %sub3A_98 : i32
      %lt3A_100 = arith.constant 128 : i32
      %lt3A_101 = arith.cmpi slt, %sub3A_99, %lt3A_100 : i32
      %convert_element_type3A_102 = arith.extui %lt3A_101 : i1 to i32
      %cond3A_103 = arith.constant 0 : i32
      %cond3A_104 = arith.cmpi ne, %convert_element_type3A_102, %cond3A_103 : i32
      scf.if %cond3A_104 {
        %add3A_210 = arith.constant 4 : i32
        %add3A_211 = arith.addi %add3A_95, %add3A_210 : i32
        %sub3A_212 = arith.constant 1 : i32
        %sub3A_213 = arith.subi %add3A_211, %sub3A_212 : i32
        %mul3A_214 = arith.constant 200 : i32
        %mul3A_215 = arith.muli %sub3A_213, %mul3A_214 : i32
        %dma_start3A_216 = arith.constant 0 : i32
        %dma_start3A_217 = arith.constant 0 : i32
        %dma_start3A_218 = tpu.memref_slice %arg6[%dma_start3A_216, %dma_start3A_217] : memref<200x64xbf16, #tpu.memory_space<vmem>> -> memref<128x64xbf16, #tpu.memory_space<vmem>>
        %dma_start3A_219 = tpu.memref_slice %arg5[%mul3A_215] : memref<25600xi32, #tpu.memory_space<vmem>> -> memref<128xi32, #tpu.memory_space<vmem>>
        %dma_start3A_220 = arith.constant 0 : i32
        %dma_start3A_221 = arith.constant 0 : i32
        %dma_start3A_222 = tpu.memref_slice %arg3[%dma_start3A_220, %dma_start3A_221] : memref<100000x64xbf16, #tpu.memory_space<hbm>> -> memref<100000x64xbf16, #tpu.memory_space<hbm>>
        tpu.enqueue_indirect_dma source(%dma_start3A_222 : memref<100000x64xbf16, #tpu.memory_space<hbm>>) target(%dma_start3A_218 : memref<128x64xbf16, #tpu.memory_space<vmem>>) offsets(%dma_start3A_219 : memref<128xi32, #tpu.memory_space<vmem>>) semaphore(%arg11 : memref<!tpu.dma_semaphore, #tpu.memory_space<semaphore_mem>>)
        %mul3A_223 = arith.constant 200 : i32
        %mul3A_224 = arith.muli %sub3A_213, %mul3A_223 : i32
        %add3A_225 = arith.constant 128 : i32
        %add3A_226 = arith.addi %mul3A_224, %add3A_225 : i32
        %dma_start3A_227 = arith.constant 128 : i32
        %dma_start3A_228 = arith.constant 0 : i32
        %dma_start3A_229 = tpu.memref_slice %arg6[%dma_start3A_227, %dma_start3A_228] : memref<200x64xbf16, #tpu.memory_space<vmem>> -> memref<72x64xbf16, #tpu.memory_space<vmem>>
        %dma_start3A_230 = tpu.memref_slice %arg5[%add3A_226] : memref<25600xi32, #tpu.memory_space<vmem>> -> memref<72xi32, #tpu.memory_space<vmem>>
        %dma_start3A_231 = arith.constant 0 : i32
        %dma_start3A_232 = arith.constant 0 : i32
        %dma_start3A_233 = tpu.memref_slice %arg3[%dma_start3A_231, %dma_start3A_232] : memref<100000x64xbf16, #tpu.memory_space<hbm>> -> memref<100000x64xbf16, #tpu.memory_space<hbm>>
        tpu.enqueue_indirect_dma source(%dma_start3A_233 : memref<100000x64xbf16, #tpu.memory_space<hbm>>) target(%dma_start3A_229 : memref<72x64xbf16, #tpu.memory_space<vmem>>) offsets(%dma_start3A_230 : memref<72xi32, #tpu.memory_space<vmem>>) semaphore(%arg11 : memref<!tpu.dma_semaphore, #tpu.memory_space<semaphore_mem>>)
      } else {
      }
      %dma_wait3A_105 = arith.constant 0 : i32
      %dma_wait3A_106 = arith.constant 0 : i32
      %dma_wait3A_107 = tpu.memref_slice %arg3[%dma_wait3A_105, %dma_wait3A_106] : memref<100000x64xbf16, #tpu.memory_space<hbm>> -> memref<200x64xbf16, #tpu.memory_space<hbm>>
      %dma_wait3A_108 = arith.constant 0 : i32
      %dma_wait3A_109 = arith.constant 0 : i32
      %dma_wait3A_110 = tpu.memref_slice %arg3[%dma_wait3A_108, %dma_wait3A_109] : memref<100000x64xbf16, #tpu.memory_space<hbm>> -> memref<200x64xbf16, #tpu.memory_space<hbm>>
      tpu.wait_dma2 semaphore(%arg12 : memref<!tpu.dma_semaphore, #tpu.memory_space<semaphore_mem>>) src(%dma_wait3A_110 : memref<200x64xbf16, #tpu.memory_space<hbm>>) dst(%arg7 : memref<200x64xbf16, #tpu.memory_space<vmem>>)
      %broadcast_in_dim3A_111 = arith.constant 0.000000e+00 : f32
      %broadcast_in_dim3A_112 = vector.broadcast %broadcast_in_dim3A_111 : f32 to vector<16xf32>
      %scan3A_113 = arith.constant 0 : i32
      %scan3A_114 = arith.constant 200 : i32
      %scan3A_115 = arith.addi %scan3A_113, %scan3A_114 : i32
      %scan3A_116 = arith.constant 8 : i32
      %scan3A_117:4 = scf.for %scan3A_210 = %scan3A_113 to %scan3A_115 step %scan3A_116 iter_args(%scan3A_211 = %broadcast_in_dim3A_112, %scan3A_212 = %broadcast_in_dim3A_112, %scan3A_213 = %broadcast_in_dim3A_112, %scan3A_214 = %broadcast_in_dim3A_112) -> (vector<16xf32>, vector<16xf32>, vector<16xf32>, vector<16xf32>)  : i32 {
        %get3A = arith.index_cast %scan3A_210 : i32 to index
        %get3A_215 = arith.constant 0 : index
        %get3A_216 = tpu.vector_load %arg7[%get3A, %get3A_215] {strides = array<i32>} : memref<200x64xbf16, #tpu.memory_space<vmem>>, vector<32xbf16>,
        %unpack3A = tpu.unpack_subelements %get3A_216, 0 {pack_format = #tpu.pack_format<interleaved>} : vector<32xbf16> -> vector<16xf32>
        %unpack3A_217 = tpu.unpack_subelements %get3A_216, 1 {pack_format = #tpu.pack_format<interleaved>} : vector<32xbf16> -> vector<16xf32>
        %add3A_218 = arith.addf %scan3A_211, %unpack3A : vector<16xf32>
        %add3A_219 = arith.addf %scan3A_212, %unpack3A_217 : vector<16xf32>
        %get3A_220 = arith.index_cast %scan3A_210 : i32 to index
        %get3A_221 = arith.constant 32 : index
        %get3A_222 = tpu.vector_load %arg7[%get3A_220, %get3A_221] {strides = array<i32>} : memref<200x64xbf16, #tpu.memory_space<vmem>>, vector<32xbf16>,
        %unpack3A_223 = tpu.unpack_subelements %get3A_222, 0 {pack_format = #tpu.pack_format<interleaved>} : vector<32xbf16> -> vector<16xf32>
        %unpack3A_224 = tpu.unpack_subelements %get3A_222, 1 {pack_format = #tpu.pack_format<interleaved>} : vector<32xbf16> -> vector<16xf32>
        %add3A_225 = arith.addf %scan3A_213, %unpack3A_223 : vector<16xf32>
        %add3A_226 = arith.addf %scan3A_214, %unpack3A_224 : vector<16xf32>
        %scan3A_227 = arith.constant 1 : i32
        %scan3A_228 = arith.addi %scan3A_210, %scan3A_227 : i32
        %get3A_229 = arith.index_cast %scan3A_228 : i32 to index
        %get3A_230 = arith.constant 0 : index
        %get3A_231 = tpu.vector_load %arg7[%get3A_229, %get3A_230] {strides = array<i32>} : memref<200x64xbf16, #tpu.memory_space<vmem>>, vector<32xbf16>,
        %unpack3A_232 = tpu.unpack_subelements %get3A_231, 0 {pack_format = #tpu.pack_format<interleaved>} : vector<32xbf16> -> vector<16xf32>
        %unpack3A_233 = tpu.unpack_subelements %get3A_231, 1 {pack_format = #tpu.pack_format<interleaved>} : vector<32xbf16> -> vector<16xf32>
        %add3A_234 = arith.addf %add3A_218, %unpack3A_232 : vector<16xf32>
        %add3A_235 = arith.addf %add3A_219, %unpack3A_233 : vector<16xf32>
        %get3A_236 = arith.index_cast %scan3A_228 : i32 to index
        %get3A_237 = arith.constant 32 : index
        %get3A_238 = tpu.vector_load %arg7[%get3A_236, %get3A_237] {strides = array<i32>} : memref<200x64xbf16, #tpu.memory_space<vmem>>, vector<32xbf16>,
        %unpack3A_239 = tpu.unpack_subelements %get3A_238, 0 {pack_format = #tpu.pack_format<interleaved>} : vector<32xbf16> -> vector<16xf32>
        %unpack3A_240 = tpu.unpack_subelements %get3A_238, 1 {pack_format = #tpu.pack_format<interleaved>} : vector<32xbf16> -> vector<16xf32>
        %add3A_241 = arith.addf %add3A_225, %unpack3A_239 : vector<16xf32>
        %add3A_242 = arith.addf %add3A_226, %unpack3A_240 : vector<16xf32>
        %scan3A_243 = arith.constant 2 : i32
        %scan3A_244 = arith.addi %scan3A_210, %scan3A_243 : i32
        %get3A_245 = arith.index_cast %scan3A_244 : i32 to index
        %get3A_246 = arith.constant 0 : index
        %get3A_247 = tpu.vector_load %arg7[%get3A_245, %get3A_246] {strides = array<i32>} : memref<200x64xbf16, #tpu.memory_space<vmem>>, vector<32xbf16>,
        %unpack3A_248 = tpu.unpack_subelements %get3A_247, 0 {pack_format = #tpu.pack_format<interleaved>} : vector<32xbf16> -> vector<16xf32>
        %unpack3A_249 = tpu.unpack_subelements %get3A_247, 1 {pack_format = #tpu.pack_format<interleaved>} : vector<32xbf16> -> vector<16xf32>
        %add3A_250 = arith.addf %add3A_234, %unpack3A_248 : vector<16xf32>
        %add3A_251 = arith.addf %add3A_235, %unpack3A_249 : vector<16xf32>
        %get3A_252 = arith.index_cast %scan3A_244 : i32 to index
        %get3A_253 = arith.constant 32 : index
        %get3A_254 = tpu.vector_load %arg7[%get3A_252, %get3A_253] {strides = array<i32>} : memref<200x64xbf16, #tpu.memory_space<vmem>>, vector<32xbf16>,
        %unpack3A_255 = tpu.unpack_subelements %get3A_254, 0 {pack_format = #tpu.pack_format<interleaved>} : vector<32xbf16> -> vector<16xf32>
        %unpack3A_256 = tpu.unpack_subelements %get3A_254, 1 {pack_format = #tpu.pack_format<interleaved>} : vector<32xbf16> -> vector<16xf32>
        %add3A_257 = arith.addf %add3A_241, %unpack3A_255 : vector<16xf32>
        %add3A_258 = arith.addf %add3A_242, %unpack3A_256 : vector<16xf32>
        %scan3A_259 = arith.constant 3 : i32
        %scan3A_260 = arith.addi %scan3A_210, %scan3A_259 : i32
        %get3A_261 = arith.index_cast %scan3A_260 : i32 to index
        %get3A_262 = arith.constant 0 : index
        %get3A_263 = tpu.vector_load %arg7[%get3A_261, %get3A_262] {strides = array<i32>} : memref<200x64xbf16, #tpu.memory_space<vmem>>, vector<32xbf16>,
        %unpack3A_264 = tpu.unpack_subelements %get3A_263, 0 {pack_format = #tpu.pack_format<interleaved>} : vector<32xbf16> -> vector<16xf32>
        %unpack3A_265 = tpu.unpack_subelements %get3A_263, 1 {pack_format = #tpu.pack_format<interleaved>} : vector<32xbf16> -> vector<16xf32>
        %add3A_266 = arith.addf %add3A_250, %unpack3A_264 : vector<16xf32>
        %add3A_267 = arith.addf %add3A_251, %unpack3A_265 : vector<16xf32>
        %get3A_268 = arith.index_cast %scan3A_260 : i32 to index
        %get3A_269 = arith.constant 32 : index
        %get3A_270 = tpu.vector_load %arg7[%get3A_268, %get3A_269] {strides = array<i32>} : memref<200x64xbf16, #tpu.memory_space<vmem>>, vector<32xbf16>,
        %unpack3A_271 = tpu.unpack_subelements %get3A_270, 0 {pack_format = #tpu.pack_format<interleaved>} : vector<32xbf16> -> vector<16xf32>
        %unpack3A_272 = tpu.unpack_subelements %get3A_270, 1 {pack_format = #tpu.pack_format<interleaved>} : vector<32xbf16> -> vector<16xf32>
        %add3A_273 = arith.addf %add3A_257, %unpack3A_271 : vector<16xf32>
        %add3A_274 = arith.addf %add3A_258, %unpack3A_272 : vector<16xf32>
        %scan3A_275 = arith.constant 4 : i32
        %scan3A_276 = arith.addi %scan3A_210, %scan3A_275 : i32
        %get3A_277 = arith.index_cast %scan3A_276 : i32 to index
        %get3A_278 = arith.constant 0 : index
        %get3A_279 = tpu.vector_load %arg7[%get3A_277, %get3A_278] {strides = array<i32>} : memref<200x64xbf16, #tpu.memory_space<vmem>>, vector<32xbf16>,
        %unpack3A_280 = tpu.unpack_subelements %get3A_279, 0 {pack_format = #tpu.pack_format<interleaved>} : vector<32xbf16> -> vector<16xf32>
        %unpack3A_281 = tpu.unpack_subelements %get3A_279, 1 {pack_format = #tpu.pack_format<interleaved>} : vector<32xbf16> -> vector<16xf32>
        %add3A_282 = arith.addf %add3A_266, %unpack3A_280 : vector<16xf32>
        %add3A_283 = arith.addf %add3A_267, %unpack3A_281 : vector<16xf32>
        %get3A_284 = arith.index_cast %scan3A_276 : i32 to index
        %get3A_285 = arith.constant 32 : index
        %get3A_286 = tpu.vector_load %arg7[%get3A_284, %get3A_285] {strides = array<i32>} : memref<200x64xbf16, #tpu.memory_space<vmem>>, vector<32xbf16>,
        %unpack3A_287 = tpu.unpack_subelements %get3A_286, 0 {pack_format = #tpu.pack_format<interleaved>} : vector<32xbf16> -> vector<16xf32>
        %unpack3A_288 = tpu.unpack_subelements %get3A_286, 1 {pack_format = #tpu.pack_format<interleaved>} : vector<32xbf16> -> vector<16xf32>
        %add3A_289 = arith.addf %add3A_273, %unpack3A_287 : vector<16xf32>
        %add3A_290 = arith.addf %add3A_274, %unpack3A_288 : vector<16xf32>
        %scan3A_291 = arith.constant 5 : i32
        %scan3A_292 = arith.addi %scan3A_210, %scan3A_291 : i32
        %get3A_293 = arith.index_cast %scan3A_292 : i32 to index
        %get3A_294 = arith.constant 0 : index
        %get3A_295 = tpu.vector_load %arg7[%get3A_293, %get3A_294] {strides = array<i32>} : memref<200x64xbf16, #tpu.memory_space<vmem>>, vector<32xbf16>,
        %unpack3A_296 = tpu.unpack_subelements %get3A_295, 0 {pack_format = #tpu.pack_format<interleaved>} : vector<32xbf16> -> vector<16xf32>
        %unpack3A_297 = tpu.unpack_subelements %get3A_295, 1 {pack_format = #tpu.pack_format<interleaved>} : vector<32xbf16> -> vector<16xf32>
        %add3A_298 = arith.addf %add3A_282, %unpack3A_296 : vector<16xf32>
        %add3A_299 = arith.addf %add3A_283, %unpack3A_297 : vector<16xf32>
        %get3A_300 = arith.index_cast %scan3A_292 : i32 to index
        %get3A_301 = arith.constant 32 : index
        %get3A_302 = tpu.vector_load %arg7[%get3A_300, %get3A_301] {strides = array<i32>} : memref<200x64xbf16, #tpu.memory_space<vmem>>, vector<32xbf16>,
        %unpack3A_303 = tpu.unpack_subelements %get3A_302, 0 {pack_format = #tpu.pack_format<interleaved>} : vector<32xbf16> -> vector<16xf32>
        %unpack3A_304 = tpu.unpack_subelements %get3A_302, 1 {pack_format = #tpu.pack_format<interleaved>} : vector<32xbf16> -> vector<16xf32>
        %add3A_305 = arith.addf %add3A_289, %unpack3A_303 : vector<16xf32>
        %add3A_306 = arith.addf %add3A_290, %unpack3A_304 : vector<16xf32>
        %scan3A_307 = arith.constant 6 : i32
        %scan3A_308 = arith.addi %scan3A_210, %scan3A_307 : i32
        %get3A_309 = arith.index_cast %scan3A_308 : i32 to index
        %get3A_310 = arith.constant 0 : index
        %get3A_311 = tpu.vector_load %arg7[%get3A_309, %get3A_310] {strides = array<i32>} : memref<200x64xbf16, #tpu.memory_space<vmem>>, vector<32xbf16>,
        %unpack3A_312 = tpu.unpack_subelements %get3A_311, 0 {pack_format = #tpu.pack_format<interleaved>} : vector<32xbf16> -> vector<16xf32>
        %unpack3A_313 = tpu.unpack_subelements %get3A_311, 1 {pack_format = #tpu.pack_format<interleaved>} : vector<32xbf16> -> vector<16xf32>
        %add3A_314 = arith.addf %add3A_298, %unpack3A_312 : vector<16xf32>
        %add3A_315 = arith.addf %add3A_299, %unpack3A_313 : vector<16xf32>
        %get3A_316 = arith.index_cast %scan3A_308 : i32 to index
        %get3A_317 = arith.constant 32 : index
        %get3A_318 = tpu.vector_load %arg7[%get3A_316, %get3A_317] {strides = array<i32>} : memref<200x64xbf16, #tpu.memory_space<vmem>>, vector<32xbf16>,
        %unpack3A_319 = tpu.unpack_subelements %get3A_318, 0 {pack_format = #tpu.pack_format<interleaved>} : vector<32xbf16> -> vector<16xf32>
        %unpack3A_320 = tpu.unpack_subelements %get3A_318, 1 {pack_format = #tpu.pack_format<interleaved>} : vector<32xbf16> -> vector<16xf32>
        %add3A_321 = arith.addf %add3A_305, %unpack3A_319 : vector<16xf32>
        %add3A_322 = arith.addf %add3A_306, %unpack3A_320 : vector<16xf32>
        %scan3A_323 = arith.constant 7 : i32
        %scan3A_324 = arith.addi %scan3A_210, %scan3A_323 : i32
        %get3A_325 = arith.index_cast %scan3A_324 : i32 to index
        %get3A_326 = arith.constant 0 : index
        %get3A_327 = tpu.vector_load %arg7[%get3A_325, %get3A_326] {strides = array<i32>} : memref<200x64xbf16, #tpu.memory_space<vmem>>, vector<32xbf16>,
        %unpack3A_328 = tpu.unpack_subelements %get3A_327, 0 {pack_format = #tpu.pack_format<interleaved>} : vector<32xbf16> -> vector<16xf32>
        %unpack3A_329 = tpu.unpack_subelements %get3A_327, 1 {pack_format = #tpu.pack_format<interleaved>} : vector<32xbf16> -> vector<16xf32>
        %add3A_330 = arith.addf %add3A_314, %unpack3A_328 : vector<16xf32>
        %add3A_331 = arith.addf %add3A_315, %unpack3A_329 : vector<16xf32>
        %get3A_332 = arith.index_cast %scan3A_324 : i32 to index
        %get3A_333 = arith.constant 32 : index
        %get3A_334 = tpu.vector_load %arg7[%get3A_332, %get3A_333] {strides = array<i32>} : memref<200x64xbf16, #tpu.memory_space<vmem>>, vector<32xbf16>,
        %unpack3A_335 = tpu.unpack_subelements %get3A_334, 0 {pack_format = #tpu.pack_format<interleaved>} : vector<32xbf16> -> vector<16xf32>
        %unpack3A_336 = tpu.unpack_subelements %get3A_334, 1 {pack_format = #tpu.pack_format<interleaved>} : vector<32xbf16> -> vector<16xf32>
        %add3A_337 = arith.addf %add3A_321, %unpack3A_335 : vector<16xf32>
        %add3A_338 = arith.addf %add3A_322, %unpack3A_336 : vector<16xf32>
        scf.yield %add3A_330, %add3A_331, %add3A_337, %add3A_338 : vector<16xf32>, vector<16xf32>, vector<16xf32>, vector<16xf32>
      }
      %scan3A_118 = arith.constant 200 : i32
      %swap3A_119 = arith.index_cast %add3A_95 : i32 to index
      %swap3A_120 = arith.constant 0 : index
      %swap3A_121 = tpu.vector_load %arg10[%swap3A_119, %swap3A_120] {strides = array<i32>} : memref<128x64xf32, #tpu.memory_space<vmem>>, vector<16xf32>,
      tpu.vector_store %arg10[%swap3A_119, %swap3A_120], %scan3A_117#0 {strides = array<i32>} : memref<128x64xf32, #tpu.memory_space<vmem>>, vector<16xf32>,
      %swap3A_122 = arith.index_cast %add3A_95 : i32 to index
      %swap3A_123 = arith.constant 16 : index
      %swap3A_124 = tpu.vector_load %arg10[%swap3A_122, %swap3A_123] {strides = array<i32>} : memref<128x64xf32, #tpu.memory_space<vmem>>, vector<16xf32>,
      tpu.vector_store %arg10[%swap3A_122, %swap3A_123], %scan3A_117#1 {strides = array<i32>} : memref<128x64xf32, #tpu.memory_space<vmem>>, vector<16xf32>,
      %swap3A_125 = arith.index_cast %add3A_95 : i32 to index
      %swap3A_126 = arith.constant 32 : index
      %swap3A_127 = tpu.vector_load %arg10[%swap3A_125, %swap3A_126] {strides = array<i32>} : memref<128x64xf32, #tpu.memory_space<vmem>>, vector<16xf32>,
      tpu.vector_store %arg10[%swap3A_125, %swap3A_126], %scan3A_117#2 {strides = array<i32>} : memref<128x64xf32, #tpu.memory_space<vmem>>, vector<16xf32>,
      %swap3A_128 = arith.index_cast %add3A_95 : i32 to index
      %swap3A_129 = arith.constant 48 : index
      %swap3A_130 = tpu.vector_load %arg10[%swap3A_128, %swap3A_129] {strides = array<i32>} : memref<128x64xf32, #tpu.memory_space<vmem>>, vector<16xf32>,
      tpu.vector_store %arg10[%swap3A_128, %swap3A_129], %scan3A_117#3 {strides = array<i32>} : memref<128x64xf32, #tpu.memory_space<vmem>>, vector<16xf32>,
      %mul3A_131 = arith.constant 4 : i32
      %mul3A_132 = arith.muli %mul3A_131, %scan3A_58 : i32
      %add3A_133 = arith.constant 2 : i32
      %add3A_134 = arith.addi %mul3A_132, %add3A_133 : i32
      %add3A_135 = arith.constant 4 : i32
      %add3A_136 = arith.addi %add3A_134, %add3A_135 : i32
      %sub3A_137 = arith.constant 1 : i32
      %sub3A_138 = arith.subi %add3A_136, %sub3A_137 : i32
      %lt3A_139 = arith.constant 128 : i32
      %lt3A_140 = arith.cmpi slt, %sub3A_138, %lt3A_139 : i32
      %convert_element_type3A_141 = arith.extui %lt3A_140 : i1 to i32
      %cond3A_142 = arith.constant 0 : i32
      %cond3A_143 = arith.cmpi ne, %convert_element_type3A_141, %cond3A_142 : i32
      scf.if %cond3A_143 {
        %add3A_210 = arith.constant 4 : i32
        %add3A_211 = arith.addi %add3A_134, %add3A_210 : i32
        %sub3A_212 = arith.constant 1 : i32
        %sub3A_213 = arith.subi %add3A_211, %sub3A_212 : i32
        %mul3A_214 = arith.constant 200 : i32
        %mul3A_215 = arith.muli %sub3A_213, %mul3A_214 : i32
        %dma_start3A_216 = arith.constant 0 : i32
        %dma_start3A_217 = arith.constant 0 : i32
        %dma_start3A_218 = tpu.memref_slice %arg7[%dma_start3A_216, %dma_start3A_217] : memref<200x64xbf16, #tpu.memory_space<vmem>> -> memref<128x64xbf16, #tpu.memory_space<vmem>>
        %dma_start3A_219 = tpu.memref_slice %arg5[%mul3A_215] : memref<25600xi32, #tpu.memory_space<vmem>> -> memref<128xi32, #tpu.memory_space<vmem>>
        %dma_start3A_220 = arith.constant 0 : i32
        %dma_start3A_221 = arith.constant 0 : i32
        %dma_start3A_222 = tpu.memref_slice %arg3[%dma_start3A_220, %dma_start3A_221] : memref<100000x64xbf16, #tpu.memory_space<hbm>> -> memref<100000x64xbf16, #tpu.memory_space<hbm>>
        tpu.enqueue_indirect_dma source(%dma_start3A_222 : memref<100000x64xbf16, #tpu.memory_space<hbm>>) target(%dma_start3A_218 : memref<128x64xbf16, #tpu.memory_space<vmem>>) offsets(%dma_start3A_219 : memref<128xi32, #tpu.memory_space<vmem>>) semaphore(%arg12 : memref<!tpu.dma_semaphore, #tpu.memory_space<semaphore_mem>>)
        %mul3A_223 = arith.constant 200 : i32
        %mul3A_224 = arith.muli %sub3A_213, %mul3A_223 : i32
        %add3A_225 = arith.constant 128 : i32
        %add3A_226 = arith.addi %mul3A_224, %add3A_225 : i32
        %dma_start3A_227 = arith.constant 128 : i32
        %dma_start3A_228 = arith.constant 0 : i32
        %dma_start3A_229 = tpu.memref_slice %arg7[%dma_start3A_227, %dma_start3A_228] : memref<200x64xbf16, #tpu.memory_space<vmem>> -> memref<72x64xbf16, #tpu.memory_space<vmem>>
        %dma_start3A_230 = tpu.memref_slice %arg5[%add3A_226] : memref<25600xi32, #tpu.memory_space<vmem>> -> memref<72xi32, #tpu.memory_space<vmem>>
        %dma_start3A_231 = arith.constant 0 : i32
        %dma_start3A_232 = arith.constant 0 : i32
        %dma_start3A_233 = tpu.memref_slice %arg3[%dma_start3A_231, %dma_start3A_232] : memref<100000x64xbf16, #tpu.memory_space<hbm>> -> memref<100000x64xbf16, #tpu.memory_space<hbm>>
        tpu.enqueue_indirect_dma source(%dma_start3A_233 : memref<100000x64xbf16, #tpu.memory_space<hbm>>) target(%dma_start3A_229 : memref<72x64xbf16, #tpu.memory_space<vmem>>) offsets(%dma_start3A_230 : memref<72xi32, #tpu.memory_space<vmem>>) semaphore(%arg12 : memref<!tpu.dma_semaphore, #tpu.memory_space<semaphore_mem>>)
      } else {
      }
      %dma_wait3A_144 = arith.constant 0 : i32
      %dma_wait3A_145 = arith.constant 0 : i32
      %dma_wait3A_146 = tpu.memref_slice %arg3[%dma_wait3A_144, %dma_wait3A_145] : memref<100000x64xbf16, #tpu.memory_space<hbm>> -> memref<200x64xbf16, #tpu.memory_space<hbm>>
      %dma_wait3A_147 = arith.constant 0 : i32
      %dma_wait3A_148 = arith.constant 0 : i32
      %dma_wait3A_149 = tpu.memref_slice %arg3[%dma_wait3A_147, %dma_wait3A_148] : memref<100000x64xbf16, #tpu.memory_space<hbm>> -> memref<200x64xbf16, #tpu.memory_space<hbm>>
      tpu.wait_dma2 semaphore(%arg13 : memref<!tpu.dma_semaphore, #tpu.memory_space<semaphore_mem>>) src(%dma_wait3A_149 : memref<200x64xbf16, #tpu.memory_space<hbm>>) dst(%arg8 : memref<200x64xbf16, #tpu.memory_space<vmem>>)
      %broadcast_in_dim3A_150 = arith.constant 0.000000e+00 : f32
      %broadcast_in_dim3A_151 = vector.broadcast %broadcast_in_dim3A_150 : f32 to vector<16xf32>
      %scan3A_152 = arith.constant 0 : i32
      %scan3A_153 = arith.constant 200 : i32
      %scan3A_154 = arith.addi %scan3A_152, %scan3A_153 : i32
      %scan3A_155 = arith.constant 8 : i32
      %scan3A_156:4 = scf.for %scan3A_210 = %scan3A_152 to %scan3A_154 step %scan3A_155 iter_args(%scan3A_211 = %broadcast_in_dim3A_151, %scan3A_212 = %broadcast_in_dim3A_151, %scan3A_213 = %broadcast_in_dim3A_151, %scan3A_214 = %broadcast_in_dim3A_151) -> (vector<16xf32>, vector<16xf32>, vector<16xf32>, vector<16xf32>)  : i32 {
        %get3A = arith.index_cast %scan3A_210 : i32 to index
        %get3A_215 = arith.constant 0 : index
        %get3A_216 = tpu.vector_load %arg8[%get3A, %get3A_215] {strides = array<i32>} : memref<200x64xbf16, #tpu.memory_space<vmem>>, vector<32xbf16>,
        %unpack3A = tpu.unpack_subelements %get3A_216, 0 {pack_format = #tpu.pack_format<interleaved>} : vector<32xbf16> -> vector<16xf32>
        %unpack3A_217 = tpu.unpack_subelements %get3A_216, 1 {pack_format = #tpu.pack_format<interleaved>} : vector<32xbf16> -> vector<16xf32>
        %add3A_218 = arith.addf %scan3A_211, %unpack3A : vector<16xf32>
        %add3A_219 = arith.addf %scan3A_212, %unpack3A_217 : vector<16xf32>
        %get3A_220 = arith.index_cast %scan3A_210 : i32 to index
        %get3A_221 = arith.constant 32 : index
        %get3A_222 = tpu.vector_load %arg8[%get3A_220, %get3A_221] {strides = array<i32>} : memref<200x64xbf16, #tpu.memory_space<vmem>>, vector<32xbf16>,
        %unpack3A_223 = tpu.unpack_subelements %get3A_222, 0 {pack_format = #tpu.pack_format<interleaved>} : vector<32xbf16> -> vector<16xf32>
        %unpack3A_224 = tpu.unpack_subelements %get3A_222, 1 {pack_format = #tpu.pack_format<interleaved>} : vector<32xbf16> -> vector<16xf32>
        %add3A_225 = arith.addf %scan3A_213, %unpack3A_223 : vector<16xf32>
        %add3A_226 = arith.addf %scan3A_214, %unpack3A_224 : vector<16xf32>
        %scan3A_227 = arith.constant 1 : i32
        %scan3A_228 = arith.addi %scan3A_210, %scan3A_227 : i32
        %get3A_229 = arith.index_cast %scan3A_228 : i32 to index
        %get3A_230 = arith.constant 0 : index
        %get3A_231 = tpu.vector_load %arg8[%get3A_229, %get3A_230] {strides = array<i32>} : memref<200x64xbf16, #tpu.memory_space<vmem>>, vector<32xbf16>,
        %unpack3A_232 = tpu.unpack_subelements %get3A_231, 0 {pack_format = #tpu.pack_format<interleaved>} : vector<32xbf16> -> vector<16xf32>
        %unpack3A_233 = tpu.unpack_subelements %get3A_231, 1 {pack_format = #tpu.pack_format<interleaved>} : vector<32xbf16> -> vector<16xf32>
        %add3A_234 = arith.addf %add3A_218, %unpack3A_232 : vector<16xf32>
        %add3A_235 = arith.addf %add3A_219, %unpack3A_233 : vector<16xf32>
        %get3A_236 = arith.index_cast %scan3A_228 : i32 to index
        %get3A_237 = arith.constant 32 : index
        %get3A_238 = tpu.vector_load %arg8[%get3A_236, %get3A_237] {strides = array<i32>} : memref<200x64xbf16, #tpu.memory_space<vmem>>, vector<32xbf16>,
        %unpack3A_239 = tpu.unpack_subelements %get3A_238, 0 {pack_format = #tpu.pack_format<interleaved>} : vector<32xbf16> -> vector<16xf32>
        %unpack3A_240 = tpu.unpack_subelements %get3A_238, 1 {pack_format = #tpu.pack_format<interleaved>} : vector<32xbf16> -> vector<16xf32>
        %add3A_241 = arith.addf %add3A_225, %unpack3A_239 : vector<16xf32>
        %add3A_242 = arith.addf %add3A_226, %unpack3A_240 : vector<16xf32>
        %scan3A_243 = arith.constant 2 : i32
        %scan3A_244 = arith.addi %scan3A_210, %scan3A_243 : i32
        %get3A_245 = arith.index_cast %scan3A_244 : i32 to index
        %get3A_246 = arith.constant 0 : index
        %get3A_247 = tpu.vector_load %arg8[%get3A_245, %get3A_246] {strides = array<i32>} : memref<200x64xbf16, #tpu.memory_space<vmem>>, vector<32xbf16>,
        %unpack3A_248 = tpu.unpack_subelements %get3A_247, 0 {pack_format = #tpu.pack_format<interleaved>} : vector<32xbf16> -> vector<16xf32>
        %unpack3A_249 = tpu.unpack_subelements %get3A_247, 1 {pack_format = #tpu.pack_format<interleaved>} : vector<32xbf16> -> vector<16xf32>
        %add3A_250 = arith.addf %add3A_234, %unpack3A_248 : vector<16xf32>
        %add3A_251 = arith.addf %add3A_235, %unpack3A_249 : vector<16xf32>
        %get3A_252 = arith.index_cast %scan3A_244 : i32 to index
        %get3A_253 = arith.constant 32 : index
        %get3A_254 = tpu.vector_load %arg8[%get3A_252, %get3A_253] {strides = array<i32>} : memref<200x64xbf16, #tpu.memory_space<vmem>>, vector<32xbf16>,
        %unpack3A_255 = tpu.unpack_subelements %get3A_254, 0 {pack_format = #tpu.pack_format<interleaved>} : vector<32xbf16> -> vector<16xf32>
        %unpack3A_256 = tpu.unpack_subelements %get3A_254, 1 {pack_format = #tpu.pack_format<interleaved>} : vector<32xbf16> -> vector<16xf32>
        %add3A_257 = arith.addf %add3A_241, %unpack3A_255 : vector<16xf32>
        %add3A_258 = arith.addf %add3A_242, %unpack3A_256 : vector<16xf32>
        %scan3A_259 = arith.constant 3 : i32
        %scan3A_260 = arith.addi %scan3A_210, %scan3A_259 : i32
        %get3A_261 = arith.index_cast %scan3A_260 : i32 to index
        %get3A_262 = arith.constant 0 : index
        %get3A_263 = tpu.vector_load %arg8[%get3A_261, %get3A_262] {strides = array<i32>} : memref<200x64xbf16, #tpu.memory_space<vmem>>, vector<32xbf16>,
        %unpack3A_264 = tpu.unpack_subelements %get3A_263, 0 {pack_format = #tpu.pack_format<interleaved>} : vector<32xbf16> -> vector<16xf32>
        %unpack3A_265 = tpu.unpack_subelements %get3A_263, 1 {pack_format = #tpu.pack_format<interleaved>} : vector<32xbf16> -> vector<16xf32>
        %add3A_266 = arith.addf %add3A_250, %unpack3A_264 : vector<16xf32>
        %add3A_267 = arith.addf %add3A_251, %unpack3A_265 : vector<16xf32>
        %get3A_268 = arith.index_cast %scan3A_260 : i32 to index
        %get3A_269 = arith.constant 32 : index
        %get3A_270 = tpu.vector_load %arg8[%get3A_268, %get3A_269] {strides = array<i32>} : memref<200x64xbf16, #tpu.memory_space<vmem>>, vector<32xbf16>,
        %unpack3A_271 = tpu.unpack_subelements %get3A_270, 0 {pack_format = #tpu.pack_format<interleaved>} : vector<32xbf16> -> vector<16xf32>
        %unpack3A_272 = tpu.unpack_subelements %get3A_270, 1 {pack_format = #tpu.pack_format<interleaved>} : vector<32xbf16> -> vector<16xf32>
        %add3A_273 = arith.addf %add3A_257, %unpack3A_271 : vector<16xf32>
        %add3A_274 = arith.addf %add3A_258, %unpack3A_272 : vector<16xf32>
        %scan3A_275 = arith.constant 4 : i32
        %scan3A_276 = arith.addi %scan3A_210, %scan3A_275 : i32
        %get3A_277 = arith.index_cast %scan3A_276 : i32 to index
        %get3A_278 = arith.constant 0 : index
        %get3A_279 = tpu.vector_load %arg8[%get3A_277, %get3A_278] {strides = array<i32>} : memref<200x64xbf16, #tpu.memory_space<vmem>>, vector<32xbf16>,
        %unpack3A_280 = tpu.unpack_subelements %get3A_279, 0 {pack_format = #tpu.pack_format<interleaved>} : vector<32xbf16> -> vector<16xf32>
        %unpack3A_281 = tpu.unpack_subelements %get3A_279, 1 {pack_format = #tpu.pack_format<interleaved>} : vector<32xbf16> -> vector<16xf32>
        %add3A_282 = arith.addf %add3A_266, %unpack3A_280 : vector<16xf32>
        %add3A_283 = arith.addf %add3A_267, %unpack3A_281 : vector<16xf32>
        %get3A_284 = arith.index_cast %scan3A_276 : i32 to index
        %get3A_285 = arith.constant 32 : index
        %get3A_286 = tpu.vector_load %arg8[%get3A_284, %get3A_285] {strides = array<i32>} : memref<200x64xbf16, #tpu.memory_space<vmem>>, vector<32xbf16>,
        %unpack3A_287 = tpu.unpack_subelements %get3A_286, 0 {pack_format = #tpu.pack_format<interleaved>} : vector<32xbf16> -> vector<16xf32>
        %unpack3A_288 = tpu.unpack_subelements %get3A_286, 1 {pack_format = #tpu.pack_format<interleaved>} : vector<32xbf16> -> vector<16xf32>
        %add3A_289 = arith.addf %add3A_273, %unpack3A_287 : vector<16xf32>
        %add3A_290 = arith.addf %add3A_274, %unpack3A_288 : vector<16xf32>
        %scan3A_291 = arith.constant 5 : i32
        %scan3A_292 = arith.addi %scan3A_210, %scan3A_291 : i32
        %get3A_293 = arith.index_cast %scan3A_292 : i32 to index
        %get3A_294 = arith.constant 0 : index
        %get3A_295 = tpu.vector_load %arg8[%get3A_293, %get3A_294] {strides = array<i32>} : memref<200x64xbf16, #tpu.memory_space<vmem>>, vector<32xbf16>,
        %unpack3A_296 = tpu.unpack_subelements %get3A_295, 0 {pack_format = #tpu.pack_format<interleaved>} : vector<32xbf16> -> vector<16xf32>
        %unpack3A_297 = tpu.unpack_subelements %get3A_295, 1 {pack_format = #tpu.pack_format<interleaved>} : vector<32xbf16> -> vector<16xf32>
        %add3A_298 = arith.addf %add3A_282, %unpack3A_296 : vector<16xf32>
        %add3A_299 = arith.addf %add3A_283, %unpack3A_297 : vector<16xf32>
        %get3A_300 = arith.index_cast %scan3A_292 : i32 to index
        %get3A_301 = arith.constant 32 : index
        %get3A_302 = tpu.vector_load %arg8[%get3A_300, %get3A_301] {strides = array<i32>} : memref<200x64xbf16, #tpu.memory_space<vmem>>, vector<32xbf16>,
        %unpack3A_303 = tpu.unpack_subelements %get3A_302, 0 {pack_format = #tpu.pack_format<interleaved>} : vector<32xbf16> -> vector<16xf32>
        %unpack3A_304 = tpu.unpack_subelements %get3A_302, 1 {pack_format = #tpu.pack_format<interleaved>} : vector<32xbf16> -> vector<16xf32>
        %add3A_305 = arith.addf %add3A_289, %unpack3A_303 : vector<16xf32>
        %add3A_306 = arith.addf %add3A_290, %unpack3A_304 : vector<16xf32>
        %scan3A_307 = arith.constant 6 : i32
        %scan3A_308 = arith.addi %scan3A_210, %scan3A_307 : i32
        %get3A_309 = arith.index_cast %scan3A_308 : i32 to index
        %get3A_310 = arith.constant 0 : index
        %get3A_311 = tpu.vector_load %arg8[%get3A_309, %get3A_310] {strides = array<i32>} : memref<200x64xbf16, #tpu.memory_space<vmem>>, vector<32xbf16>,
        %unpack3A_312 = tpu.unpack_subelements %get3A_311, 0 {pack_format = #tpu.pack_format<interleaved>} : vector<32xbf16> -> vector<16xf32>
        %unpack3A_313 = tpu.unpack_subelements %get3A_311, 1 {pack_format = #tpu.pack_format<interleaved>} : vector<32xbf16> -> vector<16xf32>
        %add3A_314 = arith.addf %add3A_298, %unpack3A_312 : vector<16xf32>
        %add3A_315 = arith.addf %add3A_299, %unpack3A_313 : vector<16xf32>
        %get3A_316 = arith.index_cast %scan3A_308 : i32 to index
        %get3A_317 = arith.constant 32 : index
        %get3A_318 = tpu.vector_load %arg8[%get3A_316, %get3A_317] {strides = array<i32>} : memref<200x64xbf16, #tpu.memory_space<vmem>>, vector<32xbf16>,
        %unpack3A_319 = tpu.unpack_subelements %get3A_318, 0 {pack_format = #tpu.pack_format<interleaved>} : vector<32xbf16> -> vector<16xf32>
        %unpack3A_320 = tpu.unpack_subelements %get3A_318, 1 {pack_format = #tpu.pack_format<interleaved>} : vector<32xbf16> -> vector<16xf32>
        %add3A_321 = arith.addf %add3A_305, %unpack3A_319 : vector<16xf32>
        %add3A_322 = arith.addf %add3A_306, %unpack3A_320 : vector<16xf32>
        %scan3A_323 = arith.constant 7 : i32
        %scan3A_324 = arith.addi %scan3A_210, %scan3A_323 : i32
        %get3A_325 = arith.index_cast %scan3A_324 : i32 to index
        %get3A_326 = arith.constant 0 : index
        %get3A_327 = tpu.vector_load %arg8[%get3A_325, %get3A_326] {strides = array<i32>} : memref<200x64xbf16, #tpu.memory_space<vmem>>, vector<32xbf16>,
        %unpack3A_328 = tpu.unpack_subelements %get3A_327, 0 {pack_format = #tpu.pack_format<interleaved>} : vector<32xbf16> -> vector<16xf32>
        %unpack3A_329 = tpu.unpack_subelements %get3A_327, 1 {pack_format = #tpu.pack_format<interleaved>} : vector<32xbf16> -> vector<16xf32>
        %add3A_330 = arith.addf %add3A_314, %unpack3A_328 : vector<16xf32>
        %add3A_331 = arith.addf %add3A_315, %unpack3A_329 : vector<16xf32>
        %get3A_332 = arith.index_cast %scan3A_324 : i32 to index
        %get3A_333 = arith.constant 32 : index
        %get3A_334 = tpu.vector_load %arg8[%get3A_332, %get3A_333] {strides = array<i32>} : memref<200x64xbf16, #tpu.memory_space<vmem>>, vector<32xbf16>,
        %unpack3A_335 = tpu.unpack_subelements %get3A_334, 0 {pack_format = #tpu.pack_format<interleaved>} : vector<32xbf16> -> vector<16xf32>
        %unpack3A_336 = tpu.unpack_subelements %get3A_334, 1 {pack_format = #tpu.pack_format<interleaved>} : vector<32xbf16> -> vector<16xf32>
        %add3A_337 = arith.addf %add3A_321, %unpack3A_335 : vector<16xf32>
        %add3A_338 = arith.addf %add3A_322, %unpack3A_336 : vector<16xf32>
        scf.yield %add3A_330, %add3A_331, %add3A_337, %add3A_338 : vector<16xf32>, vector<16xf32>, vector<16xf32>, vector<16xf32>
      }
      %scan3A_157 = arith.constant 200 : i32
      %swap3A_158 = arith.index_cast %add3A_134 : i32 to index
      %swap3A_159 = arith.constant 0 : index
      %swap3A_160 = tpu.vector_load %arg10[%swap3A_158, %swap3A_159] {strides = array<i32>} : memref<128x64xf32, #tpu.memory_space<vmem>>, vector<16xf32>,
      tpu.vector_store %arg10[%swap3A_158, %swap3A_159], %scan3A_156#0 {strides = array<i32>} : memref<128x64xf32, #tpu.memory_space<vmem>>, vector<16xf32>,
      %swap3A_161 = arith.index_cast %add3A_134 : i32 to index
      %swap3A_162 = arith.constant 16 : index
      %swap3A_163 = tpu.vector_load %arg10[%swap3A_161, %swap3A_162] {strides = array<i32>} : memref<128x64xf32, #tpu.memory_space<vmem>>, vector<16xf32>,
      tpu.vector_store %arg10[%swap3A_161, %swap3A_162], %scan3A_156#1 {strides = array<i32>} : memref<128x64xf32, #tpu.memory_space<vmem>>, vector<16xf32>,
      %swap3A_164 = arith.index_cast %add3A_134 : i32 to index
      %swap3A_165 = arith.constant 32 : index
      %swap3A_166 = tpu.vector_load %arg10[%swap3A_164, %swap3A_165] {strides = array<i32>} : memref<128x64xf32, #tpu.memory_space<vmem>>, vector<16xf32>,
      tpu.vector_store %arg10[%swap3A_164, %swap3A_165], %scan3A_156#2 {strides = array<i32>} : memref<128x64xf32, #tpu.memory_space<vmem>>, vector<16xf32>,
      %swap3A_167 = arith.index_cast %add3A_134 : i32 to index
      %swap3A_168 = arith.constant 48 : index
      %swap3A_169 = tpu.vector_load %arg10[%swap3A_167, %swap3A_168] {strides = array<i32>} : memref<128x64xf32, #tpu.memory_space<vmem>>, vector<16xf32>,
      tpu.vector_store %arg10[%swap3A_167, %swap3A_168], %scan3A_156#3 {strides = array<i32>} : memref<128x64xf32, #tpu.memory_space<vmem>>, vector<16xf32>,
      %mul3A_170 = arith.constant 4 : i32
      %mul3A_171 = arith.muli %mul3A_170, %scan3A_58 : i32
      %add3A_172 = arith.constant 3 : i32
      %add3A_173 = arith.addi %mul3A_171, %add3A_172 : i32
      %add3A_174 = arith.constant 4 : i32
      %add3A_175 = arith.addi %add3A_173, %add3A_174 : i32
      %sub3A_176 = arith.constant 1 : i32
      %sub3A_177 = arith.subi %add3A_175, %sub3A_176 : i32
      %lt3A_178 = arith.constant 128 : i32
      %lt3A_179 = arith.cmpi slt, %sub3A_177, %lt3A_178 : i32
      %convert_element_type3A_180 = arith.extui %lt3A_179 : i1 to i32
      %cond3A_181 = arith.constant 0 : i32
      %cond3A_182 = arith.cmpi ne, %convert_element_type3A_180, %cond3A_181 : i32
      scf.if %cond3A_182 {
        %add3A_210 = arith.constant 4 : i32
        %add3A_211 = arith.addi %add3A_173, %add3A_210 : i32
        %sub3A_212 = arith.constant 1 : i32
        %sub3A_213 = arith.subi %add3A_211, %sub3A_212 : i32
        %mul3A_214 = arith.constant 200 : i32
        %mul3A_215 = arith.muli %sub3A_213, %mul3A_214 : i32
        %dma_start3A_216 = arith.constant 0 : i32
        %dma_start3A_217 = arith.constant 0 : i32
        %dma_start3A_218 = tpu.memref_slice %arg8[%dma_start3A_216, %dma_start3A_217] : memref<200x64xbf16, #tpu.memory_space<vmem>> -> memref<128x64xbf16, #tpu.memory_space<vmem>>
        %dma_start3A_219 = tpu.memref_slice %arg5[%mul3A_215] : memref<25600xi32, #tpu.memory_space<vmem>> -> memref<128xi32, #tpu.memory_space<vmem>>
        %dma_start3A_220 = arith.constant 0 : i32
        %dma_start3A_221 = arith.constant 0 : i32
        %dma_start3A_222 = tpu.memref_slice %arg3[%dma_start3A_220, %dma_start3A_221] : memref<100000x64xbf16, #tpu.memory_space<hbm>> -> memref<100000x64xbf16, #tpu.memory_space<hbm>>
        tpu.enqueue_indirect_dma source(%dma_start3A_222 : memref<100000x64xbf16, #tpu.memory_space<hbm>>) target(%dma_start3A_218 : memref<128x64xbf16, #tpu.memory_space<vmem>>) offsets(%dma_start3A_219 : memref<128xi32, #tpu.memory_space<vmem>>) semaphore(%arg13 : memref<!tpu.dma_semaphore, #tpu.memory_space<semaphore_mem>>)
        %mul3A_223 = arith.constant 200 : i32
        %mul3A_224 = arith.muli %sub3A_213, %mul3A_223 : i32
        %add3A_225 = arith.constant 128 : i32
        %add3A_226 = arith.addi %mul3A_224, %add3A_225 : i32
        %dma_start3A_227 = arith.constant 128 : i32
        %dma_start3A_228 = arith.constant 0 : i32
        %dma_start3A_229 = tpu.memref_slice %arg8[%dma_start3A_227, %dma_start3A_228] : memref<200x64xbf16, #tpu.memory_space<vmem>> -> memref<72x64xbf16, #tpu.memory_space<vmem>>
        %dma_start3A_230 = tpu.memref_slice %arg5[%add3A_226] : memref<25600xi32, #tpu.memory_space<vmem>> -> memref<72xi32, #tpu.memory_space<vmem>>
        %dma_start3A_231 = arith.constant 0 : i32
        %dma_start3A_232 = arith.constant 0 : i32
        %dma_start3A_233 = tpu.memref_slice %arg3[%dma_start3A_231, %dma_start3A_232] : memref<100000x64xbf16, #tpu.memory_space<hbm>> -> memref<100000x64xbf16, #tpu.memory_space<hbm>>
        tpu.enqueue_indirect_dma source(%dma_start3A_233 : memref<100000x64xbf16, #tpu.memory_space<hbm>>) target(%dma_start3A_229 : memref<72x64xbf16, #tpu.memory_space<vmem>>) offsets(%dma_start3A_230 : memref<72xi32, #tpu.memory_space<vmem>>) semaphore(%arg13 : memref<!tpu.dma_semaphore, #tpu.memory_space<semaphore_mem>>)
      } else {
      }
      %dma_wait3A_183 = arith.constant 0 : i32
      %dma_wait3A_184 = arith.constant 0 : i32
      %dma_wait3A_185 = tpu.memref_slice %arg3[%dma_wait3A_183, %dma_wait3A_184] : memref<100000x64xbf16, #tpu.memory_space<hbm>> -> memref<200x64xbf16, #tpu.memory_space<hbm>>
      %dma_wait3A_186 = arith.constant 0 : i32
      %dma_wait3A_187 = arith.constant 0 : i32
      %dma_wait3A_188 = tpu.memref_slice %arg3[%dma_wait3A_186, %dma_wait3A_187] : memref<100000x64xbf16, #tpu.memory_space<hbm>> -> memref<200x64xbf16, #tpu.memory_space<hbm>>
      tpu.wait_dma2 semaphore(%arg14 : memref<!tpu.dma_semaphore, #tpu.memory_space<semaphore_mem>>) src(%dma_wait3A_188 : memref<200x64xbf16, #tpu.memory_space<hbm>>) dst(%arg9 : memref<200x64xbf16, #tpu.memory_space<vmem>>)
      %broadcast_in_dim3A_189 = arith.constant 0.000000e+00 : f32
      %broadcast_in_dim3A_190 = vector.broadcast %broadcast_in_dim3A_189 : f32 to vector<16xf32>
      %scan3A_191 = arith.constant 0 : i32
      %scan3A_192 = arith.constant 200 : i32
      %scan3A_193 = arith.addi %scan3A_191, %scan3A_192 : i32
      %scan3A_194 = arith.constant 8 : i32
      %scan3A_195:4 = scf.for %scan3A_210 = %scan3A_191 to %scan3A_193 step %scan3A_194 iter_args(%scan3A_211 = %broadcast_in_dim3A_190, %scan3A_212 = %broadcast_in_dim3A_190, %scan3A_213 = %broadcast_in_dim3A_190, %scan3A_214 = %broadcast_in_dim3A_190) -> (vector<16xf32>, vector<16xf32>, vector<16xf32>, vector<16xf32>)  : i32 {
        %get3A = arith.index_cast %scan3A_210 : i32 to index
        %get3A_215 = arith.constant 0 : index
        %get3A_216 = tpu.vector_load %arg9[%get3A, %get3A_215] {strides = array<i32>} : memref<200x64xbf16, #tpu.memory_space<vmem>>, vector<32xbf16>,
        %unpack3A = tpu.unpack_subelements %get3A_216, 0 {pack_format = #tpu.pack_format<interleaved>} : vector<32xbf16> -> vector<16xf32>
        %unpack3A_217 = tpu.unpack_subelements %get3A_216, 1 {pack_format = #tpu.pack_format<interleaved>} : vector<32xbf16> -> vector<16xf32>
        %add3A_218 = arith.addf %scan3A_211, %unpack3A : vector<16xf32>
        %add3A_219 = arith.addf %scan3A_212, %unpack3A_217 : vector<16xf32>
        %get3A_220 = arith.index_cast %scan3A_210 : i32 to index
        %get3A_221 = arith.constant 32 : index
        %get3A_222 = tpu.vector_load %arg9[%get3A_220, %get3A_221] {strides = array<i32>} : memref<200x64xbf16, #tpu.memory_space<vmem>>, vector<32xbf16>,
        %unpack3A_223 = tpu.unpack_subelements %get3A_222, 0 {pack_format = #tpu.pack_format<interleaved>} : vector<32xbf16> -> vector<16xf32>
        %unpack3A_224 = tpu.unpack_subelements %get3A_222, 1 {pack_format = #tpu.pack_format<interleaved>} : vector<32xbf16> -> vector<16xf32>
        %add3A_225 = arith.addf %scan3A_213, %unpack3A_223 : vector<16xf32>
        %add3A_226 = arith.addf %scan3A_214, %unpack3A_224 : vector<16xf32>
        %scan3A_227 = arith.constant 1 : i32
        %scan3A_228 = arith.addi %scan3A_210, %scan3A_227 : i32
        %get3A_229 = arith.index_cast %scan3A_228 : i32 to index
        %get3A_230 = arith.constant 0 : index
        %get3A_231 = tpu.vector_load %arg9[%get3A_229, %get3A_230] {strides = array<i32>} : memref<200x64xbf16, #tpu.memory_space<vmem>>, vector<32xbf16>,
        %unpack3A_232 = tpu.unpack_subelements %get3A_231, 0 {pack_format = #tpu.pack_format<interleaved>} : vector<32xbf16> -> vector<16xf32>
        %unpack3A_233 = tpu.unpack_subelements %get3A_231, 1 {pack_format = #tpu.pack_format<interleaved>} : vector<32xbf16> -> vector<16xf32>
        %add3A_234 = arith.addf %add3A_218, %unpack3A_232 : vector<16xf32>
        %add3A_235 = arith.addf %add3A_219, %unpack3A_233 : vector<16xf32>
        %get3A_236 = arith.index_cast %scan3A_228 : i32 to index
        %get3A_237 = arith.constant 32 : index
        %get3A_238 = tpu.vector_load %arg9[%get3A_236, %get3A_237] {strides = array<i32>} : memref<200x64xbf16, #tpu.memory_space<vmem>>, vector<32xbf16>,
        %unpack3A_239 = tpu.unpack_subelements %get3A_238, 0 {pack_format = #tpu.pack_format<interleaved>} : vector<32xbf16> -> vector<16xf32>
        %unpack3A_240 = tpu.unpack_subelements %get3A_238, 1 {pack_format = #tpu.pack_format<interleaved>} : vector<32xbf16> -> vector<16xf32>
        %add3A_241 = arith.addf %add3A_225, %unpack3A_239 : vector<16xf32>
        %add3A_242 = arith.addf %add3A_226, %unpack3A_240 : vector<16xf32>
        %scan3A_243 = arith.constant 2 : i32
        %scan3A_244 = arith.addi %scan3A_210, %scan3A_243 : i32
        %get3A_245 = arith.index_cast %scan3A_244 : i32 to index
        %get3A_246 = arith.constant 0 : index
        %get3A_247 = tpu.vector_load %arg9[%get3A_245, %get3A_246] {strides = array<i32>} : memref<200x64xbf16, #tpu.memory_space<vmem>>, vector<32xbf16>,
        %unpack3A_248 = tpu.unpack_subelements %get3A_247, 0 {pack_format = #tpu.pack_format<interleaved>} : vector<32xbf16> -> vector<16xf32>
        %unpack3A_249 = tpu.unpack_subelements %get3A_247, 1 {pack_format = #tpu.pack_format<interleaved>} : vector<32xbf16> -> vector<16xf32>
        %add3A_250 = arith.addf %add3A_234, %unpack3A_248 : vector<16xf32>
        %add3A_251 = arith.addf %add3A_235, %unpack3A_249 : vector<16xf32>
        %get3A_252 = arith.index_cast %scan3A_244 : i32 to index
        %get3A_253 = arith.constant 32 : index
        %get3A_254 = tpu.vector_load %arg9[%get3A_252, %get3A_253] {strides = array<i32>} : memref<200x64xbf16, #tpu.memory_space<vmem>>, vector<32xbf16>,
        %unpack3A_255 = tpu.unpack_subelements %get3A_254, 0 {pack_format = #tpu.pack_format<interleaved>} : vector<32xbf16> -> vector<16xf32>
        %unpack3A_256 = tpu.unpack_subelements %get3A_254, 1 {pack_format = #tpu.pack_format<interleaved>} : vector<32xbf16> -> vector<16xf32>
        %add3A_257 = arith.addf %add3A_241, %unpack3A_255 : vector<16xf32>
        %add3A_258 = arith.addf %add3A_242, %unpack3A_256 : vector<16xf32>
        %scan3A_259 = arith.constant 3 : i32
        %scan3A_260 = arith.addi %scan3A_210, %scan3A_259 : i32
        %get3A_261 = arith.index_cast %scan3A_260 : i32 to index
        %get3A_262 = arith.constant 0 : index
        %get3A_263 = tpu.vector_load %arg9[%get3A_261, %get3A_262] {strides = array<i32>} : memref<200x64xbf16, #tpu.memory_space<vmem>>, vector<32xbf16>,
        %unpack3A_264 = tpu.unpack_subelements %get3A_263, 0 {pack_format = #tpu.pack_format<interleaved>} : vector<32xbf16> -> vector<16xf32>
        %unpack3A_265 = tpu.unpack_subelements %get3A_263, 1 {pack_format = #tpu.pack_format<interleaved>} : vector<32xbf16> -> vector<16xf32>
        %add3A_266 = arith.addf %add3A_250, %unpack3A_264 : vector<16xf32>
        %add3A_267 = arith.addf %add3A_251, %unpack3A_265 : vector<16xf32>
        %get3A_268 = arith.index_cast %scan3A_260 : i32 to index
        %get3A_269 = arith.constant 32 : index
        %get3A_270 = tpu.vector_load %arg9[%get3A_268, %get3A_269] {strides = array<i32>} : memref<200x64xbf16, #tpu.memory_space<vmem>>, vector<32xbf16>,
        %unpack3A_271 = tpu.unpack_subelements %get3A_270, 0 {pack_format = #tpu.pack_format<interleaved>} : vector<32xbf16> -> vector<16xf32>
        %unpack3A_272 = tpu.unpack_subelements %get3A_270, 1 {pack_format = #tpu.pack_format<interleaved>} : vector<32xbf16> -> vector<16xf32>
        %add3A_273 = arith.addf %add3A_257, %unpack3A_271 : vector<16xf32>
        %add3A_274 = arith.addf %add3A_258, %unpack3A_272 : vector<16xf32>
        %scan3A_275 = arith.constant 4 : i32
        %scan3A_276 = arith.addi %scan3A_210, %scan3A_275 : i32
        %get3A_277 = arith.index_cast %scan3A_276 : i32 to index
        %get3A_278 = arith.constant 0 : index
        %get3A_279 = tpu.vector_load %arg9[%get3A_277, %get3A_278] {strides = array<i32>} : memref<200x64xbf16, #tpu.memory_space<vmem>>, vector<32xbf16>,
        %unpack3A_280 = tpu.unpack_subelements %get3A_279, 0 {pack_format = #tpu.pack_format<interleaved>} : vector<32xbf16> -> vector<16xf32>
        %unpack3A_281 = tpu.unpack_subelements %get3A_279, 1 {pack_format = #tpu.pack_format<interleaved>} : vector<32xbf16> -> vector<16xf32>
        %add3A_282 = arith.addf %add3A_266, %unpack3A_280 : vector<16xf32>
        %add3A_283 = arith.addf %add3A_267, %unpack3A_281 : vector<16xf32>
        %get3A_284 = arith.index_cast %scan3A_276 : i32 to index
        %get3A_285 = arith.constant 32 : index
        %get3A_286 = tpu.vector_load %arg9[%get3A_284, %get3A_285] {strides = array<i32>} : memref<200x64xbf16, #tpu.memory_space<vmem>>, vector<32xbf16>,
        %unpack3A_287 = tpu.unpack_subelements %get3A_286, 0 {pack_format = #tpu.pack_format<interleaved>} : vector<32xbf16> -> vector<16xf32>
        %unpack3A_288 = tpu.unpack_subelements %get3A_286, 1 {pack_format = #tpu.pack_format<interleaved>} : vector<32xbf16> -> vector<16xf32>
        %add3A_289 = arith.addf %add3A_273, %unpack3A_287 : vector<16xf32>
        %add3A_290 = arith.addf %add3A_274, %unpack3A_288 : vector<16xf32>
        %scan3A_291 = arith.constant 5 : i32
        %scan3A_292 = arith.addi %scan3A_210, %scan3A_291 : i32
        %get3A_293 = arith.index_cast %scan3A_292 : i32 to index
        %get3A_294 = arith.constant 0 : index
        %get3A_295 = tpu.vector_load %arg9[%get3A_293, %get3A_294] {strides = array<i32>} : memref<200x64xbf16, #tpu.memory_space<vmem>>, vector<32xbf16>,
        %unpack3A_296 = tpu.unpack_subelements %get3A_295, 0 {pack_format = #tpu.pack_format<interleaved>} : vector<32xbf16> -> vector<16xf32>
        %unpack3A_297 = tpu.unpack_subelements %get3A_295, 1 {pack_format = #tpu.pack_format<interleaved>} : vector<32xbf16> -> vector<16xf32>
        %add3A_298 = arith.addf %add3A_282, %unpack3A_296 : vector<16xf32>
        %add3A_299 = arith.addf %add3A_283, %unpack3A_297 : vector<16xf32>
        %get3A_300 = arith.index_cast %scan3A_292 : i32 to index
        %get3A_301 = arith.constant 32 : index
        %get3A_302 = tpu.vector_load %arg9[%get3A_300, %get3A_301] {strides = array<i32>} : memref<200x64xbf16, #tpu.memory_space<vmem>>, vector<32xbf16>,
        %unpack3A_303 = tpu.unpack_subelements %get3A_302, 0 {pack_format = #tpu.pack_format<interleaved>} : vector<32xbf16> -> vector<16xf32>
        %unpack3A_304 = tpu.unpack_subelements %get3A_302, 1 {pack_format = #tpu.pack_format<interleaved>} : vector<32xbf16> -> vector<16xf32>
        %add3A_305 = arith.addf %add3A_289, %unpack3A_303 : vector<16xf32>
        %add3A_306 = arith.addf %add3A_290, %unpack3A_304 : vector<16xf32>
        %scan3A_307 = arith.constant 6 : i32
        %scan3A_308 = arith.addi %scan3A_210, %scan3A_307 : i32
        %get3A_309 = arith.index_cast %scan3A_308 : i32 to index
        %get3A_310 = arith.constant 0 : index
        %get3A_311 = tpu.vector_load %arg9[%get3A_309, %get3A_310] {strides = array<i32>} : memref<200x64xbf16, #tpu.memory_space<vmem>>, vector<32xbf16>,
        %unpack3A_312 = tpu.unpack_subelements %get3A_311, 0 {pack_format = #tpu.pack_format<interleaved>} : vector<32xbf16> -> vector<16xf32>
        %unpack3A_313 = tpu.unpack_subelements %get3A_311, 1 {pack_format = #tpu.pack_format<interleaved>} : vector<32xbf16> -> vector<16xf32>
        %add3A_314 = arith.addf %add3A_298, %unpack3A_312 : vector<16xf32>
        %add3A_315 = arith.addf %add3A_299, %unpack3A_313 : vector<16xf32>
        %get3A_316 = arith.index_cast %scan3A_308 : i32 to index
        %get3A_317 = arith.constant 32 : index
        %get3A_318 = tpu.vector_load %arg9[%get3A_316, %get3A_317] {strides = array<i32>} : memref<200x64xbf16, #tpu.memory_space<vmem>>, vector<32xbf16>,
        %unpack3A_319 = tpu.unpack_subelements %get3A_318, 0 {pack_format = #tpu.pack_format<interleaved>} : vector<32xbf16> -> vector<16xf32>
        %unpack3A_320 = tpu.unpack_subelements %get3A_318, 1 {pack_format = #tpu.pack_format<interleaved>} : vector<32xbf16> -> vector<16xf32>
        %add3A_321 = arith.addf %add3A_305, %unpack3A_319 : vector<16xf32>
        %add3A_322 = arith.addf %add3A_306, %unpack3A_320 : vector<16xf32>
        %scan3A_323 = arith.constant 7 : i32
        %scan3A_324 = arith.addi %scan3A_210, %scan3A_323 : i32
        %get3A_325 = arith.index_cast %scan3A_324 : i32 to index
        %get3A_326 = arith.constant 0 : index
        %get3A_327 = tpu.vector_load %arg9[%get3A_325, %get3A_326] {strides = array<i32>} : memref<200x64xbf16, #tpu.memory_space<vmem>>, vector<32xbf16>,
        %unpack3A_328 = tpu.unpack_subelements %get3A_327, 0 {pack_format = #tpu.pack_format<interleaved>} : vector<32xbf16> -> vector<16xf32>
        %unpack3A_329 = tpu.unpack_subelements %get3A_327, 1 {pack_format = #tpu.pack_format<interleaved>} : vector<32xbf16> -> vector<16xf32>
        %add3A_330 = arith.addf %add3A_314, %unpack3A_328 : vector<16xf32>
        %add3A_331 = arith.addf %add3A_315, %unpack3A_329 : vector<16xf32>
        %get3A_332 = arith.index_cast %scan3A_324 : i32 to index
        %get3A_333 = arith.constant 32 : index
        %get3A_334 = tpu.vector_load %arg9[%get3A_332, %get3A_333] {strides = array<i32>} : memref<200x64xbf16, #tpu.memory_space<vmem>>, vector<32xbf16>,
        %unpack3A_335 = tpu.unpack_subelements %get3A_334, 0 {pack_format = #tpu.pack_format<interleaved>} : vector<32xbf16> -> vector<16xf32>
        %unpack3A_336 = tpu.unpack_subelements %get3A_334, 1 {pack_format = #tpu.pack_format<interleaved>} : vector<32xbf16> -> vector<16xf32>
        %add3A_337 = arith.addf %add3A_321, %unpack3A_335 : vector<16xf32>
        %add3A_338 = arith.addf %add3A_322, %unpack3A_336 : vector<16xf32>
        scf.yield %add3A_330, %add3A_331, %add3A_337, %add3A_338 : vector<16xf32>, vector<16xf32>, vector<16xf32>, vector<16xf32>
      }
      %scan3A_196 = arith.constant 200 : i32
      %swap3A_197 = arith.index_cast %add3A_173 : i32 to index
      %swap3A_198 = arith.constant 0 : index
      %swap3A_199 = tpu.vector_load %arg10[%swap3A_197, %swap3A_198] {strides = array<i32>} : memref<128x64xf32, #tpu.memory_space<vmem>>, vector<16xf32>,
      tpu.vector_store %arg10[%swap3A_197, %swap3A_198], %scan3A_195#0 {strides = array<i32>} : memref<128x64xf32, #tpu.memory_space<vmem>>, vector<16xf32>,
      %swap3A_200 = arith.index_cast %add3A_173 : i32 to index
      %swap3A_201 = arith.constant 16 : index
      %swap3A_202 = tpu.vector_load %arg10[%swap3A_200, %swap3A_201] {strides = array<i32>} : memref<128x64xf32, #tpu.memory_space<vmem>>, vector<16xf32>,
      tpu.vector_store %arg10[%swap3A_200, %swap3A_201], %scan3A_195#1 {strides = array<i32>} : memref<128x64xf32, #tpu.memory_space<vmem>>, vector<16xf32>,
      %swap3A_203 = arith.index_cast %add3A_173 : i32 to index
      %swap3A_204 = arith.constant 32 : index
      %swap3A_205 = tpu.vector_load %arg10[%swap3A_203, %swap3A_204] {strides = array<i32>} : memref<128x64xf32, #tpu.memory_space<vmem>>, vector<16xf32>,
      tpu.vector_store %arg10[%swap3A_203, %swap3A_204], %scan3A_195#2 {strides = array<i32>} : memref<128x64xf32, #tpu.memory_space<vmem>>, vector<16xf32>,
      %swap3A_206 = arith.index_cast %add3A_173 : i32 to index
      %swap3A_207 = arith.constant 48 : index
      %swap3A_208 = tpu.vector_load %arg10[%swap3A_206, %swap3A_207] {strides = array<i32>} : memref<128x64xf32, #tpu.memory_space<vmem>>, vector<16xf32>,
      tpu.vector_store %arg10[%swap3A_206, %swap3A_207], %scan3A_195#3 {strides = array<i32>} : memref<128x64xf32, #tpu.memory_space<vmem>>, vector<16xf32>,
      %scan3A_209 = arith.constant 0 : i32
      scf.yield %scan3A_209 : i32
    }
    %scan3A_57 = arith.constant 32 : i32
    "tpu.region"() ({
      %run_scoped3A = tpu.sem_alloc : memref<!tpu.dma_semaphore, #tpu.memory_space<semaphore_mem>>
      %dma_start3A_58 = arith.constant 0 : i32
      %dma_start3A_59 = tpu.memref_slice %arg4[%mul3A_2, %dma_start3A_58] : memref<4096x64xf32, #tpu.memory_space<hbm>> -> memref<128x64xf32, #tpu.memory_space<hbm>>
      %dma_start3A_60 = arith.constant 0 : i32
      %dma_start3A_61 = tpu.memref_slice %arg4[%mul3A_2, %dma_start3A_60] : memref<4096x64xf32, #tpu.memory_space<hbm>> -> memref<128x64xf32, #tpu.memory_space<hbm>>
      tpu.enqueue_dma source(%arg10 : memref<128x64xf32, #tpu.memory_space<vmem>>) target(%dma_start3A_61 : memref<128x64xf32, #tpu.memory_space<hbm>>) target_semaphore(%run_scoped3A : memref<!tpu.dma_semaphore, #tpu.memory_space<semaphore_mem>>)
      %dma_wait3A = arith.constant 0 : i32
      %dma_wait3A_62 = tpu.memref_slice %arg4[%mul3A_2, %dma_wait3A] : memref<4096x64xf32, #tpu.memory_space<hbm>> -> memref<128x64xf32, #tpu.memory_space<hbm>>
      %dma_wait3A_63 = arith.constant 0 : i32
      %dma_wait3A_64 = tpu.memref_slice %arg4[%mul3A_2, %dma_wait3A_63] : memref<4096x64xf32, #tpu.memory_space<hbm>> -> memref<128x64xf32, #tpu.memory_space<hbm>>
      tpu.wait_dma2 semaphore(%run_scoped3A : memref<!tpu.dma_semaphore, #tpu.memory_space<semaphore_mem>>) src(%arg10 : memref<128x64xf32, #tpu.memory_space<vmem>>) dst(%dma_wait3A_64 : memref<128x64xf32, #tpu.memory_space<hbm>>)
      tpu.yield
    }) : () -> ()
    return
  }
}

#map = affine_map<(d0, d1) -> (0)>
#map1 = affine_map<(d0, d1) -> (0, 0)>
module attributes {stable_mosaic.version = 14 : i64} {
  func.func @sums_kernel(%arg0: i32, %arg1: i32, %arg2: memref<819200xi32, #tpu.memory_space<hbm>>, %arg3: memref<100000x64xbf16, #tpu.memory_space<hbm>>, %arg4: memref<4096x64xf32, #tpu.memory_space<hbm>>, %arg5: memref<25600xi32, #tpu.memory_space<vmem>>, %arg6: memref<200x64xbf16, #tpu.memory_space<vmem>>, %arg7: memref<200x64xbf16, #tpu.memory_space<vmem>>, %arg8: memref<200x64xbf16, #tpu.memory_space<vmem>>, %arg9: memref<200x64xbf16, #tpu.memory_space<vmem>>, %arg10: memref<128x64xf32, #tpu.memory_space<vmem>>, %arg11: memref<!tpu.dma_semaphore, #tpu.memory_space<semaphore_mem>>, %arg12: memref<!tpu.dma_semaphore, #tpu.memory_space<semaphore_mem>>, %arg13: memref<!tpu.dma_semaphore, #tpu.memory_space<semaphore_mem>>, %arg14: memref<!tpu.dma_semaphore, #tpu.memory_space<semaphore_mem>>) attributes {dimension_semantics = [#tpu.dimension_semantics<core_parallel>, #tpu.dimension_semantics<subcore_parallel>], iteration_bounds = array<i64: 2, 16>, scalar_prefetch = 0 : i64, scratch_operands = 10 : i64, tpu.core_type = #tpu.core_type<sc_vector_subcore>, window_params = [{transform_indices = #map}, {transform_indices = #map1}, {transform_indices = #map1}]} {
    %mul3A = arith.constant 2 : i32
    %mul3A_0 = arith.muli %arg1, %mul3A : i32
    %add3A = arith.addi %mul3A_0, %arg0 : i32
    %mul3A_1 = arith.constant 128 : i32
    %mul3A_2 = arith.muli %add3A, %mul3A_1 : i32
    %mul3A_3 = arith.constant 200 : i32
    %mul3A_4 = arith.muli %mul3A_2, %mul3A_3 : i32
    "tpu.region"() ({
      %run_scoped3A = tpu.sem_alloc : memref<!tpu.dma_semaphore, #tpu.memory_space<semaphore_mem>>
      %dma_start3A_58 = tpu.memref_slice %arg2[%mul3A_4] : memref<819200xi32, #tpu.memory_space<hbm>> -> memref<25600xi32, #tpu.memory_space<hbm>>
      %dma_start3A_59 = tpu.memref_slice %arg2[%mul3A_4] : memref<819200xi32, #tpu.memory_space<hbm>> -> memref<25600xi32, #tpu.memory_space<hbm>>
      tpu.enqueue_dma source(%dma_start3A_59 : memref<25600xi32, #tpu.memory_space<hbm>>) target(%arg5 : memref<25600xi32, #tpu.memory_space<vmem>>) target_semaphore(%run_scoped3A : memref<!tpu.dma_semaphore, #tpu.memory_space<semaphore_mem>>)
      %dma_wait3A = tpu.memref_slice %arg2[%mul3A_4] : memref<819200xi32, #tpu.memory_space<hbm>> -> memref<25600xi32, #tpu.memory_space<hbm>>
      %dma_wait3A_60 = tpu.memref_slice %arg2[%mul3A_4] : memref<819200xi32, #tpu.memory_space<hbm>> -> memref<25600xi32, #tpu.memory_space<hbm>>
      tpu.wait_dma2 semaphore(%run_scoped3A : memref<!tpu.dma_semaphore, #tpu.memory_space<semaphore_mem>>) src(%dma_wait3A_60 : memref<25600xi32, #tpu.memory_space<hbm>>) dst(%arg5 : memref<25600xi32, #tpu.memory_space<vmem>>)
      tpu.yield
    }) : () -> ()
    %dma_start3A = arith.constant 0 : i32
    %dma_start3A_5 = arith.constant 0 : i32
    %dma_start3A_6 = tpu.memref_slice %arg6[%dma_start3A, %dma_start3A_5] : memref<200x64xbf16, #tpu.memory_space<vmem>> -> memref<128x64xbf16, #tpu.memory_space<vmem>>
    %dma_start3A_7 = arith.constant 0 : i32
    %dma_start3A_8 = tpu.memref_slice %arg5[%dma_start3A_7] : memref<25600xi32, #tpu.memory_space<vmem>> -> memref<128xi32, #tpu.memory_space<vmem>>
    %dma_start3A_9 = arith.constant 0 : i32
    %dma_start3A_10 = arith.constant 0 : i32
    %dma_start3A_11 = tpu.memref_slice %arg3[%dma_start3A_9, %dma_start3A_10] : memref<100000x64xbf16, #tpu.memory_space<hbm>> -> memref<100000x64xbf16, #tpu.memory_space<hbm>>
    tpu.enqueue_indirect_dma source(%dma_start3A_11 : memref<100000x64xbf16, #tpu.memory_space<hbm>>) target(%dma_start3A_6 : memref<128x64xbf16, #tpu.memory_space<vmem>>) offsets(%dma_start3A_8 : memref<128xi32, #tpu.memory_space<vmem>>) semaphore(%arg11 : memref<!tpu.dma_semaphore, #tpu.memory_space<semaphore_mem>>)
    %dma_start3A_12 = arith.constant 128 : i32
    %dma_start3A_13 = arith.constant 0 : i32
    %dma_start3A_14 = tpu.memref_slice %arg6[%dma_start3A_12, %dma_start3A_13] : memref<200x64xbf16, #tpu.memory_space<vmem>> -> memref<72x64xbf16, #tpu.memory_space<vmem>>
    %dma_start3A_15 = arith.constant 128 : i32
    %dma_start3A_16 = tpu.memref_slice %arg5[%dma_start3A_15] : memref<25600xi32, #tpu.memory_space<vmem>> -> memref<72xi32, #tpu.memory_space<vmem>>
    %dma_start3A_17 = arith.constant 0 : i32
    %dma_start3A_18 = arith.constant 0 : i32
    %dma_start3A_19 = tpu.memref_slice %arg3[%dma_start3A_17, %dma_start3A_18] : memref<100000x64xbf16, #tpu.memory_space<hbm>> -> memref<100000x64xbf16, #tpu.memory_space<hbm>>
    tpu.enqueue_indirect_dma source(%dma_start3A_19 : memref<100000x64xbf16, #tpu.memory_space<hbm>>) target(%dma_start3A_14 : memref<72x64xbf16, #tpu.memory_space<vmem>>) offsets(%dma_start3A_16 : memref<72xi32, #tpu.memory_space<vmem>>) semaphore(%arg11 : memref<!tpu.dma_semaphore, #tpu.memory_space<semaphore_mem>>)
    %dma_start3A_20 = arith.constant 0 : i32
    %dma_start3A_21 = arith.constant 0 : i32
    %dma_start3A_22 = tpu.memref_slice %arg7[%dma_start3A_20, %dma_start3A_21] : memref<200x64xbf16, #tpu.memory_space<vmem>> -> memref<128x64xbf16, #tpu.memory_space<vmem>>
    %dma_start3A_23 = arith.constant 200 : i32
    %dma_start3A_24 = tpu.memref_slice %arg5[%dma_start3A_23] : memref<25600xi32, #tpu.memory_space<vmem>> -> memref<128xi32, #tpu.memory_space<vmem>>
    %dma_start3A_25 = arith.constant 0 : i32
    %dma_start3A_26 = arith.constant 0 : i32
    %dma_start3A_27 = tpu.memref_slice %arg3[%dma_start3A_25, %dma_start3A_26] : memref<100000x64xbf16, #tpu.memory_space<hbm>> -> memref<100000x64xbf16, #tpu.memory_space<hbm>>
    tpu.enqueue_indirect_dma source(%dma_start3A_27 : memref<100000x64xbf16, #tpu.memory_space<hbm>>) target(%dma_start3A_22 : memref<128x64xbf16, #tpu.memory_space<vmem>>) offsets(%dma_start3A_24 : memref<128xi32, #tpu.memory_space<vmem>>) semaphore(%arg12 : memref<!tpu.dma_semaphore, #tpu.memory_space<semaphore_mem>>)
    %dma_start3A_28 = arith.constant 128 : i32
    %dma_start3A_29 = arith.constant 0 : i32
    %dma_start3A_30 = tpu.memref_slice %arg7[%dma_start3A_28, %dma_start3A_29] : memref<200x64xbf16, #tpu.memory_space<vmem>> -> memref<72x64xbf16, #tpu.memory_space<vmem>>
    %dma_start3A_31 = arith.constant 328 : i32
    %dma_start3A_32 = tpu.memref_slice %arg5[%dma_start3A_31] : memref<25600xi32, #tpu.memory_space<vmem>> -> memref<72xi32, #tpu.memory_space<vmem>>
    %dma_start3A_33 = arith.constant 0 : i32
    %dma_start3A_34 = arith.constant 0 : i32
    %dma_start3A_35 = tpu.memref_slice %arg3[%dma_start3A_33, %dma_start3A_34] : memref<100000x64xbf16, #tpu.memory_space<hbm>> -> memref<100000x64xbf16, #tpu.memory_space<hbm>>
    tpu.enqueue_indirect_dma source(%dma_start3A_35 : memref<100000x64xbf16, #tpu.memory_space<hbm>>) target(%dma_start3A_30 : memref<72x64xbf16, #tpu.memory_space<vmem>>) offsets(%dma_start3A_32 : memref<72xi32, #tpu.memory_space<vmem>>) semaphore(%arg12 : memref<!tpu.dma_semaphore, #tpu.memory_space<semaphore_mem>>)
    %dma_start3A_36 = arith.constant 0 : i32
    %dma_start3A_37 = arith.constant 0 : i32
    %dma_start3A_38 = tpu.memref_slice %arg8[%dma_start3A_36, %dma_start3A_37] : memref<200x64xbf16, #tpu.memory_space<vmem>> -> memref<128x64xbf16, #tpu.memory_space<vmem>>
    %dma_start3A_39 = arith.constant 400 : i32
    %dma_start3A_40 = tpu.memref_slice %arg5[%dma_start3A_39] : memref<25600xi32, #tpu.memory_space<vmem>> -> memref<128xi32, #tpu.memory_space<vmem>>
    %dma_start3A_41 = arith.constant 0 : i32
    %dma_start3A_42 = arith.constant 0 : i32
    %dma_start3A_43 = tpu.memref_slice %arg3[%dma_start3A_41, %dma_start3A_42] : memref<100000x64xbf16, #tpu.memory_space<hbm>> -> memref<100000x64xbf16, #tpu.memory_space<hbm>>
    tpu.enqueue_indirect_dma source(%dma_start3A_43 : memref<100000x64xbf16, #tpu.memory_space<hbm>>) target(%dma_start3A_38 : memref<128x64xbf16, #tpu.memory_space<vmem>>) offsets(%dma_start3A_40 : memref<128xi32, #tpu.memory_space<vmem>>) semaphore(%arg13 : memref<!tpu.dma_semaphore, #tpu.memory_space<semaphore_mem>>)
    %dma_start3A_44 = arith.constant 128 : i32
    %dma_start3A_45 = arith.constant 0 : i32
    %dma_start3A_46 = tpu.memref_slice %arg8[%dma_start3A_44, %dma_start3A_45] : memref<200x64xbf16, #tpu.memory_space<vmem>> -> memref<72x64xbf16, #tpu.memory_space<vmem>>
    %dma_start3A_47 = arith.constant 528 : i32
    %dma_start3A_48 = tpu.memref_slice %arg5[%dma_start3A_47] : memref<25600xi32, #tpu.memory_space<vmem>> -> memref<72xi32, #tpu.memory_space<vmem>>
    %dma_start3A_49 = arith.constant 0 : i32
    %dma_start3A_50 = arith.constant 0 : i32
    %dma_start3A_51 = tpu.memref_slice %arg3[%dma_start3A_49, %dma_start3A_50] : memref<100000x64xbf16, #tpu.memory_space<hbm>> -> memref<100000x64xbf16, #tpu.memory_space<hbm>>
    tpu.enqueue_indirect_dma source(%dma_start3A_51 : memref<100000x64xbf16, #tpu.memory_space<hbm>>) target(%dma_start3A_46 : memref<72x64xbf16, #tpu.memory_space<vmem>>) offsets(%dma_start3A_48 : memref<72xi32, #tpu.memory_space<vmem>>) semaphore(%arg13 : memref<!tpu.dma_semaphore, #tpu.memory_space<semaphore_mem>>)
    %scan3A = arith.constant 0 : i32
    %scan3A_52 = arith.constant 0 : i32
    %scan3A_53 = arith.constant 32 : i32
    %scan3A_54 = arith.addi %scan3A_52, %scan3A_53 : i32
    %scan3A_55 = arith.constant 1 : i32
    %scan3A_56 = scf.for %scan3A_58 = %scan3A_52 to %scan3A_54 step %scan3A_55 iter_args(%scan3A_59 = %scan3A) -> (i32)  : i32 {
      %mul3A_60 = arith.constant 4 : i32
      %mul3A_61 = arith.muli %mul3A_60, %scan3A_58 : i32
      %add3A_62 = arith.constant 0 : i32
      %add3A_63 = arith.addi %mul3A_61, %add3A_62 : i32
      %add3A_64 = arith.constant 4 : i32
      %add3A_65 = arith.addi %add3A_63, %add3A_64 : i32
      %sub3A = arith.constant 1 : i32
      %sub3A_66 = arith.subi %add3A_65, %sub3A : i32
      %lt3A = arith.constant 128 : i32
      %lt3A_67 = arith.cmpi slt, %sub3A_66, %lt3A : i32
      %convert_element_type3A = arith.extui %lt3A_67 : i1 to i32
      %cond3A = arith.constant 0 : i32
      %cond3A_68 = arith.cmpi ne, %convert_element_type3A, %cond3A : i32
      scf.if %cond3A_68 {
        %add3A_210 = arith.constant 4 : i32
        %add3A_211 = arith.addi %add3A_63, %add3A_210 : i32
        %sub3A_212 = arith.constant 1 : i32
        %sub3A_213 = arith.subi %add3A_211, %sub3A_212 : i32
        %mul3A_214 = arith.constant 200 : i32
        %mul3A_215 = arith.muli %sub3A_213, %mul3A_214 : i32
        %dma_start3A_216 = arith.constant 0 : i32
        %dma_start3A_217 = arith.constant 0 : i32
        %dma_start3A_218 = tpu.memref_slice %arg9[%dma_start3A_216, %dma_start3A_217] : memref<200x64xbf16, #tpu.memory_space<vmem>> -> memref<128x64xbf16, #tpu.memory_space<vmem>>
        %dma_start3A_219 = tpu.memref_slice %arg5[%mul3A_215] : memref<25600xi32, #tpu.memory_space<vmem>> -> memref<128xi32, #tpu.memory_space<vmem>>
        %dma_start3A_220 = arith.constant 0 : i32
        %dma_start3A_221 = arith.constant 0 : i32
        %dma_start3A_222 = tpu.memref_slice %arg3[%dma_start3A_220, %dma_start3A_221] : memref<100000x64xbf16, #tpu.memory_space<hbm>> -> memref<100000x64xbf16, #tpu.memory_space<hbm>>
        tpu.enqueue_indirect_dma source(%dma_start3A_222 : memref<100000x64xbf16, #tpu.memory_space<hbm>>) target(%dma_start3A_218 : memref<128x64xbf16, #tpu.memory_space<vmem>>) offsets(%dma_start3A_219 : memref<128xi32, #tpu.memory_space<vmem>>) semaphore(%arg14 : memref<!tpu.dma_semaphore, #tpu.memory_space<semaphore_mem>>)
        %mul3A_223 = arith.constant 200 : i32
        %mul3A_224 = arith.muli %sub3A_213, %mul3A_223 : i32
        %add3A_225 = arith.constant 128 : i32
        %add3A_226 = arith.addi %mul3A_224, %add3A_225 : i32
        %dma_start3A_227 = arith.constant 128 : i32
        %dma_start3A_228 = arith.constant 0 : i32
        %dma_start3A_229 = tpu.memref_slice %arg9[%dma_start3A_227, %dma_start3A_228] : memref<200x64xbf16, #tpu.memory_space<vmem>> -> memref<72x64xbf16, #tpu.memory_space<vmem>>
        %dma_start3A_230 = tpu.memref_slice %arg5[%add3A_226] : memref<25600xi32, #tpu.memory_space<vmem>> -> memref<72xi32, #tpu.memory_space<vmem>>
        %dma_start3A_231 = arith.constant 0 : i32
        %dma_start3A_232 = arith.constant 0 : i32
        %dma_start3A_233 = tpu.memref_slice %arg3[%dma_start3A_231, %dma_start3A_232] : memref<100000x64xbf16, #tpu.memory_space<hbm>> -> memref<100000x64xbf16, #tpu.memory_space<hbm>>
        tpu.enqueue_indirect_dma source(%dma_start3A_233 : memref<100000x64xbf16, #tpu.memory_space<hbm>>) target(%dma_start3A_229 : memref<72x64xbf16, #tpu.memory_space<vmem>>) offsets(%dma_start3A_230 : memref<72xi32, #tpu.memory_space<vmem>>) semaphore(%arg14 : memref<!tpu.dma_semaphore, #tpu.memory_space<semaphore_mem>>)
      } else {
      }
      %dma_wait3A = arith.constant 0 : i32
      %dma_wait3A_69 = arith.constant 0 : i32
      %dma_wait3A_70 = tpu.memref_slice %arg3[%dma_wait3A, %dma_wait3A_69] : memref<100000x64xbf16, #tpu.memory_space<hbm>> -> memref<200x64xbf16, #tpu.memory_space<hbm>>
      %dma_wait3A_71 = arith.constant 0 : i32
      %dma_wait3A_72 = arith.constant 0 : i32
      %dma_wait3A_73 = tpu.memref_slice %arg3[%dma_wait3A_71, %dma_wait3A_72] : memref<100000x64xbf16, #tpu.memory_space<hbm>> -> memref<200x64xbf16, #tpu.memory_space<hbm>>
      tpu.wait_dma2 semaphore(%arg11 : memref<!tpu.dma_semaphore, #tpu.memory_space<semaphore_mem>>) src(%dma_wait3A_73 : memref<200x64xbf16, #tpu.memory_space<hbm>>) dst(%arg6 : memref<200x64xbf16, #tpu.memory_space<vmem>>)
      %broadcast_in_dim3A = arith.constant 0.000000e+00 : f32
      %broadcast_in_dim3A_74 = vector.broadcast %broadcast_in_dim3A : f32 to vector<16xf32>
      %scan3A_75 = arith.constant 0 : i32
      %scan3A_76 = arith.constant 200 : i32
      %scan3A_77 = arith.addi %scan3A_75, %scan3A_76 : i32
      %scan3A_78 = arith.constant 8 : i32
      %scan3A_79:4 = scf.for %scan3A_210 = %scan3A_75 to %scan3A_77 step %scan3A_78 iter_args(%scan3A_211 = %broadcast_in_dim3A_74, %scan3A_212 = %broadcast_in_dim3A_74, %scan3A_213 = %broadcast_in_dim3A_74, %scan3A_214 = %broadcast_in_dim3A_74) -> (vector<16xf32>, vector<16xf32>, vector<16xf32>, vector<16xf32>)  : i32 {
        %get3A = arith.index_cast %scan3A_210 : i32 to index
        %get3A_215 = arith.constant 0 : index
        %get3A_216 = tpu.vector_load %arg6[%get3A, %get3A_215] {strides = array<i32>} : memref<200x64xbf16, #tpu.memory_space<vmem>>, vector<32xbf16>,
        %unpack3A = tpu.unpack_subelements %get3A_216, 0 {pack_format = #tpu.pack_format<interleaved>} : vector<32xbf16> -> vector<16xf32>
        %unpack3A_217 = tpu.unpack_subelements %get3A_216, 1 {pack_format = #tpu.pack_format<interleaved>} : vector<32xbf16> -> vector<16xf32>
        %add3A_218 = arith.addf %scan3A_211, %unpack3A : vector<16xf32>
        %add3A_219 = arith.addf %scan3A_212, %unpack3A_217 : vector<16xf32>
        %get3A_220 = arith.index_cast %scan3A_210 : i32 to index
        %get3A_221 = arith.constant 32 : index
        %get3A_222 = tpu.vector_load %arg6[%get3A_220, %get3A_221] {strides = array<i32>} : memref<200x64xbf16, #tpu.memory_space<vmem>>, vector<32xbf16>,
        %unpack3A_223 = tpu.unpack_subelements %get3A_222, 0 {pack_format = #tpu.pack_format<interleaved>} : vector<32xbf16> -> vector<16xf32>
        %unpack3A_224 = tpu.unpack_subelements %get3A_222, 1 {pack_format = #tpu.pack_format<interleaved>} : vector<32xbf16> -> vector<16xf32>
        %add3A_225 = arith.addf %scan3A_213, %unpack3A_223 : vector<16xf32>
        %add3A_226 = arith.addf %scan3A_214, %unpack3A_224 : vector<16xf32>
        %scan3A_227 = arith.constant 1 : i32
        %scan3A_228 = arith.addi %scan3A_210, %scan3A_227 : i32
        %get3A_229 = arith.index_cast %scan3A_228 : i32 to index
        %get3A_230 = arith.constant 0 : index
        %get3A_231 = tpu.vector_load %arg6[%get3A_229, %get3A_230] {strides = array<i32>} : memref<200x64xbf16, #tpu.memory_space<vmem>>, vector<32xbf16>,
        %unpack3A_232 = tpu.unpack_subelements %get3A_231, 0 {pack_format = #tpu.pack_format<interleaved>} : vector<32xbf16> -> vector<16xf32>
        %unpack3A_233 = tpu.unpack_subelements %get3A_231, 1 {pack_format = #tpu.pack_format<interleaved>} : vector<32xbf16> -> vector<16xf32>
        %add3A_234 = arith.addf %add3A_218, %unpack3A_232 : vector<16xf32>
        %add3A_235 = arith.addf %add3A_219, %unpack3A_233 : vector<16xf32>
        %get3A_236 = arith.index_cast %scan3A_228 : i32 to index
        %get3A_237 = arith.constant 32 : index
        %get3A_238 = tpu.vector_load %arg6[%get3A_236, %get3A_237] {strides = array<i32>} : memref<200x64xbf16, #tpu.memory_space<vmem>>, vector<32xbf16>,
        %unpack3A_239 = tpu.unpack_subelements %get3A_238, 0 {pack_format = #tpu.pack_format<interleaved>} : vector<32xbf16> -> vector<16xf32>
        %unpack3A_240 = tpu.unpack_subelements %get3A_238, 1 {pack_format = #tpu.pack_format<interleaved>} : vector<32xbf16> -> vector<16xf32>
        %add3A_241 = arith.addf %add3A_225, %unpack3A_239 : vector<16xf32>
        %add3A_242 = arith.addf %add3A_226, %unpack3A_240 : vector<16xf32>
        %scan3A_243 = arith.constant 2 : i32
        %scan3A_244 = arith.addi %scan3A_210, %scan3A_243 : i32
        %get3A_245 = arith.index_cast %scan3A_244 : i32 to index
        %get3A_246 = arith.constant 0 : index
        %get3A_247 = tpu.vector_load %arg6[%get3A_245, %get3A_246] {strides = array<i32>} : memref<200x64xbf16, #tpu.memory_space<vmem>>, vector<32xbf16>,
        %unpack3A_248 = tpu.unpack_subelements %get3A_247, 0 {pack_format = #tpu.pack_format<interleaved>} : vector<32xbf16> -> vector<16xf32>
        %unpack3A_249 = tpu.unpack_subelements %get3A_247, 1 {pack_format = #tpu.pack_format<interleaved>} : vector<32xbf16> -> vector<16xf32>
        %add3A_250 = arith.addf %add3A_234, %unpack3A_248 : vector<16xf32>
        %add3A_251 = arith.addf %add3A_235, %unpack3A_249 : vector<16xf32>
        %get3A_252 = arith.index_cast %scan3A_244 : i32 to index
        %get3A_253 = arith.constant 32 : index
        %get3A_254 = tpu.vector_load %arg6[%get3A_252, %get3A_253] {strides = array<i32>} : memref<200x64xbf16, #tpu.memory_space<vmem>>, vector<32xbf16>,
        %unpack3A_255 = tpu.unpack_subelements %get3A_254, 0 {pack_format = #tpu.pack_format<interleaved>} : vector<32xbf16> -> vector<16xf32>
        %unpack3A_256 = tpu.unpack_subelements %get3A_254, 1 {pack_format = #tpu.pack_format<interleaved>} : vector<32xbf16> -> vector<16xf32>
        %add3A_257 = arith.addf %add3A_241, %unpack3A_255 : vector<16xf32>
        %add3A_258 = arith.addf %add3A_242, %unpack3A_256 : vector<16xf32>
        %scan3A_259 = arith.constant 3 : i32
        %scan3A_260 = arith.addi %scan3A_210, %scan3A_259 : i32
        %get3A_261 = arith.index_cast %scan3A_260 : i32 to index
        %get3A_262 = arith.constant 0 : index
        %get3A_263 = tpu.vector_load %arg6[%get3A_261, %get3A_262] {strides = array<i32>} : memref<200x64xbf16, #tpu.memory_space<vmem>>, vector<32xbf16>,
        %unpack3A_264 = tpu.unpack_subelements %get3A_263, 0 {pack_format = #tpu.pack_format<interleaved>} : vector<32xbf16> -> vector<16xf32>
        %unpack3A_265 = tpu.unpack_subelements %get3A_263, 1 {pack_format = #tpu.pack_format<interleaved>} : vector<32xbf16> -> vector<16xf32>
        %add3A_266 = arith.addf %add3A_250, %unpack3A_264 : vector<16xf32>
        %add3A_267 = arith.addf %add3A_251, %unpack3A_265 : vector<16xf32>
        %get3A_268 = arith.index_cast %scan3A_260 : i32 to index
        %get3A_269 = arith.constant 32 : index
        %get3A_270 = tpu.vector_load %arg6[%get3A_268, %get3A_269] {strides = array<i32>} : memref<200x64xbf16, #tpu.memory_space<vmem>>, vector<32xbf16>,
        %unpack3A_271 = tpu.unpack_subelements %get3A_270, 0 {pack_format = #tpu.pack_format<interleaved>} : vector<32xbf16> -> vector<16xf32>
        %unpack3A_272 = tpu.unpack_subelements %get3A_270, 1 {pack_format = #tpu.pack_format<interleaved>} : vector<32xbf16> -> vector<16xf32>
        %add3A_273 = arith.addf %add3A_257, %unpack3A_271 : vector<16xf32>
        %add3A_274 = arith.addf %add3A_258, %unpack3A_272 : vector<16xf32>
        %scan3A_275 = arith.constant 4 : i32
        %scan3A_276 = arith.addi %scan3A_210, %scan3A_275 : i32
        %get3A_277 = arith.index_cast %scan3A_276 : i32 to index
        %get3A_278 = arith.constant 0 : index
        %get3A_279 = tpu.vector_load %arg6[%get3A_277, %get3A_278] {strides = array<i32>} : memref<200x64xbf16, #tpu.memory_space<vmem>>, vector<32xbf16>,
        %unpack3A_280 = tpu.unpack_subelements %get3A_279, 0 {pack_format = #tpu.pack_format<interleaved>} : vector<32xbf16> -> vector<16xf32>
        %unpack3A_281 = tpu.unpack_subelements %get3A_279, 1 {pack_format = #tpu.pack_format<interleaved>} : vector<32xbf16> -> vector<16xf32>
        %add3A_282 = arith.addf %add3A_266, %unpack3A_280 : vector<16xf32>
        %add3A_283 = arith.addf %add3A_267, %unpack3A_281 : vector<16xf32>
        %get3A_284 = arith.index_cast %scan3A_276 : i32 to index
        %get3A_285 = arith.constant 32 : index
        %get3A_286 = tpu.vector_load %arg6[%get3A_284, %get3A_285] {strides = array<i32>} : memref<200x64xbf16, #tpu.memory_space<vmem>>, vector<32xbf16>,
        %unpack3A_287 = tpu.unpack_subelements %get3A_286, 0 {pack_format = #tpu.pack_format<interleaved>} : vector<32xbf16> -> vector<16xf32>
        %unpack3A_288 = tpu.unpack_subelements %get3A_286, 1 {pack_format = #tpu.pack_format<interleaved>} : vector<32xbf16> -> vector<16xf32>
        %add3A_289 = arith.addf %add3A_273, %unpack3A_287 : vector<16xf32>
        %add3A_290 = arith.addf %add3A_274, %unpack3A_288 : vector<16xf32>
        %scan3A_291 = arith.constant 5 : i32
        %scan3A_292 = arith.addi %scan3A_210, %scan3A_291 : i32
        %get3A_293 = arith.index_cast %scan3A_292 : i32 to index
        %get3A_294 = arith.constant 0 : index
        %get3A_295 = tpu.vector_load %arg6[%get3A_293, %get3A_294] {strides = array<i32>} : memref<200x64xbf16, #tpu.memory_space<vmem>>, vector<32xbf16>,
        %unpack3A_296 = tpu.unpack_subelements %get3A_295, 0 {pack_format = #tpu.pack_format<interleaved>} : vector<32xbf16> -> vector<16xf32>
        %unpack3A_297 = tpu.unpack_subelements %get3A_295, 1 {pack_format = #tpu.pack_format<interleaved>} : vector<32xbf16> -> vector<16xf32>
        %add3A_298 = arith.addf %add3A_282, %unpack3A_296 : vector<16xf32>
        %add3A_299 = arith.addf %add3A_283, %unpack3A_297 : vector<16xf32>
        %get3A_300 = arith.index_cast %scan3A_292 : i32 to index
        %get3A_301 = arith.constant 32 : index
        %get3A_302 = tpu.vector_load %arg6[%get3A_300, %get3A_301] {strides = array<i32>} : memref<200x64xbf16, #tpu.memory_space<vmem>>, vector<32xbf16>,
        %unpack3A_303 = tpu.unpack_subelements %get3A_302, 0 {pack_format = #tpu.pack_format<interleaved>} : vector<32xbf16> -> vector<16xf32>
        %unpack3A_304 = tpu.unpack_subelements %get3A_302, 1 {pack_format = #tpu.pack_format<interleaved>} : vector<32xbf16> -> vector<16xf32>
        %add3A_305 = arith.addf %add3A_289, %unpack3A_303 : vector<16xf32>
        %add3A_306 = arith.addf %add3A_290, %unpack3A_304 : vector<16xf32>
        %scan3A_307 = arith.constant 6 : i32
        %scan3A_308 = arith.addi %scan3A_210, %scan3A_307 : i32
        %get3A_309 = arith.index_cast %scan3A_308 : i32 to index
        %get3A_310 = arith.constant 0 : index
        %get3A_311 = tpu.vector_load %arg6[%get3A_309, %get3A_310] {strides = array<i32>} : memref<200x64xbf16, #tpu.memory_space<vmem>>, vector<32xbf16>,
        %unpack3A_312 = tpu.unpack_subelements %get3A_311, 0 {pack_format = #tpu.pack_format<interleaved>} : vector<32xbf16> -> vector<16xf32>
        %unpack3A_313 = tpu.unpack_subelements %get3A_311, 1 {pack_format = #tpu.pack_format<interleaved>} : vector<32xbf16> -> vector<16xf32>
        %add3A_314 = arith.addf %add3A_298, %unpack3A_312 : vector<16xf32>
        %add3A_315 = arith.addf %add3A_299, %unpack3A_313 : vector<16xf32>
        %get3A_316 = arith.index_cast %scan3A_308 : i32 to index
        %get3A_317 = arith.constant 32 : index
        %get3A_318 = tpu.vector_load %arg6[%get3A_316, %get3A_317] {strides = array<i32>} : memref<200x64xbf16, #tpu.memory_space<vmem>>, vector<32xbf16>,
        %unpack3A_319 = tpu.unpack_subelements %get3A_318, 0 {pack_format = #tpu.pack_format<interleaved>} : vector<32xbf16> -> vector<16xf32>
        %unpack3A_320 = tpu.unpack_subelements %get3A_318, 1 {pack_format = #tpu.pack_format<interleaved>} : vector<32xbf16> -> vector<16xf32>
        %add3A_321 = arith.addf %add3A_305, %unpack3A_319 : vector<16xf32>
        %add3A_322 = arith.addf %add3A_306, %unpack3A_320 : vector<16xf32>
        %scan3A_323 = arith.constant 7 : i32
        %scan3A_324 = arith.addi %scan3A_210, %scan3A_323 : i32
        %get3A_325 = arith.index_cast %scan3A_324 : i32 to index
        %get3A_326 = arith.constant 0 : index
        %get3A_327 = tpu.vector_load %arg6[%get3A_325, %get3A_326] {strides = array<i32>} : memref<200x64xbf16, #tpu.memory_space<vmem>>, vector<32xbf16>,
        %unpack3A_328 = tpu.unpack_subelements %get3A_327, 0 {pack_format = #tpu.pack_format<interleaved>} : vector<32xbf16> -> vector<16xf32>
        %unpack3A_329 = tpu.unpack_subelements %get3A_327, 1 {pack_format = #tpu.pack_format<interleaved>} : vector<32xbf16> -> vector<16xf32>
        %add3A_330 = arith.addf %add3A_314, %unpack3A_328 : vector<16xf32>
        %add3A_331 = arith.addf %add3A_315, %unpack3A_329 : vector<16xf32>
        %get3A_332 = arith.index_cast %scan3A_324 : i32 to index
        %get3A_333 = arith.constant 32 : index
        %get3A_334 = tpu.vector_load %arg6[%get3A_332, %get3A_333] {strides = array<i32>} : memref<200x64xbf16, #tpu.memory_space<vmem>>, vector<32xbf16>,
        %unpack3A_335 = tpu.unpack_subelements %get3A_334, 0 {pack_format = #tpu.pack_format<interleaved>} : vector<32xbf16> -> vector<16xf32>
        %unpack3A_336 = tpu.unpack_subelements %get3A_334, 1 {pack_format = #tpu.pack_format<interleaved>} : vector<32xbf16> -> vector<16xf32>
        %add3A_337 = arith.addf %add3A_321, %unpack3A_335 : vector<16xf32>
        %add3A_338 = arith.addf %add3A_322, %unpack3A_336 : vector<16xf32>
        scf.yield %add3A_330, %add3A_331, %add3A_337, %add3A_338 : vector<16xf32>, vector<16xf32>, vector<16xf32>, vector<16xf32>
      }
      %scan3A_80 = arith.constant 200 : i32
      %swap3A = arith.index_cast %add3A_63 : i32 to index
      %swap3A_81 = arith.constant 0 : index
      %swap3A_82 = tpu.vector_load %arg10[%swap3A, %swap3A_81] {strides = array<i32>} : memref<128x64xf32, #tpu.memory_space<vmem>>, vector<16xf32>,
      tpu.vector_store %arg10[%swap3A, %swap3A_81], %scan3A_79#0 {strides = array<i32>} : memref<128x64xf32, #tpu.memory_space<vmem>>, vector<16xf32>,
      %swap3A_83 = arith.index_cast %add3A_63 : i32 to index
      %swap3A_84 = arith.constant 16 : index
      %swap3A_85 = tpu.vector_load %arg10[%swap3A_83, %swap3A_84] {strides = array<i32>} : memref<128x64xf32, #tpu.memory_space<vmem>>, vector<16xf32>,
      tpu.vector_store %arg10[%swap3A_83, %swap3A_84], %scan3A_79#1 {strides = array<i32>} : memref<128x64xf32, #tpu.memory_space<vmem>>, vector<16xf32>,
      %swap3A_86 = arith.index_cast %add3A_63 : i32 to index
      %swap3A_87 = arith.constant 32 : index
      %swap3A_88 = tpu.vector_load %arg10[%swap3A_86, %swap3A_87] {strides = array<i32>} : memref<128x64xf32, #tpu.memory_space<vmem>>, vector<16xf32>,
      tpu.vector_store %arg10[%swap3A_86, %swap3A_87], %scan3A_79#2 {strides = array<i32>} : memref<128x64xf32, #tpu.memory_space<vmem>>, vector<16xf32>,
      %swap3A_89 = arith.index_cast %add3A_63 : i32 to index
      %swap3A_90 = arith.constant 48 : index
      %swap3A_91 = tpu.vector_load %arg10[%swap3A_89, %swap3A_90] {strides = array<i32>} : memref<128x64xf32, #tpu.memory_space<vmem>>, vector<16xf32>,
      tpu.vector_store %arg10[%swap3A_89, %swap3A_90], %scan3A_79#3 {strides = array<i32>} : memref<128x64xf32, #tpu.memory_space<vmem>>, vector<16xf32>,
      %mul3A_92 = arith.constant 4 : i32
      %mul3A_93 = arith.muli %mul3A_92, %scan3A_58 : i32
      %add3A_94 = arith.constant 1 : i32
      %add3A_95 = arith.addi %mul3A_93, %add3A_94 : i32
      %add3A_96 = arith.constant 4 : i32
      %add3A_97 = arith.addi %add3A_95, %add3A_96 : i32
      %sub3A_98 = arith.constant 1 : i32
      %sub3A_99 = arith.subi %add3A_97, %sub3A_98 : i32
      %lt3A_100 = arith.constant 128 : i32
      %lt3A_101 = arith.cmpi slt, %sub3A_99, %lt3A_100 : i32
      %convert_element_type3A_102 = arith.extui %lt3A_101 : i1 to i32
      %cond3A_103 = arith.constant 0 : i32
      %cond3A_104 = arith.cmpi ne, %convert_element_type3A_102, %cond3A_103 : i32
      scf.if %cond3A_104 {
        %add3A_210 = arith.constant 4 : i32
        %add3A_211 = arith.addi %add3A_95, %add3A_210 : i32
        %sub3A_212 = arith.constant 1 : i32
        %sub3A_213 = arith.subi %add3A_211, %sub3A_212 : i32
        %mul3A_214 = arith.constant 200 : i32
        %mul3A_215 = arith.muli %sub3A_213, %mul3A_214 : i32
        %dma_start3A_216 = arith.constant 0 : i32
        %dma_start3A_217 = arith.constant 0 : i32
        %dma_start3A_218 = tpu.memref_slice %arg6[%dma_start3A_216, %dma_start3A_217] : memref<200x64xbf16, #tpu.memory_space<vmem>> -> memref<128x64xbf16, #tpu.memory_space<vmem>>
        %dma_start3A_219 = tpu.memref_slice %arg5[%mul3A_215] : memref<25600xi32, #tpu.memory_space<vmem>> -> memref<128xi32, #tpu.memory_space<vmem>>
        %dma_start3A_220 = arith.constant 0 : i32
        %dma_start3A_221 = arith.constant 0 : i32
        %dma_start3A_222 = tpu.memref_slice %arg3[%dma_start3A_220, %dma_start3A_221] : memref<100000x64xbf16, #tpu.memory_space<hbm>> -> memref<100000x64xbf16, #tpu.memory_space<hbm>>
        tpu.enqueue_indirect_dma source(%dma_start3A_222 : memref<100000x64xbf16, #tpu.memory_space<hbm>>) target(%dma_start3A_218 : memref<128x64xbf16, #tpu.memory_space<vmem>>) offsets(%dma_start3A_219 : memref<128xi32, #tpu.memory_space<vmem>>) semaphore(%arg11 : memref<!tpu.dma_semaphore, #tpu.memory_space<semaphore_mem>>)
        %mul3A_223 = arith.constant 200 : i32
        %mul3A_224 = arith.muli %sub3A_213, %mul3A_223 : i32
        %add3A_225 = arith.constant 128 : i32
        %add3A_226 = arith.addi %mul3A_224, %add3A_225 : i32
        %dma_start3A_227 = arith.constant 128 : i32
        %dma_start3A_228 = arith.constant 0 : i32
        %dma_start3A_229 = tpu.memref_slice %arg6[%dma_start3A_227, %dma_start3A_228] : memref<200x64xbf16, #tpu.memory_space<vmem>> -> memref<72x64xbf16, #tpu.memory_space<vmem>>
        %dma_start3A_230 = tpu.memref_slice %arg5[%add3A_226] : memref<25600xi32, #tpu.memory_space<vmem>> -> memref<72xi32, #tpu.memory_space<vmem>>
        %dma_start3A_231 = arith.constant 0 : i32
        %dma_start3A_232 = arith.constant 0 : i32
        %dma_start3A_233 = tpu.memref_slice %arg3[%dma_start3A_231, %dma_start3A_232] : memref<100000x64xbf16, #tpu.memory_space<hbm>> -> memref<100000x64xbf16, #tpu.memory_space<hbm>>
        tpu.enqueue_indirect_dma source(%dma_start3A_233 : memref<100000x64xbf16, #tpu.memory_space<hbm>>) target(%dma_start3A_229 : memref<72x64xbf16, #tpu.memory_space<vmem>>) offsets(%dma_start3A_230 : memref<72xi32, #tpu.memory_space<vmem>>) semaphore(%arg11 : memref<!tpu.dma_semaphore, #tpu.memory_space<semaphore_mem>>)
      } else {
      }
      %dma_wait3A_105 = arith.constant 0 : i32
      %dma_wait3A_106 = arith.constant 0 : i32
      %dma_wait3A_107 = tpu.memref_slice %arg3[%dma_wait3A_105, %dma_wait3A_106] : memref<100000x64xbf16, #tpu.memory_space<hbm>> -> memref<200x64xbf16, #tpu.memory_space<hbm>>
      %dma_wait3A_108 = arith.constant 0 : i32
      %dma_wait3A_109 = arith.constant 0 : i32
      %dma_wait3A_110 = tpu.memref_slice %arg3[%dma_wait3A_108, %dma_wait3A_109] : memref<100000x64xbf16, #tpu.memory_space<hbm>> -> memref<200x64xbf16, #tpu.memory_space<hbm>>
      tpu.wait_dma2 semaphore(%arg12 : memref<!tpu.dma_semaphore, #tpu.memory_space<semaphore_mem>>) src(%dma_wait3A_110 : memref<200x64xbf16, #tpu.memory_space<hbm>>) dst(%arg7 : memref<200x64xbf16, #tpu.memory_space<vmem>>)
      %broadcast_in_dim3A_111 = arith.constant 0.000000e+00 : f32
      %broadcast_in_dim3A_112 = vector.broadcast %broadcast_in_dim3A_111 : f32 to vector<16xf32>
      %scan3A_113 = arith.constant 0 : i32
      %scan3A_114 = arith.constant 200 : i32
      %scan3A_115 = arith.addi %scan3A_113, %scan3A_114 : i32
      %scan3A_116 = arith.constant 8 : i32
      %scan3A_117:4 = scf.for %scan3A_210 = %scan3A_113 to %scan3A_115 step %scan3A_116 iter_args(%scan3A_211 = %broadcast_in_dim3A_112, %scan3A_212 = %broadcast_in_dim3A_112, %scan3A_213 = %broadcast_in_dim3A_112, %scan3A_214 = %broadcast_in_dim3A_112) -> (vector<16xf32>, vector<16xf32>, vector<16xf32>, vector<16xf32>)  : i32 {
        %get3A = arith.index_cast %scan3A_210 : i32 to index
        %get3A_215 = arith.constant 0 : index
        %get3A_216 = tpu.vector_load %arg7[%get3A, %get3A_215] {strides = array<i32>} : memref<200x64xbf16, #tpu.memory_space<vmem>>, vector<32xbf16>,
        %unpack3A = tpu.unpack_subelements %get3A_216, 0 {pack_format = #tpu.pack_format<interleaved>} : vector<32xbf16> -> vector<16xf32>
        %unpack3A_217 = tpu.unpack_subelements %get3A_216, 1 {pack_format = #tpu.pack_format<interleaved>} : vector<32xbf16> -> vector<16xf32>
        %add3A_218 = arith.addf %scan3A_211, %unpack3A : vector<16xf32>
        %add3A_219 = arith.addf %scan3A_212, %unpack3A_217 : vector<16xf32>
        %get3A_220 = arith.index_cast %scan3A_210 : i32 to index
        %get3A_221 = arith.constant 32 : index
        %get3A_222 = tpu.vector_load %arg7[%get3A_220, %get3A_221] {strides = array<i32>} : memref<200x64xbf16, #tpu.memory_space<vmem>>, vector<32xbf16>,
        %unpack3A_223 = tpu.unpack_subelements %get3A_222, 0 {pack_format = #tpu.pack_format<interleaved>} : vector<32xbf16> -> vector<16xf32>
        %unpack3A_224 = tpu.unpack_subelements %get3A_222, 1 {pack_format = #tpu.pack_format<interleaved>} : vector<32xbf16> -> vector<16xf32>
        %add3A_225 = arith.addf %scan3A_213, %unpack3A_223 : vector<16xf32>
        %add3A_226 = arith.addf %scan3A_214, %unpack3A_224 : vector<16xf32>
        %scan3A_227 = arith.constant 1 : i32
        %scan3A_228 = arith.addi %scan3A_210, %scan3A_227 : i32
        %get3A_229 = arith.index_cast %scan3A_228 : i32 to index
        %get3A_230 = arith.constant 0 : index
        %get3A_231 = tpu.vector_load %arg7[%get3A_229, %get3A_230] {strides = array<i32>} : memref<200x64xbf16, #tpu.memory_space<vmem>>, vector<32xbf16>,
        %unpack3A_232 = tpu.unpack_subelements %get3A_231, 0 {pack_format = #tpu.pack_format<interleaved>} : vector<32xbf16> -> vector<16xf32>
        %unpack3A_233 = tpu.unpack_subelements %get3A_231, 1 {pack_format = #tpu.pack_format<interleaved>} : vector<32xbf16> -> vector<16xf32>
        %add3A_234 = arith.addf %add3A_218, %unpack3A_232 : vector<16xf32>
        %add3A_235 = arith.addf %add3A_219, %unpack3A_233 : vector<16xf32>
        %get3A_236 = arith.index_cast %scan3A_228 : i32 to index
        %get3A_237 = arith.constant 32 : index
        %get3A_238 = tpu.vector_load %arg7[%get3A_236, %get3A_237] {strides = array<i32>} : memref<200x64xbf16, #tpu.memory_space<vmem>>, vector<32xbf16>,
        %unpack3A_239 = tpu.unpack_subelements %get3A_238, 0 {pack_format = #tpu.pack_format<interleaved>} : vector<32xbf16> -> vector<16xf32>
        %unpack3A_240 = tpu.unpack_subelements %get3A_238, 1 {pack_format = #tpu.pack_format<interleaved>} : vector<32xbf16> -> vector<16xf32>
        %add3A_241 = arith.addf %add3A_225, %unpack3A_239 : vector<16xf32>
        %add3A_242 = arith.addf %add3A_226, %unpack3A_240 : vector<16xf32>
        %scan3A_243 = arith.constant 2 : i32
        %scan3A_244 = arith.addi %scan3A_210, %scan3A_243 : i32
        %get3A_245 = arith.index_cast %scan3A_244 : i32 to index
        %get3A_246 = arith.constant 0 : index
        %get3A_247 = tpu.vector_load %arg7[%get3A_245, %get3A_246] {strides = array<i32>} : memref<200x64xbf16, #tpu.memory_space<vmem>>, vector<32xbf16>,
        %unpack3A_248 = tpu.unpack_subelements %get3A_247, 0 {pack_format = #tpu.pack_format<interleaved>} : vector<32xbf16> -> vector<16xf32>
        %unpack3A_249 = tpu.unpack_subelements %get3A_247, 1 {pack_format = #tpu.pack_format<interleaved>} : vector<32xbf16> -> vector<16xf32>
        %add3A_250 = arith.addf %add3A_234, %unpack3A_248 : vector<16xf32>
        %add3A_251 = arith.addf %add3A_235, %unpack3A_249 : vector<16xf32>
        %get3A_252 = arith.index_cast %scan3A_244 : i32 to index
        %get3A_253 = arith.constant 32 : index
        %get3A_254 = tpu.vector_load %arg7[%get3A_252, %get3A_253] {strides = array<i32>} : memref<200x64xbf16, #tpu.memory_space<vmem>>, vector<32xbf16>,
        %unpack3A_255 = tpu.unpack_subelements %get3A_254, 0 {pack_format = #tpu.pack_format<interleaved>} : vector<32xbf16> -> vector<16xf32>
        %unpack3A_256 = tpu.unpack_subelements %get3A_254, 1 {pack_format = #tpu.pack_format<interleaved>} : vector<32xbf16> -> vector<16xf32>
        %add3A_257 = arith.addf %add3A_241, %unpack3A_255 : vector<16xf32>
        %add3A_258 = arith.addf %add3A_242, %unpack3A_256 : vector<16xf32>
        %scan3A_259 = arith.constant 3 : i32
        %scan3A_260 = arith.addi %scan3A_210, %scan3A_259 : i32
        %get3A_261 = arith.index_cast %scan3A_260 : i32 to index
        %get3A_262 = arith.constant 0 : index
        %get3A_263 = tpu.vector_load %arg7[%get3A_261, %get3A_262] {strides = array<i32>} : memref<200x64xbf16, #tpu.memory_space<vmem>>, vector<32xbf16>,
        %unpack3A_264 = tpu.unpack_subelements %get3A_263, 0 {pack_format = #tpu.pack_format<interleaved>} : vector<32xbf16> -> vector<16xf32>
        %unpack3A_265 = tpu.unpack_subelements %get3A_263, 1 {pack_format = #tpu.pack_format<interleaved>} : vector<32xbf16> -> vector<16xf32>
        %add3A_266 = arith.addf %add3A_250, %unpack3A_264 : vector<16xf32>
        %add3A_267 = arith.addf %add3A_251, %unpack3A_265 : vector<16xf32>
        %get3A_268 = arith.index_cast %scan3A_260 : i32 to index
        %get3A_269 = arith.constant 32 : index
        %get3A_270 = tpu.vector_load %arg7[%get3A_268, %get3A_269] {strides = array<i32>} : memref<200x64xbf16, #tpu.memory_space<vmem>>, vector<32xbf16>,
        %unpack3A_271 = tpu.unpack_subelements %get3A_270, 0 {pack_format = #tpu.pack_format<interleaved>} : vector<32xbf16> -> vector<16xf32>
        %unpack3A_272 = tpu.unpack_subelements %get3A_270, 1 {pack_format = #tpu.pack_format<interleaved>} : vector<32xbf16> -> vector<16xf32>
        %add3A_273 = arith.addf %add3A_257, %unpack3A_271 : vector<16xf32>
        %add3A_274 = arith.addf %add3A_258, %unpack3A_272 : vector<16xf32>
        %scan3A_275 = arith.constant 4 : i32
        %scan3A_276 = arith.addi %scan3A_210, %scan3A_275 : i32
        %get3A_277 = arith.index_cast %scan3A_276 : i32 to index
        %get3A_278 = arith.constant 0 : index
        %get3A_279 = tpu.vector_load %arg7[%get3A_277, %get3A_278] {strides = array<i32>} : memref<200x64xbf16, #tpu.memory_space<vmem>>, vector<32xbf16>,
        %unpack3A_280 = tpu.unpack_subelements %get3A_279, 0 {pack_format = #tpu.pack_format<interleaved>} : vector<32xbf16> -> vector<16xf32>
        %unpack3A_281 = tpu.unpack_subelements %get3A_279, 1 {pack_format = #tpu.pack_format<interleaved>} : vector<32xbf16> -> vector<16xf32>
        %add3A_282 = arith.addf %add3A_266, %unpack3A_280 : vector<16xf32>
        %add3A_283 = arith.addf %add3A_267, %unpack3A_281 : vector<16xf32>
        %get3A_284 = arith.index_cast %scan3A_276 : i32 to index
        %get3A_285 = arith.constant 32 : index
        %get3A_286 = tpu.vector_load %arg7[%get3A_284, %get3A_285] {strides = array<i32>} : memref<200x64xbf16, #tpu.memory_space<vmem>>, vector<32xbf16>,
        %unpack3A_287 = tpu.unpack_subelements %get3A_286, 0 {pack_format = #tpu.pack_format<interleaved>} : vector<32xbf16> -> vector<16xf32>
        %unpack3A_288 = tpu.unpack_subelements %get3A_286, 1 {pack_format = #tpu.pack_format<interleaved>} : vector<32xbf16> -> vector<16xf32>
        %add3A_289 = arith.addf %add3A_273, %unpack3A_287 : vector<16xf32>
        %add3A_290 = arith.addf %add3A_274, %unpack3A_288 : vector<16xf32>
        %scan3A_291 = arith.constant 5 : i32
        %scan3A_292 = arith.addi %scan3A_210, %scan3A_291 : i32
        %get3A_293 = arith.index_cast %scan3A_292 : i32 to index
        %get3A_294 = arith.constant 0 : index
        %get3A_295 = tpu.vector_load %arg7[%get3A_293, %get3A_294] {strides = array<i32>} : memref<200x64xbf16, #tpu.memory_space<vmem>>, vector<32xbf16>,
        %unpack3A_296 = tpu.unpack_subelements %get3A_295, 0 {pack_format = #tpu.pack_format<interleaved>} : vector<32xbf16> -> vector<16xf32>
        %unpack3A_297 = tpu.unpack_subelements %get3A_295, 1 {pack_format = #tpu.pack_format<interleaved>} : vector<32xbf16> -> vector<16xf32>
        %add3A_298 = arith.addf %add3A_282, %unpack3A_296 : vector<16xf32>
        %add3A_299 = arith.addf %add3A_283, %unpack3A_297 : vector<16xf32>
        %get3A_300 = arith.index_cast %scan3A_292 : i32 to index
        %get3A_301 = arith.constant 32 : index
        %get3A_302 = tpu.vector_load %arg7[%get3A_300, %get3A_301] {strides = array<i32>} : memref<200x64xbf16, #tpu.memory_space<vmem>>, vector<32xbf16>,
        %unpack3A_303 = tpu.unpack_subelements %get3A_302, 0 {pack_format = #tpu.pack_format<interleaved>} : vector<32xbf16> -> vector<16xf32>
        %unpack3A_304 = tpu.unpack_subelements %get3A_302, 1 {pack_format = #tpu.pack_format<interleaved>} : vector<32xbf16> -> vector<16xf32>
        %add3A_305 = arith.addf %add3A_289, %unpack3A_303 : vector<16xf32>
        %add3A_306 = arith.addf %add3A_290, %unpack3A_304 : vector<16xf32>
        %scan3A_307 = arith.constant 6 : i32
        %scan3A_308 = arith.addi %scan3A_210, %scan3A_307 : i32
        %get3A_309 = arith.index_cast %scan3A_308 : i32 to index
        %get3A_310 = arith.constant 0 : index
        %get3A_311 = tpu.vector_load %arg7[%get3A_309, %get3A_310] {strides = array<i32>} : memref<200x64xbf16, #tpu.memory_space<vmem>>, vector<32xbf16>,
        %unpack3A_312 = tpu.unpack_subelements %get3A_311, 0 {pack_format = #tpu.pack_format<interleaved>} : vector<32xbf16> -> vector<16xf32>
        %unpack3A_313 = tpu.unpack_subelements %get3A_311, 1 {pack_format = #tpu.pack_format<interleaved>} : vector<32xbf16> -> vector<16xf32>
        %add3A_314 = arith.addf %add3A_298, %unpack3A_312 : vector<16xf32>
        %add3A_315 = arith.addf %add3A_299, %unpack3A_313 : vector<16xf32>
        %get3A_316 = arith.index_cast %scan3A_308 : i32 to index
        %get3A_317 = arith.constant 32 : index
        %get3A_318 = tpu.vector_load %arg7[%get3A_316, %get3A_317] {strides = array<i32>} : memref<200x64xbf16, #tpu.memory_space<vmem>>, vector<32xbf16>,
        %unpack3A_319 = tpu.unpack_subelements %get3A_318, 0 {pack_format = #tpu.pack_format<interleaved>} : vector<32xbf16> -> vector<16xf32>
        %unpack3A_320 = tpu.unpack_subelements %get3A_318, 1 {pack_format = #tpu.pack_format<interleaved>} : vector<32xbf16> -> vector<16xf32>
        %add3A_321 = arith.addf %add3A_305, %unpack3A_319 : vector<16xf32>
        %add3A_322 = arith.addf %add3A_306, %unpack3A_320 : vector<16xf32>
        %scan3A_323 = arith.constant 7 : i32
        %scan3A_324 = arith.addi %scan3A_210, %scan3A_323 : i32
        %get3A_325 = arith.index_cast %scan3A_324 : i32 to index
        %get3A_326 = arith.constant 0 : index
        %get3A_327 = tpu.vector_load %arg7[%get3A_325, %get3A_326] {strides = array<i32>} : memref<200x64xbf16, #tpu.memory_space<vmem>>, vector<32xbf16>,
        %unpack3A_328 = tpu.unpack_subelements %get3A_327, 0 {pack_format = #tpu.pack_format<interleaved>} : vector<32xbf16> -> vector<16xf32>
        %unpack3A_329 = tpu.unpack_subelements %get3A_327, 1 {pack_format = #tpu.pack_format<interleaved>} : vector<32xbf16> -> vector<16xf32>
        %add3A_330 = arith.addf %add3A_314, %unpack3A_328 : vector<16xf32>
        %add3A_331 = arith.addf %add3A_315, %unpack3A_329 : vector<16xf32>
        %get3A_332 = arith.index_cast %scan3A_324 : i32 to index
        %get3A_333 = arith.constant 32 : index
        %get3A_334 = tpu.vector_load %arg7[%get3A_332, %get3A_333] {strides = array<i32>} : memref<200x64xbf16, #tpu.memory_space<vmem>>, vector<32xbf16>,
        %unpack3A_335 = tpu.unpack_subelements %get3A_334, 0 {pack_format = #tpu.pack_format<interleaved>} : vector<32xbf16> -> vector<16xf32>
        %unpack3A_336 = tpu.unpack_subelements %get3A_334, 1 {pack_format = #tpu.pack_format<interleaved>} : vector<32xbf16> -> vector<16xf32>
        %add3A_337 = arith.addf %add3A_321, %unpack3A_335 : vector<16xf32>
        %add3A_338 = arith.addf %add3A_322, %unpack3A_336 : vector<16xf32>
        scf.yield %add3A_330, %add3A_331, %add3A_337, %add3A_338 : vector<16xf32>, vector<16xf32>, vector<16xf32>, vector<16xf32>
      }
      %scan3A_118 = arith.constant 200 : i32
      %swap3A_119 = arith.index_cast %add3A_95 : i32 to index
      %swap3A_120 = arith.constant 0 : index
      %swap3A_121 = tpu.vector_load %arg10[%swap3A_119, %swap3A_120] {strides = array<i32>} : memref<128x64xf32, #tpu.memory_space<vmem>>, vector<16xf32>,
      tpu.vector_store %arg10[%swap3A_119, %swap3A_120], %scan3A_117#0 {strides = array<i32>} : memref<128x64xf32, #tpu.memory_space<vmem>>, vector<16xf32>,
      %swap3A_122 = arith.index_cast %add3A_95 : i32 to index
      %swap3A_123 = arith.constant 16 : index
      %swap3A_124 = tpu.vector_load %arg10[%swap3A_122, %swap3A_123] {strides = array<i32>} : memref<128x64xf32, #tpu.memory_space<vmem>>, vector<16xf32>,
      tpu.vector_store %arg10[%swap3A_122, %swap3A_123], %scan3A_117#1 {strides = array<i32>} : memref<128x64xf32, #tpu.memory_space<vmem>>, vector<16xf32>,
      %swap3A_125 = arith.index_cast %add3A_95 : i32 to index
      %swap3A_126 = arith.constant 32 : index
      %swap3A_127 = tpu.vector_load %arg10[%swap3A_125, %swap3A_126] {strides = array<i32>} : memref<128x64xf32, #tpu.memory_space<vmem>>, vector<16xf32>,
      tpu.vector_store %arg10[%swap3A_125, %swap3A_126], %scan3A_117#2 {strides = array<i32>} : memref<128x64xf32, #tpu.memory_space<vmem>>, vector<16xf32>,
      %swap3A_128 = arith.index_cast %add3A_95 : i32 to index
      %swap3A_129 = arith.constant 48 : index
      %swap3A_130 = tpu.vector_load %arg10[%swap3A_128, %swap3A_129] {strides = array<i32>} : memref<128x64xf32, #tpu.memory_space<vmem>>, vector<16xf32>,
      tpu.vector_store %arg10[%swap3A_128, %swap3A_129], %scan3A_117#3 {strides = array<i32>} : memref<128x64xf32, #tpu.memory_space<vmem>>, vector<16xf32>,
      %mul3A_131 = arith.constant 4 : i32
      %mul3A_132 = arith.muli %mul3A_131, %scan3A_58 : i32
      %add3A_133 = arith.constant 2 : i32
      %add3A_134 = arith.addi %mul3A_132, %add3A_133 : i32
      %add3A_135 = arith.constant 4 : i32
      %add3A_136 = arith.addi %add3A_134, %add3A_135 : i32
      %sub3A_137 = arith.constant 1 : i32
      %sub3A_138 = arith.subi %add3A_136, %sub3A_137 : i32
      %lt3A_139 = arith.constant 128 : i32
      %lt3A_140 = arith.cmpi slt, %sub3A_138, %lt3A_139 : i32
      %convert_element_type3A_141 = arith.extui %lt3A_140 : i1 to i32
      %cond3A_142 = arith.constant 0 : i32
      %cond3A_143 = arith.cmpi ne, %convert_element_type3A_141, %cond3A_142 : i32
      scf.if %cond3A_143 {
        %add3A_210 = arith.constant 4 : i32
        %add3A_211 = arith.addi %add3A_134, %add3A_210 : i32
        %sub3A_212 = arith.constant 1 : i32
        %sub3A_213 = arith.subi %add3A_211, %sub3A_212 : i32
        %mul3A_214 = arith.constant 200 : i32
        %mul3A_215 = arith.muli %sub3A_213, %mul3A_214 : i32
        %dma_start3A_216 = arith.constant 0 : i32
        %dma_start3A_217 = arith.constant 0 : i32
        %dma_start3A_218 = tpu.memref_slice %arg7[%dma_start3A_216, %dma_start3A_217] : memref<200x64xbf16, #tpu.memory_space<vmem>> -> memref<128x64xbf16, #tpu.memory_space<vmem>>
        %dma_start3A_219 = tpu.memref_slice %arg5[%mul3A_215] : memref<25600xi32, #tpu.memory_space<vmem>> -> memref<128xi32, #tpu.memory_space<vmem>>
        %dma_start3A_220 = arith.constant 0 : i32
        %dma_start3A_221 = arith.constant 0 : i32
        %dma_start3A_222 = tpu.memref_slice %arg3[%dma_start3A_220, %dma_start3A_221] : memref<100000x64xbf16, #tpu.memory_space<hbm>> -> memref<100000x64xbf16, #tpu.memory_space<hbm>>
        tpu.enqueue_indirect_dma source(%dma_start3A_222 : memref<100000x64xbf16, #tpu.memory_space<hbm>>) target(%dma_start3A_218 : memref<128x64xbf16, #tpu.memory_space<vmem>>) offsets(%dma_start3A_219 : memref<128xi32, #tpu.memory_space<vmem>>) semaphore(%arg12 : memref<!tpu.dma_semaphore, #tpu.memory_space<semaphore_mem>>)
        %mul3A_223 = arith.constant 200 : i32
        %mul3A_224 = arith.muli %sub3A_213, %mul3A_223 : i32
        %add3A_225 = arith.constant 128 : i32
        %add3A_226 = arith.addi %mul3A_224, %add3A_225 : i32
        %dma_start3A_227 = arith.constant 128 : i32
        %dma_start3A_228 = arith.constant 0 : i32
        %dma_start3A_229 = tpu.memref_slice %arg7[%dma_start3A_227, %dma_start3A_228] : memref<200x64xbf16, #tpu.memory_space<vmem>> -> memref<72x64xbf16, #tpu.memory_space<vmem>>
        %dma_start3A_230 = tpu.memref_slice %arg5[%add3A_226] : memref<25600xi32, #tpu.memory_space<vmem>> -> memref<72xi32, #tpu.memory_space<vmem>>
        %dma_start3A_231 = arith.constant 0 : i32
        %dma_start3A_232 = arith.constant 0 : i32
        %dma_start3A_233 = tpu.memref_slice %arg3[%dma_start3A_231, %dma_start3A_232] : memref<100000x64xbf16, #tpu.memory_space<hbm>> -> memref<100000x64xbf16, #tpu.memory_space<hbm>>
        tpu.enqueue_indirect_dma source(%dma_start3A_233 : memref<100000x64xbf16, #tpu.memory_space<hbm>>) target(%dma_start3A_229 : memref<72x64xbf16, #tpu.memory_space<vmem>>) offsets(%dma_start3A_230 : memref<72xi32, #tpu.memory_space<vmem>>) semaphore(%arg12 : memref<!tpu.dma_semaphore, #tpu.memory_space<semaphore_mem>>)
      } else {
      }
      %dma_wait3A_144 = arith.constant 0 : i32
      %dma_wait3A_145 = arith.constant 0 : i32
      %dma_wait3A_146 = tpu.memref_slice %arg3[%dma_wait3A_144, %dma_wait3A_145] : memref<100000x64xbf16, #tpu.memory_space<hbm>> -> memref<200x64xbf16, #tpu.memory_space<hbm>>
      %dma_wait3A_147 = arith.constant 0 : i32
      %dma_wait3A_148 = arith.constant 0 : i32
      %dma_wait3A_149 = tpu.memref_slice %arg3[%dma_wait3A_147, %dma_wait3A_148] : memref<100000x64xbf16, #tpu.memory_space<hbm>> -> memref<200x64xbf16, #tpu.memory_space<hbm>>
      tpu.wait_dma2 semaphore(%arg13 : memref<!tpu.dma_semaphore, #tpu.memory_space<semaphore_mem>>) src(%dma_wait3A_149 : memref<200x64xbf16, #tpu.memory_space<hbm>>) dst(%arg8 : memref<200x64xbf16, #tpu.memory_space<vmem>>)
      %broadcast_in_dim3A_150 = arith.constant 0.000000e+00 : f32
      %broadcast_in_dim3A_151 = vector.broadcast %broadcast_in_dim3A_150 : f32 to vector<16xf32>
      %scan3A_152 = arith.constant 0 : i32
      %scan3A_153 = arith.constant 200 : i32
      %scan3A_154 = arith.addi %scan3A_152, %scan3A_153 : i32
      %scan3A_155 = arith.constant 8 : i32
      %scan3A_156:4 = scf.for %scan3A_210 = %scan3A_152 to %scan3A_154 step %scan3A_155 iter_args(%scan3A_211 = %broadcast_in_dim3A_151, %scan3A_212 = %broadcast_in_dim3A_151, %scan3A_213 = %broadcast_in_dim3A_151, %scan3A_214 = %broadcast_in_dim3A_151) -> (vector<16xf32>, vector<16xf32>, vector<16xf32>, vector<16xf32>)  : i32 {
        %get3A = arith.index_cast %scan3A_210 : i32 to index
        %get3A_215 = arith.constant 0 : index
        %get3A_216 = tpu.vector_load %arg8[%get3A, %get3A_215] {strides = array<i32>} : memref<200x64xbf16, #tpu.memory_space<vmem>>, vector<32xbf16>,
        %unpack3A = tpu.unpack_subelements %get3A_216, 0 {pack_format = #tpu.pack_format<interleaved>} : vector<32xbf16> -> vector<16xf32>
        %unpack3A_217 = tpu.unpack_subelements %get3A_216, 1 {pack_format = #tpu.pack_format<interleaved>} : vector<32xbf16> -> vector<16xf32>
        %add3A_218 = arith.addf %scan3A_211, %unpack3A : vector<16xf32>
        %add3A_219 = arith.addf %scan3A_212, %unpack3A_217 : vector<16xf32>
        %get3A_220 = arith.index_cast %scan3A_210 : i32 to index
        %get3A_221 = arith.constant 32 : index
        %get3A_222 = tpu.vector_load %arg8[%get3A_220, %get3A_221] {strides = array<i32>} : memref<200x64xbf16, #tpu.memory_space<vmem>>, vector<32xbf16>,
        %unpack3A_223 = tpu.unpack_subelements %get3A_222, 0 {pack_format = #tpu.pack_format<interleaved>} : vector<32xbf16> -> vector<16xf32>
        %unpack3A_224 = tpu.unpack_subelements %get3A_222, 1 {pack_format = #tpu.pack_format<interleaved>} : vector<32xbf16> -> vector<16xf32>
        %add3A_225 = arith.addf %scan3A_213, %unpack3A_223 : vector<16xf32>
        %add3A_226 = arith.addf %scan3A_214, %unpack3A_224 : vector<16xf32>
        %scan3A_227 = arith.constant 1 : i32
        %scan3A_228 = arith.addi %scan3A_210, %scan3A_227 : i32
        %get3A_229 = arith.index_cast %scan3A_228 : i32 to index
        %get3A_230 = arith.constant 0 : index
        %get3A_231 = tpu.vector_load %arg8[%get3A_229, %get3A_230] {strides = array<i32>} : memref<200x64xbf16, #tpu.memory_space<vmem>>, vector<32xbf16>,
        %unpack3A_232 = tpu.unpack_subelements %get3A_231, 0 {pack_format = #tpu.pack_format<interleaved>} : vector<32xbf16> -> vector<16xf32>
        %unpack3A_233 = tpu.unpack_subelements %get3A_231, 1 {pack_format = #tpu.pack_format<interleaved>} : vector<32xbf16> -> vector<16xf32>
        %add3A_234 = arith.addf %add3A_218, %unpack3A_232 : vector<16xf32>
        %add3A_235 = arith.addf %add3A_219, %unpack3A_233 : vector<16xf32>
        %get3A_236 = arith.index_cast %scan3A_228 : i32 to index
        %get3A_237 = arith.constant 32 : index
        %get3A_238 = tpu.vector_load %arg8[%get3A_236, %get3A_237] {strides = array<i32>} : memref<200x64xbf16, #tpu.memory_space<vmem>>, vector<32xbf16>,
        %unpack3A_239 = tpu.unpack_subelements %get3A_238, 0 {pack_format = #tpu.pack_format<interleaved>} : vector<32xbf16> -> vector<16xf32>
        %unpack3A_240 = tpu.unpack_subelements %get3A_238, 1 {pack_format = #tpu.pack_format<interleaved>} : vector<32xbf16> -> vector<16xf32>
        %add3A_241 = arith.addf %add3A_225, %unpack3A_239 : vector<16xf32>
        %add3A_242 = arith.addf %add3A_226, %unpack3A_240 : vector<16xf32>
        %scan3A_243 = arith.constant 2 : i32
        %scan3A_244 = arith.addi %scan3A_210, %scan3A_243 : i32
        %get3A_245 = arith.index_cast %scan3A_244 : i32 to index
        %get3A_246 = arith.constant 0 : index
        %get3A_247 = tpu.vector_load %arg8[%get3A_245, %get3A_246] {strides = array<i32>} : memref<200x64xbf16, #tpu.memory_space<vmem>>, vector<32xbf16>,
        %unpack3A_248 = tpu.unpack_subelements %get3A_247, 0 {pack_format = #tpu.pack_format<interleaved>} : vector<32xbf16> -> vector<16xf32>
        %unpack3A_249 = tpu.unpack_subelements %get3A_247, 1 {pack_format = #tpu.pack_format<interleaved>} : vector<32xbf16> -> vector<16xf32>
        %add3A_250 = arith.addf %add3A_234, %unpack3A_248 : vector<16xf32>
        %add3A_251 = arith.addf %add3A_235, %unpack3A_249 : vector<16xf32>
        %get3A_252 = arith.index_cast %scan3A_244 : i32 to index
        %get3A_253 = arith.constant 32 : index
        %get3A_254 = tpu.vector_load %arg8[%get3A_252, %get3A_253] {strides = array<i32>} : memref<200x64xbf16, #tpu.memory_space<vmem>>, vector<32xbf16>,
        %unpack3A_255 = tpu.unpack_subelements %get3A_254, 0 {pack_format = #tpu.pack_format<interleaved>} : vector<32xbf16> -> vector<16xf32>
        %unpack3A_256 = tpu.unpack_subelements %get3A_254, 1 {pack_format = #tpu.pack_format<interleaved>} : vector<32xbf16> -> vector<16xf32>
        %add3A_257 = arith.addf %add3A_241, %unpack3A_255 : vector<16xf32>
        %add3A_258 = arith.addf %add3A_242, %unpack3A_256 : vector<16xf32>
        %scan3A_259 = arith.constant 3 : i32
        %scan3A_260 = arith.addi %scan3A_210, %scan3A_259 : i32
        %get3A_261 = arith.index_cast %scan3A_260 : i32 to index
        %get3A_262 = arith.constant 0 : index
        %get3A_263 = tpu.vector_load %arg8[%get3A_261, %get3A_262] {strides = array<i32>} : memref<200x64xbf16, #tpu.memory_space<vmem>>, vector<32xbf16>,
        %unpack3A_264 = tpu.unpack_subelements %get3A_263, 0 {pack_format = #tpu.pack_format<interleaved>} : vector<32xbf16> -> vector<16xf32>
        %unpack3A_265 = tpu.unpack_subelements %get3A_263, 1 {pack_format = #tpu.pack_format<interleaved>} : vector<32xbf16> -> vector<16xf32>
        %add3A_266 = arith.addf %add3A_250, %unpack3A_264 : vector<16xf32>
        %add3A_267 = arith.addf %add3A_251, %unpack3A_265 : vector<16xf32>
        %get3A_268 = arith.index_cast %scan3A_260 : i32 to index
        %get3A_269 = arith.constant 32 : index
        %get3A_270 = tpu.vector_load %arg8[%get3A_268, %get3A_269] {strides = array<i32>} : memref<200x64xbf16, #tpu.memory_space<vmem>>, vector<32xbf16>,
        %unpack3A_271 = tpu.unpack_subelements %get3A_270, 0 {pack_format = #tpu.pack_format<interleaved>} : vector<32xbf16> -> vector<16xf32>
        %unpack3A_272 = tpu.unpack_subelements %get3A_270, 1 {pack_format = #tpu.pack_format<interleaved>} : vector<32xbf16> -> vector<16xf32>
        %add3A_273 = arith.addf %add3A_257, %unpack3A_271 : vector<16xf32>
        %add3A_274 = arith.addf %add3A_258, %unpack3A_272 : vector<16xf32>
        %scan3A_275 = arith.constant 4 : i32
        %scan3A_276 = arith.addi %scan3A_210, %scan3A_275 : i32
        %get3A_277 = arith.index_cast %scan3A_276 : i32 to index
        %get3A_278 = arith.constant 0 : index
        %get3A_279 = tpu.vector_load %arg8[%get3A_277, %get3A_278] {strides = array<i32>} : memref<200x64xbf16, #tpu.memory_space<vmem>>, vector<32xbf16>,
        %unpack3A_280 = tpu.unpack_subelements %get3A_279, 0 {pack_format = #tpu.pack_format<interleaved>} : vector<32xbf16> -> vector<16xf32>
        %unpack3A_281 = tpu.unpack_subelements %get3A_279, 1 {pack_format = #tpu.pack_format<interleaved>} : vector<32xbf16> -> vector<16xf32>
        %add3A_282 = arith.addf %add3A_266, %unpack3A_280 : vector<16xf32>
        %add3A_283 = arith.addf %add3A_267, %unpack3A_281 : vector<16xf32>
        %get3A_284 = arith.index_cast %scan3A_276 : i32 to index
        %get3A_285 = arith.constant 32 : index
        %get3A_286 = tpu.vector_load %arg8[%get3A_284, %get3A_285] {strides = array<i32>} : memref<200x64xbf16, #tpu.memory_space<vmem>>, vector<32xbf16>,
        %unpack3A_287 = tpu.unpack_subelements %get3A_286, 0 {pack_format = #tpu.pack_format<interleaved>} : vector<32xbf16> -> vector<16xf32>
        %unpack3A_288 = tpu.unpack_subelements %get3A_286, 1 {pack_format = #tpu.pack_format<interleaved>} : vector<32xbf16> -> vector<16xf32>
        %add3A_289 = arith.addf %add3A_273, %unpack3A_287 : vector<16xf32>
        %add3A_290 = arith.addf %add3A_274, %unpack3A_288 : vector<16xf32>
        %scan3A_291 = arith.constant 5 : i32
        %scan3A_292 = arith.addi %scan3A_210, %scan3A_291 : i32
        %get3A_293 = arith.index_cast %scan3A_292 : i32 to index
        %get3A_294 = arith.constant 0 : index
        %get3A_295 = tpu.vector_load %arg8[%get3A_293, %get3A_294] {strides = array<i32>} : memref<200x64xbf16, #tpu.memory_space<vmem>>, vector<32xbf16>,
        %unpack3A_296 = tpu.unpack_subelements %get3A_295, 0 {pack_format = #tpu.pack_format<interleaved>} : vector<32xbf16> -> vector<16xf32>
        %unpack3A_297 = tpu.unpack_subelements %get3A_295, 1 {pack_format = #tpu.pack_format<interleaved>} : vector<32xbf16> -> vector<16xf32>
        %add3A_298 = arith.addf %add3A_282, %unpack3A_296 : vector<16xf32>
        %add3A_299 = arith.addf %add3A_283, %unpack3A_297 : vector<16xf32>
        %get3A_300 = arith.index_cast %scan3A_292 : i32 to index
        %get3A_301 = arith.constant 32 : index
        %get3A_302 = tpu.vector_load %arg8[%get3A_300, %get3A_301] {strides = array<i32>} : memref<200x64xbf16, #tpu.memory_space<vmem>>, vector<32xbf16>,
        %unpack3A_303 = tpu.unpack_subelements %get3A_302, 0 {pack_format = #tpu.pack_format<interleaved>} : vector<32xbf16> -> vector<16xf32>
        %unpack3A_304 = tpu.unpack_subelements %get3A_302, 1 {pack_format = #tpu.pack_format<interleaved>} : vector<32xbf16> -> vector<16xf32>
        %add3A_305 = arith.addf %add3A_289, %unpack3A_303 : vector<16xf32>
        %add3A_306 = arith.addf %add3A_290, %unpack3A_304 : vector<16xf32>
        %scan3A_307 = arith.constant 6 : i32
        %scan3A_308 = arith.addi %scan3A_210, %scan3A_307 : i32
        %get3A_309 = arith.index_cast %scan3A_308 : i32 to index
        %get3A_310 = arith.constant 0 : index
        %get3A_311 = tpu.vector_load %arg8[%get3A_309, %get3A_310] {strides = array<i32>} : memref<200x64xbf16, #tpu.memory_space<vmem>>, vector<32xbf16>,
        %unpack3A_312 = tpu.unpack_subelements %get3A_311, 0 {pack_format = #tpu.pack_format<interleaved>} : vector<32xbf16> -> vector<16xf32>
        %unpack3A_313 = tpu.unpack_subelements %get3A_311, 1 {pack_format = #tpu.pack_format<interleaved>} : vector<32xbf16> -> vector<16xf32>
        %add3A_314 = arith.addf %add3A_298, %unpack3A_312 : vector<16xf32>
        %add3A_315 = arith.addf %add3A_299, %unpack3A_313 : vector<16xf32>
        %get3A_316 = arith.index_cast %scan3A_308 : i32 to index
        %get3A_317 = arith.constant 32 : index
        %get3A_318 = tpu.vector_load %arg8[%get3A_316, %get3A_317] {strides = array<i32>} : memref<200x64xbf16, #tpu.memory_space<vmem>>, vector<32xbf16>,
        %unpack3A_319 = tpu.unpack_subelements %get3A_318, 0 {pack_format = #tpu.pack_format<interleaved>} : vector<32xbf16> -> vector<16xf32>
        %unpack3A_320 = tpu.unpack_subelements %get3A_318, 1 {pack_format = #tpu.pack_format<interleaved>} : vector<32xbf16> -> vector<16xf32>
        %add3A_321 = arith.addf %add3A_305, %unpack3A_319 : vector<16xf32>
        %add3A_322 = arith.addf %add3A_306, %unpack3A_320 : vector<16xf32>
        %scan3A_323 = arith.constant 7 : i32
        %scan3A_324 = arith.addi %scan3A_210, %scan3A_323 : i32
        %get3A_325 = arith.index_cast %scan3A_324 : i32 to index
        %get3A_326 = arith.constant 0 : index
        %get3A_327 = tpu.vector_load %arg8[%get3A_325, %get3A_326] {strides = array<i32>} : memref<200x64xbf16, #tpu.memory_space<vmem>>, vector<32xbf16>,
        %unpack3A_328 = tpu.unpack_subelements %get3A_327, 0 {pack_format = #tpu.pack_format<interleaved>} : vector<32xbf16> -> vector<16xf32>
        %unpack3A_329 = tpu.unpack_subelements %get3A_327, 1 {pack_format = #tpu.pack_format<interleaved>} : vector<32xbf16> -> vector<16xf32>
        %add3A_330 = arith.addf %add3A_314, %unpack3A_328 : vector<16xf32>
        %add3A_331 = arith.addf %add3A_315, %unpack3A_329 : vector<16xf32>
        %get3A_332 = arith.index_cast %scan3A_324 : i32 to index
        %get3A_333 = arith.constant 32 : index
        %get3A_334 = tpu.vector_load %arg8[%get3A_332, %get3A_333] {strides = array<i32>} : memref<200x64xbf16, #tpu.memory_space<vmem>>, vector<32xbf16>,
        %unpack3A_335 = tpu.unpack_subelements %get3A_334, 0 {pack_format = #tpu.pack_format<interleaved>} : vector<32xbf16> -> vector<16xf32>
        %unpack3A_336 = tpu.unpack_subelements %get3A_334, 1 {pack_format = #tpu.pack_format<interleaved>} : vector<32xbf16> -> vector<16xf32>
        %add3A_337 = arith.addf %add3A_321, %unpack3A_335 : vector<16xf32>
        %add3A_338 = arith.addf %add3A_322, %unpack3A_336 : vector<16xf32>
        scf.yield %add3A_330, %add3A_331, %add3A_337, %add3A_338 : vector<16xf32>, vector<16xf32>, vector<16xf32>, vector<16xf32>
      }
      %scan3A_157 = arith.constant 200 : i32
      %swap3A_158 = arith.index_cast %add3A_134 : i32 to index
      %swap3A_159 = arith.constant 0 : index
      %swap3A_160 = tpu.vector_load %arg10[%swap3A_158, %swap3A_159] {strides = array<i32>} : memref<128x64xf32, #tpu.memory_space<vmem>>, vector<16xf32>,
      tpu.vector_store %arg10[%swap3A_158, %swap3A_159], %scan3A_156#0 {strides = array<i32>} : memref<128x64xf32, #tpu.memory_space<vmem>>, vector<16xf32>,
      %swap3A_161 = arith.index_cast %add3A_134 : i32 to index
      %swap3A_162 = arith.constant 16 : index
      %swap3A_163 = tpu.vector_load %arg10[%swap3A_161, %swap3A_162] {strides = array<i32>} : memref<128x64xf32, #tpu.memory_space<vmem>>, vector<16xf32>,
      tpu.vector_store %arg10[%swap3A_161, %swap3A_162], %scan3A_156#1 {strides = array<i32>} : memref<128x64xf32, #tpu.memory_space<vmem>>, vector<16xf32>,
      %swap3A_164 = arith.index_cast %add3A_134 : i32 to index
      %swap3A_165 = arith.constant 32 : index
      %swap3A_166 = tpu.vector_load %arg10[%swap3A_164, %swap3A_165] {strides = array<i32>} : memref<128x64xf32, #tpu.memory_space<vmem>>, vector<16xf32>,
      tpu.vector_store %arg10[%swap3A_164, %swap3A_165], %scan3A_156#2 {strides = array<i32>} : memref<128x64xf32, #tpu.memory_space<vmem>>, vector<16xf32>,
      %swap3A_167 = arith.index_cast %add3A_134 : i32 to index
      %swap3A_168 = arith.constant 48 : index
      %swap3A_169 = tpu.vector_load %arg10[%swap3A_167, %swap3A_168] {strides = array<i32>} : memref<128x64xf32, #tpu.memory_space<vmem>>, vector<16xf32>,
      tpu.vector_store %arg10[%swap3A_167, %swap3A_168], %scan3A_156#3 {strides = array<i32>} : memref<128x64xf32, #tpu.memory_space<vmem>>, vector<16xf32>,
      %mul3A_170 = arith.constant 4 : i32
      %mul3A_171 = arith.muli %mul3A_170, %scan3A_58 : i32
      %add3A_172 = arith.constant 3 : i32
      %add3A_173 = arith.addi %mul3A_171, %add3A_172 : i32
      %add3A_174 = arith.constant 4 : i32
      %add3A_175 = arith.addi %add3A_173, %add3A_174 : i32
      %sub3A_176 = arith.constant 1 : i32
      %sub3A_177 = arith.subi %add3A_175, %sub3A_176 : i32
      %lt3A_178 = arith.constant 128 : i32
      %lt3A_179 = arith.cmpi slt, %sub3A_177, %lt3A_178 : i32
      %convert_element_type3A_180 = arith.extui %lt3A_179 : i1 to i32
      %cond3A_181 = arith.constant 0 : i32
      %cond3A_182 = arith.cmpi ne, %convert_element_type3A_180, %cond3A_181 : i32
      scf.if %cond3A_182 {
        %add3A_210 = arith.constant 4 : i32
        %add3A_211 = arith.addi %add3A_173, %add3A_210 : i32
        %sub3A_212 = arith.constant 1 : i32
        %sub3A_213 = arith.subi %add3A_211, %sub3A_212 : i32
        %mul3A_214 = arith.constant 200 : i32
        %mul3A_215 = arith.muli %sub3A_213, %mul3A_214 : i32
        %dma_start3A_216 = arith.constant 0 : i32
        %dma_start3A_217 = arith.constant 0 : i32
        %dma_start3A_218 = tpu.memref_slice %arg8[%dma_start3A_216, %dma_start3A_217] : memref<200x64xbf16, #tpu.memory_space<vmem>> -> memref<128x64xbf16, #tpu.memory_space<vmem>>
        %dma_start3A_219 = tpu.memref_slice %arg5[%mul3A_215] : memref<25600xi32, #tpu.memory_space<vmem>> -> memref<128xi32, #tpu.memory_space<vmem>>
        %dma_start3A_220 = arith.constant 0 : i32
        %dma_start3A_221 = arith.constant 0 : i32
        %dma_start3A_222 = tpu.memref_slice %arg3[%dma_start3A_220, %dma_start3A_221] : memref<100000x64xbf16, #tpu.memory_space<hbm>> -> memref<100000x64xbf16, #tpu.memory_space<hbm>>
        tpu.enqueue_indirect_dma source(%dma_start3A_222 : memref<100000x64xbf16, #tpu.memory_space<hbm>>) target(%dma_start3A_218 : memref<128x64xbf16, #tpu.memory_space<vmem>>) offsets(%dma_start3A_219 : memref<128xi32, #tpu.memory_space<vmem>>) semaphore(%arg13 : memref<!tpu.dma_semaphore, #tpu.memory_space<semaphore_mem>>)
        %mul3A_223 = arith.constant 200 : i32
        %mul3A_224 = arith.muli %sub3A_213, %mul3A_223 : i32
        %add3A_225 = arith.constant 128 : i32
        %add3A_226 = arith.addi %mul3A_224, %add3A_225 : i32
        %dma_start3A_227 = arith.constant 128 : i32
        %dma_start3A_228 = arith.constant 0 : i32
        %dma_start3A_229 = tpu.memref_slice %arg8[%dma_start3A_227, %dma_start3A_228] : memref<200x64xbf16, #tpu.memory_space<vmem>> -> memref<72x64xbf16, #tpu.memory_space<vmem>>
        %dma_start3A_230 = tpu.memref_slice %arg5[%add3A_226] : memref<25600xi32, #tpu.memory_space<vmem>> -> memref<72xi32, #tpu.memory_space<vmem>>
        %dma_start3A_231 = arith.constant 0 : i32
        %dma_start3A_232 = arith.constant 0 : i32
        %dma_start3A_233 = tpu.memref_slice %arg3[%dma_start3A_231, %dma_start3A_232] : memref<100000x64xbf16, #tpu.memory_space<hbm>> -> memref<100000x64xbf16, #tpu.memory_space<hbm>>
        tpu.enqueue_indirect_dma source(%dma_start3A_233 : memref<100000x64xbf16, #tpu.memory_space<hbm>>) target(%dma_start3A_229 : memref<72x64xbf16, #tpu.memory_space<vmem>>) offsets(%dma_start3A_230 : memref<72xi32, #tpu.memory_space<vmem>>) semaphore(%arg13 : memref<!tpu.dma_semaphore, #tpu.memory_space<semaphore_mem>>)
      } else {
      }
      %dma_wait3A_183 = arith.constant 0 : i32
      %dma_wait3A_184 = arith.constant 0 : i32
      %dma_wait3A_185 = tpu.memref_slice %arg3[%dma_wait3A_183, %dma_wait3A_184] : memref<100000x64xbf16, #tpu.memory_space<hbm>> -> memref<200x64xbf16, #tpu.memory_space<hbm>>
      %dma_wait3A_186 = arith.constant 0 : i32
      %dma_wait3A_187 = arith.constant 0 : i32
      %dma_wait3A_188 = tpu.memref_slice %arg3[%dma_wait3A_186, %dma_wait3A_187] : memref<100000x64xbf16, #tpu.memory_space<hbm>> -> memref<200x64xbf16, #tpu.memory_space<hbm>>
      tpu.wait_dma2 semaphore(%arg14 : memref<!tpu.dma_semaphore, #tpu.memory_space<semaphore_mem>>) src(%dma_wait3A_188 : memref<200x64xbf16, #tpu.memory_space<hbm>>) dst(%arg9 : memref<200x64xbf16, #tpu.memory_space<vmem>>)
      %broadcast_in_dim3A_189 = arith.constant 0.000000e+00 : f32
      %broadcast_in_dim3A_190 = vector.broadcast %broadcast_in_dim3A_189 : f32 to vector<16xf32>
      %scan3A_191 = arith.constant 0 : i32
      %scan3A_192 = arith.constant 200 : i32
      %scan3A_193 = arith.addi %scan3A_191, %scan3A_192 : i32
      %scan3A_194 = arith.constant 8 : i32
      %scan3A_195:4 = scf.for %scan3A_210 = %scan3A_191 to %scan3A_193 step %scan3A_194 iter_args(%scan3A_211 = %broadcast_in_dim3A_190, %scan3A_212 = %broadcast_in_dim3A_190, %scan3A_213 = %broadcast_in_dim3A_190, %scan3A_214 = %broadcast_in_dim3A_190) -> (vector<16xf32>, vector<16xf32>, vector<16xf32>, vector<16xf32>)  : i32 {
        %get3A = arith.index_cast %scan3A_210 : i32 to index
        %get3A_215 = arith.constant 0 : index
        %get3A_216 = tpu.vector_load %arg9[%get3A, %get3A_215] {strides = array<i32>} : memref<200x64xbf16, #tpu.memory_space<vmem>>, vector<32xbf16>,
        %unpack3A = tpu.unpack_subelements %get3A_216, 0 {pack_format = #tpu.pack_format<interleaved>} : vector<32xbf16> -> vector<16xf32>
        %unpack3A_217 = tpu.unpack_subelements %get3A_216, 1 {pack_format = #tpu.pack_format<interleaved>} : vector<32xbf16> -> vector<16xf32>
        %add3A_218 = arith.addf %scan3A_211, %unpack3A : vector<16xf32>
        %add3A_219 = arith.addf %scan3A_212, %unpack3A_217 : vector<16xf32>
        %get3A_220 = arith.index_cast %scan3A_210 : i32 to index
        %get3A_221 = arith.constant 32 : index
        %get3A_222 = tpu.vector_load %arg9[%get3A_220, %get3A_221] {strides = array<i32>} : memref<200x64xbf16, #tpu.memory_space<vmem>>, vector<32xbf16>,
        %unpack3A_223 = tpu.unpack_subelements %get3A_222, 0 {pack_format = #tpu.pack_format<interleaved>} : vector<32xbf16> -> vector<16xf32>
        %unpack3A_224 = tpu.unpack_subelements %get3A_222, 1 {pack_format = #tpu.pack_format<interleaved>} : vector<32xbf16> -> vector<16xf32>
        %add3A_225 = arith.addf %scan3A_213, %unpack3A_223 : vector<16xf32>
        %add3A_226 = arith.addf %scan3A_214, %unpack3A_224 : vector<16xf32>
        %scan3A_227 = arith.constant 1 : i32
        %scan3A_228 = arith.addi %scan3A_210, %scan3A_227 : i32
        %get3A_229 = arith.index_cast %scan3A_228 : i32 to index
        %get3A_230 = arith.constant 0 : index
        %get3A_231 = tpu.vector_load %arg9[%get3A_229, %get3A_230] {strides = array<i32>} : memref<200x64xbf16, #tpu.memory_space<vmem>>, vector<32xbf16>,
        %unpack3A_232 = tpu.unpack_subelements %get3A_231, 0 {pack_format = #tpu.pack_format<interleaved>} : vector<32xbf16> -> vector<16xf32>
        %unpack3A_233 = tpu.unpack_subelements %get3A_231, 1 {pack_format = #tpu.pack_format<interleaved>} : vector<32xbf16> -> vector<16xf32>
        %add3A_234 = arith.addf %add3A_218, %unpack3A_232 : vector<16xf32>
        %add3A_235 = arith.addf %add3A_219, %unpack3A_233 : vector<16xf32>
        %get3A_236 = arith.index_cast %scan3A_228 : i32 to index
        %get3A_237 = arith.constant 32 : index
        %get3A_238 = tpu.vector_load %arg9[%get3A_236, %get3A_237] {strides = array<i32>} : memref<200x64xbf16, #tpu.memory_space<vmem>>, vector<32xbf16>,
        %unpack3A_239 = tpu.unpack_subelements %get3A_238, 0 {pack_format = #tpu.pack_format<interleaved>} : vector<32xbf16> -> vector<16xf32>
        %unpack3A_240 = tpu.unpack_subelements %get3A_238, 1 {pack_format = #tpu.pack_format<interleaved>} : vector<32xbf16> -> vector<16xf32>
        %add3A_241 = arith.addf %add3A_225, %unpack3A_239 : vector<16xf32>
        %add3A_242 = arith.addf %add3A_226, %unpack3A_240 : vector<16xf32>
        %scan3A_243 = arith.constant 2 : i32
        %scan3A_244 = arith.addi %scan3A_210, %scan3A_243 : i32
        %get3A_245 = arith.index_cast %scan3A_244 : i32 to index
        %get3A_246 = arith.constant 0 : index
        %get3A_247 = tpu.vector_load %arg9[%get3A_245, %get3A_246] {strides = array<i32>} : memref<200x64xbf16, #tpu.memory_space<vmem>>, vector<32xbf16>,
        %unpack3A_248 = tpu.unpack_subelements %get3A_247, 0 {pack_format = #tpu.pack_format<interleaved>} : vector<32xbf16> -> vector<16xf32>
        %unpack3A_249 = tpu.unpack_subelements %get3A_247, 1 {pack_format = #tpu.pack_format<interleaved>} : vector<32xbf16> -> vector<16xf32>
        %add3A_250 = arith.addf %add3A_234, %unpack3A_248 : vector<16xf32>
        %add3A_251 = arith.addf %add3A_235, %unpack3A_249 : vector<16xf32>
        %get3A_252 = arith.index_cast %scan3A_244 : i32 to index
        %get3A_253 = arith.constant 32 : index
        %get3A_254 = tpu.vector_load %arg9[%get3A_252, %get3A_253] {strides = array<i32>} : memref<200x64xbf16, #tpu.memory_space<vmem>>, vector<32xbf16>,
        %unpack3A_255 = tpu.unpack_subelements %get3A_254, 0 {pack_format = #tpu.pack_format<interleaved>} : vector<32xbf16> -> vector<16xf32>
        %unpack3A_256 = tpu.unpack_subelements %get3A_254, 1 {pack_format = #tpu.pack_format<interleaved>} : vector<32xbf16> -> vector<16xf32>
        %add3A_257 = arith.addf %add3A_241, %unpack3A_255 : vector<16xf32>
        %add3A_258 = arith.addf %add3A_242, %unpack3A_256 : vector<16xf32>
        %scan3A_259 = arith.constant 3 : i32
        %scan3A_260 = arith.addi %scan3A_210, %scan3A_259 : i32
        %get3A_261 = arith.index_cast %scan3A_260 : i32 to index
        %get3A_262 = arith.constant 0 : index
        %get3A_263 = tpu.vector_load %arg9[%get3A_261, %get3A_262] {strides = array<i32>} : memref<200x64xbf16, #tpu.memory_space<vmem>>, vector<32xbf16>,
        %unpack3A_264 = tpu.unpack_subelements %get3A_263, 0 {pack_format = #tpu.pack_format<interleaved>} : vector<32xbf16> -> vector<16xf32>
        %unpack3A_265 = tpu.unpack_subelements %get3A_263, 1 {pack_format = #tpu.pack_format<interleaved>} : vector<32xbf16> -> vector<16xf32>
        %add3A_266 = arith.addf %add3A_250, %unpack3A_264 : vector<16xf32>
        %add3A_267 = arith.addf %add3A_251, %unpack3A_265 : vector<16xf32>
        %get3A_268 = arith.index_cast %scan3A_260 : i32 to index
        %get3A_269 = arith.constant 32 : index
        %get3A_270 = tpu.vector_load %arg9[%get3A_268, %get3A_269] {strides = array<i32>} : memref<200x64xbf16, #tpu.memory_space<vmem>>, vector<32xbf16>,
        %unpack3A_271 = tpu.unpack_subelements %get3A_270, 0 {pack_format = #tpu.pack_format<interleaved>} : vector<32xbf16> -> vector<16xf32>
        %unpack3A_272 = tpu.unpack_subelements %get3A_270, 1 {pack_format = #tpu.pack_format<interleaved>} : vector<32xbf16> -> vector<16xf32>
        %add3A_273 = arith.addf %add3A_257, %unpack3A_271 : vector<16xf32>
        %add3A_274 = arith.addf %add3A_258, %unpack3A_272 : vector<16xf32>
        %scan3A_275 = arith.constant 4 : i32
        %scan3A_276 = arith.addi %scan3A_210, %scan3A_275 : i32
        %get3A_277 = arith.index_cast %scan3A_276 : i32 to index
        %get3A_278 = arith.constant 0 : index
        %get3A_279 = tpu.vector_load %arg9[%get3A_277, %get3A_278] {strides = array<i32>} : memref<200x64xbf16, #tpu.memory_space<vmem>>, vector<32xbf16>,
        %unpack3A_280 = tpu.unpack_subelements %get3A_279, 0 {pack_format = #tpu.pack_format<interleaved>} : vector<32xbf16> -> vector<16xf32>
        %unpack3A_281 = tpu.unpack_subelements %get3A_279, 1 {pack_format = #tpu.pack_format<interleaved>} : vector<32xbf16> -> vector<16xf32>
        %add3A_282 = arith.addf %add3A_266, %unpack3A_280 : vector<16xf32>
        %add3A_283 = arith.addf %add3A_267, %unpack3A_281 : vector<16xf32>
        %get3A_284 = arith.index_cast %scan3A_276 : i32 to index
        %get3A_285 = arith.constant 32 : index
        %get3A_286 = tpu.vector_load %arg9[%get3A_284, %get3A_285] {strides = array<i32>} : memref<200x64xbf16, #tpu.memory_space<vmem>>, vector<32xbf16>,
        %unpack3A_287 = tpu.unpack_subelements %get3A_286, 0 {pack_format = #tpu.pack_format<interleaved>} : vector<32xbf16> -> vector<16xf32>
        %unpack3A_288 = tpu.unpack_subelements %get3A_286, 1 {pack_format = #tpu.pack_format<interleaved>} : vector<32xbf16> -> vector<16xf32>
        %add3A_289 = arith.addf %add3A_273, %unpack3A_287 : vector<16xf32>
        %add3A_290 = arith.addf %add3A_274, %unpack3A_288 : vector<16xf32>
        %scan3A_291 = arith.constant 5 : i32
        %scan3A_292 = arith.addi %scan3A_210, %scan3A_291 : i32
        %get3A_293 = arith.index_cast %scan3A_292 : i32 to index
        %get3A_294 = arith.constant 0 : index
        %get3A_295 = tpu.vector_load %arg9[%get3A_293, %get3A_294] {strides = array<i32>} : memref<200x64xbf16, #tpu.memory_space<vmem>>, vector<32xbf16>,
        %unpack3A_296 = tpu.unpack_subelements %get3A_295, 0 {pack_format = #tpu.pack_format<interleaved>} : vector<32xbf16> -> vector<16xf32>
        %unpack3A_297 = tpu.unpack_subelements %get3A_295, 1 {pack_format = #tpu.pack_format<interleaved>} : vector<32xbf16> -> vector<16xf32>
        %add3A_298 = arith.addf %add3A_282, %unpack3A_296 : vector<16xf32>
        %add3A_299 = arith.addf %add3A_283, %unpack3A_297 : vector<16xf32>
        %get3A_300 = arith.index_cast %scan3A_292 : i32 to index
        %get3A_301 = arith.constant 32 : index
        %get3A_302 = tpu.vector_load %arg9[%get3A_300, %get3A_301] {strides = array<i32>} : memref<200x64xbf16, #tpu.memory_space<vmem>>, vector<32xbf16>,
        %unpack3A_303 = tpu.unpack_subelements %get3A_302, 0 {pack_format = #tpu.pack_format<interleaved>} : vector<32xbf16> -> vector<16xf32>
        %unpack3A_304 = tpu.unpack_subelements %get3A_302, 1 {pack_format = #tpu.pack_format<interleaved>} : vector<32xbf16> -> vector<16xf32>
        %add3A_305 = arith.addf %add3A_289, %unpack3A_303 : vector<16xf32>
        %add3A_306 = arith.addf %add3A_290, %unpack3A_304 : vector<16xf32>
        %scan3A_307 = arith.constant 6 : i32
        %scan3A_308 = arith.addi %scan3A_210, %scan3A_307 : i32
        %get3A_309 = arith.index_cast %scan3A_308 : i32 to index
        %get3A_310 = arith.constant 0 : index
        %get3A_311 = tpu.vector_load %arg9[%get3A_309, %get3A_310] {strides = array<i32>} : memref<200x64xbf16, #tpu.memory_space<vmem>>, vector<32xbf16>,
        %unpack3A_312 = tpu.unpack_subelements %get3A_311, 0 {pack_format = #tpu.pack_format<interleaved>} : vector<32xbf16> -> vector<16xf32>
        %unpack3A_313 = tpu.unpack_subelements %get3A_311, 1 {pack_format = #tpu.pack_format<interleaved>} : vector<32xbf16> -> vector<16xf32>
        %add3A_314 = arith.addf %add3A_298, %unpack3A_312 : vector<16xf32>
        %add3A_315 = arith.addf %add3A_299, %unpack3A_313 : vector<16xf32>
        %get3A_316 = arith.index_cast %scan3A_308 : i32 to index
        %get3A_317 = arith.constant 32 : index
        %get3A_318 = tpu.vector_load %arg9[%get3A_316, %get3A_317] {strides = array<i32>} : memref<200x64xbf16, #tpu.memory_space<vmem>>, vector<32xbf16>,
        %unpack3A_319 = tpu.unpack_subelements %get3A_318, 0 {pack_format = #tpu.pack_format<interleaved>} : vector<32xbf16> -> vector<16xf32>
        %unpack3A_320 = tpu.unpack_subelements %get3A_318, 1 {pack_format = #tpu.pack_format<interleaved>} : vector<32xbf16> -> vector<16xf32>
        %add3A_321 = arith.addf %add3A_305, %unpack3A_319 : vector<16xf32>
        %add3A_322 = arith.addf %add3A_306, %unpack3A_320 : vector<16xf32>
        %scan3A_323 = arith.constant 7 : i32
        %scan3A_324 = arith.addi %scan3A_210, %scan3A_323 : i32
        %get3A_325 = arith.index_cast %scan3A_324 : i32 to index
        %get3A_326 = arith.constant 0 : index
        %get3A_327 = tpu.vector_load %arg9[%get3A_325, %get3A_326] {strides = array<i32>} : memref<200x64xbf16, #tpu.memory_space<vmem>>, vector<32xbf16>,
        %unpack3A_328 = tpu.unpack_subelements %get3A_327, 0 {pack_format = #tpu.pack_format<interleaved>} : vector<32xbf16> -> vector<16xf32>
        %unpack3A_329 = tpu.unpack_subelements %get3A_327, 1 {pack_format = #tpu.pack_format<interleaved>} : vector<32xbf16> -> vector<16xf32>
        %add3A_330 = arith.addf %add3A_314, %unpack3A_328 : vector<16xf32>
        %add3A_331 = arith.addf %add3A_315, %unpack3A_329 : vector<16xf32>
        %get3A_332 = arith.index_cast %scan3A_324 : i32 to index
        %get3A_333 = arith.constant 32 : index
        %get3A_334 = tpu.vector_load %arg9[%get3A_332, %get3A_333] {strides = array<i32>} : memref<200x64xbf16, #tpu.memory_space<vmem>>, vector<32xbf16>,
        %unpack3A_335 = tpu.unpack_subelements %get3A_334, 0 {pack_format = #tpu.pack_format<interleaved>} : vector<32xbf16> -> vector<16xf32>
        %unpack3A_336 = tpu.unpack_subelements %get3A_334, 1 {pack_format = #tpu.pack_format<interleaved>} : vector<32xbf16> -> vector<16xf32>
        %add3A_337 = arith.addf %add3A_321, %unpack3A_335 : vector<16xf32>
        %add3A_338 = arith.addf %add3A_322, %unpack3A_336 : vector<16xf32>
        scf.yield %add3A_330, %add3A_331, %add3A_337, %add3A_338 : vector<16xf32>, vector<16xf32>, vector<16xf32>, vector<16xf32>
      }
      %scan3A_196 = arith.constant 200 : i32
      %swap3A_197 = arith.index_cast %add3A_173 : i32 to index
      %swap3A_198 = arith.constant 0 : index
      %swap3A_199 = tpu.vector_load %arg10[%swap3A_197, %swap3A_198] {strides = array<i32>} : memref<128x64xf32, #tpu.memory_space<vmem>>, vector<16xf32>,
      tpu.vector_store %arg10[%swap3A_197, %swap3A_198], %scan3A_195#0 {strides = array<i32>} : memref<128x64xf32, #tpu.memory_space<vmem>>, vector<16xf32>,
      %swap3A_200 = arith.index_cast %add3A_173 : i32 to index
      %swap3A_201 = arith.constant 16 : index
      %swap3A_202 = tpu.vector_load %arg10[%swap3A_200, %swap3A_201] {strides = array<i32>} : memref<128x64xf32, #tpu.memory_space<vmem>>, vector<16xf32>,
      tpu.vector_store %arg10[%swap3A_200, %swap3A_201], %scan3A_195#1 {strides = array<i32>} : memref<128x64xf32, #tpu.memory_space<vmem>>, vector<16xf32>,
      %swap3A_203 = arith.index_cast %add3A_173 : i32 to index
      %swap3A_204 = arith.constant 32 : index
      %swap3A_205 = tpu.vector_load %arg10[%swap3A_203, %swap3A_204] {strides = array<i32>} : memref<128x64xf32, #tpu.memory_space<vmem>>, vector<16xf32>,
      tpu.vector_store %arg10[%swap3A_203, %swap3A_204], %scan3A_195#2 {strides = array<i32>} : memref<128x64xf32, #tpu.memory_space<vmem>>, vector<16xf32>,
      %swap3A_206 = arith.index_cast %add3A_173 : i32 to index
      %swap3A_207 = arith.constant 48 : index
      %swap3A_208 = tpu.vector_load %arg10[%swap3A_206, %swap3A_207] {strides = array<i32>} : memref<128x64xf32, #tpu.memory_space<vmem>>, vector<16xf32>,
      tpu.vector_store %arg10[%swap3A_206, %swap3A_207], %scan3A_195#3 {strides = array<i32>} : memref<128x64xf32, #tpu.memory_space<vmem>>, vector<16xf32>,
      %scan3A_209 = arith.constant 0 : i32
      scf.yield %scan3A_209 : i32
    }
    %scan3A_57 = arith.constant 32 : i32
    "tpu.region"() ({
      %run_scoped3A = tpu.sem_alloc : memref<!tpu.dma_semaphore, #tpu.memory_space<semaphore_mem>>
      %dma_start3A_58 = arith.constant 0 : i32
      %dma_start3A_59 = tpu.memref_slice %arg4[%mul3A_2, %dma_start3A_58] : memref<4096x64xf32, #tpu.memory_space<hbm>> -> memref<128x64xf32, #tpu.memory_space<hbm>>
      %dma_start3A_60 = arith.constant 0 : i32
      %dma_start3A_61 = tpu.memref_slice %arg4[%mul3A_2, %dma_start3A_60] : memref<4096x64xf32, #tpu.memory_space<hbm>> -> memref<128x64xf32, #tpu.memory_space<hbm>>
      tpu.enqueue_dma source(%arg10 : memref<128x64xf32, #tpu.memory_space<vmem>>) target(%dma_start3A_61 : memref<128x64xf32, #tpu.memory_space<hbm>>) target_semaphore(%run_scoped3A : memref<!tpu.dma_semaphore, #tpu.memory_space<semaphore_mem>>)
      %dma_wait3A = arith.constant 0 : i32
      %dma_wait3A_62 = tpu.memref_slice %arg4[%mul3A_2, %dma_wait3A] : memref<4096x64xf32, #tpu.memory_space<hbm>> -> memref<128x64xf32, #tpu.memory_space<hbm>>
      %dma_wait3A_63 = arith.constant 0 : i32
      %dma_wait3A_64 = tpu.memref_slice %arg4[%mul3A_2, %dma_wait3A_63] : memref<4096x64xf32, #tpu.memory_space<hbm>> -> memref<128x64xf32, #tpu.memory_space<hbm>>
      tpu.wait_dma2 semaphore(%run_scoped3A : memref<!tpu.dma_semaphore, #tpu.memory_space<semaphore_mem>>) src(%arg10 : memref<128x64xf32, #tpu.memory_space<vmem>>) dst(%dma_wait3A_64 : memref<128x64xf32, #tpu.memory_space<hbm>>)
      tpu.yield
    }) : () -> ()
    return
  }
}

#map = affine_map<(d0, d1) -> (0)>
#map1 = affine_map<(d0, d1) -> (0, 0)>
module attributes {stable_mosaic.version = 14 : i64} {
  func.func @sums_kernel(%arg0: i32, %arg1: i32, %arg2: memref<819200xi32, #tpu.memory_space<hbm>>, %arg3: memref<100000x64xbf16, #tpu.memory_space<hbm>>, %arg4: memref<4096x64xf32, #tpu.memory_space<hbm>>, %arg5: memref<25600xi32, #tpu.memory_space<vmem>>, %arg6: memref<200x64xbf16, #tpu.memory_space<vmem>>, %arg7: memref<200x64xbf16, #tpu.memory_space<vmem>>, %arg8: memref<200x64xbf16, #tpu.memory_space<vmem>>, %arg9: memref<200x64xbf16, #tpu.memory_space<vmem>>, %arg10: memref<128x64xf32, #tpu.memory_space<vmem>>, %arg11: memref<!tpu.dma_semaphore, #tpu.memory_space<semaphore_mem>>, %arg12: memref<!tpu.dma_semaphore, #tpu.memory_space<semaphore_mem>>, %arg13: memref<!tpu.dma_semaphore, #tpu.memory_space<semaphore_mem>>, %arg14: memref<!tpu.dma_semaphore, #tpu.memory_space<semaphore_mem>>) attributes {dimension_semantics = [#tpu.dimension_semantics<core_parallel>, #tpu.dimension_semantics<subcore_parallel>], iteration_bounds = array<i64: 2, 16>, scalar_prefetch = 0 : i64, scratch_operands = 10 : i64, tpu.core_type = #tpu.core_type<sc_vector_subcore>, window_params = [{transform_indices = #map}, {transform_indices = #map1}, {transform_indices = #map1}]} {
    %mul3A = arith.constant 2 : i32
    %mul3A_0 = arith.muli %arg1, %mul3A : i32
    %add3A = arith.addi %mul3A_0, %arg0 : i32
    %mul3A_1 = arith.constant 128 : i32
    %mul3A_2 = arith.muli %add3A, %mul3A_1 : i32
    %mul3A_3 = arith.constant 200 : i32
    %mul3A_4 = arith.muli %mul3A_2, %mul3A_3 : i32
    "tpu.region"() ({
      %run_scoped3A = tpu.sem_alloc : memref<!tpu.dma_semaphore, #tpu.memory_space<semaphore_mem>>
      %dma_start3A_58 = tpu.memref_slice %arg2[%mul3A_4] : memref<819200xi32, #tpu.memory_space<hbm>> -> memref<25600xi32, #tpu.memory_space<hbm>>
      %dma_start3A_59 = tpu.memref_slice %arg2[%mul3A_4] : memref<819200xi32, #tpu.memory_space<hbm>> -> memref<25600xi32, #tpu.memory_space<hbm>>
      tpu.enqueue_dma source(%dma_start3A_59 : memref<25600xi32, #tpu.memory_space<hbm>>) target(%arg5 : memref<25600xi32, #tpu.memory_space<vmem>>) target_semaphore(%run_scoped3A : memref<!tpu.dma_semaphore, #tpu.memory_space<semaphore_mem>>)
      %dma_wait3A = tpu.memref_slice %arg2[%mul3A_4] : memref<819200xi32, #tpu.memory_space<hbm>> -> memref<25600xi32, #tpu.memory_space<hbm>>
      %dma_wait3A_60 = tpu.memref_slice %arg2[%mul3A_4] : memref<819200xi32, #tpu.memory_space<hbm>> -> memref<25600xi32, #tpu.memory_space<hbm>>
      tpu.wait_dma2 semaphore(%run_scoped3A : memref<!tpu.dma_semaphore, #tpu.memory_space<semaphore_mem>>) src(%dma_wait3A_60 : memref<25600xi32, #tpu.memory_space<hbm>>) dst(%arg5 : memref<25600xi32, #tpu.memory_space<vmem>>)
      tpu.yield
    }) : () -> ()
    %dma_start3A = arith.constant 0 : i32
    %dma_start3A_5 = arith.constant 0 : i32
    %dma_start3A_6 = tpu.memref_slice %arg6[%dma_start3A, %dma_start3A_5] : memref<200x64xbf16, #tpu.memory_space<vmem>> -> memref<128x64xbf16, #tpu.memory_space<vmem>>
    %dma_start3A_7 = arith.constant 0 : i32
    %dma_start3A_8 = tpu.memref_slice %arg5[%dma_start3A_7] : memref<25600xi32, #tpu.memory_space<vmem>> -> memref<128xi32, #tpu.memory_space<vmem>>
    %dma_start3A_9 = arith.constant 0 : i32
    %dma_start3A_10 = arith.constant 0 : i32
    %dma_start3A_11 = tpu.memref_slice %arg3[%dma_start3A_9, %dma_start3A_10] : memref<100000x64xbf16, #tpu.memory_space<hbm>> -> memref<100000x64xbf16, #tpu.memory_space<hbm>>
    tpu.enqueue_indirect_dma source(%dma_start3A_11 : memref<100000x64xbf16, #tpu.memory_space<hbm>>) target(%dma_start3A_6 : memref<128x64xbf16, #tpu.memory_space<vmem>>) offsets(%dma_start3A_8 : memref<128xi32, #tpu.memory_space<vmem>>) semaphore(%arg11 : memref<!tpu.dma_semaphore, #tpu.memory_space<semaphore_mem>>)
    %dma_start3A_12 = arith.constant 128 : i32
    %dma_start3A_13 = arith.constant 0 : i32
    %dma_start3A_14 = tpu.memref_slice %arg6[%dma_start3A_12, %dma_start3A_13] : memref<200x64xbf16, #tpu.memory_space<vmem>> -> memref<72x64xbf16, #tpu.memory_space<vmem>>
    %dma_start3A_15 = arith.constant 128 : i32
    %dma_start3A_16 = tpu.memref_slice %arg5[%dma_start3A_15] : memref<25600xi32, #tpu.memory_space<vmem>> -> memref<72xi32, #tpu.memory_space<vmem>>
    %dma_start3A_17 = arith.constant 0 : i32
    %dma_start3A_18 = arith.constant 0 : i32
    %dma_start3A_19 = tpu.memref_slice %arg3[%dma_start3A_17, %dma_start3A_18] : memref<100000x64xbf16, #tpu.memory_space<hbm>> -> memref<100000x64xbf16, #tpu.memory_space<hbm>>
    tpu.enqueue_indirect_dma source(%dma_start3A_19 : memref<100000x64xbf16, #tpu.memory_space<hbm>>) target(%dma_start3A_14 : memref<72x64xbf16, #tpu.memory_space<vmem>>) offsets(%dma_start3A_16 : memref<72xi32, #tpu.memory_space<vmem>>) semaphore(%arg11 : memref<!tpu.dma_semaphore, #tpu.memory_space<semaphore_mem>>)
    %dma_start3A_20 = arith.constant 0 : i32
    %dma_start3A_21 = arith.constant 0 : i32
    %dma_start3A_22 = tpu.memref_slice %arg7[%dma_start3A_20, %dma_start3A_21] : memref<200x64xbf16, #tpu.memory_space<vmem>> -> memref<128x64xbf16, #tpu.memory_space<vmem>>
    %dma_start3A_23 = arith.constant 200 : i32
    %dma_start3A_24 = tpu.memref_slice %arg5[%dma_start3A_23] : memref<25600xi32, #tpu.memory_space<vmem>> -> memref<128xi32, #tpu.memory_space<vmem>>
    %dma_start3A_25 = arith.constant 0 : i32
    %dma_start3A_26 = arith.constant 0 : i32
    %dma_start3A_27 = tpu.memref_slice %arg3[%dma_start3A_25, %dma_start3A_26] : memref<100000x64xbf16, #tpu.memory_space<hbm>> -> memref<100000x64xbf16, #tpu.memory_space<hbm>>
    tpu.enqueue_indirect_dma source(%dma_start3A_27 : memref<100000x64xbf16, #tpu.memory_space<hbm>>) target(%dma_start3A_22 : memref<128x64xbf16, #tpu.memory_space<vmem>>) offsets(%dma_start3A_24 : memref<128xi32, #tpu.memory_space<vmem>>) semaphore(%arg12 : memref<!tpu.dma_semaphore, #tpu.memory_space<semaphore_mem>>)
    %dma_start3A_28 = arith.constant 128 : i32
    %dma_start3A_29 = arith.constant 0 : i32
    %dma_start3A_30 = tpu.memref_slice %arg7[%dma_start3A_28, %dma_start3A_29] : memref<200x64xbf16, #tpu.memory_space<vmem>> -> memref<72x64xbf16, #tpu.memory_space<vmem>>
    %dma_start3A_31 = arith.constant 328 : i32
    %dma_start3A_32 = tpu.memref_slice %arg5[%dma_start3A_31] : memref<25600xi32, #tpu.memory_space<vmem>> -> memref<72xi32, #tpu.memory_space<vmem>>
    %dma_start3A_33 = arith.constant 0 : i32
    %dma_start3A_34 = arith.constant 0 : i32
    %dma_start3A_35 = tpu.memref_slice %arg3[%dma_start3A_33, %dma_start3A_34] : memref<100000x64xbf16, #tpu.memory_space<hbm>> -> memref<100000x64xbf16, #tpu.memory_space<hbm>>
    tpu.enqueue_indirect_dma source(%dma_start3A_35 : memref<100000x64xbf16, #tpu.memory_space<hbm>>) target(%dma_start3A_30 : memref<72x64xbf16, #tpu.memory_space<vmem>>) offsets(%dma_start3A_32 : memref<72xi32, #tpu.memory_space<vmem>>) semaphore(%arg12 : memref<!tpu.dma_semaphore, #tpu.memory_space<semaphore_mem>>)
    %dma_start3A_36 = arith.constant 0 : i32
    %dma_start3A_37 = arith.constant 0 : i32
    %dma_start3A_38 = tpu.memref_slice %arg8[%dma_start3A_36, %dma_start3A_37] : memref<200x64xbf16, #tpu.memory_space<vmem>> -> memref<128x64xbf16, #tpu.memory_space<vmem>>
    %dma_start3A_39 = arith.constant 400 : i32
    %dma_start3A_40 = tpu.memref_slice %arg5[%dma_start3A_39] : memref<25600xi32, #tpu.memory_space<vmem>> -> memref<128xi32, #tpu.memory_space<vmem>>
    %dma_start3A_41 = arith.constant 0 : i32
    %dma_start3A_42 = arith.constant 0 : i32
    %dma_start3A_43 = tpu.memref_slice %arg3[%dma_start3A_41, %dma_start3A_42] : memref<100000x64xbf16, #tpu.memory_space<hbm>> -> memref<100000x64xbf16, #tpu.memory_space<hbm>>
    tpu.enqueue_indirect_dma source(%dma_start3A_43 : memref<100000x64xbf16, #tpu.memory_space<hbm>>) target(%dma_start3A_38 : memref<128x64xbf16, #tpu.memory_space<vmem>>) offsets(%dma_start3A_40 : memref<128xi32, #tpu.memory_space<vmem>>) semaphore(%arg13 : memref<!tpu.dma_semaphore, #tpu.memory_space<semaphore_mem>>)
    %dma_start3A_44 = arith.constant 128 : i32
    %dma_start3A_45 = arith.constant 0 : i32
    %dma_start3A_46 = tpu.memref_slice %arg8[%dma_start3A_44, %dma_start3A_45] : memref<200x64xbf16, #tpu.memory_space<vmem>> -> memref<72x64xbf16, #tpu.memory_space<vmem>>
    %dma_start3A_47 = arith.constant 528 : i32
    %dma_start3A_48 = tpu.memref_slice %arg5[%dma_start3A_47] : memref<25600xi32, #tpu.memory_space<vmem>> -> memref<72xi32, #tpu.memory_space<vmem>>
    %dma_start3A_49 = arith.constant 0 : i32
    %dma_start3A_50 = arith.constant 0 : i32
    %dma_start3A_51 = tpu.memref_slice %arg3[%dma_start3A_49, %dma_start3A_50] : memref<100000x64xbf16, #tpu.memory_space<hbm>> -> memref<100000x64xbf16, #tpu.memory_space<hbm>>
    tpu.enqueue_indirect_dma source(%dma_start3A_51 : memref<100000x64xbf16, #tpu.memory_space<hbm>>) target(%dma_start3A_46 : memref<72x64xbf16, #tpu.memory_space<vmem>>) offsets(%dma_start3A_48 : memref<72xi32, #tpu.memory_space<vmem>>) semaphore(%arg13 : memref<!tpu.dma_semaphore, #tpu.memory_space<semaphore_mem>>)
    %scan3A = arith.constant 0 : i32
    %scan3A_52 = arith.constant 0 : i32
    %scan3A_53 = arith.constant 32 : i32
    %scan3A_54 = arith.addi %scan3A_52, %scan3A_53 : i32
    %scan3A_55 = arith.constant 1 : i32
    %scan3A_56 = scf.for %scan3A_58 = %scan3A_52 to %scan3A_54 step %scan3A_55 iter_args(%scan3A_59 = %scan3A) -> (i32)  : i32 {
      %mul3A_60 = arith.constant 4 : i32
      %mul3A_61 = arith.muli %mul3A_60, %scan3A_58 : i32
      %add3A_62 = arith.constant 0 : i32
      %add3A_63 = arith.addi %mul3A_61, %add3A_62 : i32
      %add3A_64 = arith.constant 4 : i32
      %add3A_65 = arith.addi %add3A_63, %add3A_64 : i32
      %sub3A = arith.constant 1 : i32
      %sub3A_66 = arith.subi %add3A_65, %sub3A : i32
      %lt3A = arith.constant 128 : i32
      %lt3A_67 = arith.cmpi slt, %sub3A_66, %lt3A : i32
      %convert_element_type3A = arith.extui %lt3A_67 : i1 to i32
      %cond3A = arith.constant 0 : i32
      %cond3A_68 = arith.cmpi ne, %convert_element_type3A, %cond3A : i32
      scf.if %cond3A_68 {
        %add3A_210 = arith.constant 4 : i32
        %add3A_211 = arith.addi %add3A_63, %add3A_210 : i32
        %sub3A_212 = arith.constant 1 : i32
        %sub3A_213 = arith.subi %add3A_211, %sub3A_212 : i32
        %mul3A_214 = arith.constant 200 : i32
        %mul3A_215 = arith.muli %sub3A_213, %mul3A_214 : i32
        %dma_start3A_216 = arith.constant 0 : i32
        %dma_start3A_217 = arith.constant 0 : i32
        %dma_start3A_218 = tpu.memref_slice %arg9[%dma_start3A_216, %dma_start3A_217] : memref<200x64xbf16, #tpu.memory_space<vmem>> -> memref<128x64xbf16, #tpu.memory_space<vmem>>
        %dma_start3A_219 = tpu.memref_slice %arg5[%mul3A_215] : memref<25600xi32, #tpu.memory_space<vmem>> -> memref<128xi32, #tpu.memory_space<vmem>>
        %dma_start3A_220 = arith.constant 0 : i32
        %dma_start3A_221 = arith.constant 0 : i32
        %dma_start3A_222 = tpu.memref_slice %arg3[%dma_start3A_220, %dma_start3A_221] : memref<100000x64xbf16, #tpu.memory_space<hbm>> -> memref<100000x64xbf16, #tpu.memory_space<hbm>>
        tpu.enqueue_indirect_dma source(%dma_start3A_222 : memref<100000x64xbf16, #tpu.memory_space<hbm>>) target(%dma_start3A_218 : memref<128x64xbf16, #tpu.memory_space<vmem>>) offsets(%dma_start3A_219 : memref<128xi32, #tpu.memory_space<vmem>>) semaphore(%arg14 : memref<!tpu.dma_semaphore, #tpu.memory_space<semaphore_mem>>)
        %mul3A_223 = arith.constant 200 : i32
        %mul3A_224 = arith.muli %sub3A_213, %mul3A_223 : i32
        %add3A_225 = arith.constant 128 : i32
        %add3A_226 = arith.addi %mul3A_224, %add3A_225 : i32
        %dma_start3A_227 = arith.constant 128 : i32
        %dma_start3A_228 = arith.constant 0 : i32
        %dma_start3A_229 = tpu.memref_slice %arg9[%dma_start3A_227, %dma_start3A_228] : memref<200x64xbf16, #tpu.memory_space<vmem>> -> memref<72x64xbf16, #tpu.memory_space<vmem>>
        %dma_start3A_230 = tpu.memref_slice %arg5[%add3A_226] : memref<25600xi32, #tpu.memory_space<vmem>> -> memref<72xi32, #tpu.memory_space<vmem>>
        %dma_start3A_231 = arith.constant 0 : i32
        %dma_start3A_232 = arith.constant 0 : i32
        %dma_start3A_233 = tpu.memref_slice %arg3[%dma_start3A_231, %dma_start3A_232] : memref<100000x64xbf16, #tpu.memory_space<hbm>> -> memref<100000x64xbf16, #tpu.memory_space<hbm>>
        tpu.enqueue_indirect_dma source(%dma_start3A_233 : memref<100000x64xbf16, #tpu.memory_space<hbm>>) target(%dma_start3A_229 : memref<72x64xbf16, #tpu.memory_space<vmem>>) offsets(%dma_start3A_230 : memref<72xi32, #tpu.memory_space<vmem>>) semaphore(%arg14 : memref<!tpu.dma_semaphore, #tpu.memory_space<semaphore_mem>>)
      } else {
      }
      %dma_wait3A = arith.constant 0 : i32
      %dma_wait3A_69 = arith.constant 0 : i32
      %dma_wait3A_70 = tpu.memref_slice %arg3[%dma_wait3A, %dma_wait3A_69] : memref<100000x64xbf16, #tpu.memory_space<hbm>> -> memref<200x64xbf16, #tpu.memory_space<hbm>>
      %dma_wait3A_71 = arith.constant 0 : i32
      %dma_wait3A_72 = arith.constant 0 : i32
      %dma_wait3A_73 = tpu.memref_slice %arg3[%dma_wait3A_71, %dma_wait3A_72] : memref<100000x64xbf16, #tpu.memory_space<hbm>> -> memref<200x64xbf16, #tpu.memory_space<hbm>>
      tpu.wait_dma2 semaphore(%arg11 : memref<!tpu.dma_semaphore, #tpu.memory_space<semaphore_mem>>) src(%dma_wait3A_73 : memref<200x64xbf16, #tpu.memory_space<hbm>>) dst(%arg6 : memref<200x64xbf16, #tpu.memory_space<vmem>>)
      %broadcast_in_dim3A = arith.constant 0.000000e+00 : f32
      %broadcast_in_dim3A_74 = vector.broadcast %broadcast_in_dim3A : f32 to vector<16xf32>
      %scan3A_75 = arith.constant 0 : i32
      %scan3A_76 = arith.constant 200 : i32
      %scan3A_77 = arith.addi %scan3A_75, %scan3A_76 : i32
      %scan3A_78 = arith.constant 8 : i32
      %scan3A_79:4 = scf.for %scan3A_210 = %scan3A_75 to %scan3A_77 step %scan3A_78 iter_args(%scan3A_211 = %broadcast_in_dim3A_74, %scan3A_212 = %broadcast_in_dim3A_74, %scan3A_213 = %broadcast_in_dim3A_74, %scan3A_214 = %broadcast_in_dim3A_74) -> (vector<16xf32>, vector<16xf32>, vector<16xf32>, vector<16xf32>)  : i32 {
        %get3A = arith.index_cast %scan3A_210 : i32 to index
        %get3A_215 = arith.constant 0 : index
        %get3A_216 = tpu.vector_load %arg6[%get3A, %get3A_215] {strides = array<i32>} : memref<200x64xbf16, #tpu.memory_space<vmem>>, vector<32xbf16>,
        %unpack3A = tpu.unpack_subelements %get3A_216, 0 {pack_format = #tpu.pack_format<interleaved>} : vector<32xbf16> -> vector<16xf32>
        %unpack3A_217 = tpu.unpack_subelements %get3A_216, 1 {pack_format = #tpu.pack_format<interleaved>} : vector<32xbf16> -> vector<16xf32>
        %add3A_218 = arith.addf %scan3A_211, %unpack3A : vector<16xf32>
        %add3A_219 = arith.addf %scan3A_212, %unpack3A_217 : vector<16xf32>
        %get3A_220 = arith.index_cast %scan3A_210 : i32 to index
        %get3A_221 = arith.constant 32 : index
        %get3A_222 = tpu.vector_load %arg6[%get3A_220, %get3A_221] {strides = array<i32>} : memref<200x64xbf16, #tpu.memory_space<vmem>>, vector<32xbf16>,
        %unpack3A_223 = tpu.unpack_subelements %get3A_222, 0 {pack_format = #tpu.pack_format<interleaved>} : vector<32xbf16> -> vector<16xf32>
        %unpack3A_224 = tpu.unpack_subelements %get3A_222, 1 {pack_format = #tpu.pack_format<interleaved>} : vector<32xbf16> -> vector<16xf32>
        %add3A_225 = arith.addf %scan3A_213, %unpack3A_223 : vector<16xf32>
        %add3A_226 = arith.addf %scan3A_214, %unpack3A_224 : vector<16xf32>
        %scan3A_227 = arith.constant 1 : i32
        %scan3A_228 = arith.addi %scan3A_210, %scan3A_227 : i32
        %get3A_229 = arith.index_cast %scan3A_228 : i32 to index
        %get3A_230 = arith.constant 0 : index
        %get3A_231 = tpu.vector_load %arg6[%get3A_229, %get3A_230] {strides = array<i32>} : memref<200x64xbf16, #tpu.memory_space<vmem>>, vector<32xbf16>,
        %unpack3A_232 = tpu.unpack_subelements %get3A_231, 0 {pack_format = #tpu.pack_format<interleaved>} : vector<32xbf16> -> vector<16xf32>
        %unpack3A_233 = tpu.unpack_subelements %get3A_231, 1 {pack_format = #tpu.pack_format<interleaved>} : vector<32xbf16> -> vector<16xf32>
        %add3A_234 = arith.addf %add3A_218, %unpack3A_232 : vector<16xf32>
        %add3A_235 = arith.addf %add3A_219, %unpack3A_233 : vector<16xf32>
        %get3A_236 = arith.index_cast %scan3A_228 : i32 to index
        %get3A_237 = arith.constant 32 : index
        %get3A_238 = tpu.vector_load %arg6[%get3A_236, %get3A_237] {strides = array<i32>} : memref<200x64xbf16, #tpu.memory_space<vmem>>, vector<32xbf16>,
        %unpack3A_239 = tpu.unpack_subelements %get3A_238, 0 {pack_format = #tpu.pack_format<interleaved>} : vector<32xbf16> -> vector<16xf32>
        %unpack3A_240 = tpu.unpack_subelements %get3A_238, 1 {pack_format = #tpu.pack_format<interleaved>} : vector<32xbf16> -> vector<16xf32>
        %add3A_241 = arith.addf %add3A_225, %unpack3A_239 : vector<16xf32>
        %add3A_242 = arith.addf %add3A_226, %unpack3A_240 : vector<16xf32>
        %scan3A_243 = arith.constant 2 : i32
        %scan3A_244 = arith.addi %scan3A_210, %scan3A_243 : i32
        %get3A_245 = arith.index_cast %scan3A_244 : i32 to index
        %get3A_246 = arith.constant 0 : index
        %get3A_247 = tpu.vector_load %arg6[%get3A_245, %get3A_246] {strides = array<i32>} : memref<200x64xbf16, #tpu.memory_space<vmem>>, vector<32xbf16>,
        %unpack3A_248 = tpu.unpack_subelements %get3A_247, 0 {pack_format = #tpu.pack_format<interleaved>} : vector<32xbf16> -> vector<16xf32>
        %unpack3A_249 = tpu.unpack_subelements %get3A_247, 1 {pack_format = #tpu.pack_format<interleaved>} : vector<32xbf16> -> vector<16xf32>
        %add3A_250 = arith.addf %add3A_234, %unpack3A_248 : vector<16xf32>
        %add3A_251 = arith.addf %add3A_235, %unpack3A_249 : vector<16xf32>
        %get3A_252 = arith.index_cast %scan3A_244 : i32 to index
        %get3A_253 = arith.constant 32 : index
        %get3A_254 = tpu.vector_load %arg6[%get3A_252, %get3A_253] {strides = array<i32>} : memref<200x64xbf16, #tpu.memory_space<vmem>>, vector<32xbf16>,
        %unpack3A_255 = tpu.unpack_subelements %get3A_254, 0 {pack_format = #tpu.pack_format<interleaved>} : vector<32xbf16> -> vector<16xf32>
        %unpack3A_256 = tpu.unpack_subelements %get3A_254, 1 {pack_format = #tpu.pack_format<interleaved>} : vector<32xbf16> -> vector<16xf32>
        %add3A_257 = arith.addf %add3A_241, %unpack3A_255 : vector<16xf32>
        %add3A_258 = arith.addf %add3A_242, %unpack3A_256 : vector<16xf32>
        %scan3A_259 = arith.constant 3 : i32
        %scan3A_260 = arith.addi %scan3A_210, %scan3A_259 : i32
        %get3A_261 = arith.index_cast %scan3A_260 : i32 to index
        %get3A_262 = arith.constant 0 : index
        %get3A_263 = tpu.vector_load %arg6[%get3A_261, %get3A_262] {strides = array<i32>} : memref<200x64xbf16, #tpu.memory_space<vmem>>, vector<32xbf16>,
        %unpack3A_264 = tpu.unpack_subelements %get3A_263, 0 {pack_format = #tpu.pack_format<interleaved>} : vector<32xbf16> -> vector<16xf32>
        %unpack3A_265 = tpu.unpack_subelements %get3A_263, 1 {pack_format = #tpu.pack_format<interleaved>} : vector<32xbf16> -> vector<16xf32>
        %add3A_266 = arith.addf %add3A_250, %unpack3A_264 : vector<16xf32>
        %add3A_267 = arith.addf %add3A_251, %unpack3A_265 : vector<16xf32>
        %get3A_268 = arith.index_cast %scan3A_260 : i32 to index
        %get3A_269 = arith.constant 32 : index
        %get3A_270 = tpu.vector_load %arg6[%get3A_268, %get3A_269] {strides = array<i32>} : memref<200x64xbf16, #tpu.memory_space<vmem>>, vector<32xbf16>,
        %unpack3A_271 = tpu.unpack_subelements %get3A_270, 0 {pack_format = #tpu.pack_format<interleaved>} : vector<32xbf16> -> vector<16xf32>
        %unpack3A_272 = tpu.unpack_subelements %get3A_270, 1 {pack_format = #tpu.pack_format<interleaved>} : vector<32xbf16> -> vector<16xf32>
        %add3A_273 = arith.addf %add3A_257, %unpack3A_271 : vector<16xf32>
        %add3A_274 = arith.addf %add3A_258, %unpack3A_272 : vector<16xf32>
        %scan3A_275 = arith.constant 4 : i32
        %scan3A_276 = arith.addi %scan3A_210, %scan3A_275 : i32
        %get3A_277 = arith.index_cast %scan3A_276 : i32 to index
        %get3A_278 = arith.constant 0 : index
        %get3A_279 = tpu.vector_load %arg6[%get3A_277, %get3A_278] {strides = array<i32>} : memref<200x64xbf16, #tpu.memory_space<vmem>>, vector<32xbf16>,
        %unpack3A_280 = tpu.unpack_subelements %get3A_279, 0 {pack_format = #tpu.pack_format<interleaved>} : vector<32xbf16> -> vector<16xf32>
        %unpack3A_281 = tpu.unpack_subelements %get3A_279, 1 {pack_format = #tpu.pack_format<interleaved>} : vector<32xbf16> -> vector<16xf32>
        %add3A_282 = arith.addf %add3A_266, %unpack3A_280 : vector<16xf32>
        %add3A_283 = arith.addf %add3A_267, %unpack3A_281 : vector<16xf32>
        %get3A_284 = arith.index_cast %scan3A_276 : i32 to index
        %get3A_285 = arith.constant 32 : index
        %get3A_286 = tpu.vector_load %arg6[%get3A_284, %get3A_285] {strides = array<i32>} : memref<200x64xbf16, #tpu.memory_space<vmem>>, vector<32xbf16>,
        %unpack3A_287 = tpu.unpack_subelements %get3A_286, 0 {pack_format = #tpu.pack_format<interleaved>} : vector<32xbf16> -> vector<16xf32>
        %unpack3A_288 = tpu.unpack_subelements %get3A_286, 1 {pack_format = #tpu.pack_format<interleaved>} : vector<32xbf16> -> vector<16xf32>
        %add3A_289 = arith.addf %add3A_273, %unpack3A_287 : vector<16xf32>
        %add3A_290 = arith.addf %add3A_274, %unpack3A_288 : vector<16xf32>
        %scan3A_291 = arith.constant 5 : i32
        %scan3A_292 = arith.addi %scan3A_210, %scan3A_291 : i32
        %get3A_293 = arith.index_cast %scan3A_292 : i32 to index
        %get3A_294 = arith.constant 0 : index
        %get3A_295 = tpu.vector_load %arg6[%get3A_293, %get3A_294] {strides = array<i32>} : memref<200x64xbf16, #tpu.memory_space<vmem>>, vector<32xbf16>,
        %unpack3A_296 = tpu.unpack_subelements %get3A_295, 0 {pack_format = #tpu.pack_format<interleaved>} : vector<32xbf16> -> vector<16xf32>
        %unpack3A_297 = tpu.unpack_subelements %get3A_295, 1 {pack_format = #tpu.pack_format<interleaved>} : vector<32xbf16> -> vector<16xf32>
        %add3A_298 = arith.addf %add3A_282, %unpack3A_296 : vector<16xf32>
        %add3A_299 = arith.addf %add3A_283, %unpack3A_297 : vector<16xf32>
        %get3A_300 = arith.index_cast %scan3A_292 : i32 to index
        %get3A_301 = arith.constant 32 : index
        %get3A_302 = tpu.vector_load %arg6[%get3A_300, %get3A_301] {strides = array<i32>} : memref<200x64xbf16, #tpu.memory_space<vmem>>, vector<32xbf16>,
        %unpack3A_303 = tpu.unpack_subelements %get3A_302, 0 {pack_format = #tpu.pack_format<interleaved>} : vector<32xbf16> -> vector<16xf32>
        %unpack3A_304 = tpu.unpack_subelements %get3A_302, 1 {pack_format = #tpu.pack_format<interleaved>} : vector<32xbf16> -> vector<16xf32>
        %add3A_305 = arith.addf %add3A_289, %unpack3A_303 : vector<16xf32>
        %add3A_306 = arith.addf %add3A_290, %unpack3A_304 : vector<16xf32>
        %scan3A_307 = arith.constant 6 : i32
        %scan3A_308 = arith.addi %scan3A_210, %scan3A_307 : i32
        %get3A_309 = arith.index_cast %scan3A_308 : i32 to index
        %get3A_310 = arith.constant 0 : index
        %get3A_311 = tpu.vector_load %arg6[%get3A_309, %get3A_310] {strides = array<i32>} : memref<200x64xbf16, #tpu.memory_space<vmem>>, vector<32xbf16>,
        %unpack3A_312 = tpu.unpack_subelements %get3A_311, 0 {pack_format = #tpu.pack_format<interleaved>} : vector<32xbf16> -> vector<16xf32>
        %unpack3A_313 = tpu.unpack_subelements %get3A_311, 1 {pack_format = #tpu.pack_format<interleaved>} : vector<32xbf16> -> vector<16xf32>
        %add3A_314 = arith.addf %add3A_298, %unpack3A_312 : vector<16xf32>
        %add3A_315 = arith.addf %add3A_299, %unpack3A_313 : vector<16xf32>
        %get3A_316 = arith.index_cast %scan3A_308 : i32 to index
        %get3A_317 = arith.constant 32 : index
        %get3A_318 = tpu.vector_load %arg6[%get3A_316, %get3A_317] {strides = array<i32>} : memref<200x64xbf16, #tpu.memory_space<vmem>>, vector<32xbf16>,
        %unpack3A_319 = tpu.unpack_subelements %get3A_318, 0 {pack_format = #tpu.pack_format<interleaved>} : vector<32xbf16> -> vector<16xf32>
        %unpack3A_320 = tpu.unpack_subelements %get3A_318, 1 {pack_format = #tpu.pack_format<interleaved>} : vector<32xbf16> -> vector<16xf32>
        %add3A_321 = arith.addf %add3A_305, %unpack3A_319 : vector<16xf32>
        %add3A_322 = arith.addf %add3A_306, %unpack3A_320 : vector<16xf32>
        %scan3A_323 = arith.constant 7 : i32
        %scan3A_324 = arith.addi %scan3A_210, %scan3A_323 : i32
        %get3A_325 = arith.index_cast %scan3A_324 : i32 to index
        %get3A_326 = arith.constant 0 : index
        %get3A_327 = tpu.vector_load %arg6[%get3A_325, %get3A_326] {strides = array<i32>} : memref<200x64xbf16, #tpu.memory_space<vmem>>, vector<32xbf16>,
        %unpack3A_328 = tpu.unpack_subelements %get3A_327, 0 {pack_format = #tpu.pack_format<interleaved>} : vector<32xbf16> -> vector<16xf32>
        %unpack3A_329 = tpu.unpack_subelements %get3A_327, 1 {pack_format = #tpu.pack_format<interleaved>} : vector<32xbf16> -> vector<16xf32>
        %add3A_330 = arith.addf %add3A_314, %unpack3A_328 : vector<16xf32>
        %add3A_331 = arith.addf %add3A_315, %unpack3A_329 : vector<16xf32>
        %get3A_332 = arith.index_cast %scan3A_324 : i32 to index
        %get3A_333 = arith.constant 32 : index
        %get3A_334 = tpu.vector_load %arg6[%get3A_332, %get3A_333] {strides = array<i32>} : memref<200x64xbf16, #tpu.memory_space<vmem>>, vector<32xbf16>,
        %unpack3A_335 = tpu.unpack_subelements %get3A_334, 0 {pack_format = #tpu.pack_format<interleaved>} : vector<32xbf16> -> vector<16xf32>
        %unpack3A_336 = tpu.unpack_subelements %get3A_334, 1 {pack_format = #tpu.pack_format<interleaved>} : vector<32xbf16> -> vector<16xf32>
        %add3A_337 = arith.addf %add3A_321, %unpack3A_335 : vector<16xf32>
        %add3A_338 = arith.addf %add3A_322, %unpack3A_336 : vector<16xf32>
        scf.yield %add3A_330, %add3A_331, %add3A_337, %add3A_338 : vector<16xf32>, vector<16xf32>, vector<16xf32>, vector<16xf32>
      }
      %scan3A_80 = arith.constant 200 : i32
      %swap3A = arith.index_cast %add3A_63 : i32 to index
      %swap3A_81 = arith.constant 0 : index
      %swap3A_82 = tpu.vector_load %arg10[%swap3A, %swap3A_81] {strides = array<i32>} : memref<128x64xf32, #tpu.memory_space<vmem>>, vector<16xf32>,
      tpu.vector_store %arg10[%swap3A, %swap3A_81], %scan3A_79#0 {strides = array<i32>} : memref<128x64xf32, #tpu.memory_space<vmem>>, vector<16xf32>,
      %swap3A_83 = arith.index_cast %add3A_63 : i32 to index
      %swap3A_84 = arith.constant 16 : index
      %swap3A_85 = tpu.vector_load %arg10[%swap3A_83, %swap3A_84] {strides = array<i32>} : memref<128x64xf32, #tpu.memory_space<vmem>>, vector<16xf32>,
      tpu.vector_store %arg10[%swap3A_83, %swap3A_84], %scan3A_79#1 {strides = array<i32>} : memref<128x64xf32, #tpu.memory_space<vmem>>, vector<16xf32>,
      %swap3A_86 = arith.index_cast %add3A_63 : i32 to index
      %swap3A_87 = arith.constant 32 : index
      %swap3A_88 = tpu.vector_load %arg10[%swap3A_86, %swap3A_87] {strides = array<i32>} : memref<128x64xf32, #tpu.memory_space<vmem>>, vector<16xf32>,
      tpu.vector_store %arg10[%swap3A_86, %swap3A_87], %scan3A_79#2 {strides = array<i32>} : memref<128x64xf32, #tpu.memory_space<vmem>>, vector<16xf32>,
      %swap3A_89 = arith.index_cast %add3A_63 : i32 to index
      %swap3A_90 = arith.constant 48 : index
      %swap3A_91 = tpu.vector_load %arg10[%swap3A_89, %swap3A_90] {strides = array<i32>} : memref<128x64xf32, #tpu.memory_space<vmem>>, vector<16xf32>,
      tpu.vector_store %arg10[%swap3A_89, %swap3A_90], %scan3A_79#3 {strides = array<i32>} : memref<128x64xf32, #tpu.memory_space<vmem>>, vector<16xf32>,
      %mul3A_92 = arith.constant 4 : i32
      %mul3A_93 = arith.muli %mul3A_92, %scan3A_58 : i32
      %add3A_94 = arith.constant 1 : i32
      %add3A_95 = arith.addi %mul3A_93, %add3A_94 : i32
      %add3A_96 = arith.constant 4 : i32
      %add3A_97 = arith.addi %add3A_95, %add3A_96 : i32
      %sub3A_98 = arith.constant 1 : i32
      %sub3A_99 = arith.subi %add3A_97, %sub3A_98 : i32
      %lt3A_100 = arith.constant 128 : i32
      %lt3A_101 = arith.cmpi slt, %sub3A_99, %lt3A_100 : i32
      %convert_element_type3A_102 = arith.extui %lt3A_101 : i1 to i32
      %cond3A_103 = arith.constant 0 : i32
      %cond3A_104 = arith.cmpi ne, %convert_element_type3A_102, %cond3A_103 : i32
      scf.if %cond3A_104 {
        %add3A_210 = arith.constant 4 : i32
        %add3A_211 = arith.addi %add3A_95, %add3A_210 : i32
        %sub3A_212 = arith.constant 1 : i32
        %sub3A_213 = arith.subi %add3A_211, %sub3A_212 : i32
        %mul3A_214 = arith.constant 200 : i32
        %mul3A_215 = arith.muli %sub3A_213, %mul3A_214 : i32
        %dma_start3A_216 = arith.constant 0 : i32
        %dma_start3A_217 = arith.constant 0 : i32
        %dma_start3A_218 = tpu.memref_slice %arg6[%dma_start3A_216, %dma_start3A_217] : memref<200x64xbf16, #tpu.memory_space<vmem>> -> memref<128x64xbf16, #tpu.memory_space<vmem>>
        %dma_start3A_219 = tpu.memref_slice %arg5[%mul3A_215] : memref<25600xi32, #tpu.memory_space<vmem>> -> memref<128xi32, #tpu.memory_space<vmem>>
        %dma_start3A_220 = arith.constant 0 : i32
        %dma_start3A_221 = arith.constant 0 : i32
        %dma_start3A_222 = tpu.memref_slice %arg3[%dma_start3A_220, %dma_start3A_221] : memref<100000x64xbf16, #tpu.memory_space<hbm>> -> memref<100000x64xbf16, #tpu.memory_space<hbm>>
        tpu.enqueue_indirect_dma source(%dma_start3A_222 : memref<100000x64xbf16, #tpu.memory_space<hbm>>) target(%dma_start3A_218 : memref<128x64xbf16, #tpu.memory_space<vmem>>) offsets(%dma_start3A_219 : memref<128xi32, #tpu.memory_space<vmem>>) semaphore(%arg11 : memref<!tpu.dma_semaphore, #tpu.memory_space<semaphore_mem>>)
        %mul3A_223 = arith.constant 200 : i32
        %mul3A_224 = arith.muli %sub3A_213, %mul3A_223 : i32
        %add3A_225 = arith.constant 128 : i32
        %add3A_226 = arith.addi %mul3A_224, %add3A_225 : i32
        %dma_start3A_227 = arith.constant 128 : i32
        %dma_start3A_228 = arith.constant 0 : i32
        %dma_start3A_229 = tpu.memref_slice %arg6[%dma_start3A_227, %dma_start3A_228] : memref<200x64xbf16, #tpu.memory_space<vmem>> -> memref<72x64xbf16, #tpu.memory_space<vmem>>
        %dma_start3A_230 = tpu.memref_slice %arg5[%add3A_226] : memref<25600xi32, #tpu.memory_space<vmem>> -> memref<72xi32, #tpu.memory_space<vmem>>
        %dma_start3A_231 = arith.constant 0 : i32
        %dma_start3A_232 = arith.constant 0 : i32
        %dma_start3A_233 = tpu.memref_slice %arg3[%dma_start3A_231, %dma_start3A_232] : memref<100000x64xbf16, #tpu.memory_space<hbm>> -> memref<100000x64xbf16, #tpu.memory_space<hbm>>
        tpu.enqueue_indirect_dma source(%dma_start3A_233 : memref<100000x64xbf16, #tpu.memory_space<hbm>>) target(%dma_start3A_229 : memref<72x64xbf16, #tpu.memory_space<vmem>>) offsets(%dma_start3A_230 : memref<72xi32, #tpu.memory_space<vmem>>) semaphore(%arg11 : memref<!tpu.dma_semaphore, #tpu.memory_space<semaphore_mem>>)
      } else {
      }
      %dma_wait3A_105 = arith.constant 0 : i32
      %dma_wait3A_106 = arith.constant 0 : i32
      %dma_wait3A_107 = tpu.memref_slice %arg3[%dma_wait3A_105, %dma_wait3A_106] : memref<100000x64xbf16, #tpu.memory_space<hbm>> -> memref<200x64xbf16, #tpu.memory_space<hbm>>
      %dma_wait3A_108 = arith.constant 0 : i32
      %dma_wait3A_109 = arith.constant 0 : i32
      %dma_wait3A_110 = tpu.memref_slice %arg3[%dma_wait3A_108, %dma_wait3A_109] : memref<100000x64xbf16, #tpu.memory_space<hbm>> -> memref<200x64xbf16, #tpu.memory_space<hbm>>
      tpu.wait_dma2 semaphore(%arg12 : memref<!tpu.dma_semaphore, #tpu.memory_space<semaphore_mem>>) src(%dma_wait3A_110 : memref<200x64xbf16, #tpu.memory_space<hbm>>) dst(%arg7 : memref<200x64xbf16, #tpu.memory_space<vmem>>)
      %broadcast_in_dim3A_111 = arith.constant 0.000000e+00 : f32
      %broadcast_in_dim3A_112 = vector.broadcast %broadcast_in_dim3A_111 : f32 to vector<16xf32>
      %scan3A_113 = arith.constant 0 : i32
      %scan3A_114 = arith.constant 200 : i32
      %scan3A_115 = arith.addi %scan3A_113, %scan3A_114 : i32
      %scan3A_116 = arith.constant 8 : i32
      %scan3A_117:4 = scf.for %scan3A_210 = %scan3A_113 to %scan3A_115 step %scan3A_116 iter_args(%scan3A_211 = %broadcast_in_dim3A_112, %scan3A_212 = %broadcast_in_dim3A_112, %scan3A_213 = %broadcast_in_dim3A_112, %scan3A_214 = %broadcast_in_dim3A_112) -> (vector<16xf32>, vector<16xf32>, vector<16xf32>, vector<16xf32>)  : i32 {
        %get3A = arith.index_cast %scan3A_210 : i32 to index
        %get3A_215 = arith.constant 0 : index
        %get3A_216 = tpu.vector_load %arg7[%get3A, %get3A_215] {strides = array<i32>} : memref<200x64xbf16, #tpu.memory_space<vmem>>, vector<32xbf16>,
        %unpack3A = tpu.unpack_subelements %get3A_216, 0 {pack_format = #tpu.pack_format<interleaved>} : vector<32xbf16> -> vector<16xf32>
        %unpack3A_217 = tpu.unpack_subelements %get3A_216, 1 {pack_format = #tpu.pack_format<interleaved>} : vector<32xbf16> -> vector<16xf32>
        %add3A_218 = arith.addf %scan3A_211, %unpack3A : vector<16xf32>
        %add3A_219 = arith.addf %scan3A_212, %unpack3A_217 : vector<16xf32>
        %get3A_220 = arith.index_cast %scan3A_210 : i32 to index
        %get3A_221 = arith.constant 32 : index
        %get3A_222 = tpu.vector_load %arg7[%get3A_220, %get3A_221] {strides = array<i32>} : memref<200x64xbf16, #tpu.memory_space<vmem>>, vector<32xbf16>,
        %unpack3A_223 = tpu.unpack_subelements %get3A_222, 0 {pack_format = #tpu.pack_format<interleaved>} : vector<32xbf16> -> vector<16xf32>
        %unpack3A_224 = tpu.unpack_subelements %get3A_222, 1 {pack_format = #tpu.pack_format<interleaved>} : vector<32xbf16> -> vector<16xf32>
        %add3A_225 = arith.addf %scan3A_213, %unpack3A_223 : vector<16xf32>
        %add3A_226 = arith.addf %scan3A_214, %unpack3A_224 : vector<16xf32>
        %scan3A_227 = arith.constant 1 : i32
        %scan3A_228 = arith.addi %scan3A_210, %scan3A_227 : i32
        %get3A_229 = arith.index_cast %scan3A_228 : i32 to index
        %get3A_230 = arith.constant 0 : index
        %get3A_231 = tpu.vector_load %arg7[%get3A_229, %get3A_230] {strides = array<i32>} : memref<200x64xbf16, #tpu.memory_space<vmem>>, vector<32xbf16>,
        %unpack3A_232 = tpu.unpack_subelements %get3A_231, 0 {pack_format = #tpu.pack_format<interleaved>} : vector<32xbf16> -> vector<16xf32>
        %unpack3A_233 = tpu.unpack_subelements %get3A_231, 1 {pack_format = #tpu.pack_format<interleaved>} : vector<32xbf16> -> vector<16xf32>
        %add3A_234 = arith.addf %add3A_218, %unpack3A_232 : vector<16xf32>
        %add3A_235 = arith.addf %add3A_219, %unpack3A_233 : vector<16xf32>
        %get3A_236 = arith.index_cast %scan3A_228 : i32 to index
        %get3A_237 = arith.constant 32 : index
        %get3A_238 = tpu.vector_load %arg7[%get3A_236, %get3A_237] {strides = array<i32>} : memref<200x64xbf16, #tpu.memory_space<vmem>>, vector<32xbf16>,
        %unpack3A_239 = tpu.unpack_subelements %get3A_238, 0 {pack_format = #tpu.pack_format<interleaved>} : vector<32xbf16> -> vector<16xf32>
        %unpack3A_240 = tpu.unpack_subelements %get3A_238, 1 {pack_format = #tpu.pack_format<interleaved>} : vector<32xbf16> -> vector<16xf32>
        %add3A_241 = arith.addf %add3A_225, %unpack3A_239 : vector<16xf32>
        %add3A_242 = arith.addf %add3A_226, %unpack3A_240 : vector<16xf32>
        %scan3A_243 = arith.constant 2 : i32
        %scan3A_244 = arith.addi %scan3A_210, %scan3A_243 : i32
        %get3A_245 = arith.index_cast %scan3A_244 : i32 to index
        %get3A_246 = arith.constant 0 : index
        %get3A_247 = tpu.vector_load %arg7[%get3A_245, %get3A_246] {strides = array<i32>} : memref<200x64xbf16, #tpu.memory_space<vmem>>, vector<32xbf16>,
        %unpack3A_248 = tpu.unpack_subelements %get3A_247, 0 {pack_format = #tpu.pack_format<interleaved>} : vector<32xbf16> -> vector<16xf32>
        %unpack3A_249 = tpu.unpack_subelements %get3A_247, 1 {pack_format = #tpu.pack_format<interleaved>} : vector<32xbf16> -> vector<16xf32>
        %add3A_250 = arith.addf %add3A_234, %unpack3A_248 : vector<16xf32>
        %add3A_251 = arith.addf %add3A_235, %unpack3A_249 : vector<16xf32>
        %get3A_252 = arith.index_cast %scan3A_244 : i32 to index
        %get3A_253 = arith.constant 32 : index
        %get3A_254 = tpu.vector_load %arg7[%get3A_252, %get3A_253] {strides = array<i32>} : memref<200x64xbf16, #tpu.memory_space<vmem>>, vector<32xbf16>,
        %unpack3A_255 = tpu.unpack_subelements %get3A_254, 0 {pack_format = #tpu.pack_format<interleaved>} : vector<32xbf16> -> vector<16xf32>
        %unpack3A_256 = tpu.unpack_subelements %get3A_254, 1 {pack_format = #tpu.pack_format<interleaved>} : vector<32xbf16> -> vector<16xf32>
        %add3A_257 = arith.addf %add3A_241, %unpack3A_255 : vector<16xf32>
        %add3A_258 = arith.addf %add3A_242, %unpack3A_256 : vector<16xf32>
        %scan3A_259 = arith.constant 3 : i32
        %scan3A_260 = arith.addi %scan3A_210, %scan3A_259 : i32
        %get3A_261 = arith.index_cast %scan3A_260 : i32 to index
        %get3A_262 = arith.constant 0 : index
        %get3A_263 = tpu.vector_load %arg7[%get3A_261, %get3A_262] {strides = array<i32>} : memref<200x64xbf16, #tpu.memory_space<vmem>>, vector<32xbf16>,
        %unpack3A_264 = tpu.unpack_subelements %get3A_263, 0 {pack_format = #tpu.pack_format<interleaved>} : vector<32xbf16> -> vector<16xf32>
        %unpack3A_265 = tpu.unpack_subelements %get3A_263, 1 {pack_format = #tpu.pack_format<interleaved>} : vector<32xbf16> -> vector<16xf32>
        %add3A_266 = arith.addf %add3A_250, %unpack3A_264 : vector<16xf32>
        %add3A_267 = arith.addf %add3A_251, %unpack3A_265 : vector<16xf32>
        %get3A_268 = arith.index_cast %scan3A_260 : i32 to index
        %get3A_269 = arith.constant 32 : index
        %get3A_270 = tpu.vector_load %arg7[%get3A_268, %get3A_269] {strides = array<i32>} : memref<200x64xbf16, #tpu.memory_space<vmem>>, vector<32xbf16>,
        %unpack3A_271 = tpu.unpack_subelements %get3A_270, 0 {pack_format = #tpu.pack_format<interleaved>} : vector<32xbf16> -> vector<16xf32>
        %unpack3A_272 = tpu.unpack_subelements %get3A_270, 1 {pack_format = #tpu.pack_format<interleaved>} : vector<32xbf16> -> vector<16xf32>
        %add3A_273 = arith.addf %add3A_257, %unpack3A_271 : vector<16xf32>
        %add3A_274 = arith.addf %add3A_258, %unpack3A_272 : vector<16xf32>
        %scan3A_275 = arith.constant 4 : i32
        %scan3A_276 = arith.addi %scan3A_210, %scan3A_275 : i32
        %get3A_277 = arith.index_cast %scan3A_276 : i32 to index
        %get3A_278 = arith.constant 0 : index
        %get3A_279 = tpu.vector_load %arg7[%get3A_277, %get3A_278] {strides = array<i32>} : memref<200x64xbf16, #tpu.memory_space<vmem>>, vector<32xbf16>,
        %unpack3A_280 = tpu.unpack_subelements %get3A_279, 0 {pack_format = #tpu.pack_format<interleaved>} : vector<32xbf16> -> vector<16xf32>
        %unpack3A_281 = tpu.unpack_subelements %get3A_279, 1 {pack_format = #tpu.pack_format<interleaved>} : vector<32xbf16> -> vector<16xf32>
        %add3A_282 = arith.addf %add3A_266, %unpack3A_280 : vector<16xf32>
        %add3A_283 = arith.addf %add3A_267, %unpack3A_281 : vector<16xf32>
        %get3A_284 = arith.index_cast %scan3A_276 : i32 to index
        %get3A_285 = arith.constant 32 : index
        %get3A_286 = tpu.vector_load %arg7[%get3A_284, %get3A_285] {strides = array<i32>} : memref<200x64xbf16, #tpu.memory_space<vmem>>, vector<32xbf16>,
        %unpack3A_287 = tpu.unpack_subelements %get3A_286, 0 {pack_format = #tpu.pack_format<interleaved>} : vector<32xbf16> -> vector<16xf32>
        %unpack3A_288 = tpu.unpack_subelements %get3A_286, 1 {pack_format = #tpu.pack_format<interleaved>} : vector<32xbf16> -> vector<16xf32>
        %add3A_289 = arith.addf %add3A_273, %unpack3A_287 : vector<16xf32>
        %add3A_290 = arith.addf %add3A_274, %unpack3A_288 : vector<16xf32>
        %scan3A_291 = arith.constant 5 : i32
        %scan3A_292 = arith.addi %scan3A_210, %scan3A_291 : i32
        %get3A_293 = arith.index_cast %scan3A_292 : i32 to index
        %get3A_294 = arith.constant 0 : index
        %get3A_295 = tpu.vector_load %arg7[%get3A_293, %get3A_294] {strides = array<i32>} : memref<200x64xbf16, #tpu.memory_space<vmem>>, vector<32xbf16>,
        %unpack3A_296 = tpu.unpack_subelements %get3A_295, 0 {pack_format = #tpu.pack_format<interleaved>} : vector<32xbf16> -> vector<16xf32>
        %unpack3A_297 = tpu.unpack_subelements %get3A_295, 1 {pack_format = #tpu.pack_format<interleaved>} : vector<32xbf16> -> vector<16xf32>
        %add3A_298 = arith.addf %add3A_282, %unpack3A_296 : vector<16xf32>
        %add3A_299 = arith.addf %add3A_283, %unpack3A_297 : vector<16xf32>
        %get3A_300 = arith.index_cast %scan3A_292 : i32 to index
        %get3A_301 = arith.constant 32 : index
        %get3A_302 = tpu.vector_load %arg7[%get3A_300, %get3A_301] {strides = array<i32>} : memref<200x64xbf16, #tpu.memory_space<vmem>>, vector<32xbf16>,
        %unpack3A_303 = tpu.unpack_subelements %get3A_302, 0 {pack_format = #tpu.pack_format<interleaved>} : vector<32xbf16> -> vector<16xf32>
        %unpack3A_304 = tpu.unpack_subelements %get3A_302, 1 {pack_format = #tpu.pack_format<interleaved>} : vector<32xbf16> -> vector<16xf32>
        %add3A_305 = arith.addf %add3A_289, %unpack3A_303 : vector<16xf32>
        %add3A_306 = arith.addf %add3A_290, %unpack3A_304 : vector<16xf32>
        %scan3A_307 = arith.constant 6 : i32
        %scan3A_308 = arith.addi %scan3A_210, %scan3A_307 : i32
        %get3A_309 = arith.index_cast %scan3A_308 : i32 to index
        %get3A_310 = arith.constant 0 : index
        %get3A_311 = tpu.vector_load %arg7[%get3A_309, %get3A_310] {strides = array<i32>} : memref<200x64xbf16, #tpu.memory_space<vmem>>, vector<32xbf16>,
        %unpack3A_312 = tpu.unpack_subelements %get3A_311, 0 {pack_format = #tpu.pack_format<interleaved>} : vector<32xbf16> -> vector<16xf32>
        %unpack3A_313 = tpu.unpack_subelements %get3A_311, 1 {pack_format = #tpu.pack_format<interleaved>} : vector<32xbf16> -> vector<16xf32>
        %add3A_314 = arith.addf %add3A_298, %unpack3A_312 : vector<16xf32>
        %add3A_315 = arith.addf %add3A_299, %unpack3A_313 : vector<16xf32>
        %get3A_316 = arith.index_cast %scan3A_308 : i32 to index
        %get3A_317 = arith.constant 32 : index
        %get3A_318 = tpu.vector_load %arg7[%get3A_316, %get3A_317] {strides = array<i32>} : memref<200x64xbf16, #tpu.memory_space<vmem>>, vector<32xbf16>,
        %unpack3A_319 = tpu.unpack_subelements %get3A_318, 0 {pack_format = #tpu.pack_format<interleaved>} : vector<32xbf16> -> vector<16xf32>
        %unpack3A_320 = tpu.unpack_subelements %get3A_318, 1 {pack_format = #tpu.pack_format<interleaved>} : vector<32xbf16> -> vector<16xf32>
        %add3A_321 = arith.addf %add3A_305, %unpack3A_319 : vector<16xf32>
        %add3A_322 = arith.addf %add3A_306, %unpack3A_320 : vector<16xf32>
        %scan3A_323 = arith.constant 7 : i32
        %scan3A_324 = arith.addi %scan3A_210, %scan3A_323 : i32
        %get3A_325 = arith.index_cast %scan3A_324 : i32 to index
        %get3A_326 = arith.constant 0 : index
        %get3A_327 = tpu.vector_load %arg7[%get3A_325, %get3A_326] {strides = array<i32>} : memref<200x64xbf16, #tpu.memory_space<vmem>>, vector<32xbf16>,
        %unpack3A_328 = tpu.unpack_subelements %get3A_327, 0 {pack_format = #tpu.pack_format<interleaved>} : vector<32xbf16> -> vector<16xf32>
        %unpack3A_329 = tpu.unpack_subelements %get3A_327, 1 {pack_format = #tpu.pack_format<interleaved>} : vector<32xbf16> -> vector<16xf32>
        %add3A_330 = arith.addf %add3A_314, %unpack3A_328 : vector<16xf32>
        %add3A_331 = arith.addf %add3A_315, %unpack3A_329 : vector<16xf32>
        %get3A_332 = arith.index_cast %scan3A_324 : i32 to index
        %get3A_333 = arith.constant 32 : index
        %get3A_334 = tpu.vector_load %arg7[%get3A_332, %get3A_333] {strides = array<i32>} : memref<200x64xbf16, #tpu.memory_space<vmem>>, vector<32xbf16>,
        %unpack3A_335 = tpu.unpack_subelements %get3A_334, 0 {pack_format = #tpu.pack_format<interleaved>} : vector<32xbf16> -> vector<16xf32>
        %unpack3A_336 = tpu.unpack_subelements %get3A_334, 1 {pack_format = #tpu.pack_format<interleaved>} : vector<32xbf16> -> vector<16xf32>
        %add3A_337 = arith.addf %add3A_321, %unpack3A_335 : vector<16xf32>
        %add3A_338 = arith.addf %add3A_322, %unpack3A_336 : vector<16xf32>
        scf.yield %add3A_330, %add3A_331, %add3A_337, %add3A_338 : vector<16xf32>, vector<16xf32>, vector<16xf32>, vector<16xf32>
      }
      %scan3A_118 = arith.constant 200 : i32
      %swap3A_119 = arith.index_cast %add3A_95 : i32 to index
      %swap3A_120 = arith.constant 0 : index
      %swap3A_121 = tpu.vector_load %arg10[%swap3A_119, %swap3A_120] {strides = array<i32>} : memref<128x64xf32, #tpu.memory_space<vmem>>, vector<16xf32>,
      tpu.vector_store %arg10[%swap3A_119, %swap3A_120], %scan3A_117#0 {strides = array<i32>} : memref<128x64xf32, #tpu.memory_space<vmem>>, vector<16xf32>,
      %swap3A_122 = arith.index_cast %add3A_95 : i32 to index
      %swap3A_123 = arith.constant 16 : index
      %swap3A_124 = tpu.vector_load %arg10[%swap3A_122, %swap3A_123] {strides = array<i32>} : memref<128x64xf32, #tpu.memory_space<vmem>>, vector<16xf32>,
      tpu.vector_store %arg10[%swap3A_122, %swap3A_123], %scan3A_117#1 {strides = array<i32>} : memref<128x64xf32, #tpu.memory_space<vmem>>, vector<16xf32>,
      %swap3A_125 = arith.index_cast %add3A_95 : i32 to index
      %swap3A_126 = arith.constant 32 : index
      %swap3A_127 = tpu.vector_load %arg10[%swap3A_125, %swap3A_126] {strides = array<i32>} : memref<128x64xf32, #tpu.memory_space<vmem>>, vector<16xf32>,
      tpu.vector_store %arg10[%swap3A_125, %swap3A_126], %scan3A_117#2 {strides = array<i32>} : memref<128x64xf32, #tpu.memory_space<vmem>>, vector<16xf32>,
      %swap3A_128 = arith.index_cast %add3A_95 : i32 to index
      %swap3A_129 = arith.constant 48 : index
      %swap3A_130 = tpu.vector_load %arg10[%swap3A_128, %swap3A_129] {strides = array<i32>} : memref<128x64xf32, #tpu.memory_space<vmem>>, vector<16xf32>,
      tpu.vector_store %arg10[%swap3A_128, %swap3A_129], %scan3A_117#3 {strides = array<i32>} : memref<128x64xf32, #tpu.memory_space<vmem>>, vector<16xf32>,
      %mul3A_131 = arith.constant 4 : i32
      %mul3A_132 = arith.muli %mul3A_131, %scan3A_58 : i32
      %add3A_133 = arith.constant 2 : i32
      %add3A_134 = arith.addi %mul3A_132, %add3A_133 : i32
      %add3A_135 = arith.constant 4 : i32
      %add3A_136 = arith.addi %add3A_134, %add3A_135 : i32
      %sub3A_137 = arith.constant 1 : i32
      %sub3A_138 = arith.subi %add3A_136, %sub3A_137 : i32
      %lt3A_139 = arith.constant 128 : i32
      %lt3A_140 = arith.cmpi slt, %sub3A_138, %lt3A_139 : i32
      %convert_element_type3A_141 = arith.extui %lt3A_140 : i1 to i32
      %cond3A_142 = arith.constant 0 : i32
      %cond3A_143 = arith.cmpi ne, %convert_element_type3A_141, %cond3A_142 : i32
      scf.if %cond3A_143 {
        %add3A_210 = arith.constant 4 : i32
        %add3A_211 = arith.addi %add3A_134, %add3A_210 : i32
        %sub3A_212 = arith.constant 1 : i32
        %sub3A_213 = arith.subi %add3A_211, %sub3A_212 : i32
        %mul3A_214 = arith.constant 200 : i32
        %mul3A_215 = arith.muli %sub3A_213, %mul3A_214 : i32
        %dma_start3A_216 = arith.constant 0 : i32
        %dma_start3A_217 = arith.constant 0 : i32
        %dma_start3A_218 = tpu.memref_slice %arg7[%dma_start3A_216, %dma_start3A_217] : memref<200x64xbf16, #tpu.memory_space<vmem>> -> memref<128x64xbf16, #tpu.memory_space<vmem>>
        %dma_start3A_219 = tpu.memref_slice %arg5[%mul3A_215] : memref<25600xi32, #tpu.memory_space<vmem>> -> memref<128xi32, #tpu.memory_space<vmem>>
        %dma_start3A_220 = arith.constant 0 : i32
        %dma_start3A_221 = arith.constant 0 : i32
        %dma_start3A_222 = tpu.memref_slice %arg3[%dma_start3A_220, %dma_start3A_221] : memref<100000x64xbf16, #tpu.memory_space<hbm>> -> memref<100000x64xbf16, #tpu.memory_space<hbm>>
        tpu.enqueue_indirect_dma source(%dma_start3A_222 : memref<100000x64xbf16, #tpu.memory_space<hbm>>) target(%dma_start3A_218 : memref<128x64xbf16, #tpu.memory_space<vmem>>) offsets(%dma_start3A_219 : memref<128xi32, #tpu.memory_space<vmem>>) semaphore(%arg12 : memref<!tpu.dma_semaphore, #tpu.memory_space<semaphore_mem>>)
        %mul3A_223 = arith.constant 200 : i32
        %mul3A_224 = arith.muli %sub3A_213, %mul3A_223 : i32
        %add3A_225 = arith.constant 128 : i32
        %add3A_226 = arith.addi %mul3A_224, %add3A_225 : i32
        %dma_start3A_227 = arith.constant 128 : i32
        %dma_start3A_228 = arith.constant 0 : i32
        %dma_start3A_229 = tpu.memref_slice %arg7[%dma_start3A_227, %dma_start3A_228] : memref<200x64xbf16, #tpu.memory_space<vmem>> -> memref<72x64xbf16, #tpu.memory_space<vmem>>
        %dma_start3A_230 = tpu.memref_slice %arg5[%add3A_226] : memref<25600xi32, #tpu.memory_space<vmem>> -> memref<72xi32, #tpu.memory_space<vmem>>
        %dma_start3A_231 = arith.constant 0 : i32
        %dma_start3A_232 = arith.constant 0 : i32
        %dma_start3A_233 = tpu.memref_slice %arg3[%dma_start3A_231, %dma_start3A_232] : memref<100000x64xbf16, #tpu.memory_space<hbm>> -> memref<100000x64xbf16, #tpu.memory_space<hbm>>
        tpu.enqueue_indirect_dma source(%dma_start3A_233 : memref<100000x64xbf16, #tpu.memory_space<hbm>>) target(%dma_start3A_229 : memref<72x64xbf16, #tpu.memory_space<vmem>>) offsets(%dma_start3A_230 : memref<72xi32, #tpu.memory_space<vmem>>) semaphore(%arg12 : memref<!tpu.dma_semaphore, #tpu.memory_space<semaphore_mem>>)
      } else {
      }
      %dma_wait3A_144 = arith.constant 0 : i32
      %dma_wait3A_145 = arith.constant 0 : i32
      %dma_wait3A_146 = tpu.memref_slice %arg3[%dma_wait3A_144, %dma_wait3A_145] : memref<100000x64xbf16, #tpu.memory_space<hbm>> -> memref<200x64xbf16, #tpu.memory_space<hbm>>
      %dma_wait3A_147 = arith.constant 0 : i32
      %dma_wait3A_148 = arith.constant 0 : i32
      %dma_wait3A_149 = tpu.memref_slice %arg3[%dma_wait3A_147, %dma_wait3A_148] : memref<100000x64xbf16, #tpu.memory_space<hbm>> -> memref<200x64xbf16, #tpu.memory_space<hbm>>
      tpu.wait_dma2 semaphore(%arg13 : memref<!tpu.dma_semaphore, #tpu.memory_space<semaphore_mem>>) src(%dma_wait3A_149 : memref<200x64xbf16, #tpu.memory_space<hbm>>) dst(%arg8 : memref<200x64xbf16, #tpu.memory_space<vmem>>)
      %broadcast_in_dim3A_150 = arith.constant 0.000000e+00 : f32
      %broadcast_in_dim3A_151 = vector.broadcast %broadcast_in_dim3A_150 : f32 to vector<16xf32>
      %scan3A_152 = arith.constant 0 : i32
      %scan3A_153 = arith.constant 200 : i32
      %scan3A_154 = arith.addi %scan3A_152, %scan3A_153 : i32
      %scan3A_155 = arith.constant 8 : i32
      %scan3A_156:4 = scf.for %scan3A_210 = %scan3A_152 to %scan3A_154 step %scan3A_155 iter_args(%scan3A_211 = %broadcast_in_dim3A_151, %scan3A_212 = %broadcast_in_dim3A_151, %scan3A_213 = %broadcast_in_dim3A_151, %scan3A_214 = %broadcast_in_dim3A_151) -> (vector<16xf32>, vector<16xf32>, vector<16xf32>, vector<16xf32>)  : i32 {
        %get3A = arith.index_cast %scan3A_210 : i32 to index
        %get3A_215 = arith.constant 0 : index
        %get3A_216 = tpu.vector_load %arg8[%get3A, %get3A_215] {strides = array<i32>} : memref<200x64xbf16, #tpu.memory_space<vmem>>, vector<32xbf16>,
        %unpack3A = tpu.unpack_subelements %get3A_216, 0 {pack_format = #tpu.pack_format<interleaved>} : vector<32xbf16> -> vector<16xf32>
        %unpack3A_217 = tpu.unpack_subelements %get3A_216, 1 {pack_format = #tpu.pack_format<interleaved>} : vector<32xbf16> -> vector<16xf32>
        %add3A_218 = arith.addf %scan3A_211, %unpack3A : vector<16xf32>
        %add3A_219 = arith.addf %scan3A_212, %unpack3A_217 : vector<16xf32>
        %get3A_220 = arith.index_cast %scan3A_210 : i32 to index
        %get3A_221 = arith.constant 32 : index
        %get3A_222 = tpu.vector_load %arg8[%get3A_220, %get3A_221] {strides = array<i32>} : memref<200x64xbf16, #tpu.memory_space<vmem>>, vector<32xbf16>,
        %unpack3A_223 = tpu.unpack_subelements %get3A_222, 0 {pack_format = #tpu.pack_format<interleaved>} : vector<32xbf16> -> vector<16xf32>
        %unpack3A_224 = tpu.unpack_subelements %get3A_222, 1 {pack_format = #tpu.pack_format<interleaved>} : vector<32xbf16> -> vector<16xf32>
        %add3A_225 = arith.addf %scan3A_213, %unpack3A_223 : vector<16xf32>
        %add3A_226 = arith.addf %scan3A_214, %unpack3A_224 : vector<16xf32>
        %scan3A_227 = arith.constant 1 : i32
        %scan3A_228 = arith.addi %scan3A_210, %scan3A_227 : i32
        %get3A_229 = arith.index_cast %scan3A_228 : i32 to index
        %get3A_230 = arith.constant 0 : index
        %get3A_231 = tpu.vector_load %arg8[%get3A_229, %get3A_230] {strides = array<i32>} : memref<200x64xbf16, #tpu.memory_space<vmem>>, vector<32xbf16>,
        %unpack3A_232 = tpu.unpack_subelements %get3A_231, 0 {pack_format = #tpu.pack_format<interleaved>} : vector<32xbf16> -> vector<16xf32>
        %unpack3A_233 = tpu.unpack_subelements %get3A_231, 1 {pack_format = #tpu.pack_format<interleaved>} : vector<32xbf16> -> vector<16xf32>
        %add3A_234 = arith.addf %add3A_218, %unpack3A_232 : vector<16xf32>
        %add3A_235 = arith.addf %add3A_219, %unpack3A_233 : vector<16xf32>
        %get3A_236 = arith.index_cast %scan3A_228 : i32 to index
        %get3A_237 = arith.constant 32 : index
        %get3A_238 = tpu.vector_load %arg8[%get3A_236, %get3A_237] {strides = array<i32>} : memref<200x64xbf16, #tpu.memory_space<vmem>>, vector<32xbf16>,
        %unpack3A_239 = tpu.unpack_subelements %get3A_238, 0 {pack_format = #tpu.pack_format<interleaved>} : vector<32xbf16> -> vector<16xf32>
        %unpack3A_240 = tpu.unpack_subelements %get3A_238, 1 {pack_format = #tpu.pack_format<interleaved>} : vector<32xbf16> -> vector<16xf32>
        %add3A_241 = arith.addf %add3A_225, %unpack3A_239 : vector<16xf32>
        %add3A_242 = arith.addf %add3A_226, %unpack3A_240 : vector<16xf32>
        %scan3A_243 = arith.constant 2 : i32
        %scan3A_244 = arith.addi %scan3A_210, %scan3A_243 : i32
        %get3A_245 = arith.index_cast %scan3A_244 : i32 to index
        %get3A_246 = arith.constant 0 : index
        %get3A_247 = tpu.vector_load %arg8[%get3A_245, %get3A_246] {strides = array<i32>} : memref<200x64xbf16, #tpu.memory_space<vmem>>, vector<32xbf16>,
        %unpack3A_248 = tpu.unpack_subelements %get3A_247, 0 {pack_format = #tpu.pack_format<interleaved>} : vector<32xbf16> -> vector<16xf32>
        %unpack3A_249 = tpu.unpack_subelements %get3A_247, 1 {pack_format = #tpu.pack_format<interleaved>} : vector<32xbf16> -> vector<16xf32>
        %add3A_250 = arith.addf %add3A_234, %unpack3A_248 : vector<16xf32>
        %add3A_251 = arith.addf %add3A_235, %unpack3A_249 : vector<16xf32>
        %get3A_252 = arith.index_cast %scan3A_244 : i32 to index
        %get3A_253 = arith.constant 32 : index
        %get3A_254 = tpu.vector_load %arg8[%get3A_252, %get3A_253] {strides = array<i32>} : memref<200x64xbf16, #tpu.memory_space<vmem>>, vector<32xbf16>,
        %unpack3A_255 = tpu.unpack_subelements %get3A_254, 0 {pack_format = #tpu.pack_format<interleaved>} : vector<32xbf16> -> vector<16xf32>
        %unpack3A_256 = tpu.unpack_subelements %get3A_254, 1 {pack_format = #tpu.pack_format<interleaved>} : vector<32xbf16> -> vector<16xf32>
        %add3A_257 = arith.addf %add3A_241, %unpack3A_255 : vector<16xf32>
        %add3A_258 = arith.addf %add3A_242, %unpack3A_256 : vector<16xf32>
        %scan3A_259 = arith.constant 3 : i32
        %scan3A_260 = arith.addi %scan3A_210, %scan3A_259 : i32
        %get3A_261 = arith.index_cast %scan3A_260 : i32 to index
        %get3A_262 = arith.constant 0 : index
        %get3A_263 = tpu.vector_load %arg8[%get3A_261, %get3A_262] {strides = array<i32>} : memref<200x64xbf16, #tpu.memory_space<vmem>>, vector<32xbf16>,
        %unpack3A_264 = tpu.unpack_subelements %get3A_263, 0 {pack_format = #tpu.pack_format<interleaved>} : vector<32xbf16> -> vector<16xf32>
        %unpack3A_265 = tpu.unpack_subelements %get3A_263, 1 {pack_format = #tpu.pack_format<interleaved>} : vector<32xbf16> -> vector<16xf32>
        %add3A_266 = arith.addf %add3A_250, %unpack3A_264 : vector<16xf32>
        %add3A_267 = arith.addf %add3A_251, %unpack3A_265 : vector<16xf32>
        %get3A_268 = arith.index_cast %scan3A_260 : i32 to index
        %get3A_269 = arith.constant 32 : index
        %get3A_270 = tpu.vector_load %arg8[%get3A_268, %get3A_269] {strides = array<i32>} : memref<200x64xbf16, #tpu.memory_space<vmem>>, vector<32xbf16>,
        %unpack3A_271 = tpu.unpack_subelements %get3A_270, 0 {pack_format = #tpu.pack_format<interleaved>} : vector<32xbf16> -> vector<16xf32>
        %unpack3A_272 = tpu.unpack_subelements %get3A_270, 1 {pack_format = #tpu.pack_format<interleaved>} : vector<32xbf16> -> vector<16xf32>
        %add3A_273 = arith.addf %add3A_257, %unpack3A_271 : vector<16xf32>
        %add3A_274 = arith.addf %add3A_258, %unpack3A_272 : vector<16xf32>
        %scan3A_275 = arith.constant 4 : i32
        %scan3A_276 = arith.addi %scan3A_210, %scan3A_275 : i32
        %get3A_277 = arith.index_cast %scan3A_276 : i32 to index
        %get3A_278 = arith.constant 0 : index
        %get3A_279 = tpu.vector_load %arg8[%get3A_277, %get3A_278] {strides = array<i32>} : memref<200x64xbf16, #tpu.memory_space<vmem>>, vector<32xbf16>,
        %unpack3A_280 = tpu.unpack_subelements %get3A_279, 0 {pack_format = #tpu.pack_format<interleaved>} : vector<32xbf16> -> vector<16xf32>
        %unpack3A_281 = tpu.unpack_subelements %get3A_279, 1 {pack_format = #tpu.pack_format<interleaved>} : vector<32xbf16> -> vector<16xf32>
        %add3A_282 = arith.addf %add3A_266, %unpack3A_280 : vector<16xf32>
        %add3A_283 = arith.addf %add3A_267, %unpack3A_281 : vector<16xf32>
        %get3A_284 = arith.index_cast %scan3A_276 : i32 to index
        %get3A_285 = arith.constant 32 : index
        %get3A_286 = tpu.vector_load %arg8[%get3A_284, %get3A_285] {strides = array<i32>} : memref<200x64xbf16, #tpu.memory_space<vmem>>, vector<32xbf16>,
        %unpack3A_287 = tpu.unpack_subelements %get3A_286, 0 {pack_format = #tpu.pack_format<interleaved>} : vector<32xbf16> -> vector<16xf32>
        %unpack3A_288 = tpu.unpack_subelements %get3A_286, 1 {pack_format = #tpu.pack_format<interleaved>} : vector<32xbf16> -> vector<16xf32>
        %add3A_289 = arith.addf %add3A_273, %unpack3A_287 : vector<16xf32>
        %add3A_290 = arith.addf %add3A_274, %unpack3A_288 : vector<16xf32>
        %scan3A_291 = arith.constant 5 : i32
        %scan3A_292 = arith.addi %scan3A_210, %scan3A_291 : i32
        %get3A_293 = arith.index_cast %scan3A_292 : i32 to index
        %get3A_294 = arith.constant 0 : index
        %get3A_295 = tpu.vector_load %arg8[%get3A_293, %get3A_294] {strides = array<i32>} : memref<200x64xbf16, #tpu.memory_space<vmem>>, vector<32xbf16>,
        %unpack3A_296 = tpu.unpack_subelements %get3A_295, 0 {pack_format = #tpu.pack_format<interleaved>} : vector<32xbf16> -> vector<16xf32>
        %unpack3A_297 = tpu.unpack_subelements %get3A_295, 1 {pack_format = #tpu.pack_format<interleaved>} : vector<32xbf16> -> vector<16xf32>
        %add3A_298 = arith.addf %add3A_282, %unpack3A_296 : vector<16xf32>
        %add3A_299 = arith.addf %add3A_283, %unpack3A_297 : vector<16xf32>
        %get3A_300 = arith.index_cast %scan3A_292 : i32 to index
        %get3A_301 = arith.constant 32 : index
        %get3A_302 = tpu.vector_load %arg8[%get3A_300, %get3A_301] {strides = array<i32>} : memref<200x64xbf16, #tpu.memory_space<vmem>>, vector<32xbf16>,
        %unpack3A_303 = tpu.unpack_subelements %get3A_302, 0 {pack_format = #tpu.pack_format<interleaved>} : vector<32xbf16> -> vector<16xf32>
        %unpack3A_304 = tpu.unpack_subelements %get3A_302, 1 {pack_format = #tpu.pack_format<interleaved>} : vector<32xbf16> -> vector<16xf32>
        %add3A_305 = arith.addf %add3A_289, %unpack3A_303 : vector<16xf32>
        %add3A_306 = arith.addf %add3A_290, %unpack3A_304 : vector<16xf32>
        %scan3A_307 = arith.constant 6 : i32
        %scan3A_308 = arith.addi %scan3A_210, %scan3A_307 : i32
        %get3A_309 = arith.index_cast %scan3A_308 : i32 to index
        %get3A_310 = arith.constant 0 : index
        %get3A_311 = tpu.vector_load %arg8[%get3A_309, %get3A_310] {strides = array<i32>} : memref<200x64xbf16, #tpu.memory_space<vmem>>, vector<32xbf16>,
        %unpack3A_312 = tpu.unpack_subelements %get3A_311, 0 {pack_format = #tpu.pack_format<interleaved>} : vector<32xbf16> -> vector<16xf32>
        %unpack3A_313 = tpu.unpack_subelements %get3A_311, 1 {pack_format = #tpu.pack_format<interleaved>} : vector<32xbf16> -> vector<16xf32>
        %add3A_314 = arith.addf %add3A_298, %unpack3A_312 : vector<16xf32>
        %add3A_315 = arith.addf %add3A_299, %unpack3A_313 : vector<16xf32>
        %get3A_316 = arith.index_cast %scan3A_308 : i32 to index
        %get3A_317 = arith.constant 32 : index
        %get3A_318 = tpu.vector_load %arg8[%get3A_316, %get3A_317] {strides = array<i32>} : memref<200x64xbf16, #tpu.memory_space<vmem>>, vector<32xbf16>,
        %unpack3A_319 = tpu.unpack_subelements %get3A_318, 0 {pack_format = #tpu.pack_format<interleaved>} : vector<32xbf16> -> vector<16xf32>
        %unpack3A_320 = tpu.unpack_subelements %get3A_318, 1 {pack_format = #tpu.pack_format<interleaved>} : vector<32xbf16> -> vector<16xf32>
        %add3A_321 = arith.addf %add3A_305, %unpack3A_319 : vector<16xf32>
        %add3A_322 = arith.addf %add3A_306, %unpack3A_320 : vector<16xf32>
        %scan3A_323 = arith.constant 7 : i32
        %scan3A_324 = arith.addi %scan3A_210, %scan3A_323 : i32
        %get3A_325 = arith.index_cast %scan3A_324 : i32 to index
        %get3A_326 = arith.constant 0 : index
        %get3A_327 = tpu.vector_load %arg8[%get3A_325, %get3A_326] {strides = array<i32>} : memref<200x64xbf16, #tpu.memory_space<vmem>>, vector<32xbf16>,
        %unpack3A_328 = tpu.unpack_subelements %get3A_327, 0 {pack_format = #tpu.pack_format<interleaved>} : vector<32xbf16> -> vector<16xf32>
        %unpack3A_329 = tpu.unpack_subelements %get3A_327, 1 {pack_format = #tpu.pack_format<interleaved>} : vector<32xbf16> -> vector<16xf32>
        %add3A_330 = arith.addf %add3A_314, %unpack3A_328 : vector<16xf32>
        %add3A_331 = arith.addf %add3A_315, %unpack3A_329 : vector<16xf32>
        %get3A_332 = arith.index_cast %scan3A_324 : i32 to index
        %get3A_333 = arith.constant 32 : index
        %get3A_334 = tpu.vector_load %arg8[%get3A_332, %get3A_333] {strides = array<i32>} : memref<200x64xbf16, #tpu.memory_space<vmem>>, vector<32xbf16>,
        %unpack3A_335 = tpu.unpack_subelements %get3A_334, 0 {pack_format = #tpu.pack_format<interleaved>} : vector<32xbf16> -> vector<16xf32>
        %unpack3A_336 = tpu.unpack_subelements %get3A_334, 1 {pack_format = #tpu.pack_format<interleaved>} : vector<32xbf16> -> vector<16xf32>
        %add3A_337 = arith.addf %add3A_321, %unpack3A_335 : vector<16xf32>
        %add3A_338 = arith.addf %add3A_322, %unpack3A_336 : vector<16xf32>
        scf.yield %add3A_330, %add3A_331, %add3A_337, %add3A_338 : vector<16xf32>, vector<16xf32>, vector<16xf32>, vector<16xf32>
      }
      %scan3A_157 = arith.constant 200 : i32
      %swap3A_158 = arith.index_cast %add3A_134 : i32 to index
      %swap3A_159 = arith.constant 0 : index
      %swap3A_160 = tpu.vector_load %arg10[%swap3A_158, %swap3A_159] {strides = array<i32>} : memref<128x64xf32, #tpu.memory_space<vmem>>, vector<16xf32>,
      tpu.vector_store %arg10[%swap3A_158, %swap3A_159], %scan3A_156#0 {strides = array<i32>} : memref<128x64xf32, #tpu.memory_space<vmem>>, vector<16xf32>,
      %swap3A_161 = arith.index_cast %add3A_134 : i32 to index
      %swap3A_162 = arith.constant 16 : index
      %swap3A_163 = tpu.vector_load %arg10[%swap3A_161, %swap3A_162] {strides = array<i32>} : memref<128x64xf32, #tpu.memory_space<vmem>>, vector<16xf32>,
      tpu.vector_store %arg10[%swap3A_161, %swap3A_162], %scan3A_156#1 {strides = array<i32>} : memref<128x64xf32, #tpu.memory_space<vmem>>, vector<16xf32>,
      %swap3A_164 = arith.index_cast %add3A_134 : i32 to index
      %swap3A_165 = arith.constant 32 : index
      %swap3A_166 = tpu.vector_load %arg10[%swap3A_164, %swap3A_165] {strides = array<i32>} : memref<128x64xf32, #tpu.memory_space<vmem>>, vector<16xf32>,
      tpu.vector_store %arg10[%swap3A_164, %swap3A_165], %scan3A_156#2 {strides = array<i32>} : memref<128x64xf32, #tpu.memory_space<vmem>>, vector<16xf32>,
      %swap3A_167 = arith.index_cast %add3A_134 : i32 to index
      %swap3A_168 = arith.constant 48 : index
      %swap3A_169 = tpu.vector_load %arg10[%swap3A_167, %swap3A_168] {strides = array<i32>} : memref<128x64xf32, #tpu.memory_space<vmem>>, vector<16xf32>,
      tpu.vector_store %arg10[%swap3A_167, %swap3A_168], %scan3A_156#3 {strides = array<i32>} : memref<128x64xf32, #tpu.memory_space<vmem>>, vector<16xf32>,
      %mul3A_170 = arith.constant 4 : i32
      %mul3A_171 = arith.muli %mul3A_170, %scan3A_58 : i32
      %add3A_172 = arith.constant 3 : i32
      %add3A_173 = arith.addi %mul3A_171, %add3A_172 : i32
      %add3A_174 = arith.constant 4 : i32
      %add3A_175 = arith.addi %add3A_173, %add3A_174 : i32
      %sub3A_176 = arith.constant 1 : i32
      %sub3A_177 = arith.subi %add3A_175, %sub3A_176 : i32
      %lt3A_178 = arith.constant 128 : i32
      %lt3A_179 = arith.cmpi slt, %sub3A_177, %lt3A_178 : i32
      %convert_element_type3A_180 = arith.extui %lt3A_179 : i1 to i32
      %cond3A_181 = arith.constant 0 : i32
      %cond3A_182 = arith.cmpi ne, %convert_element_type3A_180, %cond3A_181 : i32
      scf.if %cond3A_182 {
        %add3A_210 = arith.constant 4 : i32
        %add3A_211 = arith.addi %add3A_173, %add3A_210 : i32
        %sub3A_212 = arith.constant 1 : i32
        %sub3A_213 = arith.subi %add3A_211, %sub3A_212 : i32
        %mul3A_214 = arith.constant 200 : i32
        %mul3A_215 = arith.muli %sub3A_213, %mul3A_214 : i32
        %dma_start3A_216 = arith.constant 0 : i32
        %dma_start3A_217 = arith.constant 0 : i32
        %dma_start3A_218 = tpu.memref_slice %arg8[%dma_start3A_216, %dma_start3A_217] : memref<200x64xbf16, #tpu.memory_space<vmem>> -> memref<128x64xbf16, #tpu.memory_space<vmem>>
        %dma_start3A_219 = tpu.memref_slice %arg5[%mul3A_215] : memref<25600xi32, #tpu.memory_space<vmem>> -> memref<128xi32, #tpu.memory_space<vmem>>
        %dma_start3A_220 = arith.constant 0 : i32
        %dma_start3A_221 = arith.constant 0 : i32
        %dma_start3A_222 = tpu.memref_slice %arg3[%dma_start3A_220, %dma_start3A_221] : memref<100000x64xbf16, #tpu.memory_space<hbm>> -> memref<100000x64xbf16, #tpu.memory_space<hbm>>
        tpu.enqueue_indirect_dma source(%dma_start3A_222 : memref<100000x64xbf16, #tpu.memory_space<hbm>>) target(%dma_start3A_218 : memref<128x64xbf16, #tpu.memory_space<vmem>>) offsets(%dma_start3A_219 : memref<128xi32, #tpu.memory_space<vmem>>) semaphore(%arg13 : memref<!tpu.dma_semaphore, #tpu.memory_space<semaphore_mem>>)
        %mul3A_223 = arith.constant 200 : i32
        %mul3A_224 = arith.muli %sub3A_213, %mul3A_223 : i32
        %add3A_225 = arith.constant 128 : i32
        %add3A_226 = arith.addi %mul3A_224, %add3A_225 : i32
        %dma_start3A_227 = arith.constant 128 : i32
        %dma_start3A_228 = arith.constant 0 : i32
        %dma_start3A_229 = tpu.memref_slice %arg8[%dma_start3A_227, %dma_start3A_228] : memref<200x64xbf16, #tpu.memory_space<vmem>> -> memref<72x64xbf16, #tpu.memory_space<vmem>>
        %dma_start3A_230 = tpu.memref_slice %arg5[%add3A_226] : memref<25600xi32, #tpu.memory_space<vmem>> -> memref<72xi32, #tpu.memory_space<vmem>>
        %dma_start3A_231 = arith.constant 0 : i32
        %dma_start3A_232 = arith.constant 0 : i32
        %dma_start3A_233 = tpu.memref_slice %arg3[%dma_start3A_231, %dma_start3A_232] : memref<100000x64xbf16, #tpu.memory_space<hbm>> -> memref<100000x64xbf16, #tpu.memory_space<hbm>>
        tpu.enqueue_indirect_dma source(%dma_start3A_233 : memref<100000x64xbf16, #tpu.memory_space<hbm>>) target(%dma_start3A_229 : memref<72x64xbf16, #tpu.memory_space<vmem>>) offsets(%dma_start3A_230 : memref<72xi32, #tpu.memory_space<vmem>>) semaphore(%arg13 : memref<!tpu.dma_semaphore, #tpu.memory_space<semaphore_mem>>)
      } else {
      }
      %dma_wait3A_183 = arith.constant 0 : i32
      %dma_wait3A_184 = arith.constant 0 : i32
      %dma_wait3A_185 = tpu.memref_slice %arg3[%dma_wait3A_183, %dma_wait3A_184] : memref<100000x64xbf16, #tpu.memory_space<hbm>> -> memref<200x64xbf16, #tpu.memory_space<hbm>>
      %dma_wait3A_186 = arith.constant 0 : i32
      %dma_wait3A_187 = arith.constant 0 : i32
      %dma_wait3A_188 = tpu.memref_slice %arg3[%dma_wait3A_186, %dma_wait3A_187] : memref<100000x64xbf16, #tpu.memory_space<hbm>> -> memref<200x64xbf16, #tpu.memory_space<hbm>>
      tpu.wait_dma2 semaphore(%arg14 : memref<!tpu.dma_semaphore, #tpu.memory_space<semaphore_mem>>) src(%dma_wait3A_188 : memref<200x64xbf16, #tpu.memory_space<hbm>>) dst(%arg9 : memref<200x64xbf16, #tpu.memory_space<vmem>>)
      %broadcast_in_dim3A_189 = arith.constant 0.000000e+00 : f32
      %broadcast_in_dim3A_190 = vector.broadcast %broadcast_in_dim3A_189 : f32 to vector<16xf32>
      %scan3A_191 = arith.constant 0 : i32
      %scan3A_192 = arith.constant 200 : i32
      %scan3A_193 = arith.addi %scan3A_191, %scan3A_192 : i32
      %scan3A_194 = arith.constant 8 : i32
      %scan3A_195:4 = scf.for %scan3A_210 = %scan3A_191 to %scan3A_193 step %scan3A_194 iter_args(%scan3A_211 = %broadcast_in_dim3A_190, %scan3A_212 = %broadcast_in_dim3A_190, %scan3A_213 = %broadcast_in_dim3A_190, %scan3A_214 = %broadcast_in_dim3A_190) -> (vector<16xf32>, vector<16xf32>, vector<16xf32>, vector<16xf32>)  : i32 {
        %get3A = arith.index_cast %scan3A_210 : i32 to index
        %get3A_215 = arith.constant 0 : index
        %get3A_216 = tpu.vector_load %arg9[%get3A, %get3A_215] {strides = array<i32>} : memref<200x64xbf16, #tpu.memory_space<vmem>>, vector<32xbf16>,
        %unpack3A = tpu.unpack_subelements %get3A_216, 0 {pack_format = #tpu.pack_format<interleaved>} : vector<32xbf16> -> vector<16xf32>
        %unpack3A_217 = tpu.unpack_subelements %get3A_216, 1 {pack_format = #tpu.pack_format<interleaved>} : vector<32xbf16> -> vector<16xf32>
        %add3A_218 = arith.addf %scan3A_211, %unpack3A : vector<16xf32>
        %add3A_219 = arith.addf %scan3A_212, %unpack3A_217 : vector<16xf32>
        %get3A_220 = arith.index_cast %scan3A_210 : i32 to index
        %get3A_221 = arith.constant 32 : index
        %get3A_222 = tpu.vector_load %arg9[%get3A_220, %get3A_221] {strides = array<i32>} : memref<200x64xbf16, #tpu.memory_space<vmem>>, vector<32xbf16>,
        %unpack3A_223 = tpu.unpack_subelements %get3A_222, 0 {pack_format = #tpu.pack_format<interleaved>} : vector<32xbf16> -> vector<16xf32>
        %unpack3A_224 = tpu.unpack_subelements %get3A_222, 1 {pack_format = #tpu.pack_format<interleaved>} : vector<32xbf16> -> vector<16xf32>
        %add3A_225 = arith.addf %scan3A_213, %unpack3A_223 : vector<16xf32>
        %add3A_226 = arith.addf %scan3A_214, %unpack3A_224 : vector<16xf32>
        %scan3A_227 = arith.constant 1 : i32
        %scan3A_228 = arith.addi %scan3A_210, %scan3A_227 : i32
        %get3A_229 = arith.index_cast %scan3A_228 : i32 to index
        %get3A_230 = arith.constant 0 : index
        %get3A_231 = tpu.vector_load %arg9[%get3A_229, %get3A_230] {strides = array<i32>} : memref<200x64xbf16, #tpu.memory_space<vmem>>, vector<32xbf16>,
        %unpack3A_232 = tpu.unpack_subelements %get3A_231, 0 {pack_format = #tpu.pack_format<interleaved>} : vector<32xbf16> -> vector<16xf32>
        %unpack3A_233 = tpu.unpack_subelements %get3A_231, 1 {pack_format = #tpu.pack_format<interleaved>} : vector<32xbf16> -> vector<16xf32>
        %add3A_234 = arith.addf %add3A_218, %unpack3A_232 : vector<16xf32>
        %add3A_235 = arith.addf %add3A_219, %unpack3A_233 : vector<16xf32>
        %get3A_236 = arith.index_cast %scan3A_228 : i32 to index
        %get3A_237 = arith.constant 32 : index
        %get3A_238 = tpu.vector_load %arg9[%get3A_236, %get3A_237] {strides = array<i32>} : memref<200x64xbf16, #tpu.memory_space<vmem>>, vector<32xbf16>,
        %unpack3A_239 = tpu.unpack_subelements %get3A_238, 0 {pack_format = #tpu.pack_format<interleaved>} : vector<32xbf16> -> vector<16xf32>
        %unpack3A_240 = tpu.unpack_subelements %get3A_238, 1 {pack_format = #tpu.pack_format<interleaved>} : vector<32xbf16> -> vector<16xf32>
        %add3A_241 = arith.addf %add3A_225, %unpack3A_239 : vector<16xf32>
        %add3A_242 = arith.addf %add3A_226, %unpack3A_240 : vector<16xf32>
        %scan3A_243 = arith.constant 2 : i32
        %scan3A_244 = arith.addi %scan3A_210, %scan3A_243 : i32
        %get3A_245 = arith.index_cast %scan3A_244 : i32 to index
        %get3A_246 = arith.constant 0 : index
        %get3A_247 = tpu.vector_load %arg9[%get3A_245, %get3A_246] {strides = array<i32>} : memref<200x64xbf16, #tpu.memory_space<vmem>>, vector<32xbf16>,
        %unpack3A_248 = tpu.unpack_subelements %get3A_247, 0 {pack_format = #tpu.pack_format<interleaved>} : vector<32xbf16> -> vector<16xf32>
        %unpack3A_249 = tpu.unpack_subelements %get3A_247, 1 {pack_format = #tpu.pack_format<interleaved>} : vector<32xbf16> -> vector<16xf32>
        %add3A_250 = arith.addf %add3A_234, %unpack3A_248 : vector<16xf32>
        %add3A_251 = arith.addf %add3A_235, %unpack3A_249 : vector<16xf32>
        %get3A_252 = arith.index_cast %scan3A_244 : i32 to index
        %get3A_253 = arith.constant 32 : index
        %get3A_254 = tpu.vector_load %arg9[%get3A_252, %get3A_253] {strides = array<i32>} : memref<200x64xbf16, #tpu.memory_space<vmem>>, vector<32xbf16>,
        %unpack3A_255 = tpu.unpack_subelements %get3A_254, 0 {pack_format = #tpu.pack_format<interleaved>} : vector<32xbf16> -> vector<16xf32>
        %unpack3A_256 = tpu.unpack_subelements %get3A_254, 1 {pack_format = #tpu.pack_format<interleaved>} : vector<32xbf16> -> vector<16xf32>
        %add3A_257 = arith.addf %add3A_241, %unpack3A_255 : vector<16xf32>
        %add3A_258 = arith.addf %add3A_242, %unpack3A_256 : vector<16xf32>
        %scan3A_259 = arith.constant 3 : i32
        %scan3A_260 = arith.addi %scan3A_210, %scan3A_259 : i32
        %get3A_261 = arith.index_cast %scan3A_260 : i32 to index
        %get3A_262 = arith.constant 0 : index
        %get3A_263 = tpu.vector_load %arg9[%get3A_261, %get3A_262] {strides = array<i32>} : memref<200x64xbf16, #tpu.memory_space<vmem>>, vector<32xbf16>,
        %unpack3A_264 = tpu.unpack_subelements %get3A_263, 0 {pack_format = #tpu.pack_format<interleaved>} : vector<32xbf16> -> vector<16xf32>
        %unpack3A_265 = tpu.unpack_subelements %get3A_263, 1 {pack_format = #tpu.pack_format<interleaved>} : vector<32xbf16> -> vector<16xf32>
        %add3A_266 = arith.addf %add3A_250, %unpack3A_264 : vector<16xf32>
        %add3A_267 = arith.addf %add3A_251, %unpack3A_265 : vector<16xf32>
        %get3A_268 = arith.index_cast %scan3A_260 : i32 to index
        %get3A_269 = arith.constant 32 : index
        %get3A_270 = tpu.vector_load %arg9[%get3A_268, %get3A_269] {strides = array<i32>} : memref<200x64xbf16, #tpu.memory_space<vmem>>, vector<32xbf16>,
        %unpack3A_271 = tpu.unpack_subelements %get3A_270, 0 {pack_format = #tpu.pack_format<interleaved>} : vector<32xbf16> -> vector<16xf32>
        %unpack3A_272 = tpu.unpack_subelements %get3A_270, 1 {pack_format = #tpu.pack_format<interleaved>} : vector<32xbf16> -> vector<16xf32>
        %add3A_273 = arith.addf %add3A_257, %unpack3A_271 : vector<16xf32>
        %add3A_274 = arith.addf %add3A_258, %unpack3A_272 : vector<16xf32>
        %scan3A_275 = arith.constant 4 : i32
        %scan3A_276 = arith.addi %scan3A_210, %scan3A_275 : i32
        %get3A_277 = arith.index_cast %scan3A_276 : i32 to index
        %get3A_278 = arith.constant 0 : index
        %get3A_279 = tpu.vector_load %arg9[%get3A_277, %get3A_278] {strides = array<i32>} : memref<200x64xbf16, #tpu.memory_space<vmem>>, vector<32xbf16>,
        %unpack3A_280 = tpu.unpack_subelements %get3A_279, 0 {pack_format = #tpu.pack_format<interleaved>} : vector<32xbf16> -> vector<16xf32>
        %unpack3A_281 = tpu.unpack_subelements %get3A_279, 1 {pack_format = #tpu.pack_format<interleaved>} : vector<32xbf16> -> vector<16xf32>
        %add3A_282 = arith.addf %add3A_266, %unpack3A_280 : vector<16xf32>
        %add3A_283 = arith.addf %add3A_267, %unpack3A_281 : vector<16xf32>
        %get3A_284 = arith.index_cast %scan3A_276 : i32 to index
        %get3A_285 = arith.constant 32 : index
        %get3A_286 = tpu.vector_load %arg9[%get3A_284, %get3A_285] {strides = array<i32>} : memref<200x64xbf16, #tpu.memory_space<vmem>>, vector<32xbf16>,
        %unpack3A_287 = tpu.unpack_subelements %get3A_286, 0 {pack_format = #tpu.pack_format<interleaved>} : vector<32xbf16> -> vector<16xf32>
        %unpack3A_288 = tpu.unpack_subelements %get3A_286, 1 {pack_format = #tpu.pack_format<interleaved>} : vector<32xbf16> -> vector<16xf32>
        %add3A_289 = arith.addf %add3A_273, %unpack3A_287 : vector<16xf32>
        %add3A_290 = arith.addf %add3A_274, %unpack3A_288 : vector<16xf32>
        %scan3A_291 = arith.constant 5 : i32
        %scan3A_292 = arith.addi %scan3A_210, %scan3A_291 : i32
        %get3A_293 = arith.index_cast %scan3A_292 : i32 to index
        %get3A_294 = arith.constant 0 : index
        %get3A_295 = tpu.vector_load %arg9[%get3A_293, %get3A_294] {strides = array<i32>} : memref<200x64xbf16, #tpu.memory_space<vmem>>, vector<32xbf16>,
        %unpack3A_296 = tpu.unpack_subelements %get3A_295, 0 {pack_format = #tpu.pack_format<interleaved>} : vector<32xbf16> -> vector<16xf32>
        %unpack3A_297 = tpu.unpack_subelements %get3A_295, 1 {pack_format = #tpu.pack_format<interleaved>} : vector<32xbf16> -> vector<16xf32>
        %add3A_298 = arith.addf %add3A_282, %unpack3A_296 : vector<16xf32>
        %add3A_299 = arith.addf %add3A_283, %unpack3A_297 : vector<16xf32>
        %get3A_300 = arith.index_cast %scan3A_292 : i32 to index
        %get3A_301 = arith.constant 32 : index
        %get3A_302 = tpu.vector_load %arg9[%get3A_300, %get3A_301] {strides = array<i32>} : memref<200x64xbf16, #tpu.memory_space<vmem>>, vector<32xbf16>,
        %unpack3A_303 = tpu.unpack_subelements %get3A_302, 0 {pack_format = #tpu.pack_format<interleaved>} : vector<32xbf16> -> vector<16xf32>
        %unpack3A_304 = tpu.unpack_subelements %get3A_302, 1 {pack_format = #tpu.pack_format<interleaved>} : vector<32xbf16> -> vector<16xf32>
        %add3A_305 = arith.addf %add3A_289, %unpack3A_303 : vector<16xf32>
        %add3A_306 = arith.addf %add3A_290, %unpack3A_304 : vector<16xf32>
        %scan3A_307 = arith.constant 6 : i32
        %scan3A_308 = arith.addi %scan3A_210, %scan3A_307 : i32
        %get3A_309 = arith.index_cast %scan3A_308 : i32 to index
        %get3A_310 = arith.constant 0 : index
        %get3A_311 = tpu.vector_load %arg9[%get3A_309, %get3A_310] {strides = array<i32>} : memref<200x64xbf16, #tpu.memory_space<vmem>>, vector<32xbf16>,
        %unpack3A_312 = tpu.unpack_subelements %get3A_311, 0 {pack_format = #tpu.pack_format<interleaved>} : vector<32xbf16> -> vector<16xf32>
        %unpack3A_313 = tpu.unpack_subelements %get3A_311, 1 {pack_format = #tpu.pack_format<interleaved>} : vector<32xbf16> -> vector<16xf32>
        %add3A_314 = arith.addf %add3A_298, %unpack3A_312 : vector<16xf32>
        %add3A_315 = arith.addf %add3A_299, %unpack3A_313 : vector<16xf32>
        %get3A_316 = arith.index_cast %scan3A_308 : i32 to index
        %get3A_317 = arith.constant 32 : index
        %get3A_318 = tpu.vector_load %arg9[%get3A_316, %get3A_317] {strides = array<i32>} : memref<200x64xbf16, #tpu.memory_space<vmem>>, vector<32xbf16>,
        %unpack3A_319 = tpu.unpack_subelements %get3A_318, 0 {pack_format = #tpu.pack_format<interleaved>} : vector<32xbf16> -> vector<16xf32>
        %unpack3A_320 = tpu.unpack_subelements %get3A_318, 1 {pack_format = #tpu.pack_format<interleaved>} : vector<32xbf16> -> vector<16xf32>
        %add3A_321 = arith.addf %add3A_305, %unpack3A_319 : vector<16xf32>
        %add3A_322 = arith.addf %add3A_306, %unpack3A_320 : vector<16xf32>
        %scan3A_323 = arith.constant 7 : i32
        %scan3A_324 = arith.addi %scan3A_210, %scan3A_323 : i32
        %get3A_325 = arith.index_cast %scan3A_324 : i32 to index
        %get3A_326 = arith.constant 0 : index
        %get3A_327 = tpu.vector_load %arg9[%get3A_325, %get3A_326] {strides = array<i32>} : memref<200x64xbf16, #tpu.memory_space<vmem>>, vector<32xbf16>,
        %unpack3A_328 = tpu.unpack_subelements %get3A_327, 0 {pack_format = #tpu.pack_format<interleaved>} : vector<32xbf16> -> vector<16xf32>
        %unpack3A_329 = tpu.unpack_subelements %get3A_327, 1 {pack_format = #tpu.pack_format<interleaved>} : vector<32xbf16> -> vector<16xf32>
        %add3A_330 = arith.addf %add3A_314, %unpack3A_328 : vector<16xf32>
        %add3A_331 = arith.addf %add3A_315, %unpack3A_329 : vector<16xf32>
        %get3A_332 = arith.index_cast %scan3A_324 : i32 to index
        %get3A_333 = arith.constant 32 : index
        %get3A_334 = tpu.vector_load %arg9[%get3A_332, %get3A_333] {strides = array<i32>} : memref<200x64xbf16, #tpu.memory_space<vmem>>, vector<32xbf16>,
        %unpack3A_335 = tpu.unpack_subelements %get3A_334, 0 {pack_format = #tpu.pack_format<interleaved>} : vector<32xbf16> -> vector<16xf32>
        %unpack3A_336 = tpu.unpack_subelements %get3A_334, 1 {pack_format = #tpu.pack_format<interleaved>} : vector<32xbf16> -> vector<16xf32>
        %add3A_337 = arith.addf %add3A_321, %unpack3A_335 : vector<16xf32>
        %add3A_338 = arith.addf %add3A_322, %unpack3A_336 : vector<16xf32>
        scf.yield %add3A_330, %add3A_331, %add3A_337, %add3A_338 : vector<16xf32>, vector<16xf32>, vector<16xf32>, vector<16xf32>
      }
      %scan3A_196 = arith.constant 200 : i32
      %swap3A_197 = arith.index_cast %add3A_173 : i32 to index
      %swap3A_198 = arith.constant 0 : index
      %swap3A_199 = tpu.vector_load %arg10[%swap3A_197, %swap3A_198] {strides = array<i32>} : memref<128x64xf32, #tpu.memory_space<vmem>>, vector<16xf32>,
      tpu.vector_store %arg10[%swap3A_197, %swap3A_198], %scan3A_195#0 {strides = array<i32>} : memref<128x64xf32, #tpu.memory_space<vmem>>, vector<16xf32>,
      %swap3A_200 = arith.index_cast %add3A_173 : i32 to index
      %swap3A_201 = arith.constant 16 : index
      %swap3A_202 = tpu.vector_load %arg10[%swap3A_200, %swap3A_201] {strides = array<i32>} : memref<128x64xf32, #tpu.memory_space<vmem>>, vector<16xf32>,
      tpu.vector_store %arg10[%swap3A_200, %swap3A_201], %scan3A_195#1 {strides = array<i32>} : memref<128x64xf32, #tpu.memory_space<vmem>>, vector<16xf32>,
      %swap3A_203 = arith.index_cast %add3A_173 : i32 to index
      %swap3A_204 = arith.constant 32 : index
      %swap3A_205 = tpu.vector_load %arg10[%swap3A_203, %swap3A_204] {strides = array<i32>} : memref<128x64xf32, #tpu.memory_space<vmem>>, vector<16xf32>,
      tpu.vector_store %arg10[%swap3A_203, %swap3A_204], %scan3A_195#2 {strides = array<i32>} : memref<128x64xf32, #tpu.memory_space<vmem>>, vector<16xf32>,
      %swap3A_206 = arith.index_cast %add3A_173 : i32 to index
      %swap3A_207 = arith.constant 48 : index
      %swap3A_208 = tpu.vector_load %arg10[%swap3A_206, %swap3A_207] {strides = array<i32>} : memref<128x64xf32, #tpu.memory_space<vmem>>, vector<16xf32>,
      tpu.vector_store %arg10[%swap3A_206, %swap3A_207], %scan3A_195#3 {strides = array<i32>} : memref<128x64xf32, #tpu.memory_space<vmem>>, vector<16xf32>,
      %scan3A_209 = arith.constant 0 : i32
      scf.yield %scan3A_209 : i32
    }
    %scan3A_57 = arith.constant 32 : i32
    "tpu.region"() ({
      %run_scoped3A = tpu.sem_alloc : memref<!tpu.dma_semaphore, #tpu.memory_space<semaphore_mem>>
      %dma_start3A_58 = arith.constant 0 : i32
      %dma_start3A_59 = tpu.memref_slice %arg4[%mul3A_2, %dma_start3A_58] : memref<4096x64xf32, #tpu.memory_space<hbm>> -> memref<128x64xf32, #tpu.memory_space<hbm>>
      %dma_start3A_60 = arith.constant 0 : i32
      %dma_start3A_61 = tpu.memref_slice %arg4[%mul3A_2, %dma_start3A_60] : memref<4096x64xf32, #tpu.memory_space<hbm>> -> memref<128x64xf32, #tpu.memory_space<hbm>>
      tpu.enqueue_dma source(%arg10 : memref<128x64xf32, #tpu.memory_space<vmem>>) target(%dma_start3A_61 : memref<128x64xf32, #tpu.memory_space<hbm>>) target_semaphore(%run_scoped3A : memref<!tpu.dma_semaphore, #tpu.memory_space<semaphore_mem>>)
      %dma_wait3A = arith.constant 0 : i32
      %dma_wait3A_62 = tpu.memref_slice %arg4[%mul3A_2, %dma_wait3A] : memref<4096x64xf32, #tpu.memory_space<hbm>> -> memref<128x64xf32, #tpu.memory_space<hbm>>
      %dma_wait3A_63 = arith.constant 0 : i32
      %dma_wait3A_64 = tpu.memref_slice %arg4[%mul3A_2, %dma_wait3A_63] : memref<4096x64xf32, #tpu.memory_space<hbm>> -> memref<128x64xf32, #tpu.memory_space<hbm>>
      tpu.wait_dma2 semaphore(%run_scoped3A : memref<!tpu.dma_semaphore, #tpu.memory_space<semaphore_mem>>) src(%arg10 : memref<128x64xf32, #tpu.memory_space<vmem>>) dst(%dma_wait3A_64 : memref<128x64xf32, #tpu.memory_space<hbm>>)
      tpu.yield
    }) : () -> ()
    return
  }
}

module attributes {stable_mosaic.version = 14 : i64} {
  func.func @_proj_body(%arg0: i32, %arg1: memref<512x64xf32, #tpu.memory_space<vmem>>, %arg2: memref<512x64xf32, #tpu.memory_space<vmem>>, %arg3: memref<512x64xf32, #tpu.memory_space<vmem>>, %arg4: memref<64x64xf32, #tpu.memory_space<vmem>>, %arg5: memref<1x192xf32, #tpu.memory_space<vmem>>, %arg6: memref<512x192xf32, #tpu.memory_space<vmem>>) attributes {dimension_semantics = [#tpu.dimension_semantics<arbitrary>], iteration_bounds = array<i64: 8>, scalar_prefetch = 0 : i64, scratch_operands = 0 : i64, tpu.core_type = #tpu.core_type<tc>, window_params = [{transform_indices = @transform_0, window_bounds = array<i64: 512, 64>}, {transform_indices = @transform_1, window_bounds = array<i64: 512, 64>}, {transform_indices = @transform_2, window_bounds = array<i64: 512, 64>}, {pipeline_mode = #tpu.pipeline_mode<synchronous>, transform_indices = @transform_3, window_bounds = array<i64: 64, 64>}, {pipeline_mode = #tpu.pipeline_mode<synchronous>, transform_indices = @transform_4, window_bounds = array<i64: 1, 192>}, {transform_indices = @transform_5, window_bounds = array<i64: 512, 192>}]} {
    %get3A = arith.constant 0 : index
    %get3A_0 = arith.constant 0 : index
    %get3A_1 = vector.load %arg4[%get3A, %get3A_0] : memref<64x64xf32, #tpu.memory_space<vmem>>, vector<64x64xf32>
    %get3A_2 = arith.constant 0 : index
    %get3A_3 = arith.constant 0 : index
    %get3A_4 = vector.load %arg1[%get3A_2, %get3A_3] : memref<512x64xf32, #tpu.memory_space<vmem>>, vector<512x64xf32>
    %dot_general3A = arith.constant dense<0.000000e+00> : vector<512x64xf32>
    %dot_general3A_5 = tpu.matmul %get3A_4, %get3A_1, %dot_general3A {dimension_numbers = #tpu.dot_dimension_numbers<[1], [0], [0], [1], [0, 0, 1, 1], [], []>, transpose_lhs_hint = false} : vector<512x64xf32>, vector<64x64xf32>, vector<512x64xf32> -> vector<512x64xf32>
    %get3A_6 = arith.constant 0 : index
    %get3A_7 = arith.constant 0 : index
    %get3A_8 = vector.load %arg2[%get3A_6, %get3A_7] : memref<512x64xf32, #tpu.memory_space<vmem>>, vector<512x64xf32>
    %dot_general3A_9 = arith.constant dense<0.000000e+00> : vector<512x64xf32>
    %dot_general3A_10 = tpu.matmul %get3A_8, %get3A_1, %dot_general3A_9 {dimension_numbers = #tpu.dot_dimension_numbers<[1], [0], [0], [1], [0, 0, 1, 1], [], []>, transpose_lhs_hint = false} : vector<512x64xf32>, vector<64x64xf32>, vector<512x64xf32> -> vector<512x64xf32>
    %get3A_11 = arith.constant 0 : index
    %get3A_12 = arith.constant 0 : index
    %get3A_13 = vector.load %arg3[%get3A_11, %get3A_12] : memref<512x64xf32, #tpu.memory_space<vmem>>, vector<512x64xf32>
    %dot_general3A_14 = arith.constant dense<0.000000e+00> : vector<512x64xf32>
    %dot_general3A_15 = tpu.matmul %get3A_13, %get3A_1, %dot_general3A_14 {dimension_numbers = #tpu.dot_dimension_numbers<[1], [0], [0], [1], [0, 0, 1, 1], [], []>, transpose_lhs_hint = false} : vector<512x64xf32>, vector<64x64xf32>, vector<512x64xf32> -> vector<512x64xf32>
    %concatenate3A = tpu.concatenate %dot_general3A_5, %dot_general3A_10, %dot_general3A_15 in 1 : vector<512x64xf32>, vector<512x64xf32>, vector<512x64xf32> -> vector<512x192xf32>
    %get3A_16 = arith.constant 0 : index
    %get3A_17 = arith.constant 0 : index
    %get3A_18 = vector.load %arg5[%get3A_16, %get3A_17] : memref<1x192xf32, #tpu.memory_space<vmem>>, vector<1x192xf32>
    %add3A = vector.broadcast %get3A_18 : vector<1x192xf32> to vector<512x192xf32>
    %add3A_19 = arith.addf %concatenate3A, %add3A : vector<512x192xf32>
    %swap3A = arith.constant 0 : index
    %swap3A_20 = arith.constant 0 : index
    %swap3A_21 = vector.load %arg6[%swap3A, %swap3A_20] : memref<512x192xf32, #tpu.memory_space<vmem>>, vector<512x192xf32>
    tpu.vector_store %arg6[%swap3A, %swap3A_20], %add3A_19 {strides = array<i32>} : memref<512x192xf32, #tpu.memory_space<vmem>>, vector<512x192xf32>,
    return
  }
  func.func @transform_0(%arg0: i32) -> (i32, i32) {
    %c0_i32 = arith.constant 0 : i32
    %c0_i32_0 = arith.constant 0 : i32
    return %arg0, %c0_i32 : i32, i32
  }
  func.func @transform_1(%arg0: i32) -> (i32, i32) {
    %c0_i32 = arith.constant 0 : i32
    %c0_i32_0 = arith.constant 0 : i32
    return %arg0, %c0_i32 : i32, i32
  }
  func.func @transform_2(%arg0: i32) -> (i32, i32) {
    %c0_i32 = arith.constant 0 : i32
    %c0_i32_0 = arith.constant 0 : i32
    return %arg0, %c0_i32 : i32, i32
  }
  func.func @transform_3(%arg0: i32) -> (i32, i32) {
    %c0_i32 = arith.constant 0 : i32
    %c0_i32_0 = arith.constant 0 : i32
    %c0_i32_1 = arith.constant 0 : i32
    return %c0_i32, %c0_i32_0 : i32, i32
  }
  func.func @transform_4(%arg0: i32) -> (i32, i32) {
    %c0_i32 = arith.constant 0 : i32
    %c0_i32_0 = arith.constant 0 : i32
    %c0_i32_1 = arith.constant 0 : i32
    return %c0_i32, %c0_i32_0 : i32, i32
  }
  func.func @transform_5(%arg0: i32) -> (i32, i32) {
    %c0_i32 = arith.constant 0 : i32
    %c0_i32_0 = arith.constant 0 : i32
    return %arg0, %c0_i32 : i32, i32
  }
}

</mosaic_0001>

<sc_bundles>
// kernel: kernel.12.cloned.1.call-start
scs
__scs_entry_jumppad:
0x0: {  	(pc) =	sbr.rel $0x88, $3  }
0x1: {  	(tag) =	ssettag $0x0;
	lr =	simm.s32 $0x1  }
0x2: {  	[smem:$0x3F99] =	sst lr;
	_ =	strace $0xD0000000  }
0x3: {  	_ = 	snop  }
0x4: {  	_ = 	snop  }
0x5: {  	_ = 	snop  }
0x6: {  	_ = 	snop  }
0x7: {  	_ = 	snop  }
__scs_overlays_trampoline_lowered:
0x8: {  	[smem:$0x3FA8] =	sst s0  }
0x9: {  	[smem:$0x3FA9] =	sst s1  }
0xa: {  	[smem:$0x3FAA] =	sst s2  }
0xb: {  	[smem:$0x3FAB] =	sst s3  }
0xc: {  	[smem:$0x3FAC] =	sst s4  }
0xd: {  	[smem:$0x3FAD] =	sst s5  }
0xe: {  	[smem:$0x3FAE] =	sst s6  }
0xf: {  	[smem:$0x3FAF] =	sst s7  }
0x10: {  	[smem:$0x3FB0] =	sst s8  }
0x11: {  	[smem:$0x3FB1] =	sst s9;
	s0 =	simm.s32 @!p0 $0x0  }
0x12: {  	s1 =	sld [smem:$0x3F97];
	s0 =	simm.s32 @p0 $0x1  }
0x13: {  	[smem:$0x3FB2] =	sst s0;
	s0 =	simm.s32 @!p1 $0x0  }
0x14: {  	s2 =	sld [smem:$0x3F96];
	s0 =	simm.s32 @p1 $0x1  }
0x15: {  	[smem:$0x3FB3] =	sst s0;
	s0 =	simm.s32 @!p2 $0x0  }
0x16: {  	s3 =	sld [smem:$0x3FDB];
	s0 =	simm.s32 @p2 $0x1  }
0x17: {  	s4 =	simm.s32 $0x1BF5;
	[smem:$0x3FB5] =	sst s0  }
0x18: {  	s0 =	sld [smem:$0x3F98];
	_ =	swait.ge [sflag:s4], $0x0  }
0x19: {  	s7 =	sld [smem:$0x3F99]  }
0x1a: {  	s8 =	sadd.s32 $0xFFFFE003, lr  }
0x1b: {  	s9 =	sadd.s32 $0xFFFFFEF7, lr;
	s5 =	simm.s32 $0xFFFFFFFF;
	p2 =	slt.u32 s8, $0xFFFFF086  }
0x1c: {  	p1 =	slt.u32 s9, $0xF7A;
	s5 =	simm.s32 @!p2 $0x0  }
0x1d: {  	s5 =	simm.s32 @p1 $0x1;
	p0 =	seq.s32 s7, s2  }
0x1e: {  	s7 =	smul.u32 @!p0 $0xF7A, s2;
	p2 =	seq.s32 @!p0 s5, $0x0  }
0x1f: {  	s9 =	smul.u32 $0xF7A, s1;
	s8 =	simm.s32 @!p0 $0x1BF5;
	p2 =	por !p2, p0  }
0x20: {  	[sflag:s8] =	ssyncset.s32 @!p0 $0xFFFFF086;
	s6 =	sadd.s32 @!p0 s3, s7;
	s7 =	simm.s32 @!p0 $0x108  }
0x21: {  	s3 =	sadd.s32 s3, s9;
	s6 =	sadd.s32 @!p0 $0x88, s6;
	s7 =	simm.s32 @p2 $0x1082  }
0x22: {  	[simem:s7], [sflag:s8] =	dma.local @!p0 [hbm:s6], $0xF7A  }
0x23: {  	s9 =	sor.u32 $0xD0000000, s2;
	s6 =	simm.s32 $0x108;
	_ =	swait.ge @!p0 [sflag:s8], $0x0  }
0x24: {  	s3 =	sadd.s32 $0x88, s3;
	s6 =	simm.s32 @!p1 $0x1082;
	[sflag:s4] =	ssyncset.s32 $0xFFFFF086  }
0x25: {  	[simem:s6], [sflag:s4] =	dma.local [hbm:s3], $0xF7A  }
0x26: {  	[smem:$0x3F99] =	sst s1;
	(tag) =	ssettag s2;
	_ =	strace s9  }
0x27: {  	s1 =	sld [smem:$0x3FA9]  }
0x28: {  	s2 =	sld [smem:$0x3FAA]  }
0x29: {  	s4 =	sld [smem:$0x3FAC]  }
0x2a: {  	p0 =	seq.s32 s5, $0x0;
	s5 =	sld [smem:$0x3FAD]  }
0x2b: {  	s6 =	sld [smem:$0x3FAE]  }
0x2c: {  	s7 =	sld [smem:$0x3FAF]  }
0x2d: {  	s3 =	simm.s32 $0x108;
	s8 =	sld [smem:$0x3FB0]  }
0x2e: {  	s3 =	simm.s32 @!p0 $0x1082;
	s9 =	sld [smem:$0x3FB1]  }
0x2f: {  	lr =	sadd.s32 s0, s3;
	s0 =	sld [smem:$0x3FA8]  }
0x30: {  	s3 =	sld [smem:$0x3FAB]  }
0x31: {  	[smem:$0x3FB4] =	sst s10  }
0x32: {  	s10 =	sld [smem:$0x3FB2];
	_ =	sdelay $0x3  }
0x33: {  	p0 =	seq.s32 s10, $0x1;
	s10 =	sld [smem:$0x3FB4];
	_ =	sdelay $0x3  }
0x34: {  	[smem:$0x3FB4] =	sst s10  }
0x35: {  	s10 =	sld [smem:$0x3FB3];
	_ =	sdelay $0x3  }
0x36: {  	p1 =	seq.s32 s10, $0x1;
	s10 =	sld [smem:$0x3FB4];
	_ =	sdelay $0x3  }
0x37: {  	[smem:$0x3FB4] =	sst s10  }
0x38: {  	s10 =	sld [smem:$0x3FB5]  }
0x39: {  	_ = 	snop;
	(pc) =	sbr.ind lr, $3  }
0x3a: {  	_ = 	snop  }
0x3b: {  	_ = 	snop  }
0x3c: {  	p2 =	seq.s32 s10, $0x1;
	s10 =	sld [smem:$0x3FB4]  }
0x3d: {  	_ =	shalt  }
0x3e: {  	_ =	shalt  }
0x3f: {  	_ =	shalt  }
0x40: {  	_ =	shalt  }
0x41: {  	_ =	shalt  }
0x42: {  	_ =	shalt  }
0x43: {  	_ =	shalt  }
0x44: {  	_ =	shalt  }
0x45: {  	_ =	shalt  }
0x46: {  	_ =	shalt  }
0x47: {  	_ =	shalt  }
0x48: {  	_ =	shalt  }
0x49: {  	_ =	shalt  }
0x4a: {  	_ =	shalt  }
0x4b: {  	_ =	shalt  }
0x4c: {  	_ =	shalt  }
0x4d: {  	_ =	shalt  }
0x4e: {  	_ =	shalt  }
0x4f: {  	_ =	shalt  }
0x50: {  	_ =	shalt  }
0x51: {  	_ =	shalt  }
0x52: {  	_ =	shalt  }
0x53: {  	_ =	shalt  }
0x54: {  	_ =	shalt  }
0x55: {  	_ =	shalt  }
0x56: {  	_ =	shalt  }
0x57: {  	_ =	shalt  }
0x58: {  	_ =	shalt  }
0x59: {  	_ =	shalt  }
0x5a: {  	_ =	shalt  }
0x5b: {  	_ =	shalt  }
0x5c: {  	_ =	shalt  }
0x5d: {  	_ =	shalt  }
0x5e: {  	_ =	shalt  }
0x5f: {  	_ =	shalt  }
0x60: {  	_ =	shalt  }
0x61: {  	_ =	shalt  }
0x62: {  	_ =	shalt  }
0x63: {  	_ =	shalt  }
0x64: {  	_ =	shalt  }
0x65: {  	_ =	shalt  }
0x66: {  	_ =	shalt  }
0x67: {  	_ =	shalt  }
0x68: {  	_ =	shalt  }
0x69: {  	_ =	shalt  }
0x6a: {  	_ =	shalt  }
0x6b: {  	_ =	shalt  }
0x6c: {  	_ =	shalt  }
0x6d: {  	_ =	shalt  }
0x6e: {  	_ =	shalt  }
0x6f: {  	_ =	shalt  }
0x70: {  	_ =	shalt  }
0x71: {  	_ =	shalt  }
0x72: {  	_ =	shalt  }
0x73: {  	_ =	shalt  }
0x74: {  	_ =	shalt  }
0x75: {  	_ =	shalt  }
0x76: {  	_ =	shalt  }
0x77: {  	_ =	shalt  }
0x78: {  	_ =	shalt  }
0x79: {  	_ =	shalt  }
0x7a: {  	_ =	shalt  }
0x7b: {  	_ =	shalt  }
0x7c: {  	_ =	shalt  }
0x7d: {  	_ =	shalt  }
0x7e: {  	_ =	shalt  }
0x7f: {  	_ =	shalt  }
0x80: {  	_ =	shalt  }
0x81: {  	_ =	shalt  }
0x82: {  	_ =	shalt  }
0x83: {  	_ =	shalt  }
0x84: {  	_ =	shalt  }
0x85: {  	_ =	shalt  }
0x86: {  	_ =	shalt  }
0x87: {  	_ =	shalt  }
.Lfunc_end0:
.L_simem_size_0:
called_computation.2_lowered:
.L_overlay_start_0:
0x88: {  	s2 =	sld [smem:$0x3FD9]  }
0x89: {  	s3 =	sld [smem:$0x3FFE];
	_ =	sdelay $0x1  }
0x8a: {  	s1 =	srdreg.scid  }
0x8b: {  	s0 =	sand.u32 $0x1, s1  }
0x8c: {  	s16 =	sshll.u32 s0, $0xA;
	s2 =	sadd.s32 s3, s2  }
0x8d: {  	s2 =	sadd.s32 s2, s16  }
0x8e: {  	[smem:$0x3FC0] =	sst s2  }
0x8f: {  	_ = 	snop  }
0x90: {  	(tm) =	ssettm $0x1  }
0x91: {  	s17 =	sld [smem:$0x3FFB];
	_ =	sdelay $0x3  }
0x92: {  	_ =	strace s17  }
0x93: {  	s2 =	sld [smem:$0x3FFC];
	_ =	sdelay $0x3  }
0x94: {  	_ =	strace s2  }
0x95: {  	s2 =	sld [smem:$0x3FFD];
	_ =	sdelay $0x3  }
0x96: {  	_ =	strace s2  }
0x97: {  	_ =	strace $0x8FFFFFFF  }
0x98: {  	s18 =	sld [smem:$0x3FDB];
	_ =	sdelay $0x1  }
0x99: {  	s19 =	simm.s32 $_scs_section_size  }
0x9a: {  	s4 =	simm.s32 $_size__tile_overlayer_lowered;
	s5 =	simm.s32 $_tile_overlayer_lowered  }
0x9b: {  	s22 =	simm.s32 $0x1BFF;
	s21 =	sshll.u32 s5, $0x1;
	s2 =	sadd.s32 s19, s18  }
0x9c: {  	s6 =	simm.s32 $0x0;
	s20 =	sshll.u32 s4, $0x1;
	s4 =	sadd.s32 s21, s2  }
0x9d: {  	[timem:s6], [sflag:s22] =	dma.local [hbm:s4], s20  }
0x9e: {  	_ =	swait.ge [sflag:s22], s20  }
0x9f: {  	s3 =	ssub.s32 $0x0, s20;
	[sflag:s22] =	ssyncset.done $0x0  }
0xa0: {  	[sflag:s22] =	ssyncadd.s32 s3;
	_ =	sdelay $0x1  }
0xa1: {  	s23 =	simm.s32 $0x1B8B  }
0xa2: {  	_ =	swait.ge [sflag:s23], $0x1  }
0xa3: {  	[sflag:s23] =	ssyncset.done $0x0  }
0xa4: {  	s25 =	simm.s32 $0x1B8E;
	s24 =	sld [smem:$0x3FFE];
	[sflag:s23] =	ssyncadd.s32 $0xFFFFFFFF  }
0xa5: {  	s26 =	simm.s32 $execute0_lowered;
	[smem:$0x3FD2] =	sst s25  }
0xa6: {  	s4 =	sshll.u32 s26, $0x1;
	_ =	strace $0x80000046;
	[dreg:$0x1] =	wrdreg $0xFFFFFFFF  }
0xa7: {  	s28 =	simm.s32 $_size_execute0_lowered;
	s2 =	sadd.s32 s2, s4;
	[dreg:$0x0] =	wrdreg $0x0  }
0xa8: {  	s4 =	sshll.u32 s28, $0x1;
	[dreg:$0x2] =	wrdreg s2  }
0xa9: {  	[dreg:$0x3] =	wrdreg s4  }
0xaa: {  	[dreg:$0x4] =	wrdreg $0xC0  }
0xab: {  	_ =	task [dreg:s6], $0x5FFFF  }
0xac: {  	[dreg:$0x1] =	wrdreg $0xFFFFFFFF  }
0xad: {  	[dreg:$0x0] =	wrdreg $0x60  }
0xae: {  	[dreg:$0x2] =	wrdreg s24  }
0xaf: {  	[dreg:$0x3] =	wrdreg $0xB  }
0xb0: {  	_ =	task.clear_ibuf [dreg:s6], $0x4FFFF;
	_ =	strace $0x90000046  }
0xb1: {  	s29 =	simm.s32 $0xB;
	_ =	strace $0x80000048  }
0xb2: {  	_ =	swait.ge [sflag:s29], $0x1  }
0xb3: {  	[sflag:s29] =	ssyncadd.s32 $0xFFFFFFFF  }
0xb4: {  	_ =	strace $0x90000048  }
0xb5: {  	_ =	sfence  }
0xb6: {  	s30 =	sld [smem:$0x0];
	_ =	sdelay $0x2  }
0xb7: {  	s31 =	sshll.u32 s1, $0xD;
	s1 =	sshrl.u32 s1, $0x2  }
0xb8: {  	s3 =	sand.u32 $0x4000, s31;
	s1 =	sadd.s32 s1, s30  }
0xb9: {  	s0 =	sor.u32 s3, s0;
	s1 =	sshll.u32 s1, $0x11  }
0xba: {  	s0 =	sor.u32 s1, s0  }
0xbb: {  	s0 =	sadd.s32 $0x8F2B, s0  }
0xbc: {  	[sflag:s0] =	ssyncadd.remote.s32 $0x1  }
0xbd: {  	_ =	sfence.sel $0xFFFF  }
0xbe: {  	[dreg:$0x0] =	wrdreg $0xFFFFFFFF;
	(pc) =	sbr.abs _section_cstart, $3  }
0xbf: {  	[dreg:$0x1] =	wrdreg $0xFFFFFFFF  }
0xc0: {  	_ =	task.clear_ibuf [dreg:s6], $0x2FFFF;
	_ =	strace $0x9FFFFFFF  }
0xc1: {  	(tm) =	ssettm $0x7FFFFFFF  }
tec
execute0_lowered:
.L_overlay_start_1:
0x0: {  	(tag) =	ssettag $0x1  }
0x1: {  	s0 =	srdreg.scid  }
0x2: {  	s2 =	stileid.u32;
	s1 =	rddreg [dreg:$0x0]  }
0x3: {  	s7 =	simm.s32 $0x5;
	s8 =	simm.s32 $0x80;
	s10 =	simm.s32 $0x48  }
0x4: {  	s12 =	simm.s32 $0xC8;
	s13 =	simm.s32 $0x7D00;
	s14 =	simm.s32 $0x148  }
0x5: {  	s15 =	simm.s32 $0x8D00;
	s16 =	simm.s32 $0x190;
	s17 =	simm.s32 $0x9600  }
0x6: {  	s18 =	simm.s32 $0x210;
	s19 =	simm.s32 $0xA600;
	s20 =	simm.s32 $0xAF00  }
0x7: {  	s21 =	simm.s32 $0xBF00;
	s22 =	simm.s32 $0x1;
	s23 =	simm.s32 $0x2  }
0x8: {  	s24 =	simm.s32 $0x3;
	s25 =	simm.s32 $0x4;
	s26 =	simm.s32 $0xC800  }
0x9: {  	s0 =	sand.u32 $0x1, s0;
	s3 =	sshll.u32 s2, $0x1;
	s2 =	simm.s32 $0x0  }
0xa: {  	s28 =	simm.s32 $0x0;
	s3 =	sor.u32 s0, s3;
	[smem:$0x7FF] =	sst s2  }
0xb: {  	s0 =	ssub.s32 $0x2, s0;
	s4 =	smul.u32 $0xC80, s3;
	_ =	strace $0x80000047  }
0xc: {  	s5 =	sshll.u32 s3, $0xA;
	s6 =	sshrl.u32 s0, $0x1;
	s3 =	sadd.s32 $0x5000, s1  }
0xd: {  	s0 =	ssub.s32 s0, s6;
	s4 =	sadd.s32 s4, s1;
	s1 =	sadd.s32 s5, s1  }
0xe: {  	s6 =	smax.u32 s0, $0x1;
	s4 =	sadd.s32 $0x66C00, s4;
	s5 =	sadd.s32 $0x7FC00, s1  }
.LBB2_1:
0xf: {  	[tilespmem:s2], [sflag:$0x5] =	stream.linear.gather [hbm4b:s4+s2], $0x6400, $0x38;
	[tilespmem:$0xE800] =	vst v63  }
0x10: {  	_ =	swait.ge [sflag:s7], $0x6400  }
0x11: {  	[sflag:s7] =	ssyncset.done $0x0  }
0x12: {  	s0 =	simm.s32 $0x6400;
	[sflag:s7] =	ssyncadd.s32 $0xFFFF9C00  }
0x13: {  	[tilespmem:s0], [sflag:$0x1] =	stream.indirect.gather [hbm4b:s3+s8], $0x20, s2, s8, $0xb8;
	[tilespmem:$0xE800] =	vst v63  }
0x14: {  	s31 =	simm.s32 $0x7400  }
0x15: {  	[tilespmem:s31], [sflag:$0x1] =	stream.indirect.gather [hbm4b:s3+s10], $0x20, s8, s10, $0xb8;
	[tilespmem:$0xE800] =	vst v63  }
0x16: {  	_ = 	snop  }
0x17: {  	[tilespmem:s13], [sflag:$0x2] =	stream.indirect.gather [hbm4b:s3+s8], $0x20, s12, s8, $0xb8;
	[tilespmem:$0xE800] =	vst v63  }
0x18: {  	_ = 	snop  }
0x19: {  	[tilespmem:s15], [sflag:$0x2] =	stream.indirect.gather [hbm4b:s3+s10], $0x20, s14, s10, $0xb8;
	[tilespmem:$0xE800] =	vst v63  }
0x1a: {  	_ = 	snop  }
0x1b: {  	[tilespmem:s17], [sflag:$0x3] =	stream.indirect.gather [hbm4b:s3+s8], $0x20, s16, s8, $0xb8;
	[tilespmem:$0xE800] =	vst v63  }
0x1c: {  	s29 =	simm.s32 $0x0  }
0x1d: {  	[tilespmem:s19], [sflag:$0x3] =	stream.indirect.gather [hbm4b:s3+s10], $0x20, s18, s10, $0xb8;
	[tilespmem:$0xE800] =	vst v63  }
.LBB2_2:
0x1e: {  	s30 =	sshllo.u32 s29, $0x2  }
0x1f: {  	s0 =	smul.u32 $0x320, s30;
	_ =	sdelay $0x1  }
0x20: {  	s0 =	sshra.s32 s0, $0x2  }
0x21: {  	[tilespmem:s20], [sflag:$0x4] =	stream.indirect.gather [hbm4b:s3+s8], $0x20, s0, s8, $0xb8;
	[tilespmem:$0xE800] =	vst v63  }
0x22: {  	s0 =	sadd.s32 $0x80, s0  }
0x23: {  	[tilespmem:s21], [sflag:$0x4] =	stream.indirect.gather [hbm4b:s3+s10], $0x20, s0, s10, $0xb8;
	[tilespmem:$0xE800] =	vst v63  }
0x24: {  	_ =	swait.ge [sflag:s22], $0x1900  }
0x25: {  	[sflag:s22] =	ssyncset.done $0x0  }
0x26: {  	s1 =	simm.s32 $0x6480;
	[sflag:s22] =	ssyncadd.s32 $0xFFFFE700  }
0x27: {  	v1 =	vld [tilespmem:s1+$0x60]  }
0x28: {  	v3 =	vld [tilespmem:s1+$0x40]  }
0x29: {  	v5 =	vld [tilespmem:s1+$0x20]  }
0x2a: {  	v7 =	vld [tilespmem:s1+$0x0]  }
0x2b: {  	v8 =	vld [tilespmem:s1+$0xFFFFFFE0]  }
0x2c: {  	v9 =	vld [tilespmem:s1+$0xFFFFFFC0]  }
0x2d: {  	v10 =	vld [tilespmem:s1+$0xFFFFFFA0]  }
0x2e: {  	v11 =	vld [tilespmem:s1+$0xFFFFFF80]  }
0x2f: {  	v12 =	vimm.f32 $0.0e+00;
	v13 =	vld [tilespmem:s1+$0xFFFFFF90];
	v0 =	vunpack.i.u.bf16.f32 v1;
	v1 =	vunpack.i.l.bf16.f32 v1  }
0x30: {  	v4 =	vunpack.i.u.bf16.f32 v5;
	v2 =	vunpack.i.u.bf16.f32 v3;
	v3 =	vunpack.i.l.bf16.f32 v3  }
0x31: {  	v14 =	vld [tilespmem:s1+$0xFFFFFFB0];
	v6 =	vunpack.i.u.bf16.f32 v7;
	v7 =	vunpack.i.l.bf16.f32 v7;
	v5 =	vunpack.i.l.bf16.f32 v5  }
0x32: {  	v15 =	vunpack.i.u.bf16.f32 v9;
	v16 =	vunpack.i.u.bf16.f32 v8;
	v17 =	vunpack.i.l.bf16.f32 v8  }
0x33: {  	v18 =	vld [tilespmem:s1+$0xFFFFFFD0];
	v8 =	vunpack.i.u.bf16.f32 v10;
	v19 =	vunpack.i.u.bf16.f32 v11;
	v11 =	vunpack.i.l.bf16.f32 v11  }
0x34: {  	v20 =	vunpack.i.u.bf16.f32 v13;
	v13 =	vunpack.i.l.bf16.f32 v13;
	v11 =	vadd.f32 v11, v12  }
0x35: {  	v21 =	vld [tilespmem:s1+$0xFFFFFFF0];
	v10 =	vunpack.i.l.bf16.f32 v10;
	v19 =	vadd.f32 v19, v12;
	v13 =	vadd.f32 v13, v12  }
0x36: {  	v12 =	vadd.f32 v20, v12;
	v11 =	vadd.f32 v10, v11;
	v10 =	vunpack.i.l.bf16.f32 v14  }
0x37: {  	v62 =	vunpack.i.u.bf16.f32 v14;
	v8 =	vadd.f32 v8, v19;
	v13 =	vadd.f32 v10, v13;
	v10 =	vld [tilespmem:s1+$0x10]  }
0x38: {  	v9 =	vunpack.i.l.bf16.f32 v9;
	v14 =	vadd.f32 v62, v12;
	v19 =	vunpack.i.u.bf16.f32 v18  }
0x39: {  	v9 =	vadd.f32 v9, v11;
	v63 =	vadd.f32 v15, v8;
	v11 =	vunpack.i.l.bf16.f32 v18;
	v8 =	vld [tilespmem:s1+$0x30]  }
0x3a: {  	v12 =	vadd.f32 v11, v13;
	v11 =	vadd.f32 v19, v14;
	v13 =	vunpack.i.u.bf16.f32 v21  }
0x3b: {  	s9 =	simm.s32 $0x6580;
	s0 =	simm.s32 $0x0;
	v15 =	vadd.f32 v17, v9;
	v14 =	vadd.f32 v16, v63;
	v16 =	vunpack.i.l.bf16.f32 v21;
	v9 =	vld [tilespmem:s1+$0x50]  }
.LBB2_3:
0x3c: {  	v17 =	vld [tilespmem:s9+$0x60];
	v12 =	vadd.f32 v16, v12;
	v11 =	vadd.f32 v13, v11;
	v13 =	vunpack.i.u.bf16.f32 v10  }
0x3d: {  	v10 =	vunpack.i.l.bf16.f32 v10;
	v7 =	vadd.f32 v7, v15;
	v6 =	vadd.f32 v6, v14;
	v14 =	vld [tilespmem:s1+$0x70];
	s1 =	smov.u32 s9  }
0x3e: {  	v15 =	vld [tilespmem:s9+$0x40];
	v10 =	vadd.f32 v10, v12;
	v11 =	vadd.f32 v13, v11;
	v12 =	vunpack.i.u.bf16.f32 v8  }
0x3f: {  	v13 =	vld [tilespmem:s9+$0x20];
	v5 =	vadd.f32 v5, v7;
	v4 =	vadd.f32 v4, v6;
	v6 =	vunpack.i.l.bf16.f32 v8  }
0x40: {  	v7 =	vld [tilespmem:s9+$0x0];
	v6 =	vadd.f32 v6, v10;
	v8 =	vadd.f32 v12, v11;
	v10 =	vunpack.i.u.bf16.f32 v9  }
0x41: {  	v11 =	vld [tilespmem:s9+$0xFFFFFFE0];
	v3 =	vadd.f32 v3, v5;
	v2 =	vadd.f32 v2, v4;
	v4 =	vunpack.i.l.bf16.f32 v9  }
0x42: {  	v9 =	vld [tilespmem:s9+$0xFFFFFFC0];
	v4 =	vadd.f32 v4, v6;
	v5 =	vadd.f32 v10, v8;
	v6 =	vunpack.i.u.bf16.f32 v14  }
0x43: {  	v8 =	vld [tilespmem:s9+$0xFFFFFFA0];
	v10 =	vadd.f32 v1, v3;
	v12 =	vadd.f32 v0, v2;
	v0 =	vunpack.i.l.bf16.f32 v14  }
0x44: {  	v14 =	vld [tilespmem:s9+$0xFFFFFF80];
	v16 =	vadd.f32 v0, v4;
	v18 =	vadd.f32 v6, v5  }
0x45: {  	v1 =	vunpack.i.l.bf16.f32 v17;
	v0 =	vunpack.i.u.bf16.f32 v17;
	v19 =	vld [tilespmem:s9+$0xFFFFFF90]  }
0x46: {  	s0 =	sadd.s32 $0x8, s0;
	v2 =	vunpack.i.u.bf16.f32 v15;
	v3 =	vunpack.i.l.bf16.f32 v15;
	v4 =	vunpack.i.u.bf16.f32 v13  }
0x47: {  	p0 =	slt.u32 s0, $0xC0;
	v5 =	vunpack.i.l.bf16.f32 v13;
	v6 =	vunpack.i.u.bf16.f32 v7;
	v7 =	vunpack.i.l.bf16.f32 v7;
	v15 =	vld [tilespmem:s9+$0xFFFFFFB0]  }
0x48: {  	v17 =	vunpack.i.u.bf16.f32 v11;
	v20 =	vunpack.i.l.bf16.f32 v11;
	v13 =	vunpack.i.u.bf16.f32 v9  }
0x49: {  	v9 =	vunpack.i.l.bf16.f32 v9;
	v11 =	vunpack.i.u.bf16.f32 v8;
	v8 =	vunpack.i.l.bf16.f32 v8;
	v21 =	vld [tilespmem:s9+$0xFFFFFFD0]  }
0x4a: {  	v22 =	vunpack.i.u.bf16.f32 v14;
	v14 =	vunpack.i.l.bf16.f32 v14;
	v23 =	vunpack.i.u.bf16.f32 v19  }
0x4b: {  	v10 =	vadd.f32 v14, v10;
	v12 =	vadd.f32 v22, v12;
	v14 =	vunpack.i.l.bf16.f32 v19;
	v19 =	vld [tilespmem:s9+$0xFFFFFFF0]  }
0x4c: {  	v14 =	vadd.f32 v14, v16;
	v16 =	vadd.f32 v23, v18;
	v18 =	vunpack.i.u.bf16.f32 v15  }
.Ltmp0:
0x4d: {  	v8 =	vadd.f32 v8, v10;
	v11 =	vadd.f32 v11, v12;
	v12 =	vunpack.i.l.bf16.f32 v15;
	v10 =	vld [tilespmem:s9+$0x10];
	(pc) =	sbr.rel @p0 .LBB2_3-.Ltmp0, $4  }
0x4e: {  	v12 =	vadd.f32 v12, v14;
	v14 =	vadd.f32 v18, v16;
	v15 =	vunpack.i.u.bf16.f32 v21  }
0x4f: {  	v9 =	vadd.f32 v9, v8;
	v16 =	vadd.f32 v13, v11;
	v11 =	vunpack.i.l.bf16.f32 v21;
	v8 =	vld [tilespmem:s9+$0x30]  }
0x50: {  	v12 =	vadd.f32 v11, v12;
	v11 =	vadd.f32 v15, v14;
	v13 =	vunpack.i.u.bf16.f32 v19  }
0x51: {  	s9 =	sadd.s32 $0x100, s9;
	v15 =	vadd.f32 v20, v9;
	v14 =	vadd.f32 v17, v16;
	v16 =	vunpack.i.l.bf16.f32 v19;
	v9 =	vld [tilespmem:s1+$0x50]  }
0x52: {  	_ = 	snop  }
0x53: {  	v12 =	vadd.f32 v16, v12;
	v7 =	vadd.f32 v7, v15  }
0x54: {  	v11 =	vadd.f32 v13, v11;
	v13 =	vunpack.i.l.bf16.f32 v10;
	v6 =	vadd.f32 v6, v14  }
0x55: {  	v10 =	vunpack.i.u.bf16.f32 v10;
	v14 =	vld [tilespmem:s1+$0x70];
	v12 =	vadd.f32 v13, v12;
	v5 =	vadd.f32 v5, v7  }
0x56: {  	v7 =	vadd.f32 v10, v11;
	v4 =	vadd.f32 v4, v6;
	v6 =	vunpack.i.l.bf16.f32 v8  }
0x57: {  	v8 =	vunpack.i.u.bf16.f32 v8;
	v6 =	vadd.f32 v6, v12;
	v3 =	vadd.f32 v3, v5  }
0x58: {  	v5 =	vadd.f32 v8, v7;
	v2 =	vadd.f32 v2, v4;
	v4 =	vunpack.i.l.bf16.f32 v9  }
0x59: {  	s0 =	sshll.u32 s29, $0x8;
	v7 =	vunpack.i.u.bf16.f32 v9;
	v4 =	vadd.f32 v4, v6;
	v1 =	vadd.f32 v1, v3  }
0x5a: {  	p0 =	seq.s32 s29, $0x1F;
	s31 =	sand.u32 $0x3FFFFF00, s0;
	v3 =	vadd.f32 v7, v5;
	v0 =	vadd.f32 v0, v2;
	v2 =	vunpack.i.l.bf16.f32 v14  }
0x5b: {  	s0 =	smul.u32 @!p0 $0xC80, s29;
	v5 =	vunpack.i.u.bf16.f32 v14;
	v2 =	vadd.f32 v2, v4;
	[tilespmem:s31+$0xC800] =	vst v1  }
0x5c: {  	v1 =	vadd.f32 v5, v3;
	[tilespmem:s31+$0xC810] =	vst v0  }
0x5d: {  	s1 =	sshra.s32 @!p0 s0, $0x2;
	[tilespmem:s31+$0xC820] =	vst v2  }
0x5e: {  	s9 =	simm.s32 @!p0 $0x80;
	s11 =	simm.s32 @!p0 $0x6400;
	s0 =	sadd.s32 @!p0 $0x320, s1;
	[tilespmem:s31+$0xC830] =	vst v1  }
0x5f: {  	[tilespmem:s11], [sflag:$0x1] =	stream.indirect.gather @!p0 [hbm4b:s3+s9], $0x20, s0, s9, $0xb8;
	[tilespmem:$0xE800] =	vst v63  }
0x60: {  	s0 =	sadd.s32 @!p0 $0x3A0, s1;
	s9 =	simm.s32 @!p0 $0x48;
	s11 =	simm.s32 @!p0 $0x7400  }
0x61: {  	[tilespmem:s11], [sflag:$0x1] =	stream.indirect.gather @!p0 [hbm4b:s3+s9], $0x20, s0, s9, $0xb8;
	[tilespmem:$0xE800] =	vst v63  }
0x62: {  	_ =	swait.ge [sflag:s23], $0x1900  }
0x63: {  	[sflag:s23] =	ssyncset.done $0x0  }
0x64: {  	s0 =	simm.s32 $0x7D80;
	[sflag:s23] =	ssyncadd.s32 $0xFFFFE700  }
0x65: {  	v1 =	vld [tilespmem:s0+$0x60]  }
0x66: {  	v3 =	vld [tilespmem:s0+$0x40]  }
0x67: {  	v5 =	vld [tilespmem:s0+$0x20]  }
0x68: {  	v7 =	vld [tilespmem:s0+$0x0]  }
0x69: {  	v8 =	vld [tilespmem:s0+$0xFFFFFFE0]  }
0x6a: {  	v9 =	vld [tilespmem:s0+$0xFFFFFFC0]  }
0x6b: {  	v10 =	vld [tilespmem:s0+$0xFFFFFFA0]  }
0x6c: {  	v11 =	vld [tilespmem:s0+$0xFFFFFF80]  }
0x6d: {  	v12 =	vimm.f32 $0.0e+00;
	v13 =	vld [tilespmem:s0+$0xFFFFFF90];
	v0 =	vunpack.i.u.bf16.f32 v1;
	v1 =	vunpack.i.l.bf16.f32 v1  }
0x6e: {  	v4 =	vunpack.i.u.bf16.f32 v5;
	v2 =	vunpack.i.u.bf16.f32 v3;
	v3 =	vunpack.i.l.bf16.f32 v3  }
0x6f: {  	v14 =	vld [tilespmem:s0+$0xFFFFFFB0];
	v6 =	vunpack.i.u.bf16.f32 v7;
	v7 =	vunpack.i.l.bf16.f32 v7;
	v5 =	vunpack.i.l.bf16.f32 v5  }
0x70: {  	v15 =	vunpack.i.u.bf16.f32 v9;
	v16 =	vunpack.i.u.bf16.f32 v8;
	v17 =	vunpack.i.l.bf16.f32 v8  }
0x71: {  	v18 =	vld [tilespmem:s0+$0xFFFFFFD0];
	v8 =	vunpack.i.u.bf16.f32 v10;
	v19 =	vunpack.i.u.bf16.f32 v11;
	v11 =	vunpack.i.l.bf16.f32 v11  }
0x72: {  	v20 =	vunpack.i.u.bf16.f32 v13;
	v13 =	vunpack.i.l.bf16.f32 v13;
	v11 =	vadd.f32 v11, v12  }
0x73: {  	v21 =	vld [tilespmem:s0+$0xFFFFFFF0];
	v10 =	vunpack.i.l.bf16.f32 v10;
	v19 =	vadd.f32 v19, v12;
	v13 =	vadd.f32 v13, v12  }
0x74: {  	v12 =	vadd.f32 v20, v12;
	v11 =	vadd.f32 v10, v11;
	v10 =	vunpack.i.l.bf16.f32 v14  }
0x75: {  	v62 =	vunpack.i.u.bf16.f32 v14;
	v8 =	vadd.f32 v8, v19;
	v13 =	vadd.f32 v10, v13;
	v10 =	vld [tilespmem:s0+$0x10]  }
0x76: {  	v9 =	vunpack.i.l.bf16.f32 v9;
	v14 =	vadd.f32 v62, v12;
	v19 =	vunpack.i.u.bf16.f32 v18  }
0x77: {  	v9 =	vadd.f32 v9, v11;
	v63 =	vadd.f32 v15, v8;
	v11 =	vunpack.i.l.bf16.f32 v18;
	v8 =	vld [tilespmem:s0+$0x30]  }
0x78: {  	v12 =	vadd.f32 v11, v13;
	v11 =	vadd.f32 v19, v14;
	v13 =	vunpack.i.u.bf16.f32 v21  }
0x79: {  	s9 =	simm.s32 $0x0;
	s11 =	simm.s32 $0x7E80;
	v15 =	vadd.f32 v17, v9;
	v14 =	vadd.f32 v16, v63;
	v16 =	vunpack.i.l.bf16.f32 v21;
	v9 =	vld [tilespmem:s0+$0x50]  }
.LBB2_5:
0x7a: {  	v17 =	vld [tilespmem:s11+$0x60];
	v12 =	vadd.f32 v16, v12;
	v11 =	vadd.f32 v13, v11;
	v13 =	vunpack.i.u.bf16.f32 v10  }
0x7b: {  	v10 =	vunpack.i.l.bf16.f32 v10;
	v7 =	vadd.f32 v7, v15;
	v6 =	vadd.f32 v6, v14;
	v14 =	vld [tilespmem:s0+$0x70];
	s0 =	smov.u32 s11  }
0x7c: {  	v15 =	vld [tilespmem:s11+$0x40];
	v10 =	vadd.f32 v10, v12;
	v11 =	vadd.f32 v13, v11;
	v12 =	vunpack.i.u.bf16.f32 v8  }
0x7d: {  	v13 =	vld [tilespmem:s11+$0x20];
	v5 =	vadd.f32 v5, v7;
	v4 =	vadd.f32 v4, v6;
	v6 =	vunpack.i.l.bf16.f32 v8  }
0x7e: {  	v7 =	vld [tilespmem:s11+$0x0];
	v6 =	vadd.f32 v6, v10;
	v8 =	vadd.f32 v12, v11;
	v10 =	vunpack.i.u.bf16.f32 v9  }
0x7f: {  	v11 =	vld [tilespmem:s11+$0xFFFFFFE0];
	v3 =	vadd.f32 v3, v5;
	v2 =	vadd.f32 v2, v4;
	v4 =	vunpack.i.l.bf16.f32 v9  }
0x80: {  	v9 =	vld [tilespmem:s11+$0xFFFFFFC0];
	v4 =	vadd.f32 v4, v6;
	v5 =	vadd.f32 v10, v8;
	v6 =	vunpack.i.u.bf16.f32 v14  }
0x81: {  	v8 =	vld [tilespmem:s11+$0xFFFFFFA0];
	v10 =	vadd.f32 v1, v3;
	v12 =	vadd.f32 v0, v2;
	v0 =	vunpack.i.l.bf16.f32 v14  }
0x82: {  	v14 =	vld [tilespmem:s11+$0xFFFFFF80];
	v16 =	vadd.f32 v0, v4;
	v18 =	vadd.f32 v6, v5  }
0x83: {  	v1 =	vunpack.i.l.bf16.f32 v17;
	v0 =	vunpack.i.u.bf16.f32 v17;
	v19 =	vld [tilespmem:s11+$0xFFFFFF90]  }
0x84: {  	s9 =	sadd.s32 $0x8, s9;
	v2 =	vunpack.i.u.bf16.f32 v15;
	v3 =	vunpack.i.l.bf16.f32 v15;
	v4 =	vunpack.i.u.bf16.f32 v13  }
0x85: {  	p1 =	slt.u32 s9, $0xC0;
	v5 =	vunpack.i.l.bf16.f32 v13;
	v6 =	vunpack.i.u.bf16.f32 v7;
	v7 =	vunpack.i.l.bf16.f32 v7;
	v15 =	vld [tilespmem:s11+$0xFFFFFFB0]  }
0x86: {  	v17 =	vunpack.i.u.bf16.f32 v11;
	v20 =	vunpack.i.l.bf16.f32 v11;
	v13 =	vunpack.i.u.bf16.f32 v9  }
0x87: {  	v9 =	vunpack.i.l.bf16.f32 v9;
	v11 =	vunpack.i.u.bf16.f32 v8;
	v8 =	vunpack.i.l.bf16.f32 v8;
	v21 =	vld [tilespmem:s11+$0xFFFFFFD0]  }
0x88: {  	v22 =	vunpack.i.u.bf16.f32 v14;
	v14 =	vunpack.i.l.bf16.f32 v14;
	v23 =	vunpack.i.u.bf16.f32 v19  }
0x89: {  	v10 =	vadd.f32 v14, v10;
	v12 =	vadd.f32 v22, v12;
	v14 =	vunpack.i.l.bf16.f32 v19;
	v19 =	vld [tilespmem:s11+$0xFFFFFFF0]  }
0x8a: {  	v14 =	vadd.f32 v14, v16;
	v16 =	vadd.f32 v23, v18;
	v18 =	vunpack.i.u.bf16.f32 v15  }
.Ltmp1:
0x8b: {  	v8 =	vadd.f32 v8, v10;
	v11 =	vadd.f32 v11, v12;
	v12 =	vunpack.i.l.bf16.f32 v15;
	v10 =	vld [tilespmem:s11+$0x10];
	(pc) =	sbr.rel @p1 .LBB2_5-.Ltmp1, $4  }
0x8c: {  	v12 =	vadd.f32 v12, v14;
	v14 =	vadd.f32 v18, v16;
	v15 =	vunpack.i.u.bf16.f32 v21  }
0x8d: {  	v9 =	vadd.f32 v9, v8;
	v16 =	vadd.f32 v13, v11;
	v11 =	vunpack.i.l.bf16.f32 v21;
	v8 =	vld [tilespmem:s11+$0x30]  }
0x8e: {  	v12 =	vadd.f32 v11, v12;
	v11 =	vadd.f32 v15, v14;
	v13 =	vunpack.i.u.bf16.f32 v19  }
0x8f: {  	s11 =	sadd.s32 $0x100, s11;
	v15 =	vadd.f32 v20, v9;
	v14 =	vadd.f32 v17, v16;
	v16 =	vunpack.i.l.bf16.f32 v19;
	v9 =	vld [tilespmem:s0+$0x50]  }
0x90: {  	_ = 	snop  }
0x91: {  	v12 =	vadd.f32 v16, v12;
	v7 =	vadd.f32 v7, v15  }
0x92: {  	v11 =	vadd.f32 v13, v11;
	v13 =	vunpack.i.l.bf16.f32 v10;
	v6 =	vadd.f32 v6, v14  }
0x93: {  	v10 =	vunpack.i.u.bf16.f32 v10;
	v14 =	vld [tilespmem:s0+$0x70];
	v12 =	vadd.f32 v13, v12;
	v5 =	vadd.f32 v5, v7  }
0x94: {  	v7 =	vadd.f32 v10, v11;
	v4 =	vadd.f32 v4, v6;
	v6 =	vunpack.i.l.bf16.f32 v8  }
0x95: {  	v8 =	vunpack.i.u.bf16.f32 v8;
	v6 =	vadd.f32 v6, v12;
	v3 =	vadd.f32 v3, v5  }
0x96: {  	v5 =	vadd.f32 v8, v7;
	v2 =	vadd.f32 v2, v4;
	v4 =	vunpack.i.l.bf16.f32 v9  }
0x97: {  	v7 =	vunpack.i.u.bf16.f32 v9;
	v4 =	vadd.f32 v4, v6;
	v1 =	vadd.f32 v1, v3  }
0x98: {  	v3 =	vadd.f32 v7, v5;
	v0 =	vadd.f32 v0, v2;
	v2 =	vunpack.i.l.bf16.f32 v14  }
0x99: {  	v5 =	vunpack.i.u.bf16.f32 v14;
	v2 =	vadd.f32 v2, v4;
	[tilespmem:s31+$0xC840] =	vst v1  }
0x9a: {  	v1 =	vadd.f32 v5, v3;
	[tilespmem:s31+$0xC850] =	vst v0  }
0x9b: {  	[tilespmem:s31+$0xC860] =	vst v2  }
0x9c: {  	s9 =	simm.s32 @!p0 $0x80;
	s11 =	simm.s32 @!p0 $0x7D00;
	s0 =	sadd.s32 @!p0 $0x3E8, s1;
	[tilespmem:s31+$0xC870] =	vst v1  }
0x9d: {  	[tilespmem:s11], [sflag:$0x2] =	stream.indirect.gather @!p0 [hbm4b:s3+s9], $0x20, s0, s9, $0xb8;
	[tilespmem:$0xE800] =	vst v63  }
0x9e: {  	s0 =	sadd.s32 @!p0 $0x468, s1;
	s9 =	simm.s32 @!p0 $0x48;
	s11 =	simm.s32 @!p0 $0x8D00  }
0x9f: {  	[tilespmem:s11], [sflag:$0x2] =	stream.indirect.gather @!p0 [hbm4b:s3+s9], $0x20, s0, s9, $0xb8;
	[tilespmem:$0xE800] =	vst v63  }
0xa0: {  	_ =	swait.ge [sflag:s24], $0x1900  }
0xa1: {  	[sflag:s24] =	ssyncset.done $0x0  }
0xa2: {  	s0 =	simm.s32 $0x9680;
	[sflag:s24] =	ssyncadd.s32 $0xFFFFE700  }
0xa3: {  	v1 =	vld [tilespmem:s0+$0x60]  }
0xa4: {  	v3 =	vld [tilespmem:s0+$0x40]  }
0xa5: {  	v5 =	vld [tilespmem:s0+$0x20]  }
0xa6: {  	v7 =	vld [tilespmem:s0+$0x0]  }
0xa7: {  	v8 =	vld [tilespmem:s0+$0xFFFFFFE0]  }
0xa8: {  	v9 =	vld [tilespmem:s0+$0xFFFFFFC0]  }
0xa9: {  	v10 =	vld [tilespmem:s0+$0xFFFFFFA0]  }
0xaa: {  	v11 =	vld [tilespmem:s0+$0xFFFFFF80]  }
0xab: {  	v12 =	vimm.f32 $0.0e+00;
	v13 =	vld [tilespmem:s0+$0xFFFFFF90];
	v0 =	vunpack.i.u.bf16.f32 v1;
	v1 =	vunpack.i.l.bf16.f32 v1  }
0xac: {  	v4 =	vunpack.i.u.bf16.f32 v5;
	v2 =	vunpack.i.u.bf16.f32 v3;
	v3 =	vunpack.i.l.bf16.f32 v3  }
0xad: {  	v14 =	vld [tilespmem:s0+$0xFFFFFFB0];
	v6 =	vunpack.i.u.bf16.f32 v7;
	v7 =	vunpack.i.l.bf16.f32 v7;
	v5 =	vunpack.i.l.bf16.f32 v5  }
0xae: {  	v15 =	vunpack.i.u.bf16.f32 v9;
	v16 =	vunpack.i.u.bf16.f32 v8;
	v17 =	vunpack.i.l.bf16.f32 v8  }
0xaf: {  	v18 =	vld [tilespmem:s0+$0xFFFFFFD0];
	v8 =	vunpack.i.u.bf16.f32 v10;
	v19 =	vunpack.i.u.bf16.f32 v11;
	v11 =	vunpack.i.l.bf16.f32 v11  }
0xb0: {  	v20 =	vunpack.i.u.bf16.f32 v13;
	v13 =	vunpack.i.l.bf16.f32 v13;
	v11 =	vadd.f32 v11, v12  }
0xb1: {  	v21 =	vld [tilespmem:s0+$0xFFFFFFF0];
	v10 =	vunpack.i.l.bf16.f32 v10;
	v19 =	vadd.f32 v19, v12;
	v13 =	vadd.f32 v13, v12  }
0xb2: {  	v12 =	vadd.f32 v20, v12;
	v11 =	vadd.f32 v10, v11;
	v10 =	vunpack.i.l.bf16.f32 v14  }
0xb3: {  	v62 =	vunpack.i.u.bf16.f32 v14;
	v8 =	vadd.f32 v8, v19;
	v13 =	vadd.f32 v10, v13;
	v10 =	vld [tilespmem:s0+$0x10]  }
0xb4: {  	v9 =	vunpack.i.l.bf16.f32 v9;
	v14 =	vadd.f32 v62, v12;
	v19 =	vunpack.i.u.bf16.f32 v18  }
0xb5: {  	v9 =	vadd.f32 v9, v11;
	v63 =	vadd.f32 v15, v8;
	v11 =	vunpack.i.l.bf16.f32 v18;
	v8 =	vld [tilespmem:s0+$0x30]  }
0xb6: {  	v12 =	vadd.f32 v11, v13;
	v11 =	vadd.f32 v19, v14;
	v13 =	vunpack.i.u.bf16.f32 v21  }
0xb7: {  	s9 =	simm.s32 $0x0;
	s11 =	simm.s32 $0x9780;
	v15 =	vadd.f32 v17, v9;
	v14 =	vadd.f32 v16, v63;
	v16 =	vunpack.i.l.bf16.f32 v21;
	v9 =	vld [tilespmem:s0+$0x50]  }
.LBB2_7:
0xb8: {  	v17 =	vld [tilespmem:s11+$0x60];
	v12 =	vadd.f32 v16, v12;
	v11 =	vadd.f32 v13, v11;
	v13 =	vunpack.i.u.bf16.f32 v10  }
0xb9: {  	v10 =	vunpack.i.l.bf16.f32 v10;
	v7 =	vadd.f32 v7, v15;
	v6 =	vadd.f32 v6, v14;
	v14 =	vld [tilespmem:s0+$0x70];
	s0 =	smov.u32 s11  }
0xba: {  	v15 =	vld [tilespmem:s11+$0x40];
	v10 =	vadd.f32 v10, v12;
	v11 =	vadd.f32 v13, v11;
	v12 =	vunpack.i.u.bf16.f32 v8  }
0xbb: {  	v13 =	vld [tilespmem:s11+$0x20];
	v5 =	vadd.f32 v5, v7;
	v4 =	vadd.f32 v4, v6;
	v6 =	vunpack.i.l.bf16.f32 v8  }
0xbc: {  	v7 =	vld [tilespmem:s11+$0x0];
	v6 =	vadd.f32 v6, v10;
	v8 =	vadd.f32 v12, v11;
	v10 =	vunpack.i.u.bf16.f32 v9  }
0xbd: {  	v11 =	vld [tilespmem:s11+$0xFFFFFFE0];
	v3 =	vadd.f32 v3, v5;
	v2 =	vadd.f32 v2, v4;
	v4 =	vunpack.i.l.bf16.f32 v9  }
0xbe: {  	v9 =	vld [tilespmem:s11+$0xFFFFFFC0];
	v4 =	vadd.f32 v4, v6;
	v5 =	vadd.f32 v10, v8;
	v6 =	vunpack.i.u.bf16.f32 v14  }
0xbf: {  	v8 =	vld [tilespmem:s11+$0xFFFFFFA0];
	v10 =	vadd.f32 v1, v3;
	v12 =	vadd.f32 v0, v2;
	v0 =	vunpack.i.l.bf16.f32 v14  }
0xc0: {  	v14 =	vld [tilespmem:s11+$0xFFFFFF80];
	v16 =	vadd.f32 v0, v4;
	v18 =	vadd.f32 v6, v5  }
0xc1: {  	v1 =	vunpack.i.l.bf16.f32 v17;
	v0 =	vunpack.i.u.bf16.f32 v17;
	v19 =	vld [tilespmem:s11+$0xFFFFFF90]  }
0xc2: {  	s9 =	sadd.s32 $0x8, s9;
	v2 =	vunpack.i.u.bf16.f32 v15;
	v3 =	vunpack.i.l.bf16.f32 v15;
	v4 =	vunpack.i.u.bf16.f32 v13  }
0xc3: {  	p1 =	slt.u32 s9, $0xC0;
	v5 =	vunpack.i.l.bf16.f32 v13;
	v6 =	vunpack.i.u.bf16.f32 v7;
	v7 =	vunpack.i.l.bf16.f32 v7;
	v15 =	vld [tilespmem:s11+$0xFFFFFFB0]  }
0xc4: {  	v17 =	vunpack.i.u.bf16.f32 v11;
	v20 =	vunpack.i.l.bf16.f32 v11;
	v13 =	vunpack.i.u.bf16.f32 v9  }
0xc5: {  	v9 =	vunpack.i.l.bf16.f32 v9;
	v11 =	vunpack.i.u.bf16.f32 v8;
	v8 =	vunpack.i.l.bf16.f32 v8;
	v21 =	vld [tilespmem:s11+$0xFFFFFFD0]  }
0xc6: {  	v22 =	vunpack.i.u.bf16.f32 v14;
	v14 =	vunpack.i.l.bf16.f32 v14;
	v23 =	vunpack.i.u.bf16.f32 v19  }
0xc7: {  	v10 =	vadd.f32 v14, v10;
	v12 =	vadd.f32 v22, v12;
	v14 =	vunpack.i.l.bf16.f32 v19;
	v19 =	vld [tilespmem:s11+$0xFFFFFFF0]  }
0xc8: {  	v14 =	vadd.f32 v14, v16;
	v16 =	vadd.f32 v23, v18;
	v18 =	vunpack.i.u.bf16.f32 v15  }
.Ltmp2:
0xc9: {  	v8 =	vadd.f32 v8, v10;
	v11 =	vadd.f32 v11, v12;
	v12 =	vunpack.i.l.bf16.f32 v15;
	v10 =	vld [tilespmem:s11+$0x10];
	(pc) =	sbr.rel @p1 .LBB2_7-.Ltmp2, $4  }
0xca: {  	v12 =	vadd.f32 v12, v14;
	v14 =	vadd.f32 v18, v16;
	v15 =	vunpack.i.u.bf16.f32 v21  }
0xcb: {  	v9 =	vadd.f32 v9, v8;
	v16 =	vadd.f32 v13, v11;
	v11 =	vunpack.i.l.bf16.f32 v21;
	v8 =	vld [tilespmem:s11+$0x30]  }
0xcc: {  	v12 =	vadd.f32 v11, v12;
	v11 =	vadd.f32 v15, v14;
	v13 =	vunpack.i.u.bf16.f32 v19  }
0xcd: {  	s11 =	sadd.s32 $0x100, s11;
	v15 =	vadd.f32 v20, v9;
	v14 =	vadd.f32 v17, v16;
	v16 =	vunpack.i.l.bf16.f32 v19;
	v9 =	vld [tilespmem:s0+$0x50]  }
0xce: {  	_ = 	snop  }
0xcf: {  	v12 =	vadd.f32 v16, v12;
	v7 =	vadd.f32 v7, v15  }
0xd0: {  	v11 =	vadd.f32 v13, v11;
	v13 =	vunpack.i.l.bf16.f32 v10;
	v6 =	vadd.f32 v6, v14  }
0xd1: {  	v10 =	vunpack.i.u.bf16.f32 v10;
	v14 =	vld [tilespmem:s0+$0x70];
	v12 =	vadd.f32 v13, v12;
	v5 =	vadd.f32 v5, v7  }
0xd2: {  	v7 =	vadd.f32 v10, v11;
	v4 =	vadd.f32 v4, v6;
	v6 =	vunpack.i.l.bf16.f32 v8  }
0xd3: {  	v8 =	vunpack.i.u.bf16.f32 v8;
	v6 =	vadd.f32 v6, v12;
	v3 =	vadd.f32 v3, v5  }
0xd4: {  	v5 =	vadd.f32 v8, v7;
	v2 =	vadd.f32 v2, v4;
	v4 =	vunpack.i.l.bf16.f32 v9  }
0xd5: {  	v7 =	vunpack.i.u.bf16.f32 v9;
	v4 =	vadd.f32 v4, v6;
	v1 =	vadd.f32 v1, v3  }
0xd6: {  	v3 =	vadd.f32 v7, v5;
	v0 =	vadd.f32 v0, v2;
	v2 =	vunpack.i.l.bf16.f32 v14  }
0xd7: {  	v5 =	vunpack.i.u.bf16.f32 v14;
	v2 =	vadd.f32 v2, v4;
	[tilespmem:s31+$0xC880] =	vst v1  }
0xd8: {  	v1 =	vadd.f32 v5, v3;
	[tilespmem:s31+$0xC890] =	vst v0  }
0xd9: {  	[tilespmem:s31+$0xC8A0] =	vst v2  }
0xda: {  	s9 =	simm.s32 @!p0 $0x80;
	s11 =	simm.s32 @!p0 $0x9600;
	s0 =	sadd.s32 @!p0 $0x4B0, s1;
	[tilespmem:s31+$0xC8B0] =	vst v1  }
0xdb: {  	[tilespmem:s11], [sflag:$0x3] =	stream.indirect.gather @!p0 [hbm4b:s3+s9], $0x20, s0, s9, $0xb8;
	[tilespmem:$0xE800] =	vst v63  }
0xdc: {  	s0 =	sadd.s32 @!p0 $0x530, s1;
	s1 =	simm.s32 @!p0 $0x48;
	s9 =	simm.s32 @!p0 $0xA600  }
0xdd: {  	[tilespmem:s9], [sflag:$0x3] =	stream.indirect.gather @!p0 [hbm4b:s3+s1], $0x20, s0, s1, $0xb8;
	[tilespmem:$0xE800] =	vst v63  }
0xde: {  	_ =	swait.ge [sflag:s25], $0x1900  }
0xdf: {  	[sflag:s25] =	ssyncset.done $0x0  }
0xe0: {  	s0 =	simm.s32 $0xAF80;
	[sflag:s25] =	ssyncadd.s32 $0xFFFFE700  }
0xe1: {  	v1 =	vld [tilespmem:s0+$0x60]  }
0xe2: {  	v3 =	vld [tilespmem:s0+$0x40]  }
0xe3: {  	v5 =	vld [tilespmem:s0+$0x20]  }
0xe4: {  	v7 =	vld [tilespmem:s0+$0x0]  }
0xe5: {  	v8 =	vld [tilespmem:s0+$0xFFFFFFE0]  }
0xe6: {  	v9 =	vld [tilespmem:s0+$0xFFFFFFC0]  }
0xe7: {  	v10 =	vld [tilespmem:s0+$0xFFFFFFA0]  }
0xe8: {  	v11 =	vld [tilespmem:s0+$0xFFFFFF80]  }
0xe9: {  	v12 =	vimm.f32 $0.0e+00;
	v13 =	vld [tilespmem:s0+$0xFFFFFF90];
	v0 =	vunpack.i.u.bf16.f32 v1;
	v1 =	vunpack.i.l.bf16.f32 v1  }
0xea: {  	v4 =	vunpack.i.u.bf16.f32 v5;
	v2 =	vunpack.i.u.bf16.f32 v3;
	v3 =	vunpack.i.l.bf16.f32 v3  }
0xeb: {  	v14 =	vld [tilespmem:s0+$0xFFFFFFB0];
	v6 =	vunpack.i.u.bf16.f32 v7;
	v7 =	vunpack.i.l.bf16.f32 v7;
	v5 =	vunpack.i.l.bf16.f32 v5  }
0xec: {  	v15 =	vunpack.i.u.bf16.f32 v9;
	v16 =	vunpack.i.u.bf16.f32 v8;
	v17 =	vunpack.i.l.bf16.f32 v8  }
0xed: {  	v18 =	vld [tilespmem:s0+$0xFFFFFFD0];
	v8 =	vunpack.i.u.bf16.f32 v10;
	v19 =	vunpack.i.u.bf16.f32 v11;
	v11 =	vunpack.i.l.bf16.f32 v11  }
0xee: {  	v20 =	vunpack.i.u.bf16.f32 v13;
	v13 =	vunpack.i.l.bf16.f32 v13;
	v11 =	vadd.f32 v11, v12  }
0xef: {  	v21 =	vld [tilespmem:s0+$0xFFFFFFF0];
	v10 =	vunpack.i.l.bf16.f32 v10;
	v19 =	vadd.f32 v19, v12;
	v13 =	vadd.f32 v13, v12  }
0xf0: {  	v12 =	vadd.f32 v20, v12;
	v11 =	vadd.f32 v10, v11;
	v10 =	vunpack.i.l.bf16.f32 v14  }
0xf1: {  	v62 =	vunpack.i.u.bf16.f32 v14;
	v8 =	vadd.f32 v8, v19;
	v13 =	vadd.f32 v10, v13;
	v10 =	vld [tilespmem:s0+$0x10]  }
0xf2: {  	v9 =	vunpack.i.l.bf16.f32 v9;
	v14 =	vadd.f32 v62, v12;
	v19 =	vunpack.i.u.bf16.f32 v18  }
0xf3: {  	v9 =	vadd.f32 v9, v11;
	v63 =	vadd.f32 v15, v8;
	v11 =	vunpack.i.l.bf16.f32 v18;
	v8 =	vld [tilespmem:s0+$0x30]  }
0xf4: {  	v12 =	vadd.f32 v11, v13;
	v11 =	vadd.f32 v19, v14;
	v13 =	vunpack.i.u.bf16.f32 v21  }
0xf5: {  	s1 =	simm.s32 $0x0;
	s9 =	simm.s32 $0xB080;
	v15 =	vadd.f32 v17, v9;
	v14 =	vadd.f32 v16, v63;
	v16 =	vunpack.i.l.bf16.f32 v21;
	v9 =	vld [tilespmem:s0+$0x50]  }
.LBB2_9:
0xf6: {  	v17 =	vld [tilespmem:s9+$0x60];
	v12 =	vadd.f32 v16, v12;
	v11 =	vadd.f32 v13, v11;
	v13 =	vunpack.i.u.bf16.f32 v10  }
0xf7: {  	v10 =	vunpack.i.l.bf16.f32 v10;
	v7 =	vadd.f32 v7, v15;
	v6 =	vadd.f32 v6, v14;
	v14 =	vld [tilespmem:s0+$0x70];
	s0 =	smov.u32 s9  }
0xf8: {  	v15 =	vld [tilespmem:s9+$0x40];
	v10 =	vadd.f32 v10, v12;
	v11 =	vadd.f32 v13, v11;
	v12 =	vunpack.i.u.bf16.f32 v8  }
0xf9: {  	v13 =	vld [tilespmem:s9+$0x20];
	v5 =	vadd.f32 v5, v7;
	v4 =	vadd.f32 v4, v6;
	v6 =	vunpack.i.l.bf16.f32 v8  }
0xfa: {  	v7 =	vld [tilespmem:s9+$0x0];
	v6 =	vadd.f32 v6, v10;
	v8 =	vadd.f32 v12, v11;
	v10 =	vunpack.i.u.bf16.f32 v9  }
0xfb: {  	v11 =	vld [tilespmem:s9+$0xFFFFFFE0];
	v3 =	vadd.f32 v3, v5;
	v2 =	vadd.f32 v2, v4;
	v4 =	vunpack.i.l.bf16.f32 v9  }
0xfc: {  	v9 =	vld [tilespmem:s9+$0xFFFFFFC0];
	v4 =	vadd.f32 v4, v6;
	v5 =	vadd.f32 v10, v8;
	v6 =	vunpack.i.u.bf16.f32 v14  }
0xfd: {  	v8 =	vld [tilespmem:s9+$0xFFFFFFA0];
	v10 =	vadd.f32 v1, v3;
	v12 =	vadd.f32 v0, v2;
	v0 =	vunpack.i.l.bf16.f32 v14  }
0xfe: {  	v14 =	vld [tilespmem:s9+$0xFFFFFF80];
	v16 =	vadd.f32 v0, v4;
	v18 =	vadd.f32 v6, v5  }
0xff: {  	v1 =	vunpack.i.l.bf16.f32 v17;
	v0 =	vunpack.i.u.bf16.f32 v17;
	v19 =	vld [tilespmem:s9+$0xFFFFFF90]  }
0x100: {  	s1 =	sadd.s32 $0x8, s1;
	v2 =	vunpack.i.u.bf16.f32 v15;
	v3 =	vunpack.i.l.bf16.f32 v15;
	v4 =	vunpack.i.u.bf16.f32 v13  }
0x101: {  	p0 =	slt.u32 s1, $0xC0;
	v5 =	vunpack.i.l.bf16.f32 v13;
	v6 =	vunpack.i.u.bf16.f32 v7;
	v7 =	vunpack.i.l.bf16.f32 v7;
	v15 =	vld [tilespmem:s9+$0xFFFFFFB0]  }
0x102: {  	v17 =	vunpack.i.u.bf16.f32 v11;
	v20 =	vunpack.i.l.bf16.f32 v11;
	v13 =	vunpack.i.u.bf16.f32 v9  }
0x103: {  	v9 =	vunpack.i.l.bf16.f32 v9;
	v11 =	vunpack.i.u.bf16.f32 v8;
	v8 =	vunpack.i.l.bf16.f32 v8;
	v21 =	vld [tilespmem:s9+$0xFFFFFFD0]  }
0x104: {  	v22 =	vunpack.i.u.bf16.f32 v14;
	v14 =	vunpack.i.l.bf16.f32 v14;
	v23 =	vunpack.i.u.bf16.f32 v19  }
0x105: {  	v10 =	vadd.f32 v14, v10;
	v12 =	vadd.f32 v22, v12;
	v14 =	vunpack.i.l.bf16.f32 v19;
	v19 =	vld [tilespmem:s9+$0xFFFFFFF0]  }
0x106: {  	v14 =	vadd.f32 v14, v16;
	v16 =	vadd.f32 v23, v18;
	v18 =	vunpack.i.u.bf16.f32 v15  }
.Ltmp3:
0x107: {  	v8 =	vadd.f32 v8, v10;
	v11 =	vadd.f32 v11, v12;
	v12 =	vunpack.i.l.bf16.f32 v15;
	v10 =	vld [tilespmem:s9+$0x10];
	(pc) =	sbr.rel @p0 .LBB2_9-.Ltmp3, $4  }
0x108: {  	v12 =	vadd.f32 v12, v14;
	v14 =	vadd.f32 v18, v16;
	v15 =	vunpack.i.u.bf16.f32 v21  }
0x109: {  	v9 =	vadd.f32 v9, v8;
	v16 =	vadd.f32 v13, v11;
	v11 =	vunpack.i.l.bf16.f32 v21;
	v8 =	vld [tilespmem:s9+$0x30]  }
0x10a: {  	v12 =	vadd.f32 v11, v12;
	v11 =	vadd.f32 v15, v14;
	v13 =	vunpack.i.u.bf16.f32 v19  }
0x10b: {  	s9 =	sadd.s32 $0x100, s9;
	v15 =	vadd.f32 v20, v9;
	v14 =	vadd.f32 v17, v16;
	v16 =	vunpack.i.l.bf16.f32 v19;
	v9 =	vld [tilespmem:s0+$0x50]  }
0x10c: {  	_ = 	snop  }
0x10d: {  	v12 =	vadd.f32 v16, v12;
	v7 =	vadd.f32 v7, v15  }
0x10e: {  	v11 =	vadd.f32 v13, v11;
	v51 =	vunpack.i.l.bf16.f32 v10;
	v6 =	vadd.f32 v6, v14  }
0x10f: {  	v52 =	vunpack.i.u.bf16.f32 v10;
	v53 =	vld [tilespmem:s0+$0x70];
	v12 =	vadd.f32 v51, v12;
	v5 =	vadd.f32 v5, v7  }
0x110: {  	v54 =	vadd.f32 v52, v11;
	v55 =	vunpack.i.l.bf16.f32 v8;
	v4 =	vadd.f32 v4, v6  }
0x111: {  	v56 =	vunpack.i.u.bf16.f32 v8;
	v6 =	vadd.f32 v55, v12;
	v3 =	vadd.f32 v3, v5  }
0x112: {  	s29 =	sadd.s32 $0x1, s29;
	v57 =	vadd.f32 v56, v54;
	v58 =	vunpack.i.l.bf16.f32 v9;
	v2 =	vadd.f32 v2, v4  }
0x113: {  	s31 =	sshll.u32 s30, $0x6;
	p0 =	sne.s32 s29, $0x20;
	v59 =	vunpack.i.u.bf16.f32 v9;
	v4 =	vadd.f32 v58, v6;
	v1 =	vadd.f32 v1, v3  }
.Ltmp4:
0x114: {  	s0 =	sand.u32 $0x3FFFFFC0, s31;
	v61 =	vunpack.i.l.bf16.f32 v53;
	v60 =	vadd.f32 v59, v57;
	v0 =	vadd.f32 v0, v2;
	(pc) =	sbr.rel @p0 .LBB2_2-.Ltmp4, $4  }
0x115: {  	v62 =	vunpack.i.u.bf16.f32 v53;
	v2 =	vadd.f32 v61, v4;
	[tilespmem:s0+$0xC800] =	vst v1  }
0x116: {  	v63 =	vadd.f32 v62, v60;
	[tilespmem:s0+$0xC810] =	vst v0  }
0x117: {  	[tilespmem:s0+$0xC820] =	vst v2  }
0x118: {  	[tilespmem:s0+$0xC830] =	vst v63  }
0x119: {  	s28 =	sadd.s32 $0x1, s28  }
0x11a: {  	p0 =	sne.s32 s28, s6  }
.Ltmp5:
0x11b: {  	_ = 	snop;
	(pc) =	sbr.rel @p0 .LBB2_1-.Ltmp5, $4  }
0x11c: {  	[hbm4b:s5+s2] =	stream.linear.scatter [tilespmem:s26], [sflag:$0x5], $0x2000, $0x38;
	[tilespmem:$0xE800] =	vst v63  }
0x11d: {  	_ =	swait.ge [sflag:s7], $0x2000  }
0x11e: {  	[sflag:s7] =	ssyncset.done $0x0  }
0x11f: {  	[sflag:s7] =	ssyncadd.s32 $0xFFFFE000  }
0x120: {  	_ =	sfence.sel $0x180000  }
0x121: {  	[bflag:$0x0] =	sbarrier.arrive $0xFFFF  }
0x122: {  	_ =	strace $0x90000047  }
0x123: {  	s0 =	stileid.u32;
	[bflag:$0x2] =	sbarrier.arrive $0xFFFF  }
0x124: {  	p0 =	sne.s32 s0, $0x0;
	s0 =	rddreg [dreg:$0x1]  }
0x125: {  	s0 =	sadd.s32 @!p0 $0x100000, s0  }
0x126: {  	[sflag:s0] =	ssyncadd.tile.s32 @!p0 $0x1;
	_ =	shalt  }
.Lfunc_end2:
_tile_overlayer_lowered:
.L_overlay_start_2:
0x127: {  	(tag) =	ssettag $0x2  }
0x128: {  	s0 =	rddreg [dreg:$0x0];
	s2 =	stileid.u32  }
0x129: {  	s1 =	rddreg [dreg:$0x1];
	p0 =	sne.s32 s2, $0x0  }
0x12a: {  	s3 =	rddreg [dreg:$0x2];
	[bflag:$0x3] =	sbarrier.arrive $0xFFFF;
	s2 =	simm.s32 @!p0 $0x1C05  }
0x12b: {  	[timem:s3], [sflag:s2] =	dma.local @!p0 [hbm:s0], s1  }
0x12c: {  	s0 =	simm.s32 @!p0 $0x5  }
0x12d: {  	_ =	swait.ge @!p0 [sflag:s0], s1  }
0x12e: {  	s1 =	ssub.s32 @!p0 $0x0, s1;
	[sflag:s0] =	ssyncset.done @!p0 $0x0  }
0x12f: {  	[sflag:s0] =	ssyncadd.s32 @!p0 s1  }
0x130: {  	[bflag:$0x3] =	sbarrier.arrive $0xFFFF  }
0x131: {  	_ =	shalt  }

// kernel: kernel.6.cloned.1.call-start
scs
__scs_entry_jumppad:
0x0: {  	(pc) =	sbr.rel $0x88, $3  }
0x1: {  	(tag) =	ssettag $0x0;
	lr =	simm.s32 $0x1  }
0x2: {  	[smem:$0x3F99] =	sst lr;
	_ =	strace $0xD0000000  }
0x3: {  	_ = 	snop  }
0x4: {  	_ = 	snop  }
0x5: {  	_ = 	snop  }
0x6: {  	_ = 	snop  }
0x7: {  	_ = 	snop  }
__scs_overlays_trampoline_lowered:
0x8: {  	[smem:$0x3FA8] =	sst s0  }
0x9: {  	[smem:$0x3FA9] =	sst s1  }
0xa: {  	[smem:$0x3FAA] =	sst s2  }
0xb: {  	[smem:$0x3FAB] =	sst s3  }
0xc: {  	[smem:$0x3FAC] =	sst s4  }
0xd: {  	[smem:$0x3FAD] =	sst s5  }
0xe: {  	[smem:$0x3FAE] =	sst s6  }
0xf: {  	[smem:$0x3FAF] =	sst s7  }
0x10: {  	[smem:$0x3FB0] =	sst s8  }
0x11: {  	[smem:$0x3FB1] =	sst s9;
	s0 =	simm.s32 @!p0 $0x0  }
0x12: {  	s1 =	sld [smem:$0x3F97];
	s0 =	simm.s32 @p0 $0x1  }
0x13: {  	[smem:$0x3FB2] =	sst s0;
	s0 =	simm.s32 @!p1 $0x0  }
0x14: {  	s2 =	sld [smem:$0x3F96];
	s0 =	simm.s32 @p1 $0x1  }
0x15: {  	[smem:$0x3FB3] =	sst s0;
	s0 =	simm.s32 @!p2 $0x0  }
0x16: {  	s3 =	sld [smem:$0x3FDB];
	s0 =	simm.s32 @p2 $0x1  }
0x17: {  	s4 =	simm.s32 $0x1BF5;
	[smem:$0x3FB5] =	sst s0  }
0x18: {  	s0 =	sld [smem:$0x3F98];
	_ =	swait.ge [sflag:s4], $0x0  }
0x19: {  	s7 =	sld [smem:$0x3F99]  }
0x1a: {  	s8 =	sadd.s32 $0xFFFFE003, lr  }
0x1b: {  	s9 =	sadd.s32 $0xFFFFFEF7, lr;
	s5 =	simm.s32 $0xFFFFFFFF;
	p2 =	slt.u32 s8, $0xFFFFF086  }
0x1c: {  	p1 =	slt.u32 s9, $0xF7A;
	s5 =	simm.s32 @!p2 $0x0  }
0x1d: {  	s5 =	simm.s32 @p1 $0x1;
	p0 =	seq.s32 s7, s2  }
0x1e: {  	s7 =	smul.u32 @!p0 $0xF7A, s2;
	p2 =	seq.s32 @!p0 s5, $0x0  }
0x1f: {  	s9 =	smul.u32 $0xF7A, s1;
	s8 =	simm.s32 @!p0 $0x1BF5;
	p2 =	por !p2, p0  }
0x20: {  	[sflag:s8] =	ssyncset.s32 @!p0 $0xFFFFF086;
	s6 =	sadd.s32 @!p0 s3, s7;
	s7 =	simm.s32 @!p0 $0x108  }
0x21: {  	s3 =	sadd.s32 s3, s9;
	s6 =	sadd.s32 @!p0 $0x88, s6;
	s7 =	simm.s32 @p2 $0x1082  }
0x22: {  	[simem:s7], [sflag:s8] =	dma.local @!p0 [hbm:s6], $0xF7A  }
0x23: {  	s9 =	sor.u32 $0xD0000000, s2;
	s6 =	simm.s32 $0x108;
	_ =	swait.ge @!p0 [sflag:s8], $0x0  }
0x24: {  	s3 =	sadd.s32 $0x88, s3;
	s6 =	simm.s32 @!p1 $0x1082;
	[sflag:s4] =	ssyncset.s32 $0xFFFFF086  }
0x25: {  	[simem:s6], [sflag:s4] =	dma.local [hbm:s3], $0xF7A  }
0x26: {  	[smem:$0x3F99] =	sst s1;
	(tag) =	ssettag s2;
	_ =	strace s9  }
0x27: {  	s1 =	sld [smem:$0x3FA9]  }
0x28: {  	s2 =	sld [smem:$0x3FAA]  }
0x29: {  	s4 =	sld [smem:$0x3FAC]  }
0x2a: {  	p0 =	seq.s32 s5, $0x0;
	s5 =	sld [smem:$0x3FAD]  }
0x2b: {  	s6 =	sld [smem:$0x3FAE]  }
0x2c: {  	s7 =	sld [smem:$0x3FAF]  }
0x2d: {  	s3 =	simm.s32 $0x108;
	s8 =	sld [smem:$0x3FB0]  }
0x2e: {  	s3 =	simm.s32 @!p0 $0x1082;
	s9 =	sld [smem:$0x3FB1]  }
0x2f: {  	lr =	sadd.s32 s0, s3;
	s0 =	sld [smem:$0x3FA8]  }
0x30: {  	s3 =	sld [smem:$0x3FAB]  }
0x31: {  	[smem:$0x3FB4] =	sst s10  }
0x32: {  	s10 =	sld [smem:$0x3FB2];
	_ =	sdelay $0x3  }
0x33: {  	p0 =	seq.s32 s10, $0x1;
	s10 =	sld [smem:$0x3FB4];
	_ =	sdelay $0x3  }
0x34: {  	[smem:$0x3FB4] =	sst s10  }
0x35: {  	s10 =	sld [smem:$0x3FB3];
	_ =	sdelay $0x3  }
0x36: {  	p1 =	seq.s32 s10, $0x1;
	s10 =	sld [smem:$0x3FB4];
	_ =	sdelay $0x3  }
0x37: {  	[smem:$0x3FB4] =	sst s10  }
0x38: {  	s10 =	sld [smem:$0x3FB5]  }
0x39: {  	_ = 	snop;
	(pc) =	sbr.ind lr, $3  }
0x3a: {  	_ = 	snop  }
0x3b: {  	_ = 	snop  }
0x3c: {  	p2 =	seq.s32 s10, $0x1;
	s10 =	sld [smem:$0x3FB4]  }
0x3d: {  	_ =	shalt  }
0x3e: {  	_ =	shalt  }
0x3f: {  	_ =	shalt  }
0x40: {  	_ =	shalt  }
0x41: {  	_ =	shalt  }
0x42: {  	_ =	shalt  }
0x43: {  	_ =	shalt  }
0x44: {  	_ =	shalt  }
0x45: {  	_ =	shalt  }
0x46: {  	_ =	shalt  }
0x47: {  	_ =	shalt  }
0x48: {  	_ =	shalt  }
0x49: {  	_ =	shalt  }
0x4a: {  	_ =	shalt  }
0x4b: {  	_ =	shalt  }
0x4c: {  	_ =	shalt  }
0x4d: {  	_ =	shalt  }
0x4e: {  	_ =	shalt  }
0x4f: {  	_ =	shalt  }
0x50: {  	_ =	shalt  }
0x51: {  	_ =	shalt  }
0x52: {  	_ =	shalt  }
0x53: {  	_ =	shalt  }
0x54: {  	_ =	shalt  }
0x55: {  	_ =	shalt  }
0x56: {  	_ =	shalt  }
0x57: {  	_ =	shalt  }
0x58: {  	_ =	shalt  }
0x59: {  	_ =	shalt  }
0x5a: {  	_ =	shalt  }
0x5b: {  	_ =	shalt  }
0x5c: {  	_ =	shalt  }
0x5d: {  	_ =	shalt  }
0x5e: {  	_ =	shalt  }
0x5f: {  	_ =	shalt  }
0x60: {  	_ =	shalt  }
0x61: {  	_ =	shalt  }
0x62: {  	_ =	shalt  }
0x63: {  	_ =	shalt  }
0x64: {  	_ =	shalt  }
0x65: {  	_ =	shalt  }
0x66: {  	_ =	shalt  }
0x67: {  	_ =	shalt  }
0x68: {  	_ =	shalt  }
0x69: {  	_ =	shalt  }
0x6a: {  	_ =	shalt  }
0x6b: {  	_ =	shalt  }
0x6c: {  	_ =	shalt  }
0x6d: {  	_ =	shalt  }
0x6e: {  	_ =	shalt  }
0x6f: {  	_ =	shalt  }
0x70: {  	_ =	shalt  }
0x71: {  	_ =	shalt  }
0x72: {  	_ =	shalt  }
0x73: {  	_ =	shalt  }
0x74: {  	_ =	shalt  }
0x75: {  	_ =	shalt  }
0x76: {  	_ =	shalt  }
0x77: {  	_ =	shalt  }
0x78: {  	_ =	shalt  }
0x79: {  	_ =	shalt  }
0x7a: {  	_ =	shalt  }
0x7b: {  	_ =	shalt  }
0x7c: {  	_ =	shalt  }
0x7d: {  	_ =	shalt  }
0x7e: {  	_ =	shalt  }
0x7f: {  	_ =	shalt  }
0x80: {  	_ =	shalt  }
0x81: {  	_ =	shalt  }
0x82: {  	_ =	shalt  }
0x83: {  	_ =	shalt  }
0x84: {  	_ =	shalt  }
0x85: {  	_ =	shalt  }
0x86: {  	_ =	shalt  }
0x87: {  	_ =	shalt  }
.Lfunc_end0:
.L_simem_size_0:
called_computation_lowered:
.L_overlay_start_0:
0x88: {  	s2 =	sld [smem:$0x3FD9]  }
0x89: {  	s3 =	sld [smem:$0x3FFE];
	_ =	sdelay $0x1  }
0x8a: {  	s1 =	srdreg.scid  }
0x8b: {  	s0 =	sand.u32 $0x1, s1  }
0x8c: {  	s17 =	sshll.u32 s0, $0xA;
	s2 =	sadd.s32 s3, s2  }
0x8d: {  	s2 =	sadd.s32 s2, s17  }
0x8e: {  	[smem:$0x3FC0] =	sst s2  }
0x8f: {  	_ = 	snop  }
0x90: {  	s18 =	sld [smem:$0x3FD0];
	(tm) =	ssettm $0x1  }
0x91: {  	s19 =	sld [smem:$0x3FFB];
	_ =	sdelay $0x3  }
0x92: {  	_ =	strace s19  }
0x93: {  	s2 =	sld [smem:$0x3FFC];
	_ =	sdelay $0x3  }
0x94: {  	_ =	strace s2  }
0x95: {  	s2 =	sld [smem:$0x3FFD];
	_ =	sdelay $0x3  }
0x96: {  	_ =	strace s2  }
0x97: {  	_ =	strace $0x8FFFFFFF  }
0x98: {  	s20 =	sld [smem:$0x3FDB];
	_ =	sdelay $0x1  }
0x99: {  	s4 =	simm.s32 $_scs_section_size  }
0x9a: {  	s5 =	simm.s32 $_size__tile_overlayer_lowered;
	s6 =	simm.s32 $_tile_overlayer_lowered  }
0x9b: {  	s7 =	simm.s32 $0x1BFF;
	s21 =	sshll.u32 s6, $0x1;
	s4 =	sadd.s32 s4, s20  }
0x9c: {  	s22 =	simm.s32 $0x0;
	s5 =	sshll.u32 s5, $0x1;
	s6 =	sadd.s32 s21, s4  }
0x9d: {  	[timem:s22], [sflag:s7] =	dma.local [hbm:s6], s5  }
0x9e: {  	_ =	swait.ge [sflag:s7], s5  }
0x9f: {  	s5 =	ssub.s32 $0x0, s5;
	[sflag:s7] =	ssyncset.done $0x0  }
0xa0: {  	[sflag:s7] =	ssyncadd.s32 s5;
	_ =	sdelay $0x1  }
0xa1: {  	s23 =	simm.s32 $0x1B8B  }
0xa2: {  	_ =	swait.ge [sflag:s23], $0x1  }
0xa3: {  	[sflag:s23] =	ssyncset.done $0x0  }
0xa4: {  	[sflag:s23] =	ssyncadd.s32 $0xFFFFFFFF  }
0xa5: {  	s5 =	sld [smem:$0x0]  }
0xa6: {  	s6 =	sand.u32 $0xFFFFFFFE, s1  }
0xa7: {  	p0 =	sne.s32 s1, s6  }
0xa8: {  	s6 =	sshll.u32 @p0 s6, $0xE  }
0xa9: {  	s6 =	sadd.s32 @p0 $0x11B8D, s6;
	s7 =	sshll.u32 @p0 s5, $0x11  }
0xaa: {  	s6 =	sor.u32 @p0 s7, s6  }
0xab: {  	[sflag:s6] =	ssyncadd.remote.s32 @p0 $0x1;
	_ =	sdelay $0x1  }
0xac: {  	s6 =	simm.s32 @p0 $0x1B8D  }
0xad: {  	_ =	swait.eq @p0 [sflag:s6], $0x1  }
0xae: {  	[sflag:s6] =	ssyncadd.s32 @p0 $0xFFFFFFFF  }
0xaf: {  	s7 =	sshll.u32 @!p0 s1, $0xE  }
0xb0: {  	s7 =	sor.u32 @!p0 $0x4000, s7;
	s6 =	simm.s32 @!p0 $0x1B8D  }
0xb1: {  	s5 =	sshll.u32 @!p0 s5, $0x11;
	s7 =	sadd.s32 @!p0 $0x11B8D, s7;
	_ =	swait.eq @!p0 [sflag:s6], $0x1  }
0xb2: {  	s5 =	sor.u32 @!p0 s5, s7;
	[sflag:s6] =	ssyncadd.s32 @!p0 $0xFFFFFFFF  }
0xb3: {  	s25 =	simm.s32 $0x1B8E;
	s24 =	sld [smem:$0x3FFE];
	[sflag:s5] =	ssyncadd.remote.s32 @!p0 $0x1  }
0xb4: {  	s26 =	simm.s32 $execute0_lowered;
	[smem:$0x3FD2] =	sst s25  }
0xb5: {  	s6 =	sshll.u32 s26, $0x1;
	_ =	strace $0x8000004C;
	[dreg:$0x1] =	wrdreg $0xFFFFFFFF  }
0xb6: {  	s28 =	simm.s32 $_size_execute0_lowered;
	s4 =	sadd.s32 s4, s6;
	[dreg:$0x0] =	wrdreg $0x0  }
0xb7: {  	s6 =	sshll.u32 s28, $0x1;
	[dreg:$0x2] =	wrdreg s4  }
0xb8: {  	[dreg:$0x3] =	wrdreg s6  }
0xb9: {  	[dreg:$0x4] =	wrdreg $0xC0  }
0xba: {  	_ =	task [dreg:s22], $0x5FFFF  }
0xbb: {  	[dreg:$0x1] =	wrdreg $0xFFFFFFFF  }
0xbc: {  	[dreg:$0x0] =	wrdreg $0x60  }
0xbd: {  	[dreg:$0x2] =	wrdreg s24  }
0xbe: {  	[dreg:$0x3] =	wrdreg s18  }
0xbf: {  	[dreg:$0x4] =	wrdreg $0x9  }
0xc0: {  	_ =	task.clear_ibuf [dreg:s22], $0x5FFFF;
	_ =	strace $0x9000004C  }
0xc1: {  	s29 =	simm.s32 $0x9;
	_ =	strace $0x8000004E  }
0xc2: {  	_ =	swait.ge [sflag:s29], $0x1  }
0xc3: {  	[sflag:s29] =	ssyncadd.s32 $0xFFFFFFFF  }
0xc4: {  	_ =	strace $0x9000004E  }
0xc5: {  	_ =	sfence  }
0xc6: {  	s30 =	sld [smem:$0x0];
	_ =	sdelay $0x2  }
0xc7: {  	s31 =	sshll.u32 s1, $0xD;
	s1 =	sshrl.u32 s1, $0x2  }
0xc8: {  	s4 =	sand.u32 $0x4000, s31;
	s1 =	sadd.s32 s1, s30  }
0xc9: {  	s0 =	sor.u32 s4, s0;
	s1 =	sshll.u32 s1, $0x11  }
0xca: {  	s0 =	sor.u32 s1, s0  }
0xcb: {  	s0 =	sadd.s32 $0x8F2B, s0  }
0xcc: {  	[sflag:s0] =	ssyncadd.remote.s32 $0x1  }
0xcd: {  	_ =	sfence.sel $0xFFFF  }
0xce: {  	[dreg:$0x0] =	wrdreg $0xFFFFFFFF;
	(pc) =	sbr.abs _section_cstart, $3  }
0xcf: {  	[dreg:$0x1] =	wrdreg $0xFFFFFFFF  }
0xd0: {  	_ =	task.clear_ibuf [dreg:s22], $0x2FFFF;
	_ =	strace $0x9FFFFFFF  }
0xd1: {  	(tm) =	ssettm $0x7FFFFFFF  }
tec
execute0_lowered:
.L_overlay_start_1:
0x0: {  	(tag) =	ssettag $0x1  }
0x1: {  	s0 =	srdreg.scid  }
0x2: {  	s2 =	stileid.u32;
	s1 =	rddreg [dreg:$0x0]  }
0x3: {  	s5 =	rddreg [dreg:$0x1];
	s8 =	simm.s32 $0x80;
	s10 =	simm.s32 $0x48  }
0x4: {  	s12 =	simm.s32 $0xC8;
	s13 =	simm.s32 $0x7D00;
	s14 =	simm.s32 $0x148  }
0x5: {  	s15 =	simm.s32 $0x8D00;
	s16 =	simm.s32 $0x190;
	s17 =	simm.s32 $0x9600  }
0x6: {  	s18 =	simm.s32 $0x210;
	s19 =	simm.s32 $0xA600;
	s20 =	simm.s32 $0xAF00  }
0x7: {  	s21 =	simm.s32 $0xBF00;
	s22 =	simm.s32 $0x1;
	s23 =	simm.s32 $0x2  }
0x8: {  	s24 =	simm.s32 $0x3;
	s25 =	simm.s32 $0x4;
	s26 =	simm.s32 $0xC800  }
0x9: {  	s28 =	simm.s32 $0x0;
	s0 =	sand.u32 $0x1, s0;
	s2 =	sshll.u32 s2, $0x1  }
0xa: {  	s4 =	sor.u32 s0, s2;
	s2 =	simm.s32 $0x0;
	s0 =	ssub.s32 $0x2, s0  }
0xb: {  	s3 =	smul.u32 $0xC80, s4;
	[smem:$0x7FF] =	sst s2;
	s7 =	sshrl.u32 s0, $0x1  }
0xc: {  	s31 =	sshll.u32 s4, $0xA;
	_ =	strace $0x8000004D;
	s0 =	ssub.s32 s0, s7  }
0xd: {  	s5 =	sadd.s32 s5, s31;
	s7 =	simm.s32 $0x5;
	s6 =	sadd.s32 s3, s1  }
0xe: {  	s3 =	sadd.s32 $0x10A800, s1;
	s4 =	sadd.s32 $0x16C400, s6;
	s6 =	smax.u32 s0, $0x1  }
.LBB2_1:
0xf: {  	[tilespmem:s2], [sflag:$0x5] =	stream.linear.gather [hbm4b:s4+s2], $0x6400, $0x38;
	[tilespmem:$0xE800] =	vst v63  }
0x10: {  	_ =	swait.ge [sflag:s7], $0x6400  }
0x11: {  	[sflag:s7] =	ssyncset.done $0x0  }
0x12: {  	s0 =	simm.s32 $0x6400;
	[sflag:s7] =	ssyncadd.s32 $0xFFFF9C00  }
0x13: {  	[tilespmem:s0], [sflag:$0x1] =	stream.indirect.gather [hbm4b:s3+s8], $0x20, s2, s8, $0xb8;
	[tilespmem:$0xE800] =	vst v63  }
0x14: {  	s31 =	simm.s32 $0x7400  }
0x15: {  	[tilespmem:s31], [sflag:$0x1] =	stream.indirect.gather [hbm4b:s3+s10], $0x20, s8, s10, $0xb8;
	[tilespmem:$0xE800] =	vst v63  }
0x16: {  	_ = 	snop  }
0x17: {  	[tilespmem:s13], [sflag:$0x2] =	stream.indirect.gather [hbm4b:s3+s8], $0x20, s12, s8, $0xb8;
	[tilespmem:$0xE800] =	vst v63  }
0x18: {  	_ = 	snop  }
0x19: {  	[tilespmem:s15], [sflag:$0x2] =	stream.indirect.gather [hbm4b:s3+s10], $0x20, s14, s10, $0xb8;
	[tilespmem:$0xE800] =	vst v63  }
0x1a: {  	_ = 	snop  }
0x1b: {  	[tilespmem:s17], [sflag:$0x3] =	stream.indirect.gather [hbm4b:s3+s8], $0x20, s16, s8, $0xb8;
	[tilespmem:$0xE800] =	vst v63  }
0x1c: {  	s29 =	simm.s32 $0x0  }
0x1d: {  	[tilespmem:s19], [sflag:$0x3] =	stream.indirect.gather [hbm4b:s3+s10], $0x20, s18, s10, $0xb8;
	[tilespmem:$0xE800] =	vst v63  }
.LBB2_2:
0x1e: {  	s30 =	sshllo.u32 s29, $0x2  }
0x1f: {  	s0 =	smul.u32 $0x320, s30;
	_ =	sdelay $0x1  }
0x20: {  	s0 =	sshra.s32 s0, $0x2  }
0x21: {  	[tilespmem:s20], [sflag:$0x4] =	stream.indirect.gather [hbm4b:s3+s8], $0x20, s0, s8, $0xb8;
	[tilespmem:$0xE800] =	vst v63  }
0x22: {  	s0 =	sadd.s32 $0x80, s0  }
0x23: {  	[tilespmem:s21], [sflag:$0x4] =	stream.indirect.gather [hbm4b:s3+s10], $0x20, s0, s10, $0xb8;
	[tilespmem:$0xE800] =	vst v63  }
0x24: {  	_ =	swait.ge [sflag:s22], $0x1900  }
0x25: {  	[sflag:s22] =	ssyncset.done $0x0  }
0x26: {  	s1 =	simm.s32 $0x6480;
	[sflag:s22] =	ssyncadd.s32 $0xFFFFE700  }
0x27: {  	v1 =	vld [tilespmem:s1+$0x60]  }
0x28: {  	v3 =	vld [tilespmem:s1+$0x40]  }
0x29: {  	v5 =	vld [tilespmem:s1+$0x20]  }
0x2a: {  	v7 =	vld [tilespmem:s1+$0x0]  }
0x2b: {  	v8 =	vld [tilespmem:s1+$0xFFFFFFE0]  }
0x2c: {  	v9 =	vld [tilespmem:s1+$0xFFFFFFC0]  }
0x2d: {  	v10 =	vld [tilespmem:s1+$0xFFFFFFA0]  }
0x2e: {  	v11 =	vld [tilespmem:s1+$0xFFFFFF80]  }
0x2f: {  	v12 =	vimm.f32 $0.0e+00;
	v13 =	vld [tilespmem:s1+$0xFFFFFF90];
	v0 =	vunpack.i.u.bf16.f32 v1;
	v1 =	vunpack.i.l.bf16.f32 v1  }
0x30: {  	v4 =	vunpack.i.u.bf16.f32 v5;
	v2 =	vunpack.i.u.bf16.f32 v3;
	v3 =	vunpack.i.l.bf16.f32 v3  }
0x31: {  	v14 =	vld [tilespmem:s1+$0xFFFFFFB0];
	v6 =	vunpack.i.u.bf16.f32 v7;
	v7 =	vunpack.i.l.bf16.f32 v7;
	v5 =	vunpack.i.l.bf16.f32 v5  }
0x32: {  	v15 =	vunpack.i.u.bf16.f32 v9;
	v16 =	vunpack.i.u.bf16.f32 v8;
	v17 =	vunpack.i.l.bf16.f32 v8  }
0x33: {  	v18 =	vld [tilespmem:s1+$0xFFFFFFD0];
	v8 =	vunpack.i.u.bf16.f32 v10;
	v19 =	vunpack.i.u.bf16.f32 v11;
	v11 =	vunpack.i.l.bf16.f32 v11  }
0x34: {  	v20 =	vunpack.i.u.bf16.f32 v13;
	v13 =	vunpack.i.l.bf16.f32 v13;
	v11 =	vadd.f32 v11, v12  }
0x35: {  	v21 =	vld [tilespmem:s1+$0xFFFFFFF0];
	v10 =	vunpack.i.l.bf16.f32 v10;
	v19 =	vadd.f32 v19, v12;
	v13 =	vadd.f32 v13, v12  }
0x36: {  	v12 =	vadd.f32 v20, v12;
	v11 =	vadd.f32 v10, v11;
	v10 =	vunpack.i.l.bf16.f32 v14  }
0x37: {  	v62 =	vunpack.i.u.bf16.f32 v14;
	v8 =	vadd.f32 v8, v19;
	v13 =	vadd.f32 v10, v13;
	v10 =	vld [tilespmem:s1+$0x10]  }
0x38: {  	v9 =	vunpack.i.l.bf16.f32 v9;
	v14 =	vadd.f32 v62, v12;
	v19 =	vunpack.i.u.bf16.f32 v18  }
0x39: {  	v9 =	vadd.f32 v9, v11;
	v63 =	vadd.f32 v15, v8;
	v11 =	vunpack.i.l.bf16.f32 v18;
	v8 =	vld [tilespmem:s1+$0x30]  }
0x3a: {  	v12 =	vadd.f32 v11, v13;
	v11 =	vadd.f32 v19, v14;
	v13 =	vunpack.i.u.bf16.f32 v21  }
0x3b: {  	s9 =	simm.s32 $0x6580;
	s0 =	simm.s32 $0x0;
	v15 =	vadd.f32 v17, v9;
	v14 =	vadd.f32 v16, v63;
	v16 =	vunpack.i.l.bf16.f32 v21;
	v9 =	vld [tilespmem:s1+$0x50]  }
.LBB2_3:
0x3c: {  	v17 =	vld [tilespmem:s9+$0x60];
	v12 =	vadd.f32 v16, v12;
	v11 =	vadd.f32 v13, v11;
	v13 =	vunpack.i.u.bf16.f32 v10  }
0x3d: {  	v10 =	vunpack.i.l.bf16.f32 v10;
	v7 =	vadd.f32 v7, v15;
	v6 =	vadd.f32 v6, v14;
	v14 =	vld [tilespmem:s1+$0x70];
	s1 =	smov.u32 s9  }
0x3e: {  	v15 =	vld [tilespmem:s9+$0x40];
	v10 =	vadd.f32 v10, v12;
	v11 =	vadd.f32 v13, v11;
	v12 =	vunpack.i.u.bf16.f32 v8  }
0x3f: {  	v13 =	vld [tilespmem:s9+$0x20];
	v5 =	vadd.f32 v5, v7;
	v4 =	vadd.f32 v4, v6;
	v6 =	vunpack.i.l.bf16.f32 v8  }
0x40: {  	v7 =	vld [tilespmem:s9+$0x0];
	v6 =	vadd.f32 v6, v10;
	v8 =	vadd.f32 v12, v11;
	v10 =	vunpack.i.u.bf16.f32 v9  }
0x41: {  	v11 =	vld [tilespmem:s9+$0xFFFFFFE0];
	v3 =	vadd.f32 v3, v5;
	v2 =	vadd.f32 v2, v4;
	v4 =	vunpack.i.l.bf16.f32 v9  }
0x42: {  	v9 =	vld [tilespmem:s9+$0xFFFFFFC0];
	v4 =	vadd.f32 v4, v6;
	v5 =	vadd.f32 v10, v8;
	v6 =	vunpack.i.u.bf16.f32 v14  }
0x43: {  	v8 =	vld [tilespmem:s9+$0xFFFFFFA0];
	v10 =	vadd.f32 v1, v3;
	v12 =	vadd.f32 v0, v2;
	v0 =	vunpack.i.l.bf16.f32 v14  }
0x44: {  	v14 =	vld [tilespmem:s9+$0xFFFFFF80];
	v16 =	vadd.f32 v0, v4;
	v18 =	vadd.f32 v6, v5  }
0x45: {  	v1 =	vunpack.i.l.bf16.f32 v17;
	v0 =	vunpack.i.u.bf16.f32 v17;
	v19 =	vld [tilespmem:s9+$0xFFFFFF90]  }
0x46: {  	s0 =	sadd.s32 $0x8, s0;
	v2 =	vunpack.i.u.bf16.f32 v15;
	v3 =	vunpack.i.l.bf16.f32 v15;
	v4 =	vunpack.i.u.bf16.f32 v13  }
0x47: {  	p0 =	slt.u32 s0, $0xC0;
	v5 =	vunpack.i.l.bf16.f32 v13;
	v6 =	vunpack.i.u.bf16.f32 v7;
	v7 =	vunpack.i.l.bf16.f32 v7;
	v15 =	vld [tilespmem:s9+$0xFFFFFFB0]  }
0x48: {  	v17 =	vunpack.i.u.bf16.f32 v11;
	v20 =	vunpack.i.l.bf16.f32 v11;
	v13 =	vunpack.i.u.bf16.f32 v9  }
0x49: {  	v9 =	vunpack.i.l.bf16.f32 v9;
	v11 =	vunpack.i.u.bf16.f32 v8;
	v8 =	vunpack.i.l.bf16.f32 v8;
	v21 =	vld [tilespmem:s9+$0xFFFFFFD0]  }
0x4a: {  	v22 =	vunpack.i.u.bf16.f32 v14;
	v14 =	vunpack.i.l.bf16.f32 v14;
	v23 =	vunpack.i.u.bf16.f32 v19  }
0x4b: {  	v10 =	vadd.f32 v14, v10;
	v12 =	vadd.f32 v22, v12;
	v14 =	vunpack.i.l.bf16.f32 v19;
	v19 =	vld [tilespmem:s9+$0xFFFFFFF0]  }
0x4c: {  	v14 =	vadd.f32 v14, v16;
	v16 =	vadd.f32 v23, v18;
	v18 =	vunpack.i.u.bf16.f32 v15  }
.Ltmp0:
0x4d: {  	v8 =	vadd.f32 v8, v10;
	v11 =	vadd.f32 v11, v12;
	v12 =	vunpack.i.l.bf16.f32 v15;
	v10 =	vld [tilespmem:s9+$0x10];
	(pc) =	sbr.rel @p0 .LBB2_3-.Ltmp0, $4  }
0x4e: {  	v12 =	vadd.f32 v12, v14;
	v14 =	vadd.f32 v18, v16;
	v15 =	vunpack.i.u.bf16.f32 v21  }
0x4f: {  	v9 =	vadd.f32 v9, v8;
	v16 =	vadd.f32 v13, v11;
	v11 =	vunpack.i.l.bf16.f32 v21;
	v8 =	vld [tilespmem:s9+$0x30]  }
0x50: {  	v12 =	vadd.f32 v11, v12;
	v11 =	vadd.f32 v15, v14;
	v13 =	vunpack.i.u.bf16.f32 v19  }
0x51: {  	s9 =	sadd.s32 $0x100, s9;
	v15 =	vadd.f32 v20, v9;
	v14 =	vadd.f32 v17, v16;
	v16 =	vunpack.i.l.bf16.f32 v19;
	v9 =	vld [tilespmem:s1+$0x50]  }
0x52: {  	_ = 	snop  }
0x53: {  	v12 =	vadd.f32 v16, v12;
	v7 =	vadd.f32 v7, v15  }
0x54: {  	v11 =	vadd.f32 v13, v11;
	v13 =	vunpack.i.l.bf16.f32 v10;
	v6 =	vadd.f32 v6, v14  }
0x55: {  	v10 =	vunpack.i.u.bf16.f32 v10;
	v14 =	vld [tilespmem:s1+$0x70];
	v12 =	vadd.f32 v13, v12;
	v5 =	vadd.f32 v5, v7  }
0x56: {  	v7 =	vadd.f32 v10, v11;
	v4 =	vadd.f32 v4, v6;
	v6 =	vunpack.i.l.bf16.f32 v8  }
0x57: {  	v8 =	vunpack.i.u.bf16.f32 v8;
	v6 =	vadd.f32 v6, v12;
	v3 =	vadd.f32 v3, v5  }
0x58: {  	v5 =	vadd.f32 v8, v7;
	v2 =	vadd.f32 v2, v4;
	v4 =	vunpack.i.l.bf16.f32 v9  }
0x59: {  	s0 =	sshll.u32 s29, $0x8;
	v7 =	vunpack.i.u.bf16.f32 v9;
	v4 =	vadd.f32 v4, v6;
	v1 =	vadd.f32 v1, v3  }
0x5a: {  	p0 =	seq.s32 s29, $0x1F;
	s31 =	sand.u32 $0x3FFFFF00, s0;
	v3 =	vadd.f32 v7, v5;
	v0 =	vadd.f32 v0, v2;
	v2 =	vunpack.i.l.bf16.f32 v14  }
0x5b: {  	s0 =	smul.u32 @!p0 $0xC80, s29;
	v5 =	vunpack.i.u.bf16.f32 v14;
	v2 =	vadd.f32 v2, v4;
	[tilespmem:s31+$0xC800] =	vst v1  }
0x5c: {  	v1 =	vadd.f32 v5, v3;
	[tilespmem:s31+$0xC810] =	vst v0  }
0x5d: {  	s1 =	sshra.s32 @!p0 s0, $0x2;
	[tilespmem:s31+$0xC820] =	vst v2  }
0x5e: {  	s9 =	simm.s32 @!p0 $0x80;
	s11 =	simm.s32 @!p0 $0x6400;
	s0 =	sadd.s32 @!p0 $0x320, s1;
	[tilespmem:s31+$0xC830] =	vst v1  }
0x5f: {  	[tilespmem:s11], [sflag:$0x1] =	stream.indirect.gather @!p0 [hbm4b:s3+s9], $0x20, s0, s9, $0xb8;
	[tilespmem:$0xE800] =	vst v63  }
0x60: {  	s0 =	sadd.s32 @!p0 $0x3A0, s1;
	s9 =	simm.s32 @!p0 $0x48;
	s11 =	simm.s32 @!p0 $0x7400  }
0x61: {  	[tilespmem:s11], [sflag:$0x1] =	stream.indirect.gather @!p0 [hbm4b:s3+s9], $0x20, s0, s9, $0xb8;
	[tilespmem:$0xE800] =	vst v63  }
0x62: {  	_ =	swait.ge [sflag:s23], $0x1900  }
0x63: {  	[sflag:s23] =	ssyncset.done $0x0  }
0x64: {  	s0 =	simm.s32 $0x7D80;
	[sflag:s23] =	ssyncadd.s32 $0xFFFFE700  }
0x65: {  	v1 =	vld [tilespmem:s0+$0x60]  }
0x66: {  	v3 =	vld [tilespmem:s0+$0x40]  }
0x67: {  	v5 =	vld [tilespmem:s0+$0x20]  }
0x68: {  	v7 =	vld [tilespmem:s0+$0x0]  }
0x69: {  	v8 =	vld [tilespmem:s0+$0xFFFFFFE0]  }
0x6a: {  	v9 =	vld [tilespmem:s0+$0xFFFFFFC0]  }
0x6b: {  	v10 =	vld [tilespmem:s0+$0xFFFFFFA0]  }
0x6c: {  	v11 =	vld [tilespmem:s0+$0xFFFFFF80]  }
0x6d: {  	v12 =	vimm.f32 $0.0e+00;
	v13 =	vld [tilespmem:s0+$0xFFFFFF90];
	v0 =	vunpack.i.u.bf16.f32 v1;
	v1 =	vunpack.i.l.bf16.f32 v1  }
0x6e: {  	v4 =	vunpack.i.u.bf16.f32 v5;
	v2 =	vunpack.i.u.bf16.f32 v3;
	v3 =	vunpack.i.l.bf16.f32 v3  }
0x6f: {  	v14 =	vld [tilespmem:s0+$0xFFFFFFB0];
	v6 =	vunpack.i.u.bf16.f32 v7;
	v7 =	vunpack.i.l.bf16.f32 v7;
	v5 =	vunpack.i.l.bf16.f32 v5  }
0x70: {  	v15 =	vunpack.i.u.bf16.f32 v9;
	v16 =	vunpack.i.u.bf16.f32 v8;
	v17 =	vunpack.i.l.bf16.f32 v8  }
0x71: {  	v18 =	vld [tilespmem:s0+$0xFFFFFFD0];
	v8 =	vunpack.i.u.bf16.f32 v10;
	v19 =	vunpack.i.u.bf16.f32 v11;
	v11 =	vunpack.i.l.bf16.f32 v11  }
0x72: {  	v20 =	vunpack.i.u.bf16.f32 v13;
	v13 =	vunpack.i.l.bf16.f32 v13;
	v11 =	vadd.f32 v11, v12  }
0x73: {  	v21 =	vld [tilespmem:s0+$0xFFFFFFF0];
	v10 =	vunpack.i.l.bf16.f32 v10;
	v19 =	vadd.f32 v19, v12;
	v13 =	vadd.f32 v13, v12  }
0x74: {  	v12 =	vadd.f32 v20, v12;
	v11 =	vadd.f32 v10, v11;
	v10 =	vunpack.i.l.bf16.f32 v14  }
0x75: {  	v62 =	vunpack.i.u.bf16.f32 v14;
	v8 =	vadd.f32 v8, v19;
	v13 =	vadd.f32 v10, v13;
	v10 =	vld [tilespmem:s0+$0x10]  }
0x76: {  	v9 =	vunpack.i.l.bf16.f32 v9;
	v14 =	vadd.f32 v62, v12;
	v19 =	vunpack.i.u.bf16.f32 v18  }
0x77: {  	v9 =	vadd.f32 v9, v11;
	v63 =	vadd.f32 v15, v8;
	v11 =	vunpack.i.l.bf16.f32 v18;
	v8 =	vld [tilespmem:s0+$0x30]  }
0x78: {  	v12 =	vadd.f32 v11, v13;
	v11 =	vadd.f32 v19, v14;
	v13 =	vunpack.i.u.bf16.f32 v21  }
0x79: {  	s9 =	simm.s32 $0x0;
	s11 =	simm.s32 $0x7E80;
	v15 =	vadd.f32 v17, v9;
	v14 =	vadd.f32 v16, v63;
	v16 =	vunpack.i.l.bf16.f32 v21;
	v9 =	vld [tilespmem:s0+$0x50]  }
.LBB2_5:
0x7a: {  	v17 =	vld [tilespmem:s11+$0x60];
	v12 =	vadd.f32 v16, v12;
	v11 =	vadd.f32 v13, v11;
	v13 =	vunpack.i.u.bf16.f32 v10  }
0x7b: {  	v10 =	vunpack.i.l.bf16.f32 v10;
	v7 =	vadd.f32 v7, v15;
	v6 =	vadd.f32 v6, v14;
	v14 =	vld [tilespmem:s0+$0x70];
	s0 =	smov.u32 s11  }
0x7c: {  	v15 =	vld [tilespmem:s11+$0x40];
	v10 =	vadd.f32 v10, v12;
	v11 =	vadd.f32 v13, v11;
	v12 =	vunpack.i.u.bf16.f32 v8  }
0x7d: {  	v13 =	vld [tilespmem:s11+$0x20];
	v5 =	vadd.f32 v5, v7;
	v4 =	vadd.f32 v4, v6;
	v6 =	vunpack.i.l.bf16.f32 v8  }
0x7e: {  	v7 =	vld [tilespmem:s11+$0x0];
	v6 =	vadd.f32 v6, v10;
	v8 =	vadd.f32 v12, v11;
	v10 =	vunpack.i.u.bf16.f32 v9  }
0x7f: {  	v11 =	vld [tilespmem:s11+$0xFFFFFFE0];
	v3 =	vadd.f32 v3, v5;
	v2 =	vadd.f32 v2, v4;
	v4 =	vunpack.i.l.bf16.f32 v9  }
0x80: {  	v9 =	vld [tilespmem:s11+$0xFFFFFFC0];
	v4 =	vadd.f32 v4, v6;
	v5 =	vadd.f32 v10, v8;
	v6 =	vunpack.i.u.bf16.f32 v14  }
0x81: {  	v8 =	vld [tilespmem:s11+$0xFFFFFFA0];
	v10 =	vadd.f32 v1, v3;
	v12 =	vadd.f32 v0, v2;
	v0 =	vunpack.i.l.bf16.f32 v14  }
0x82: {  	v14 =	vld [tilespmem:s11+$0xFFFFFF80];
	v16 =	vadd.f32 v0, v4;
	v18 =	vadd.f32 v6, v5  }
0x83: {  	v1 =	vunpack.i.l.bf16.f32 v17;
	v0 =	vunpack.i.u.bf16.f32 v17;
	v19 =	vld [tilespmem:s11+$0xFFFFFF90]  }
0x84: {  	s9 =	sadd.s32 $0x8, s9;
	v2 =	vunpack.i.u.bf16.f32 v15;
	v3 =	vunpack.i.l.bf16.f32 v15;
	v4 =	vunpack.i.u.bf16.f32 v13  }
0x85: {  	p1 =	slt.u32 s9, $0xC0;
	v5 =	vunpack.i.l.bf16.f32 v13;
	v6 =	vunpack.i.u.bf16.f32 v7;
	v7 =	vunpack.i.l.bf16.f32 v7;
	v15 =	vld [tilespmem:s11+$0xFFFFFFB0]  }
0x86: {  	v17 =	vunpack.i.u.bf16.f32 v11;
	v20 =	vunpack.i.l.bf16.f32 v11;
	v13 =	vunpack.i.u.bf16.f32 v9  }
0x87: {  	v9 =	vunpack.i.l.bf16.f32 v9;
	v11 =	vunpack.i.u.bf16.f32 v8;
	v8 =	vunpack.i.l.bf16.f32 v8;
	v21 =	vld [tilespmem:s11+$0xFFFFFFD0]  }
0x88: {  	v22 =	vunpack.i.u.bf16.f32 v14;
	v14 =	vunpack.i.l.bf16.f32 v14;
	v23 =	vunpack.i.u.bf16.f32 v19  }
0x89: {  	v10 =	vadd.f32 v14, v10;
	v12 =	vadd.f32 v22, v12;
	v14 =	vunpack.i.l.bf16.f32 v19;
	v19 =	vld [tilespmem:s11+$0xFFFFFFF0]  }
0x8a: {  	v14 =	vadd.f32 v14, v16;
	v16 =	vadd.f32 v23, v18;
	v18 =	vunpack.i.u.bf16.f32 v15  }
.Ltmp1:
0x8b: {  	v8 =	vadd.f32 v8, v10;
	v11 =	vadd.f32 v11, v12;
	v12 =	vunpack.i.l.bf16.f32 v15;
	v10 =	vld [tilespmem:s11+$0x10];
	(pc) =	sbr.rel @p1 .LBB2_5-.Ltmp1, $4  }
0x8c: {  	v12 =	vadd.f32 v12, v14;
	v14 =	vadd.f32 v18, v16;
	v15 =	vunpack.i.u.bf16.f32 v21  }
0x8d: {  	v9 =	vadd.f32 v9, v8;
	v16 =	vadd.f32 v13, v11;
	v11 =	vunpack.i.l.bf16.f32 v21;
	v8 =	vld [tilespmem:s11+$0x30]  }
0x8e: {  	v12 =	vadd.f32 v11, v12;
	v11 =	vadd.f32 v15, v14;
	v13 =	vunpack.i.u.bf16.f32 v19  }
0x8f: {  	s11 =	sadd.s32 $0x100, s11;
	v15 =	vadd.f32 v20, v9;
	v14 =	vadd.f32 v17, v16;
	v16 =	vunpack.i.l.bf16.f32 v19;
	v9 =	vld [tilespmem:s0+$0x50]  }
0x90: {  	_ = 	snop  }
0x91: {  	v12 =	vadd.f32 v16, v12;
	v7 =	vadd.f32 v7, v15  }
0x92: {  	v11 =	vadd.f32 v13, v11;
	v13 =	vunpack.i.l.bf16.f32 v10;
	v6 =	vadd.f32 v6, v14  }
0x93: {  	v10 =	vunpack.i.u.bf16.f32 v10;
	v14 =	vld [tilespmem:s0+$0x70];
	v12 =	vadd.f32 v13, v12;
	v5 =	vadd.f32 v5, v7  }
0x94: {  	v7 =	vadd.f32 v10, v11;
	v4 =	vadd.f32 v4, v6;
	v6 =	vunpack.i.l.bf16.f32 v8  }
0x95: {  	v8 =	vunpack.i.u.bf16.f32 v8;
	v6 =	vadd.f32 v6, v12;
	v3 =	vadd.f32 v3, v5  }
0x96: {  	v5 =	vadd.f32 v8, v7;
	v2 =	vadd.f32 v2, v4;
	v4 =	vunpack.i.l.bf16.f32 v9  }
0x97: {  	v7 =	vunpack.i.u.bf16.f32 v9;
	v4 =	vadd.f32 v4, v6;
	v1 =	vadd.f32 v1, v3  }
0x98: {  	v3 =	vadd.f32 v7, v5;
	v0 =	vadd.f32 v0, v2;
	v2 =	vunpack.i.l.bf16.f32 v14  }
0x99: {  	v5 =	vunpack.i.u.bf16.f32 v14;
	v2 =	vadd.f32 v2, v4;
	[tilespmem:s31+$0xC840] =	vst v1  }
0x9a: {  	v1 =	vadd.f32 v5, v3;
	[tilespmem:s31+$0xC850] =	vst v0  }
0x9b: {  	[tilespmem:s31+$0xC860] =	vst v2  }
0x9c: {  	s9 =	simm.s32 @!p0 $0x80;
	s11 =	simm.s32 @!p0 $0x7D00;
	s0 =	sadd.s32 @!p0 $0x3E8, s1;
	[tilespmem:s31+$0xC870] =	vst v1  }
0x9d: {  	[tilespmem:s11], [sflag:$0x2] =	stream.indirect.gather @!p0 [hbm4b:s3+s9], $0x20, s0, s9, $0xb8;
	[tilespmem:$0xE800] =	vst v63  }
0x9e: {  	s0 =	sadd.s32 @!p0 $0x468, s1;
	s9 =	simm.s32 @!p0 $0x48;
	s11 =	simm.s32 @!p0 $0x8D00  }
0x9f: {  	[tilespmem:s11], [sflag:$0x2] =	stream.indirect.gather @!p0 [hbm4b:s3+s9], $0x20, s0, s9, $0xb8;
	[tilespmem:$0xE800] =	vst v63  }
0xa0: {  	_ =	swait.ge [sflag:s24], $0x1900  }
0xa1: {  	[sflag:s24] =	ssyncset.done $0x0  }
0xa2: {  	s0 =	simm.s32 $0x9680;
	[sflag:s24] =	ssyncadd.s32 $0xFFFFE700  }
0xa3: {  	v1 =	vld [tilespmem:s0+$0x60]  }
0xa4: {  	v3 =	vld [tilespmem:s0+$0x40]  }
0xa5: {  	v5 =	vld [tilespmem:s0+$0x20]  }
0xa6: {  	v7 =	vld [tilespmem:s0+$0x0]  }
0xa7: {  	v8 =	vld [tilespmem:s0+$0xFFFFFFE0]  }
0xa8: {  	v9 =	vld [tilespmem:s0+$0xFFFFFFC0]  }
0xa9: {  	v10 =	vld [tilespmem:s0+$0xFFFFFFA0]  }
0xaa: {  	v11 =	vld [tilespmem:s0+$0xFFFFFF80]  }
0xab: {  	v12 =	vimm.f32 $0.0e+00;
	v13 =	vld [tilespmem:s0+$0xFFFFFF90];
	v0 =	vunpack.i.u.bf16.f32 v1;
	v1 =	vunpack.i.l.bf16.f32 v1  }
0xac: {  	v4 =	vunpack.i.u.bf16.f32 v5;
	v2 =	vunpack.i.u.bf16.f32 v3;
	v3 =	vunpack.i.l.bf16.f32 v3  }
0xad: {  	v14 =	vld [tilespmem:s0+$0xFFFFFFB0];
	v6 =	vunpack.i.u.bf16.f32 v7;
	v7 =	vunpack.i.l.bf16.f32 v7;
	v5 =	vunpack.i.l.bf16.f32 v5  }
0xae: {  	v15 =	vunpack.i.u.bf16.f32 v9;
	v16 =	vunpack.i.u.bf16.f32 v8;
	v17 =	vunpack.i.l.bf16.f32 v8  }
0xaf: {  	v18 =	vld [tilespmem:s0+$0xFFFFFFD0];
	v8 =	vunpack.i.u.bf16.f32 v10;
	v19 =	vunpack.i.u.bf16.f32 v11;
	v11 =	vunpack.i.l.bf16.f32 v11  }
0xb0: {  	v20 =	vunpack.i.u.bf16.f32 v13;
	v13 =	vunpack.i.l.bf16.f32 v13;
	v11 =	vadd.f32 v11, v12  }
0xb1: {  	v21 =	vld [tilespmem:s0+$0xFFFFFFF0];
	v10 =	vunpack.i.l.bf16.f32 v10;
	v19 =	vadd.f32 v19, v12;
	v13 =	vadd.f32 v13, v12  }
0xb2: {  	v12 =	vadd.f32 v20, v12;
	v11 =	vadd.f32 v10, v11;
	v10 =	vunpack.i.l.bf16.f32 v14  }
0xb3: {  	v62 =	vunpack.i.u.bf16.f32 v14;
	v8 =	vadd.f32 v8, v19;
	v13 =	vadd.f32 v10, v13;
	v10 =	vld [tilespmem:s0+$0x10]  }
0xb4: {  	v9 =	vunpack.i.l.bf16.f32 v9;
	v14 =	vadd.f32 v62, v12;
	v19 =	vunpack.i.u.bf16.f32 v18  }
0xb5: {  	v9 =	vadd.f32 v9, v11;
	v63 =	vadd.f32 v15, v8;
	v11 =	vunpack.i.l.bf16.f32 v18;
	v8 =	vld [tilespmem:s0+$0x30]  }
0xb6: {  	v12 =	vadd.f32 v11, v13;
	v11 =	vadd.f32 v19, v14;
	v13 =	vunpack.i.u.bf16.f32 v21  }
0xb7: {  	s9 =	simm.s32 $0x0;
	s11 =	simm.s32 $0x9780;
	v15 =	vadd.f32 v17, v9;
	v14 =	vadd.f32 v16, v63;
	v16 =	vunpack.i.l.bf16.f32 v21;
	v9 =	vld [tilespmem:s0+$0x50]  }
.LBB2_7:
0xb8: {  	v17 =	vld [tilespmem:s11+$0x60];
	v12 =	vadd.f32 v16, v12;
	v11 =	vadd.f32 v13, v11;
	v13 =	vunpack.i.u.bf16.f32 v10  }
0xb9: {  	v10 =	vunpack.i.l.bf16.f32 v10;
	v7 =	vadd.f32 v7, v15;
	v6 =	vadd.f32 v6, v14;
	v14 =	vld [tilespmem:s0+$0x70];
	s0 =	smov.u32 s11  }
0xba: {  	v15 =	vld [tilespmem:s11+$0x40];
	v10 =	vadd.f32 v10, v12;
	v11 =	vadd.f32 v13, v11;
	v12 =	vunpack.i.u.bf16.f32 v8  }
0xbb: {  	v13 =	vld [tilespmem:s11+$0x20];
	v5 =	vadd.f32 v5, v7;
	v4 =	vadd.f32 v4, v6;
	v6 =	vunpack.i.l.bf16.f32 v8  }
0xbc: {  	v7 =	vld [tilespmem:s11+$0x0];
	v6 =	vadd.f32 v6, v10;
	v8 =	vadd.f32 v12, v11;
	v10 =	vunpack.i.u.bf16.f32 v9  }
0xbd: {  	v11 =	vld [tilespmem:s11+$0xFFFFFFE0];
	v3 =	vadd.f32 v3, v5;
	v2 =	vadd.f32 v2, v4;
	v4 =	vunpack.i.l.bf16.f32 v9  }
0xbe: {  	v9 =	vld [tilespmem:s11+$0xFFFFFFC0];
	v4 =	vadd.f32 v4, v6;
	v5 =	vadd.f32 v10, v8;
	v6 =	vunpack.i.u.bf16.f32 v14  }
0xbf: {  	v8 =	vld [tilespmem:s11+$0xFFFFFFA0];
	v10 =	vadd.f32 v1, v3;
	v12 =	vadd.f32 v0, v2;
	v0 =	vunpack.i.l.bf16.f32 v14  }
0xc0: {  	v14 =	vld [tilespmem:s11+$0xFFFFFF80];
	v16 =	vadd.f32 v0, v4;
	v18 =	vadd.f32 v6, v5  }
0xc1: {  	v1 =	vunpack.i.l.bf16.f32 v17;
	v0 =	vunpack.i.u.bf16.f32 v17;
	v19 =	vld [tilespmem:s11+$0xFFFFFF90]  }
0xc2: {  	s9 =	sadd.s32 $0x8, s9;
	v2 =	vunpack.i.u.bf16.f32 v15;
	v3 =	vunpack.i.l.bf16.f32 v15;
	v4 =	vunpack.i.u.bf16.f32 v13  }
0xc3: {  	p1 =	slt.u32 s9, $0xC0;
	v5 =	vunpack.i.l.bf16.f32 v13;
	v6 =	vunpack.i.u.bf16.f32 v7;
	v7 =	vunpack.i.l.bf16.f32 v7;
	v15 =	vld [tilespmem:s11+$0xFFFFFFB0]  }
0xc4: {  	v17 =	vunpack.i.u.bf16.f32 v11;
	v20 =	vunpack.i.l.bf16.f32 v11;
	v13 =	vunpack.i.u.bf16.f32 v9  }
0xc5: {  	v9 =	vunpack.i.l.bf16.f32 v9;
	v11 =	vunpack.i.u.bf16.f32 v8;
	v8 =	vunpack.i.l.bf16.f32 v8;
	v21 =	vld [tilespmem:s11+$0xFFFFFFD0]  }
0xc6: {  	v22 =	vunpack.i.u.bf16.f32 v14;
	v14 =	vunpack.i.l.bf16.f32 v14;
	v23 =	vunpack.i.u.bf16.f32 v19  }
0xc7: {  	v10 =	vadd.f32 v14, v10;
	v12 =	vadd.f32 v22, v12;
	v14 =	vunpack.i.l.bf16.f32 v19;
	v19 =	vld [tilespmem:s11+$0xFFFFFFF0]  }
0xc8: {  	v14 =	vadd.f32 v14, v16;
	v16 =	vadd.f32 v23, v18;
	v18 =	vunpack.i.u.bf16.f32 v15  }
.Ltmp2:
0xc9: {  	v8 =	vadd.f32 v8, v10;
	v11 =	vadd.f32 v11, v12;
	v12 =	vunpack.i.l.bf16.f32 v15;
	v10 =	vld [tilespmem:s11+$0x10];
	(pc) =	sbr.rel @p1 .LBB2_7-.Ltmp2, $4  }
0xca: {  	v12 =	vadd.f32 v12, v14;
	v14 =	vadd.f32 v18, v16;
	v15 =	vunpack.i.u.bf16.f32 v21  }
0xcb: {  	v9 =	vadd.f32 v9, v8;
	v16 =	vadd.f32 v13, v11;
	v11 =	vunpack.i.l.bf16.f32 v21;
	v8 =	vld [tilespmem:s11+$0x30]  }
0xcc: {  	v12 =	vadd.f32 v11, v12;
	v11 =	vadd.f32 v15, v14;
	v13 =	vunpack.i.u.bf16.f32 v19  }
0xcd: {  	s11 =	sadd.s32 $0x100, s11;
	v15 =	vadd.f32 v20, v9;
	v14 =	vadd.f32 v17, v16;
	v16 =	vunpack.i.l.bf16.f32 v19;
	v9 =	vld [tilespmem:s0+$0x50]  }
0xce: {  	_ = 	snop  }
0xcf: {  	v12 =	vadd.f32 v16, v12;
	v7 =	vadd.f32 v7, v15  }
0xd0: {  	v11 =	vadd.f32 v13, v11;
	v13 =	vunpack.i.l.bf16.f32 v10;
	v6 =	vadd.f32 v6, v14  }
0xd1: {  	v10 =	vunpack.i.u.bf16.f32 v10;
	v14 =	vld [tilespmem:s0+$0x70];
	v12 =	vadd.f32 v13, v12;
	v5 =	vadd.f32 v5, v7  }
0xd2: {  	v7 =	vadd.f32 v10, v11;
	v4 =	vadd.f32 v4, v6;
	v6 =	vunpack.i.l.bf16.f32 v8  }
0xd3: {  	v8 =	vunpack.i.u.bf16.f32 v8;
	v6 =	vadd.f32 v6, v12;
	v3 =	vadd.f32 v3, v5  }
0xd4: {  	v5 =	vadd.f32 v8, v7;
	v2 =	vadd.f32 v2, v4;
	v4 =	vunpack.i.l.bf16.f32 v9  }
0xd5: {  	v7 =	vunpack.i.u.bf16.f32 v9;
	v4 =	vadd.f32 v4, v6;
	v1 =	vadd.f32 v1, v3  }
0xd6: {  	v3 =	vadd.f32 v7, v5;
	v0 =	vadd.f32 v0, v2;
	v2 =	vunpack.i.l.bf16.f32 v14  }
0xd7: {  	v5 =	vunpack.i.u.bf16.f32 v14;
	v2 =	vadd.f32 v2, v4;
	[tilespmem:s31+$0xC880] =	vst v1  }
0xd8: {  	v1 =	vadd.f32 v5, v3;
	[tilespmem:s31+$0xC890] =	vst v0  }
0xd9: {  	[tilespmem:s31+$0xC8A0] =	vst v2  }
0xda: {  	s9 =	simm.s32 @!p0 $0x80;
	s11 =	simm.s32 @!p0 $0x9600;
	s0 =	sadd.s32 @!p0 $0x4B0, s1;
	[tilespmem:s31+$0xC8B0] =	vst v1  }
0xdb: {  	[tilespmem:s11], [sflag:$0x3] =	stream.indirect.gather @!p0 [hbm4b:s3+s9], $0x20, s0, s9, $0xb8;
	[tilespmem:$0xE800] =	vst v63  }
0xdc: {  	s0 =	sadd.s32 @!p0 $0x530, s1;
	s1 =	simm.s32 @!p0 $0x48;
	s9 =	simm.s32 @!p0 $0xA600  }
0xdd: {  	[tilespmem:s9], [sflag:$0x3] =	stream.indirect.gather @!p0 [hbm4b:s3+s1], $0x20, s0, s1, $0xb8;
	[tilespmem:$0xE800] =	vst v63  }
0xde: {  	_ =	swait.ge [sflag:s25], $0x1900  }
0xdf: {  	[sflag:s25] =	ssyncset.done $0x0  }
0xe0: {  	s0 =	simm.s32 $0xAF80;
	[sflag:s25] =	ssyncadd.s32 $0xFFFFE700  }
0xe1: {  	v1 =	vld [tilespmem:s0+$0x60]  }
0xe2: {  	v3 =	vld [tilespmem:s0+$0x40]  }
0xe3: {  	v5 =	vld [tilespmem:s0+$0x20]  }
0xe4: {  	v7 =	vld [tilespmem:s0+$0x0]  }
0xe5: {  	v8 =	vld [tilespmem:s0+$0xFFFFFFE0]  }
0xe6: {  	v9 =	vld [tilespmem:s0+$0xFFFFFFC0]  }
0xe7: {  	v10 =	vld [tilespmem:s0+$0xFFFFFFA0]  }
0xe8: {  	v11 =	vld [tilespmem:s0+$0xFFFFFF80]  }
0xe9: {  	v12 =	vimm.f32 $0.0e+00;
	v13 =	vld [tilespmem:s0+$0xFFFFFF90];
	v0 =	vunpack.i.u.bf16.f32 v1;
	v1 =	vunpack.i.l.bf16.f32 v1  }
0xea: {  	v4 =	vunpack.i.u.bf16.f32 v5;
	v2 =	vunpack.i.u.bf16.f32 v3;
	v3 =	vunpack.i.l.bf16.f32 v3  }
0xeb: {  	v14 =	vld [tilespmem:s0+$0xFFFFFFB0];
	v6 =	vunpack.i.u.bf16.f32 v7;
	v7 =	vunpack.i.l.bf16.f32 v7;
	v5 =	vunpack.i.l.bf16.f32 v5  }
0xec: {  	v15 =	vunpack.i.u.bf16.f32 v9;
	v16 =	vunpack.i.u.bf16.f32 v8;
	v17 =	vunpack.i.l.bf16.f32 v8  }
0xed: {  	v18 =	vld [tilespmem:s0+$0xFFFFFFD0];
	v8 =	vunpack.i.u.bf16.f32 v10;
	v19 =	vunpack.i.u.bf16.f32 v11;
	v11 =	vunpack.i.l.bf16.f32 v11  }
0xee: {  	v20 =	vunpack.i.u.bf16.f32 v13;
	v13 =	vunpack.i.l.bf16.f32 v13;
	v11 =	vadd.f32 v11, v12  }
0xef: {  	v21 =	vld [tilespmem:s0+$0xFFFFFFF0];
	v10 =	vunpack.i.l.bf16.f32 v10;
	v19 =	vadd.f32 v19, v12;
	v13 =	vadd.f32 v13, v12  }
0xf0: {  	v12 =	vadd.f32 v20, v12;
	v11 =	vadd.f32 v10, v11;
	v10 =	vunpack.i.l.bf16.f32 v14  }
0xf1: {  	v62 =	vunpack.i.u.bf16.f32 v14;
	v8 =	vadd.f32 v8, v19;
	v13 =	vadd.f32 v10, v13;
	v10 =	vld [tilespmem:s0+$0x10]  }
0xf2: {  	v9 =	vunpack.i.l.bf16.f32 v9;
	v14 =	vadd.f32 v62, v12;
	v19 =	vunpack.i.u.bf16.f32 v18  }
0xf3: {  	v9 =	vadd.f32 v9, v11;
	v63 =	vadd.f32 v15, v8;
	v11 =	vunpack.i.l.bf16.f32 v18;
	v8 =	vld [tilespmem:s0+$0x30]  }
0xf4: {  	v12 =	vadd.f32 v11, v13;
	v11 =	vadd.f32 v19, v14;
	v13 =	vunpack.i.u.bf16.f32 v21  }
0xf5: {  	s1 =	simm.s32 $0x0;
	s9 =	simm.s32 $0xB080;
	v15 =	vadd.f32 v17, v9;
	v14 =	vadd.f32 v16, v63;
	v16 =	vunpack.i.l.bf16.f32 v21;
	v9 =	vld [tilespmem:s0+$0x50]  }
.LBB2_9:
0xf6: {  	v17 =	vld [tilespmem:s9+$0x60];
	v12 =	vadd.f32 v16, v12;
	v11 =	vadd.f32 v13, v11;
	v13 =	vunpack.i.u.bf16.f32 v10  }
0xf7: {  	v10 =	vunpack.i.l.bf16.f32 v10;
	v7 =	vadd.f32 v7, v15;
	v6 =	vadd.f32 v6, v14;
	v14 =	vld [tilespmem:s0+$0x70];
	s0 =	smov.u32 s9  }
0xf8: {  	v15 =	vld [tilespmem:s9+$0x40];
	v10 =	vadd.f32 v10, v12;
	v11 =	vadd.f32 v13, v11;
	v12 =	vunpack.i.u.bf16.f32 v8  }
0xf9: {  	v13 =	vld [tilespmem:s9+$0x20];
	v5 =	vadd.f32 v5, v7;
	v4 =	vadd.f32 v4, v6;
	v6 =	vunpack.i.l.bf16.f32 v8  }
0xfa: {  	v7 =	vld [tilespmem:s9+$0x0];
	v6 =	vadd.f32 v6, v10;
	v8 =	vadd.f32 v12, v11;
	v10 =	vunpack.i.u.bf16.f32 v9  }
0xfb: {  	v11 =	vld [tilespmem:s9+$0xFFFFFFE0];
	v3 =	vadd.f32 v3, v5;
	v2 =	vadd.f32 v2, v4;
	v4 =	vunpack.i.l.bf16.f32 v9  }
0xfc: {  	v9 =	vld [tilespmem:s9+$0xFFFFFFC0];
	v4 =	vadd.f32 v4, v6;
	v5 =	vadd.f32 v10, v8;
	v6 =	vunpack.i.u.bf16.f32 v14  }
0xfd: {  	v8 =	vld [tilespmem:s9+$0xFFFFFFA0];
	v10 =	vadd.f32 v1, v3;
	v12 =	vadd.f32 v0, v2;
	v0 =	vunpack.i.l.bf16.f32 v14  }
0xfe: {  	v14 =	vld [tilespmem:s9+$0xFFFFFF80];
	v16 =	vadd.f32 v0, v4;
	v18 =	vadd.f32 v6, v5  }
0xff: {  	v1 =	vunpack.i.l.bf16.f32 v17;
	v0 =	vunpack.i.u.bf16.f32 v17;
	v19 =	vld [tilespmem:s9+$0xFFFFFF90]  }
0x100: {  	s1 =	sadd.s32 $0x8, s1;
	v2 =	vunpack.i.u.bf16.f32 v15;
	v3 =	vunpack.i.l.bf16.f32 v15;
	v4 =	vunpack.i.u.bf16.f32 v13  }
0x101: {  	p0 =	slt.u32 s1, $0xC0;
	v5 =	vunpack.i.l.bf16.f32 v13;
	v6 =	vunpack.i.u.bf16.f32 v7;
	v7 =	vunpack.i.l.bf16.f32 v7;
	v15 =	vld [tilespmem:s9+$0xFFFFFFB0]  }
0x102: {  	v17 =	vunpack.i.u.bf16.f32 v11;
	v20 =	vunpack.i.l.bf16.f32 v11;
	v13 =	vunpack.i.u.bf16.f32 v9  }
0x103: {  	v9 =	vunpack.i.l.bf16.f32 v9;
	v11 =	vunpack.i.u.bf16.f32 v8;
	v8 =	vunpack.i.l.bf16.f32 v8;
	v21 =	vld [tilespmem:s9+$0xFFFFFFD0]  }
0x104: {  	v22 =	vunpack.i.u.bf16.f32 v14;
	v14 =	vunpack.i.l.bf16.f32 v14;
	v23 =	vunpack.i.u.bf16.f32 v19  }
0x105: {  	v10 =	vadd.f32 v14, v10;
	v12 =	vadd.f32 v22, v12;
	v14 =	vunpack.i.l.bf16.f32 v19;
	v19 =	vld [tilespmem:s9+$0xFFFFFFF0]  }
0x106: {  	v14 =	vadd.f32 v14, v16;
	v16 =	vadd.f32 v23, v18;
	v18 =	vunpack.i.u.bf16.f32 v15  }
.Ltmp3:
0x107: {  	v8 =	vadd.f32 v8, v10;
	v11 =	vadd.f32 v11, v12;
	v12 =	vunpack.i.l.bf16.f32 v15;
	v10 =	vld [tilespmem:s9+$0x10];
	(pc) =	sbr.rel @p0 .LBB2_9-.Ltmp3, $4  }
0x108: {  	v12 =	vadd.f32 v12, v14;
	v14 =	vadd.f32 v18, v16;
	v15 =	vunpack.i.u.bf16.f32 v21  }
0x109: {  	v9 =	vadd.f32 v9, v8;
	v16 =	vadd.f32 v13, v11;
	v11 =	vunpack.i.l.bf16.f32 v21;
	v8 =	vld [tilespmem:s9+$0x30]  }
0x10a: {  	v12 =	vadd.f32 v11, v12;
	v11 =	vadd.f32 v15, v14;
	v13 =	vunpack.i.u.bf16.f32 v19  }
0x10b: {  	s9 =	sadd.s32 $0x100, s9;
	v15 =	vadd.f32 v20, v9;
	v14 =	vadd.f32 v17, v16;
	v16 =	vunpack.i.l.bf16.f32 v19;
	v9 =	vld [tilespmem:s0+$0x50]  }
0x10c: {  	_ = 	snop  }
0x10d: {  	v12 =	vadd.f32 v16, v12;
	v7 =	vadd.f32 v7, v15  }
0x10e: {  	v11 =	vadd.f32 v13, v11;
	v51 =	vunpack.i.l.bf16.f32 v10;
	v6 =	vadd.f32 v6, v14  }
0x10f: {  	v52 =	vunpack.i.u.bf16.f32 v10;
	v53 =	vld [tilespmem:s0+$0x70];
	v12 =	vadd.f32 v51, v12;
	v5 =	vadd.f32 v5, v7  }
0x110: {  	v54 =	vadd.f32 v52, v11;
	v55 =	vunpack.i.l.bf16.f32 v8;
	v4 =	vadd.f32 v4, v6  }
0x111: {  	v56 =	vunpack.i.u.bf16.f32 v8;
	v6 =	vadd.f32 v55, v12;
	v3 =	vadd.f32 v3, v5  }
0x112: {  	s29 =	sadd.s32 $0x1, s29;
	v57 =	vadd.f32 v56, v54;
	v58 =	vunpack.i.l.bf16.f32 v9;
	v2 =	vadd.f32 v2, v4  }
0x113: {  	s31 =	sshll.u32 s30, $0x6;
	p0 =	sne.s32 s29, $0x20;
	v59 =	vunpack.i.u.bf16.f32 v9;
	v4 =	vadd.f32 v58, v6;
	v1 =	vadd.f32 v1, v3  }
.Ltmp4:
0x114: {  	s0 =	sand.u32 $0x3FFFFFC0, s31;
	v61 =	vunpack.i.l.bf16.f32 v53;
	v60 =	vadd.f32 v59, v57;
	v0 =	vadd.f32 v0, v2;
	(pc) =	sbr.rel @p0 .LBB2_2-.Ltmp4, $4  }
0x115: {  	v62 =	vunpack.i.u.bf16.f32 v53;
	v2 =	vadd.f32 v61, v4;
	[tilespmem:s0+$0xC800] =	vst v1  }
0x116: {  	v63 =	vadd.f32 v62, v60;
	[tilespmem:s0+$0xC810] =	vst v0  }
0x117: {  	[tilespmem:s0+$0xC820] =	vst v2  }
0x118: {  	[tilespmem:s0+$0xC830] =	vst v63  }
0x119: {  	s28 =	sadd.s32 $0x1, s28  }
0x11a: {  	p0 =	sne.s32 s28, s6  }
.Ltmp5:
0x11b: {  	_ = 	snop;
	(pc) =	sbr.rel @p0 .LBB2_1-.Ltmp5, $4  }
0x11c: {  	[hbm4b:s5+s2] =	stream.linear.scatter [tilespmem:s26], [sflag:$0x5], $0x2000, $0x38;
	[tilespmem:$0xE800] =	vst v63  }
0x11d: {  	_ =	swait.ge [sflag:s7], $0x2000  }
0x11e: {  	[sflag:s7] =	ssyncset.done $0x0  }
0x11f: {  	[sflag:s7] =	ssyncadd.s32 $0xFFFFE000  }
0x120: {  	_ =	sfence.sel $0x180000  }
0x121: {  	[bflag:$0x0] =	sbarrier.arrive $0xFFFF  }
0x122: {  	_ =	strace $0x9000004D  }
0x123: {  	s0 =	stileid.u32;
	[bflag:$0x2] =	sbarrier.arrive $0xFFFF  }
0x124: {  	p0 =	sne.s32 s0, $0x0;
	s0 =	rddreg [dreg:$0x2]  }
0x125: {  	s0 =	sadd.s32 @!p0 $0x100000, s0  }
0x126: {  	[sflag:s0] =	ssyncadd.tile.s32 @!p0 $0x1;
	_ =	shalt  }
.Lfunc_end2:
_tile_overlayer_lowered:
.L_overlay_start_2:
0x127: {  	(tag) =	ssettag $0x2  }
0x128: {  	s0 =	rddreg [dreg:$0x0];
	s2 =	stileid.u32  }
0x129: {  	s1 =	rddreg [dreg:$0x1];
	p0 =	sne.s32 s2, $0x0  }
0x12a: {  	s3 =	rddreg [dreg:$0x2];
	[bflag:$0x3] =	sbarrier.arrive $0xFFFF;
	s2 =	simm.s32 @!p0 $0x1C05  }
0x12b: {  	[timem:s3], [sflag:s2] =	dma.local @!p0 [hbm:s0], s1  }
0x12c: {  	s0 =	simm.s32 @!p0 $0x5  }
0x12d: {  	_ =	swait.ge @!p0 [sflag:s0], s1  }
0x12e: {  	s1 =	ssub.s32 @!p0 $0x0, s1;
	[sflag:s0] =	ssyncset.done @!p0 $0x0  }
0x12f: {  	[sflag:s0] =	ssyncadd.s32 @!p0 s1  }
0x130: {  	[bflag:$0x3] =	sbarrier.arrive $0xFFFF  }
0x131: {  	_ =	shalt  }

// kernel: kernel.9.cloned.1.call-start
scs
__scs_entry_jumppad:
0x0: {  	(pc) =	sbr.rel $0x88, $3  }
0x1: {  	(tag) =	ssettag $0x0;
	lr =	simm.s32 $0x1  }
0x2: {  	[smem:$0x3F99] =	sst lr;
	_ =	strace $0xD0000000  }
0x3: {  	_ = 	snop  }
0x4: {  	_ = 	snop  }
0x5: {  	_ = 	snop  }
0x6: {  	_ = 	snop  }
0x7: {  	_ = 	snop  }
__scs_overlays_trampoline_lowered:
0x8: {  	[smem:$0x3FA8] =	sst s0  }
0x9: {  	[smem:$0x3FA9] =	sst s1  }
0xa: {  	[smem:$0x3FAA] =	sst s2  }
0xb: {  	[smem:$0x3FAB] =	sst s3  }
0xc: {  	[smem:$0x3FAC] =	sst s4  }
0xd: {  	[smem:$0x3FAD] =	sst s5  }
0xe: {  	[smem:$0x3FAE] =	sst s6  }
0xf: {  	[smem:$0x3FAF] =	sst s7  }
0x10: {  	[smem:$0x3FB0] =	sst s8  }
0x11: {  	[smem:$0x3FB1] =	sst s9;
	s0 =	simm.s32 @!p0 $0x0  }
0x12: {  	s1 =	sld [smem:$0x3F97];
	s0 =	simm.s32 @p0 $0x1  }
0x13: {  	[smem:$0x3FB2] =	sst s0;
	s0 =	simm.s32 @!p1 $0x0  }
0x14: {  	s2 =	sld [smem:$0x3F96];
	s0 =	simm.s32 @p1 $0x1  }
0x15: {  	[smem:$0x3FB3] =	sst s0;
	s0 =	simm.s32 @!p2 $0x0  }
0x16: {  	s3 =	sld [smem:$0x3FDB];
	s0 =	simm.s32 @p2 $0x1  }
0x17: {  	s4 =	simm.s32 $0x1BF5;
	[smem:$0x3FB5] =	sst s0  }
0x18: {  	s0 =	sld [smem:$0x3F98];
	_ =	swait.ge [sflag:s4], $0x0  }
0x19: {  	s7 =	sld [smem:$0x3F99]  }
0x1a: {  	s8 =	sadd.s32 $0xFFFFE003, lr  }
0x1b: {  	s9 =	sadd.s32 $0xFFFFFEF7, lr;
	s5 =	simm.s32 $0xFFFFFFFF;
	p2 =	slt.u32 s8, $0xFFFFF086  }
0x1c: {  	p1 =	slt.u32 s9, $0xF7A;
	s5 =	simm.s32 @!p2 $0x0  }
0x1d: {  	s5 =	simm.s32 @p1 $0x1;
	p0 =	seq.s32 s7, s2  }
0x1e: {  	s7 =	smul.u32 @!p0 $0xF7A, s2;
	p2 =	seq.s32 @!p0 s5, $0x0  }
0x1f: {  	s9 =	smul.u32 $0xF7A, s1;
	s8 =	simm.s32 @!p0 $0x1BF5;
	p2 =	por !p2, p0  }
0x20: {  	[sflag:s8] =	ssyncset.s32 @!p0 $0xFFFFF086;
	s6 =	sadd.s32 @!p0 s3, s7;
	s7 =	simm.s32 @!p0 $0x108  }
0x21: {  	s3 =	sadd.s32 s3, s9;
	s6 =	sadd.s32 @!p0 $0x88, s6;
	s7 =	simm.s32 @p2 $0x1082  }
0x22: {  	[simem:s7], [sflag:s8] =	dma.local @!p0 [hbm:s6], $0xF7A  }
0x23: {  	s9 =	sor.u32 $0xD0000000, s2;
	s6 =	simm.s32 $0x108;
	_ =	swait.ge @!p0 [sflag:s8], $0x0  }
0x24: {  	s3 =	sadd.s32 $0x88, s3;
	s6 =	simm.s32 @!p1 $0x1082;
	[sflag:s4] =	ssyncset.s32 $0xFFFFF086  }
0x25: {  	[simem:s6], [sflag:s4] =	dma.local [hbm:s3], $0xF7A  }
0x26: {  	[smem:$0x3F99] =	sst s1;
	(tag) =	ssettag s2;
	_ =	strace s9  }
0x27: {  	s1 =	sld [smem:$0x3FA9]  }
0x28: {  	s2 =	sld [smem:$0x3FAA]  }
0x29: {  	s4 =	sld [smem:$0x3FAC]  }
0x2a: {  	p0 =	seq.s32 s5, $0x0;
	s5 =	sld [smem:$0x3FAD]  }
0x2b: {  	s6 =	sld [smem:$0x3FAE]  }
0x2c: {  	s7 =	sld [smem:$0x3FAF]  }
0x2d: {  	s3 =	simm.s32 $0x108;
	s8 =	sld [smem:$0x3FB0]  }
0x2e: {  	s3 =	simm.s32 @!p0 $0x1082;
	s9 =	sld [smem:$0x3FB1]  }
0x2f: {  	lr =	sadd.s32 s0, s3;
	s0 =	sld [smem:$0x3FA8]  }
0x30: {  	s3 =	sld [smem:$0x3FAB]  }
0x31: {  	[smem:$0x3FB4] =	sst s10  }
0x32: {  	s10 =	sld [smem:$0x3FB2];
	_ =	sdelay $0x3  }
0x33: {  	p0 =	seq.s32 s10, $0x1;
	s10 =	sld [smem:$0x3FB4];
	_ =	sdelay $0x3  }
0x34: {  	[smem:$0x3FB4] =	sst s10  }
0x35: {  	s10 =	sld [smem:$0x3FB3];
	_ =	sdelay $0x3  }
0x36: {  	p1 =	seq.s32 s10, $0x1;
	s10 =	sld [smem:$0x3FB4];
	_ =	sdelay $0x3  }
0x37: {  	[smem:$0x3FB4] =	sst s10  }
0x38: {  	s10 =	sld [smem:$0x3FB5]  }
0x39: {  	_ = 	snop;
	(pc) =	sbr.ind lr, $3  }
0x3a: {  	_ = 	snop  }
0x3b: {  	_ = 	snop  }
0x3c: {  	p2 =	seq.s32 s10, $0x1;
	s10 =	sld [smem:$0x3FB4]  }
0x3d: {  	_ =	shalt  }
0x3e: {  	_ =	shalt  }
0x3f: {  	_ =	shalt  }
0x40: {  	_ =	shalt  }
0x41: {  	_ =	shalt  }
0x42: {  	_ =	shalt  }
0x43: {  	_ =	shalt  }
0x44: {  	_ =	shalt  }
0x45: {  	_ =	shalt  }
0x46: {  	_ =	shalt  }
0x47: {  	_ =	shalt  }
0x48: {  	_ =	shalt  }
0x49: {  	_ =	shalt  }
0x4a: {  	_ =	shalt  }
0x4b: {  	_ =	shalt  }
0x4c: {  	_ =	shalt  }
0x4d: {  	_ =	shalt  }
0x4e: {  	_ =	shalt  }
0x4f: {  	_ =	shalt  }
0x50: {  	_ =	shalt  }
0x51: {  	_ =	shalt  }
0x52: {  	_ =	shalt  }
0x53: {  	_ =	shalt  }
0x54: {  	_ =	shalt  }
0x55: {  	_ =	shalt  }
0x56: {  	_ =	shalt  }
0x57: {  	_ =	shalt  }
0x58: {  	_ =	shalt  }
0x59: {  	_ =	shalt  }
0x5a: {  	_ =	shalt  }
0x5b: {  	_ =	shalt  }
0x5c: {  	_ =	shalt  }
0x5d: {  	_ =	shalt  }
0x5e: {  	_ =	shalt  }
0x5f: {  	_ =	shalt  }
0x60: {  	_ =	shalt  }
0x61: {  	_ =	shalt  }
0x62: {  	_ =	shalt  }
0x63: {  	_ =	shalt  }
0x64: {  	_ =	shalt  }
0x65: {  	_ =	shalt  }
0x66: {  	_ =	shalt  }
0x67: {  	_ =	shalt  }
0x68: {  	_ =	shalt  }
0x69: {  	_ =	shalt  }
0x6a: {  	_ =	shalt  }
0x6b: {  	_ =	shalt  }
0x6c: {  	_ =	shalt  }
0x6d: {  	_ =	shalt  }
0x6e: {  	_ =	shalt  }
0x6f: {  	_ =	shalt  }
0x70: {  	_ =	shalt  }
0x71: {  	_ =	shalt  }
0x72: {  	_ =	shalt  }
0x73: {  	_ =	shalt  }
0x74: {  	_ =	shalt  }
0x75: {  	_ =	shalt  }
0x76: {  	_ =	shalt  }
0x77: {  	_ =	shalt  }
0x78: {  	_ =	shalt  }
0x79: {  	_ =	shalt  }
0x7a: {  	_ =	shalt  }
0x7b: {  	_ =	shalt  }
0x7c: {  	_ =	shalt  }
0x7d: {  	_ =	shalt  }
0x7e: {  	_ =	shalt  }
0x7f: {  	_ =	shalt  }
0x80: {  	_ =	shalt  }
0x81: {  	_ =	shalt  }
0x82: {  	_ =	shalt  }
0x83: {  	_ =	shalt  }
0x84: {  	_ =	shalt  }
0x85: {  	_ =	shalt  }
0x86: {  	_ =	shalt  }
0x87: {  	_ =	shalt  }
.Lfunc_end0:
.L_simem_size_0:
called_computation.1_lowered:
.L_overlay_start_0:
0x88: {  	s2 =	sld [smem:$0x3FD9]  }
0x89: {  	s3 =	sld [smem:$0x3FFE];
	_ =	sdelay $0x1  }
0x8a: {  	s1 =	srdreg.scid  }
0x8b: {  	s0 =	sand.u32 $0x1, s1  }
0x8c: {  	s17 =	sshll.u32 s0, $0xA;
	s2 =	sadd.s32 s3, s2  }
0x8d: {  	s2 =	sadd.s32 s2, s17  }
0x8e: {  	[smem:$0x3FC0] =	sst s2  }
0x8f: {  	_ = 	snop  }
0x90: {  	(tm) =	ssettm $0x1  }
0x91: {  	s18 =	sld [smem:$0x3FFB];
	_ =	sdelay $0x3  }
0x92: {  	_ =	strace s18  }
0x93: {  	s2 =	sld [smem:$0x3FFC];
	_ =	sdelay $0x3  }
0x94: {  	_ =	strace s2  }
0x95: {  	s2 =	sld [smem:$0x3FFD];
	_ =	sdelay $0x3  }
0x96: {  	_ =	strace s2  }
0x97: {  	_ =	strace $0x8FFFFFFF  }
0x98: {  	s19 =	sld [smem:$0x3FDB];
	_ =	sdelay $0x1  }
0x99: {  	s20 =	simm.s32 $_scs_section_size  }
0x9a: {  	s4 =	simm.s32 $_size__tile_overlayer_lowered;
	s5 =	simm.s32 $_tile_overlayer_lowered  }
0x9b: {  	s6 =	simm.s32 $0x1BFF;
	s21 =	sshll.u32 s5, $0x1;
	s3 =	sadd.s32 s20, s19  }
0x9c: {  	s22 =	simm.s32 $0x0;
	s4 =	sshll.u32 s4, $0x1;
	s5 =	sadd.s32 s21, s3  }
0x9d: {  	[timem:s22], [sflag:s6] =	dma.local [hbm:s5], s4  }
0x9e: {  	_ =	swait.ge [sflag:s6], s4  }
0x9f: {  	s4 =	ssub.s32 $0x0, s4;
	[sflag:s6] =	ssyncset.done $0x0  }
0xa0: {  	[sflag:s6] =	ssyncadd.s32 s4;
	_ =	sdelay $0x1  }
0xa1: {  	s23 =	simm.s32 $0x1B8B  }
0xa2: {  	_ =	swait.ge [sflag:s23], $0x1  }
0xa3: {  	[sflag:s23] =	ssyncset.done $0x0  }
0xa4: {  	[sflag:s23] =	ssyncadd.s32 $0xFFFFFFFF  }
0xa5: {  	s4 =	sld [smem:$0x0]  }
0xa6: {  	s5 =	sand.u32 $0xFFFFFFFE, s1  }
0xa7: {  	p0 =	sne.s32 s1, s5  }
0xa8: {  	s5 =	sshll.u32 @p0 s5, $0xE  }
0xa9: {  	s5 =	sadd.s32 @p0 $0x11B8D, s5;
	s6 =	sshll.u32 @p0 s4, $0x11  }
0xaa: {  	s5 =	sor.u32 @p0 s6, s5  }
0xab: {  	[sflag:s5] =	ssyncadd.remote.s32 @p0 $0x1;
	_ =	sdelay $0x1  }
0xac: {  	s5 =	simm.s32 @p0 $0x1B8D  }
0xad: {  	_ =	swait.eq @p0 [sflag:s5], $0x1  }
0xae: {  	[sflag:s5] =	ssyncadd.s32 @p0 $0xFFFFFFFF  }
0xaf: {  	s6 =	sshll.u32 @!p0 s1, $0xE  }
0xb0: {  	s6 =	sor.u32 @!p0 $0x4000, s6;
	s5 =	simm.s32 @!p0 $0x1B8D  }
0xb1: {  	s4 =	sshll.u32 @!p0 s4, $0x11;
	s6 =	sadd.s32 @!p0 $0x11B8D, s6;
	_ =	swait.eq @!p0 [sflag:s5], $0x1  }
0xb2: {  	s4 =	sor.u32 @!p0 s4, s6;
	[sflag:s5] =	ssyncadd.s32 @!p0 $0xFFFFFFFF  }
0xb3: {  	s25 =	simm.s32 $0x1B8E;
	s24 =	sld [smem:$0x3FFE];
	[sflag:s4] =	ssyncadd.remote.s32 @!p0 $0x1  }
0xb4: {  	s26 =	simm.s32 $execute0_lowered;
	[smem:$0x3FD2] =	sst s25  }
0xb5: {  	s5 =	sshll.u32 s26, $0x1;
	_ =	strace $0x80000049;
	[dreg:$0x1] =	wrdreg $0xFFFFFFFF  }
0xb6: {  	s28 =	simm.s32 $_size_execute0_lowered;
	s3 =	sadd.s32 s3, s5;
	[dreg:$0x0] =	wrdreg $0x0  }
0xb7: {  	s5 =	sshll.u32 s28, $0x1;
	[dreg:$0x2] =	wrdreg s3  }
0xb8: {  	[dreg:$0x3] =	wrdreg s5  }
0xb9: {  	[dreg:$0x4] =	wrdreg $0xC0  }
0xba: {  	_ =	task [dreg:s22], $0x5FFFF  }
0xbb: {  	[dreg:$0x1] =	wrdreg $0xFFFFFFFF  }
0xbc: {  	[dreg:$0x0] =	wrdreg $0x60  }
0xbd: {  	[dreg:$0x2] =	wrdreg s24  }
0xbe: {  	[dreg:$0x3] =	wrdreg $0xA  }
0xbf: {  	_ =	task.clear_ibuf [dreg:s22], $0x4FFFF;
	_ =	strace $0x90000049  }
0xc0: {  	s29 =	simm.s32 $0xA;
	_ =	strace $0x8000004B  }
0xc1: {  	_ =	swait.ge [sflag:s29], $0x1  }
0xc2: {  	[sflag:s29] =	ssyncadd.s32 $0xFFFFFFFF  }
0xc3: {  	_ =	strace $0x9000004B  }
0xc4: {  	_ =	sfence  }
0xc5: {  	s30 =	sld [smem:$0x0];
	_ =	sdelay $0x2  }
0xc6: {  	s31 =	sshll.u32 s1, $0xD;
	s1 =	sshrl.u32 s1, $0x2  }
0xc7: {  	s4 =	sand.u32 $0x4000, s31;
	s1 =	sadd.s32 s1, s30  }
0xc8: {  	s0 =	sor.u32 s4, s0;
	s1 =	sshll.u32 s1, $0x11  }
0xc9: {  	s0 =	sor.u32 s1, s0  }
0xca: {  	s0 =	sadd.s32 $0x8F2B, s0  }
0xcb: {  	[sflag:s0] =	ssyncadd.remote.s32 $0x1  }
0xcc: {  	_ =	sfence.sel $0xFFFF  }
0xcd: {  	[dreg:$0x0] =	wrdreg $0xFFFFFFFF;
	(pc) =	sbr.abs _section_cstart, $3  }
0xce: {  	[dreg:$0x1] =	wrdreg $0xFFFFFFFF  }
0xcf: {  	_ =	task.clear_ibuf [dreg:s22], $0x2FFFF;
	_ =	strace $0x9FFFFFFF  }
0xd0: {  	(tm) =	ssettm $0x7FFFFFFF  }
0xd1: {  	_ =	shalt  }
tec
execute0_lowered:
.L_overlay_start_1:
0x0: {  	(tag) =	ssettag $0x1  }
0x1: {  	s0 =	srdreg.scid  }
0x2: {  	s2 =	stileid.u32;
	s1 =	rddreg [dreg:$0x0]  }
0x3: {  	s7 =	simm.s32 $0x5;
	s8 =	simm.s32 $0x80;
	s10 =	simm.s32 $0x48  }
0x4: {  	s12 =	simm.s32 $0xC8;
	s13 =	simm.s32 $0x7D00;
	s14 =	simm.s32 $0x148  }
0x5: {  	s15 =	simm.s32 $0x8D00;
	s16 =	simm.s32 $0x190;
	s17 =	simm.s32 $0x9600  }
0x6: {  	s18 =	simm.s32 $0x210;
	s19 =	simm.s32 $0xA600;
	s20 =	simm.s32 $0xAF00  }
0x7: {  	s21 =	simm.s32 $0xBF00;
	s22 =	simm.s32 $0x1;
	s23 =	simm.s32 $0x2  }
0x8: {  	s24 =	simm.s32 $0x3;
	s25 =	simm.s32 $0x4;
	s26 =	simm.s32 $0xC800  }
0x9: {  	s0 =	sand.u32 $0x1, s0;
	s3 =	sshll.u32 s2, $0x1;
	s2 =	simm.s32 $0x0  }
0xa: {  	s28 =	simm.s32 $0x0;
	s3 =	sor.u32 s0, s3;
	[smem:$0x7FF] =	sst s2  }
0xb: {  	s0 =	ssub.s32 $0x2, s0;
	s4 =	smul.u32 $0xC80, s3;
	_ =	strace $0x8000004A  }
0xc: {  	s5 =	sshll.u32 s3, $0xA;
	s6 =	sshrl.u32 s0, $0x1;
	s3 =	sadd.s32 $0x87C00, s1  }
0xd: {  	s0 =	ssub.s32 s0, s6;
	s4 =	sadd.s32 s4, s1;
	s1 =	sadd.s32 s5, s1  }
0xe: {  	s6 =	smax.u32 s0, $0x1;
	s4 =	sadd.s32 $0xE9800, s4;
	s5 =	sadd.s32 $0x102800, s1  }
.LBB2_1:
0xf: {  	[tilespmem:s2], [sflag:$0x5] =	stream.linear.gather [hbm4b:s4+s2], $0x6400, $0x38;
	[tilespmem:$0xE800] =	vst v63  }
0x10: {  	_ =	swait.ge [sflag:s7], $0x6400  }
0x11: {  	[sflag:s7] =	ssyncset.done $0x0  }
0x12: {  	s0 =	simm.s32 $0x6400;
	[sflag:s7] =	ssyncadd.s32 $0xFFFF9C00  }
0x13: {  	[tilespmem:s0], [sflag:$0x1] =	stream.indirect.gather [hbm4b:s3+s8], $0x20, s2, s8, $0xb8;
	[tilespmem:$0xE800] =	vst v63  }
0x14: {  	s31 =	simm.s32 $0x7400  }
0x15: {  	[tilespmem:s31], [sflag:$0x1] =	stream.indirect.gather [hbm4b:s3+s10], $0x20, s8, s10, $0xb8;
	[tilespmem:$0xE800] =	vst v63  }
0x16: {  	_ = 	snop  }
0x17: {  	[tilespmem:s13], [sflag:$0x2] =	stream.indirect.gather [hbm4b:s3+s8], $0x20, s12, s8, $0xb8;
	[tilespmem:$0xE800] =	vst v63  }
0x18: {  	_ = 	snop  }
0x19: {  	[tilespmem:s15], [sflag:$0x2] =	stream.indirect.gather [hbm4b:s3+s10], $0x20, s14, s10, $0xb8;
	[tilespmem:$0xE800] =	vst v63  }
0x1a: {  	_ = 	snop  }
0x1b: {  	[tilespmem:s17], [sflag:$0x3] =	stream.indirect.gather [hbm4b:s3+s8], $0x20, s16, s8, $0xb8;
	[tilespmem:$0xE800] =	vst v63  }
0x1c: {  	s29 =	simm.s32 $0x0  }
0x1d: {  	[tilespmem:s19], [sflag:$0x3] =	stream.indirect.gather [hbm4b:s3+s10], $0x20, s18, s10, $0xb8;
	[tilespmem:$0xE800] =	vst v63  }
.LBB2_2:
0x1e: {  	s30 =	sshllo.u32 s29, $0x2  }
0x1f: {  	s0 =	smul.u32 $0x320, s30;
	_ =	sdelay $0x1  }
0x20: {  	s0 =	sshra.s32 s0, $0x2  }
0x21: {  	[tilespmem:s20], [sflag:$0x4] =	stream.indirect.gather [hbm4b:s3+s8], $0x20, s0, s8, $0xb8;
	[tilespmem:$0xE800] =	vst v63  }
0x22: {  	s0 =	sadd.s32 $0x80, s0  }
0x23: {  	[tilespmem:s21], [sflag:$0x4] =	stream.indirect.gather [hbm4b:s3+s10], $0x20, s0, s10, $0xb8;
	[tilespmem:$0xE800] =	vst v63  }
0x24: {  	_ =	swait.ge [sflag:s22], $0x1900  }
0x25: {  	[sflag:s22] =	ssyncset.done $0x0  }
0x26: {  	s1 =	simm.s32 $0x6480;
	[sflag:s22] =	ssyncadd.s32 $0xFFFFE700  }
0x27: {  	v1 =	vld [tilespmem:s1+$0x60]  }
0x28: {  	v3 =	vld [tilespmem:s1+$0x40]  }
0x29: {  	v5 =	vld [tilespmem:s1+$0x20]  }
0x2a: {  	v7 =	vld [tilespmem:s1+$0x0]  }
0x2b: {  	v8 =	vld [tilespmem:s1+$0xFFFFFFE0]  }
0x2c: {  	v9 =	vld [tilespmem:s1+$0xFFFFFFC0]  }
0x2d: {  	v10 =	vld [tilespmem:s1+$0xFFFFFFA0]  }
0x2e: {  	v11 =	vld [tilespmem:s1+$0xFFFFFF80]  }
0x2f: {  	v12 =	vimm.f32 $0.0e+00;
	v13 =	vld [tilespmem:s1+$0xFFFFFF90];
	v0 =	vunpack.i.u.bf16.f32 v1;
	v1 =	vunpack.i.l.bf16.f32 v1  }
0x30: {  	v4 =	vunpack.i.u.bf16.f32 v5;
	v2 =	vunpack.i.u.bf16.f32 v3;
	v3 =	vunpack.i.l.bf16.f32 v3  }
0x31: {  	v14 =	vld [tilespmem:s1+$0xFFFFFFB0];
	v6 =	vunpack.i.u.bf16.f32 v7;
	v7 =	vunpack.i.l.bf16.f32 v7;
	v5 =	vunpack.i.l.bf16.f32 v5  }
0x32: {  	v15 =	vunpack.i.u.bf16.f32 v9;
	v16 =	vunpack.i.u.bf16.f32 v8;
	v17 =	vunpack.i.l.bf16.f32 v8  }
0x33: {  	v18 =	vld [tilespmem:s1+$0xFFFFFFD0];
	v8 =	vunpack.i.u.bf16.f32 v10;
	v19 =	vunpack.i.u.bf16.f32 v11;
	v11 =	vunpack.i.l.bf16.f32 v11  }
0x34: {  	v20 =	vunpack.i.u.bf16.f32 v13;
	v13 =	vunpack.i.l.bf16.f32 v13;
	v11 =	vadd.f32 v11, v12  }
0x35: {  	v21 =	vld [tilespmem:s1+$0xFFFFFFF0];
	v10 =	vunpack.i.l.bf16.f32 v10;
	v19 =	vadd.f32 v19, v12;
	v13 =	vadd.f32 v13, v12  }
0x36: {  	v12 =	vadd.f32 v20, v12;
	v11 =	vadd.f32 v10, v11;
	v10 =	vunpack.i.l.bf16.f32 v14  }
0x37: {  	v62 =	vunpack.i.u.bf16.f32 v14;
	v8 =	vadd.f32 v8, v19;
	v13 =	vadd.f32 v10, v13;
	v10 =	vld [tilespmem:s1+$0x10]  }
0x38: {  	v9 =	vunpack.i.l.bf16.f32 v9;
	v14 =	vadd.f32 v62, v12;
	v19 =	vunpack.i.u.bf16.f32 v18  }
0x39: {  	v9 =	vadd.f32 v9, v11;
	v63 =	vadd.f32 v15, v8;
	v11 =	vunpack.i.l.bf16.f32 v18;
	v8 =	vld [tilespmem:s1+$0x30]  }
0x3a: {  	v12 =	vadd.f32 v11, v13;
	v11 =	vadd.f32 v19, v14;
	v13 =	vunpack.i.u.bf16.f32 v21  }
0x3b: {  	s9 =	simm.s32 $0x6580;
	s0 =	simm.s32 $0x0;
	v15 =	vadd.f32 v17, v9;
	v14 =	vadd.f32 v16, v63;
	v16 =	vunpack.i.l.bf16.f32 v21;
	v9 =	vld [tilespmem:s1+$0x50]  }
.LBB2_3:
0x3c: {  	v17 =	vld [tilespmem:s9+$0x60];
	v12 =	vadd.f32 v16, v12;
	v11 =	vadd.f32 v13, v11;
	v13 =	vunpack.i.u.bf16.f32 v10  }
0x3d: {  	v10 =	vunpack.i.l.bf16.f32 v10;
	v7 =	vadd.f32 v7, v15;
	v6 =	vadd.f32 v6, v14;
	v14 =	vld [tilespmem:s1+$0x70];
	s1 =	smov.u32 s9  }
0x3e: {  	v15 =	vld [tilespmem:s9+$0x40];
	v10 =	vadd.f32 v10, v12;
	v11 =	vadd.f32 v13, v11;
	v12 =	vunpack.i.u.bf16.f32 v8  }
0x3f: {  	v13 =	vld [tilespmem:s9+$0x20];
	v5 =	vadd.f32 v5, v7;
	v4 =	vadd.f32 v4, v6;
	v6 =	vunpack.i.l.bf16.f32 v8  }
0x40: {  	v7 =	vld [tilespmem:s9+$0x0];
	v6 =	vadd.f32 v6, v10;
	v8 =	vadd.f32 v12, v11;
	v10 =	vunpack.i.u.bf16.f32 v9  }
0x41: {  	v11 =	vld [tilespmem:s9+$0xFFFFFFE0];
	v3 =	vadd.f32 v3, v5;
	v2 =	vadd.f32 v2, v4;
	v4 =	vunpack.i.l.bf16.f32 v9  }
0x42: {  	v9 =	vld [tilespmem:s9+$0xFFFFFFC0];
	v4 =	vadd.f32 v4, v6;
	v5 =	vadd.f32 v10, v8;
	v6 =	vunpack.i.u.bf16.f32 v14  }
0x43: {  	v8 =	vld [tilespmem:s9+$0xFFFFFFA0];
	v10 =	vadd.f32 v1, v3;
	v12 =	vadd.f32 v0, v2;
	v0 =	vunpack.i.l.bf16.f32 v14  }
0x44: {  	v14 =	vld [tilespmem:s9+$0xFFFFFF80];
	v16 =	vadd.f32 v0, v4;
	v18 =	vadd.f32 v6, v5  }
0x45: {  	v1 =	vunpack.i.l.bf16.f32 v17;
	v0 =	vunpack.i.u.bf16.f32 v17;
	v19 =	vld [tilespmem:s9+$0xFFFFFF90]  }
0x46: {  	s0 =	sadd.s32 $0x8, s0;
	v2 =	vunpack.i.u.bf16.f32 v15;
	v3 =	vunpack.i.l.bf16.f32 v15;
	v4 =	vunpack.i.u.bf16.f32 v13  }
0x47: {  	p0 =	slt.u32 s0, $0xC0;
	v5 =	vunpack.i.l.bf16.f32 v13;
	v6 =	vunpack.i.u.bf16.f32 v7;
	v7 =	vunpack.i.l.bf16.f32 v7;
	v15 =	vld [tilespmem:s9+$0xFFFFFFB0]  }
0x48: {  	v17 =	vunpack.i.u.bf16.f32 v11;
	v20 =	vunpack.i.l.bf16.f32 v11;
	v13 =	vunpack.i.u.bf16.f32 v9  }
0x49: {  	v9 =	vunpack.i.l.bf16.f32 v9;
	v11 =	vunpack.i.u.bf16.f32 v8;
	v8 =	vunpack.i.l.bf16.f32 v8;
	v21 =	vld [tilespmem:s9+$0xFFFFFFD0]  }
0x4a: {  	v22 =	vunpack.i.u.bf16.f32 v14;
	v14 =	vunpack.i.l.bf16.f32 v14;
	v23 =	vunpack.i.u.bf16.f32 v19  }
0x4b: {  	v10 =	vadd.f32 v14, v10;
	v12 =	vadd.f32 v22, v12;
	v14 =	vunpack.i.l.bf16.f32 v19;
	v19 =	vld [tilespmem:s9+$0xFFFFFFF0]  }
0x4c: {  	v14 =	vadd.f32 v14, v16;
	v16 =	vadd.f32 v23, v18;
	v18 =	vunpack.i.u.bf16.f32 v15  }
.Ltmp0:
0x4d: {  	v8 =	vadd.f32 v8, v10;
	v11 =	vadd.f32 v11, v12;
	v12 =	vunpack.i.l.bf16.f32 v15;
	v10 =	vld [tilespmem:s9+$0x10];
	(pc) =	sbr.rel @p0 .LBB2_3-.Ltmp0, $4  }
0x4e: {  	v12 =	vadd.f32 v12, v14;
	v14 =	vadd.f32 v18, v16;
	v15 =	vunpack.i.u.bf16.f32 v21  }
0x4f: {  	v9 =	vadd.f32 v9, v8;
	v16 =	vadd.f32 v13, v11;
	v11 =	vunpack.i.l.bf16.f32 v21;
	v8 =	vld [tilespmem:s9+$0x30]  }
0x50: {  	v12 =	vadd.f32 v11, v12;
	v11 =	vadd.f32 v15, v14;
	v13 =	vunpack.i.u.bf16.f32 v19  }
0x51: {  	s9 =	sadd.s32 $0x100, s9;
	v15 =	vadd.f32 v20, v9;
	v14 =	vadd.f32 v17, v16;
	v16 =	vunpack.i.l.bf16.f32 v19;
	v9 =	vld [tilespmem:s1+$0x50]  }
0x52: {  	_ = 	snop  }
0x53: {  	v12 =	vadd.f32 v16, v12;
	v7 =	vadd.f32 v7, v15  }
0x54: {  	v11 =	vadd.f32 v13, v11;
	v13 =	vunpack.i.l.bf16.f32 v10;
	v6 =	vadd.f32 v6, v14  }
0x55: {  	v10 =	vunpack.i.u.bf16.f32 v10;
	v14 =	vld [tilespmem:s1+$0x70];
	v12 =	vadd.f32 v13, v12;
	v5 =	vadd.f32 v5, v7  }
0x56: {  	v7 =	vadd.f32 v10, v11;
	v4 =	vadd.f32 v4, v6;
	v6 =	vunpack.i.l.bf16.f32 v8  }
0x57: {  	v8 =	vunpack.i.u.bf16.f32 v8;
	v6 =	vadd.f32 v6, v12;
	v3 =	vadd.f32 v3, v5  }
0x58: {  	v5 =	vadd.f32 v8, v7;
	v2 =	vadd.f32 v2, v4;
	v4 =	vunpack.i.l.bf16.f32 v9  }
0x59: {  	s0 =	sshll.u32 s29, $0x8;
	v7 =	vunpack.i.u.bf16.f32 v9;
	v4 =	vadd.f32 v4, v6;
	v1 =	vadd.f32 v1, v3  }
0x5a: {  	p0 =	seq.s32 s29, $0x1F;
	s31 =	sand.u32 $0x3FFFFF00, s0;
	v3 =	vadd.f32 v7, v5;
	v0 =	vadd.f32 v0, v2;
	v2 =	vunpack.i.l.bf16.f32 v14  }
0x5b: {  	s0 =	smul.u32 @!p0 $0xC80, s29;
	v5 =	vunpack.i.u.bf16.f32 v14;
	v2 =	vadd.f32 v2, v4;
	[tilespmem:s31+$0xC800] =	vst v1  }
0x5c: {  	v1 =	vadd.f32 v5, v3;
	[tilespmem:s31+$0xC810] =	vst v0  }
0x5d: {  	s1 =	sshra.s32 @!p0 s0, $0x2;
	[tilespmem:s31+$0xC820] =	vst v2  }
0x5e: {  	s9 =	simm.s32 @!p0 $0x80;
	s11 =	simm.s32 @!p0 $0x6400;
	s0 =	sadd.s32 @!p0 $0x320, s1;
	[tilespmem:s31+$0xC830] =	vst v1  }
0x5f: {  	[tilespmem:s11], [sflag:$0x1] =	stream.indirect.gather @!p0 [hbm4b:s3+s9], $0x20, s0, s9, $0xb8;
	[tilespmem:$0xE800] =	vst v63  }
0x60: {  	s0 =	sadd.s32 @!p0 $0x3A0, s1;
	s9 =	simm.s32 @!p0 $0x48;
	s11 =	simm.s32 @!p0 $0x7400  }
0x61: {  	[tilespmem:s11], [sflag:$0x1] =	stream.indirect.gather @!p0 [hbm4b:s3+s9], $0x20, s0, s9, $0xb8;
	[tilespmem:$0xE800] =	vst v63  }
0x62: {  	_ =	swait.ge [sflag:s23], $0x1900  }
0x63: {  	[sflag:s23] =	ssyncset.done $0x0  }
0x64: {  	s0 =	simm.s32 $0x7D80;
	[sflag:s23] =	ssyncadd.s32 $0xFFFFE700  }
0x65: {  	v1 =	vld [tilespmem:s0+$0x60]  }
0x66: {  	v3 =	vld [tilespmem:s0+$0x40]  }
0x67: {  	v5 =	vld [tilespmem:s0+$0x20]  }
0x68: {  	v7 =	vld [tilespmem:s0+$0x0]  }
0x69: {  	v8 =	vld [tilespmem:s0+$0xFFFFFFE0]  }
0x6a: {  	v9 =	vld [tilespmem:s0+$0xFFFFFFC0]  }
0x6b: {  	v10 =	vld [tilespmem:s0+$0xFFFFFFA0]  }
0x6c: {  	v11 =	vld [tilespmem:s0+$0xFFFFFF80]  }
0x6d: {  	v12 =	vimm.f32 $0.0e+00;
	v13 =	vld [tilespmem:s0+$0xFFFFFF90];
	v0 =	vunpack.i.u.bf16.f32 v1;
	v1 =	vunpack.i.l.bf16.f32 v1  }
0x6e: {  	v4 =	vunpack.i.u.bf16.f32 v5;
	v2 =	vunpack.i.u.bf16.f32 v3;
	v3 =	vunpack.i.l.bf16.f32 v3  }
0x6f: {  	v14 =	vld [tilespmem:s0+$0xFFFFFFB0];
	v6 =	vunpack.i.u.bf16.f32 v7;
	v7 =	vunpack.i.l.bf16.f32 v7;
	v5 =	vunpack.i.l.bf16.f32 v5  }
0x70: {  	v15 =	vunpack.i.u.bf16.f32 v9;
	v16 =	vunpack.i.u.bf16.f32 v8;
	v17 =	vunpack.i.l.bf16.f32 v8  }
0x71: {  	v18 =	vld [tilespmem:s0+$0xFFFFFFD0];
	v8 =	vunpack.i.u.bf16.f32 v10;
	v19 =	vunpack.i.u.bf16.f32 v11;
	v11 =	vunpack.i.l.bf16.f32 v11  }
0x72: {  	v20 =	vunpack.i.u.bf16.f32 v13;
	v13 =	vunpack.i.l.bf16.f32 v13;
	v11 =	vadd.f32 v11, v12  }
0x73: {  	v21 =	vld [tilespmem:s0+$0xFFFFFFF0];
	v10 =	vunpack.i.l.bf16.f32 v10;
	v19 =	vadd.f32 v19, v12;
	v13 =	vadd.f32 v13, v12  }
0x74: {  	v12 =	vadd.f32 v20, v12;
	v11 =	vadd.f32 v10, v11;
	v10 =	vunpack.i.l.bf16.f32 v14  }
0x75: {  	v62 =	vunpack.i.u.bf16.f32 v14;
	v8 =	vadd.f32 v8, v19;
	v13 =	vadd.f32 v10, v13;
	v10 =	vld [tilespmem:s0+$0x10]  }
0x76: {  	v9 =	vunpack.i.l.bf16.f32 v9;
	v14 =	vadd.f32 v62, v12;
	v19 =	vunpack.i.u.bf16.f32 v18  }
0x77: {  	v9 =	vadd.f32 v9, v11;
	v63 =	vadd.f32 v15, v8;
	v11 =	vunpack.i.l.bf16.f32 v18;
	v8 =	vld [tilespmem:s0+$0x30]  }
0x78: {  	v12 =	vadd.f32 v11, v13;
	v11 =	vadd.f32 v19, v14;
	v13 =	vunpack.i.u.bf16.f32 v21  }
0x79: {  	s9 =	simm.s32 $0x0;
	s11 =	simm.s32 $0x7E80;
	v15 =	vadd.f32 v17, v9;
	v14 =	vadd.f32 v16, v63;
	v16 =	vunpack.i.l.bf16.f32 v21;
	v9 =	vld [tilespmem:s0+$0x50]  }
.LBB2_5:
0x7a: {  	v17 =	vld [tilespmem:s11+$0x60];
	v12 =	vadd.f32 v16, v12;
	v11 =	vadd.f32 v13, v11;
	v13 =	vunpack.i.u.bf16.f32 v10  }
0x7b: {  	v10 =	vunpack.i.l.bf16.f32 v10;
	v7 =	vadd.f32 v7, v15;
	v6 =	vadd.f32 v6, v14;
	v14 =	vld [tilespmem:s0+$0x70];
	s0 =	smov.u32 s11  }
0x7c: {  	v15 =	vld [tilespmem:s11+$0x40];
	v10 =	vadd.f32 v10, v12;
	v11 =	vadd.f32 v13, v11;
	v12 =	vunpack.i.u.bf16.f32 v8  }
0x7d: {  	v13 =	vld [tilespmem:s11+$0x20];
	v5 =	vadd.f32 v5, v7;
	v4 =	vadd.f32 v4, v6;
	v6 =	vunpack.i.l.bf16.f32 v8  }
0x7e: {  	v7 =	vld [tilespmem:s11+$0x0];
	v6 =	vadd.f32 v6, v10;
	v8 =	vadd.f32 v12, v11;
	v10 =	vunpack.i.u.bf16.f32 v9  }
0x7f: {  	v11 =	vld [tilespmem:s11+$0xFFFFFFE0];
	v3 =	vadd.f32 v3, v5;
	v2 =	vadd.f32 v2, v4;
	v4 =	vunpack.i.l.bf16.f32 v9  }
0x80: {  	v9 =	vld [tilespmem:s11+$0xFFFFFFC0];
	v4 =	vadd.f32 v4, v6;
	v5 =	vadd.f32 v10, v8;
	v6 =	vunpack.i.u.bf16.f32 v14  }
0x81: {  	v8 =	vld [tilespmem:s11+$0xFFFFFFA0];
	v10 =	vadd.f32 v1, v3;
	v12 =	vadd.f32 v0, v2;
	v0 =	vunpack.i.l.bf16.f32 v14  }
0x82: {  	v14 =	vld [tilespmem:s11+$0xFFFFFF80];
	v16 =	vadd.f32 v0, v4;
	v18 =	vadd.f32 v6, v5  }
0x83: {  	v1 =	vunpack.i.l.bf16.f32 v17;
	v0 =	vunpack.i.u.bf16.f32 v17;
	v19 =	vld [tilespmem:s11+$0xFFFFFF90]  }
0x84: {  	s9 =	sadd.s32 $0x8, s9;
	v2 =	vunpack.i.u.bf16.f32 v15;
	v3 =	vunpack.i.l.bf16.f32 v15;
	v4 =	vunpack.i.u.bf16.f32 v13  }
0x85: {  	p1 =	slt.u32 s9, $0xC0;
	v5 =	vunpack.i.l.bf16.f32 v13;
	v6 =	vunpack.i.u.bf16.f32 v7;
	v7 =	vunpack.i.l.bf16.f32 v7;
	v15 =	vld [tilespmem:s11+$0xFFFFFFB0]  }
0x86: {  	v17 =	vunpack.i.u.bf16.f32 v11;
	v20 =	vunpack.i.l.bf16.f32 v11;
	v13 =	vunpack.i.u.bf16.f32 v9  }
0x87: {  	v9 =	vunpack.i.l.bf16.f32 v9;
	v11 =	vunpack.i.u.bf16.f32 v8;
	v8 =	vunpack.i.l.bf16.f32 v8;
	v21 =	vld [tilespmem:s11+$0xFFFFFFD0]  }
0x88: {  	v22 =	vunpack.i.u.bf16.f32 v14;
	v14 =	vunpack.i.l.bf16.f32 v14;
	v23 =	vunpack.i.u.bf16.f32 v19  }
0x89: {  	v10 =	vadd.f32 v14, v10;
	v12 =	vadd.f32 v22, v12;
	v14 =	vunpack.i.l.bf16.f32 v19;
	v19 =	vld [tilespmem:s11+$0xFFFFFFF0]  }
0x8a: {  	v14 =	vadd.f32 v14, v16;
	v16 =	vadd.f32 v23, v18;
	v18 =	vunpack.i.u.bf16.f32 v15  }
.Ltmp1:
0x8b: {  	v8 =	vadd.f32 v8, v10;
	v11 =	vadd.f32 v11, v12;
	v12 =	vunpack.i.l.bf16.f32 v15;
	v10 =	vld [tilespmem:s11+$0x10];
	(pc) =	sbr.rel @p1 .LBB2_5-.Ltmp1, $4  }
0x8c: {  	v12 =	vadd.f32 v12, v14;
	v14 =	vadd.f32 v18, v16;
	v15 =	vunpack.i.u.bf16.f32 v21  }
0x8d: {  	v9 =	vadd.f32 v9, v8;
	v16 =	vadd.f32 v13, v11;
	v11 =	vunpack.i.l.bf16.f32 v21;
	v8 =	vld [tilespmem:s11+$0x30]  }
0x8e: {  	v12 =	vadd.f32 v11, v12;
	v11 =	vadd.f32 v15, v14;
	v13 =	vunpack.i.u.bf16.f32 v19  }
0x8f: {  	s11 =	sadd.s32 $0x100, s11;
	v15 =	vadd.f32 v20, v9;
	v14 =	vadd.f32 v17, v16;
	v16 =	vunpack.i.l.bf16.f32 v19;
	v9 =	vld [tilespmem:s0+$0x50]  }
0x90: {  	_ = 	snop  }
0x91: {  	v12 =	vadd.f32 v16, v12;
	v7 =	vadd.f32 v7, v15  }
0x92: {  	v11 =	vadd.f32 v13, v11;
	v13 =	vunpack.i.l.bf16.f32 v10;
	v6 =	vadd.f32 v6, v14  }
0x93: {  	v10 =	vunpack.i.u.bf16.f32 v10;
	v14 =	vld [tilespmem:s0+$0x70];
	v12 =	vadd.f32 v13, v12;
	v5 =	vadd.f32 v5, v7  }
0x94: {  	v7 =	vadd.f32 v10, v11;
	v4 =	vadd.f32 v4, v6;
	v6 =	vunpack.i.l.bf16.f32 v8  }
0x95: {  	v8 =	vunpack.i.u.bf16.f32 v8;
	v6 =	vadd.f32 v6, v12;
	v3 =	vadd.f32 v3, v5  }
0x96: {  	v5 =	vadd.f32 v8, v7;
	v2 =	vadd.f32 v2, v4;
	v4 =	vunpack.i.l.bf16.f32 v9  }
0x97: {  	v7 =	vunpack.i.u.bf16.f32 v9;
	v4 =	vadd.f32 v4, v6;
	v1 =	vadd.f32 v1, v3  }
0x98: {  	v3 =	vadd.f32 v7, v5;
	v0 =	vadd.f32 v0, v2;
	v2 =	vunpack.i.l.bf16.f32 v14  }
0x99: {  	v5 =	vunpack.i.u.bf16.f32 v14;
	v2 =	vadd.f32 v2, v4;
	[tilespmem:s31+$0xC840] =	vst v1  }
0x9a: {  	v1 =	vadd.f32 v5, v3;
	[tilespmem:s31+$0xC850] =	vst v0  }
0x9b: {  	[tilespmem:s31+$0xC860] =	vst v2  }
0x9c: {  	s9 =	simm.s32 @!p0 $0x80;
	s11 =	simm.s32 @!p0 $0x7D00;
	s0 =	sadd.s32 @!p0 $0x3E8, s1;
	[tilespmem:s31+$0xC870] =	vst v1  }
0x9d: {  	[tilespmem:s11], [sflag:$0x2] =	stream.indirect.gather @!p0 [hbm4b:s3+s9], $0x20, s0, s9, $0xb8;
	[tilespmem:$0xE800] =	vst v63  }
0x9e: {  	s0 =	sadd.s32 @!p0 $0x468, s1;
	s9 =	simm.s32 @!p0 $0x48;
	s11 =	simm.s32 @!p0 $0x8D00  }
0x9f: {  	[tilespmem:s11], [sflag:$0x2] =	stream.indirect.gather @!p0 [hbm4b:s3+s9], $0x20, s0, s9, $0xb8;
	[tilespmem:$0xE800] =	vst v63  }
0xa0: {  	_ =	swait.ge [sflag:s24], $0x1900  }
0xa1: {  	[sflag:s24] =	ssyncset.done $0x0  }
0xa2: {  	s0 =	simm.s32 $0x9680;
	[sflag:s24] =	ssyncadd.s32 $0xFFFFE700  }
0xa3: {  	v1 =	vld [tilespmem:s0+$0x60]  }
0xa4: {  	v3 =	vld [tilespmem:s0+$0x40]  }
0xa5: {  	v5 =	vld [tilespmem:s0+$0x20]  }
0xa6: {  	v7 =	vld [tilespmem:s0+$0x0]  }
0xa7: {  	v8 =	vld [tilespmem:s0+$0xFFFFFFE0]  }
0xa8: {  	v9 =	vld [tilespmem:s0+$0xFFFFFFC0]  }
0xa9: {  	v10 =	vld [tilespmem:s0+$0xFFFFFFA0]  }
0xaa: {  	v11 =	vld [tilespmem:s0+$0xFFFFFF80]  }
0xab: {  	v12 =	vimm.f32 $0.0e+00;
	v13 =	vld [tilespmem:s0+$0xFFFFFF90];
	v0 =	vunpack.i.u.bf16.f32 v1;
	v1 =	vunpack.i.l.bf16.f32 v1  }
0xac: {  	v4 =	vunpack.i.u.bf16.f32 v5;
	v2 =	vunpack.i.u.bf16.f32 v3;
	v3 =	vunpack.i.l.bf16.f32 v3  }
0xad: {  	v14 =	vld [tilespmem:s0+$0xFFFFFFB0];
	v6 =	vunpack.i.u.bf16.f32 v7;
	v7 =	vunpack.i.l.bf16.f32 v7;
	v5 =	vunpack.i.l.bf16.f32 v5  }
0xae: {  	v15 =	vunpack.i.u.bf16.f32 v9;
	v16 =	vunpack.i.u.bf16.f32 v8;
	v17 =	vunpack.i.l.bf16.f32 v8  }
0xaf: {  	v18 =	vld [tilespmem:s0+$0xFFFFFFD0];
	v8 =	vunpack.i.u.bf16.f32 v10;
	v19 =	vunpack.i.u.bf16.f32 v11;
	v11 =	vunpack.i.l.bf16.f32 v11  }
0xb0: {  	v20 =	vunpack.i.u.bf16.f32 v13;
	v13 =	vunpack.i.l.bf16.f32 v13;
	v11 =	vadd.f32 v11, v12  }
0xb1: {  	v21 =	vld [tilespmem:s0+$0xFFFFFFF0];
	v10 =	vunpack.i.l.bf16.f32 v10;
	v19 =	vadd.f32 v19, v12;
	v13 =	vadd.f32 v13, v12  }
0xb2: {  	v12 =	vadd.f32 v20, v12;
	v11 =	vadd.f32 v10, v11;
	v10 =	vunpack.i.l.bf16.f32 v14  }
0xb3: {  	v62 =	vunpack.i.u.bf16.f32 v14;
	v8 =	vadd.f32 v8, v19;
	v13 =	vadd.f32 v10, v13;
	v10 =	vld [tilespmem:s0+$0x10]  }
0xb4: {  	v9 =	vunpack.i.l.bf16.f32 v9;
	v14 =	vadd.f32 v62, v12;
	v19 =	vunpack.i.u.bf16.f32 v18  }
0xb5: {  	v9 =	vadd.f32 v9, v11;
	v63 =	vadd.f32 v15, v8;
	v11 =	vunpack.i.l.bf16.f32 v18;
	v8 =	vld [tilespmem:s0+$0x30]  }
0xb6: {  	v12 =	vadd.f32 v11, v13;
	v11 =	vadd.f32 v19, v14;
	v13 =	vunpack.i.u.bf16.f32 v21  }
0xb7: {  	s9 =	simm.s32 $0x0;
	s11 =	simm.s32 $0x9780;
	v15 =	vadd.f32 v17, v9;
	v14 =	vadd.f32 v16, v63;
	v16 =	vunpack.i.l.bf16.f32 v21;
	v9 =	vld [tilespmem:s0+$0x50]  }
.LBB2_7:
0xb8: {  	v17 =	vld [tilespmem:s11+$0x60];
	v12 =	vadd.f32 v16, v12;
	v11 =	vadd.f32 v13, v11;
	v13 =	vunpack.i.u.bf16.f32 v10  }
0xb9: {  	v10 =	vunpack.i.l.bf16.f32 v10;
	v7 =	vadd.f32 v7, v15;
	v6 =	vadd.f32 v6, v14;
	v14 =	vld [tilespmem:s0+$0x70];
	s0 =	smov.u32 s11  }
0xba: {  	v15 =	vld [tilespmem:s11+$0x40];
	v10 =	vadd.f32 v10, v12;
	v11 =	vadd.f32 v13, v11;
	v12 =	vunpack.i.u.bf16.f32 v8  }
0xbb: {  	v13 =	vld [tilespmem:s11+$0x20];
	v5 =	vadd.f32 v5, v7;
	v4 =	vadd.f32 v4, v6;
	v6 =	vunpack.i.l.bf16.f32 v8  }
0xbc: {  	v7 =	vld [tilespmem:s11+$0x0];
	v6 =	vadd.f32 v6, v10;
	v8 =	vadd.f32 v12, v11;
	v10 =	vunpack.i.u.bf16.f32 v9  }
0xbd: {  	v11 =	vld [tilespmem:s11+$0xFFFFFFE0];
	v3 =	vadd.f32 v3, v5;
	v2 =	vadd.f32 v2, v4;
	v4 =	vunpack.i.l.bf16.f32 v9  }
0xbe: {  	v9 =	vld [tilespmem:s11+$0xFFFFFFC0];
	v4 =	vadd.f32 v4, v6;
	v5 =	vadd.f32 v10, v8;
	v6 =	vunpack.i.u.bf16.f32 v14  }
0xbf: {  	v8 =	vld [tilespmem:s11+$0xFFFFFFA0];
	v10 =	vadd.f32 v1, v3;
	v12 =	vadd.f32 v0, v2;
	v0 =	vunpack.i.l.bf16.f32 v14  }
0xc0: {  	v14 =	vld [tilespmem:s11+$0xFFFFFF80];
	v16 =	vadd.f32 v0, v4;
	v18 =	vadd.f32 v6, v5  }
0xc1: {  	v1 =	vunpack.i.l.bf16.f32 v17;
	v0 =	vunpack.i.u.bf16.f32 v17;
	v19 =	vld [tilespmem:s11+$0xFFFFFF90]  }
0xc2: {  	s9 =	sadd.s32 $0x8, s9;
	v2 =	vunpack.i.u.bf16.f32 v15;
	v3 =	vunpack.i.l.bf16.f32 v15;
	v4 =	vunpack.i.u.bf16.f32 v13  }
0xc3: {  	p1 =	slt.u32 s9, $0xC0;
	v5 =	vunpack.i.l.bf16.f32 v13;
	v6 =	vunpack.i.u.bf16.f32 v7;
	v7 =	vunpack.i.l.bf16.f32 v7;
	v15 =	vld [tilespmem:s11+$0xFFFFFFB0]  }
0xc4: {  	v17 =	vunpack.i.u.bf16.f32 v11;
	v20 =	vunpack.i.l.bf16.f32 v11;
	v13 =	vunpack.i.u.bf16.f32 v9  }
0xc5: {  	v9 =	vunpack.i.l.bf16.f32 v9;
	v11 =	vunpack.i.u.bf16.f32 v8;
	v8 =	vunpack.i.l.bf16.f32 v8;
	v21 =	vld [tilespmem:s11+$0xFFFFFFD0]  }
0xc6: {  	v22 =	vunpack.i.u.bf16.f32 v14;
	v14 =	vunpack.i.l.bf16.f32 v14;
	v23 =	vunpack.i.u.bf16.f32 v19  }
0xc7: {  	v10 =	vadd.f32 v14, v10;
	v12 =	vadd.f32 v22, v12;
	v14 =	vunpack.i.l.bf16.f32 v19;
	v19 =	vld [tilespmem:s11+$0xFFFFFFF0]  }
0xc8: {  	v14 =	vadd.f32 v14, v16;
	v16 =	vadd.f32 v23, v18;
	v18 =	vunpack.i.u.bf16.f32 v15  }
.Ltmp2:
0xc9: {  	v8 =	vadd.f32 v8, v10;
	v11 =	vadd.f32 v11, v12;
	v12 =	vunpack.i.l.bf16.f32 v15;
	v10 =	vld [tilespmem:s11+$0x10];
	(pc) =	sbr.rel @p1 .LBB2_7-.Ltmp2, $4  }
0xca: {  	v12 =	vadd.f32 v12, v14;
	v14 =	vadd.f32 v18, v16;
	v15 =	vunpack.i.u.bf16.f32 v21  }
0xcb: {  	v9 =	vadd.f32 v9, v8;
	v16 =	vadd.f32 v13, v11;
	v11 =	vunpack.i.l.bf16.f32 v21;
	v8 =	vld [tilespmem:s11+$0x30]  }
0xcc: {  	v12 =	vadd.f32 v11, v12;
	v11 =	vadd.f32 v15, v14;
	v13 =	vunpack.i.u.bf16.f32 v19  }
0xcd: {  	s11 =	sadd.s32 $0x100, s11;
	v15 =	vadd.f32 v20, v9;
	v14 =	vadd.f32 v17, v16;
	v16 =	vunpack.i.l.bf16.f32 v19;
	v9 =	vld [tilespmem:s0+$0x50]  }
0xce: {  	_ = 	snop  }
0xcf: {  	v12 =	vadd.f32 v16, v12;
	v7 =	vadd.f32 v7, v15  }
0xd0: {  	v11 =	vadd.f32 v13, v11;
	v13 =	vunpack.i.l.bf16.f32 v10;
	v6 =	vadd.f32 v6, v14  }
0xd1: {  	v10 =	vunpack.i.u.bf16.f32 v10;
	v14 =	vld [tilespmem:s0+$0x70];
	v12 =	vadd.f32 v13, v12;
	v5 =	vadd.f32 v5, v7  }
0xd2: {  	v7 =	vadd.f32 v10, v11;
	v4 =	vadd.f32 v4, v6;
	v6 =	vunpack.i.l.bf16.f32 v8  }
0xd3: {  	v8 =	vunpack.i.u.bf16.f32 v8;
	v6 =	vadd.f32 v6, v12;
	v3 =	vadd.f32 v3, v5  }
0xd4: {  	v5 =	vadd.f32 v8, v7;
	v2 =	vadd.f32 v2, v4;
	v4 =	vunpack.i.l.bf16.f32 v9  }
0xd5: {  	v7 =	vunpack.i.u.bf16.f32 v9;
	v4 =	vadd.f32 v4, v6;
	v1 =	vadd.f32 v1, v3  }
0xd6: {  	v3 =	vadd.f32 v7, v5;
	v0 =	vadd.f32 v0, v2;
	v2 =	vunpack.i.l.bf16.f32 v14  }
0xd7: {  	v5 =	vunpack.i.u.bf16.f32 v14;
	v2 =	vadd.f32 v2, v4;
	[tilespmem:s31+$0xC880] =	vst v1  }
0xd8: {  	v1 =	vadd.f32 v5, v3;
	[tilespmem:s31+$0xC890] =	vst v0  }
0xd9: {  	[tilespmem:s31+$0xC8A0] =	vst v2  }
0xda: {  	s9 =	simm.s32 @!p0 $0x80;
	s11 =	simm.s32 @!p0 $0x9600;
	s0 =	sadd.s32 @!p0 $0x4B0, s1;
	[tilespmem:s31+$0xC8B0] =	vst v1  }
0xdb: {  	[tilespmem:s11], [sflag:$0x3] =	stream.indirect.gather @!p0 [hbm4b:s3+s9], $0x20, s0, s9, $0xb8;
	[tilespmem:$0xE800] =	vst v63  }
0xdc: {  	s0 =	sadd.s32 @!p0 $0x530, s1;
	s1 =	simm.s32 @!p0 $0x48;
	s9 =	simm.s32 @!p0 $0xA600  }
0xdd: {  	[tilespmem:s9], [sflag:$0x3] =	stream.indirect.gather @!p0 [hbm4b:s3+s1], $0x20, s0, s1, $0xb8;
	[tilespmem:$0xE800] =	vst v63  }
0xde: {  	_ =	swait.ge [sflag:s25], $0x1900  }
0xdf: {  	[sflag:s25] =	ssyncset.done $0x0  }
0xe0: {  	s0 =	simm.s32 $0xAF80;
	[sflag:s25] =	ssyncadd.s32 $0xFFFFE700  }
0xe1: {  	v1 =	vld [tilespmem:s0+$0x60]  }
0xe2: {  	v3 =	vld [tilespmem:s0+$0x40]  }
0xe3: {  	v5 =	vld [tilespmem:s0+$0x20]  }
0xe4: {  	v7 =	vld [tilespmem:s0+$0x0]  }
0xe5: {  	v8 =	vld [tilespmem:s0+$0xFFFFFFE0]  }
0xe6: {  	v9 =	vld [tilespmem:s0+$0xFFFFFFC0]  }
0xe7: {  	v10 =	vld [tilespmem:s0+$0xFFFFFFA0]  }
0xe8: {  	v11 =	vld [tilespmem:s0+$0xFFFFFF80]  }
0xe9: {  	v12 =	vimm.f32 $0.0e+00;
	v13 =	vld [tilespmem:s0+$0xFFFFFF90];
	v0 =	vunpack.i.u.bf16.f32 v1;
	v1 =	vunpack.i.l.bf16.f32 v1  }
0xea: {  	v4 =	vunpack.i.u.bf16.f32 v5;
	v2 =	vunpack.i.u.bf16.f32 v3;
	v3 =	vunpack.i.l.bf16.f32 v3  }
0xeb: {  	v14 =	vld [tilespmem:s0+$0xFFFFFFB0];
	v6 =	vunpack.i.u.bf16.f32 v7;
	v7 =	vunpack.i.l.bf16.f32 v7;
	v5 =	vunpack.i.l.bf16.f32 v5  }
0xec: {  	v15 =	vunpack.i.u.bf16.f32 v9;
	v16 =	vunpack.i.u.bf16.f32 v8;
	v17 =	vunpack.i.l.bf16.f32 v8  }
0xed: {  	v18 =	vld [tilespmem:s0+$0xFFFFFFD0];
	v8 =	vunpack.i.u.bf16.f32 v10;
	v19 =	vunpack.i.u.bf16.f32 v11;
	v11 =	vunpack.i.l.bf16.f32 v11  }
0xee: {  	v20 =	vunpack.i.u.bf16.f32 v13;
	v13 =	vunpack.i.l.bf16.f32 v13;
	v11 =	vadd.f32 v11, v12  }
0xef: {  	v21 =	vld [tilespmem:s0+$0xFFFFFFF0];
	v10 =	vunpack.i.l.bf16.f32 v10;
	v19 =	vadd.f32 v19, v12;
	v13 =	vadd.f32 v13, v12  }
0xf0: {  	v12 =	vadd.f32 v20, v12;
	v11 =	vadd.f32 v10, v11;
	v10 =	vunpack.i.l.bf16.f32 v14  }
0xf1: {  	v62 =	vunpack.i.u.bf16.f32 v14;
	v8 =	vadd.f32 v8, v19;
	v13 =	vadd.f32 v10, v13;
	v10 =	vld [tilespmem:s0+$0x10]  }
0xf2: {  	v9 =	vunpack.i.l.bf16.f32 v9;
	v14 =	vadd.f32 v62, v12;
	v19 =	vunpack.i.u.bf16.f32 v18  }
0xf3: {  	v9 =	vadd.f32 v9, v11;
	v63 =	vadd.f32 v15, v8;
	v11 =	vunpack.i.l.bf16.f32 v18;
	v8 =	vld [tilespmem:s0+$0x30]  }
0xf4: {  	v12 =	vadd.f32 v11, v13;
	v11 =	vadd.f32 v19, v14;
	v13 =	vunpack.i.u.bf16.f32 v21  }
0xf5: {  	s1 =	simm.s32 $0x0;
	s9 =	simm.s32 $0xB080;
	v15 =	vadd.f32 v17, v9;
	v14 =	vadd.f32 v16, v63;
	v16 =	vunpack.i.l.bf16.f32 v21;
	v9 =	vld [tilespmem:s0+$0x50]  }
.LBB2_9:
0xf6: {  	v17 =	vld [tilespmem:s9+$0x60];
	v12 =	vadd.f32 v16, v12;
	v11 =	vadd.f32 v13, v11;
	v13 =	vunpack.i.u.bf16.f32 v10  }
0xf7: {  	v10 =	vunpack.i.l.bf16.f32 v10;
	v7 =	vadd.f32 v7, v15;
	v6 =	vadd.f32 v6, v14;
	v14 =	vld [tilespmem:s0+$0x70];
	s0 =	smov.u32 s9  }
0xf8: {  	v15 =	vld [tilespmem:s9+$0x40];
	v10 =	vadd.f32 v10, v12;
	v11 =	vadd.f32 v13, v11;
	v12 =	vunpack.i.u.bf16.f32 v8  }
0xf9: {  	v13 =	vld [tilespmem:s9+$0x20];
	v5 =	vadd.f32 v5, v7;
	v4 =	vadd.f32 v4, v6;
	v6 =	vunpack.i.l.bf16.f32 v8  }
0xfa: {  	v7 =	vld [tilespmem:s9+$0x0];
	v6 =	vadd.f32 v6, v10;
	v8 =	vadd.f32 v12, v11;
	v10 =	vunpack.i.u.bf16.f32 v9  }
0xfb: {  	v11 =	vld [tilespmem:s9+$0xFFFFFFE0];
	v3 =	vadd.f32 v3, v5;
	v2 =	vadd.f32 v2, v4;
	v4 =	vunpack.i.l.bf16.f32 v9  }
0xfc: {  	v9 =	vld [tilespmem:s9+$0xFFFFFFC0];
	v4 =	vadd.f32 v4, v6;
	v5 =	vadd.f32 v10, v8;
	v6 =	vunpack.i.u.bf16.f32 v14  }
0xfd: {  	v8 =	vld [tilespmem:s9+$0xFFFFFFA0];
	v10 =	vadd.f32 v1, v3;
	v12 =	vadd.f32 v0, v2;
	v0 =	vunpack.i.l.bf16.f32 v14  }
0xfe: {  	v14 =	vld [tilespmem:s9+$0xFFFFFF80];
	v16 =	vadd.f32 v0, v4;
	v18 =	vadd.f32 v6, v5  }
0xff: {  	v1 =	vunpack.i.l.bf16.f32 v17;
	v0 =	vunpack.i.u.bf16.f32 v17;
	v19 =	vld [tilespmem:s9+$0xFFFFFF90]  }
0x100: {  	s1 =	sadd.s32 $0x8, s1;
	v2 =	vunpack.i.u.bf16.f32 v15;
	v3 =	vunpack.i.l.bf16.f32 v15;
	v4 =	vunpack.i.u.bf16.f32 v13  }
0x101: {  	p0 =	slt.u32 s1, $0xC0;
	v5 =	vunpack.i.l.bf16.f32 v13;
	v6 =	vunpack.i.u.bf16.f32 v7;
	v7 =	vunpack.i.l.bf16.f32 v7;
	v15 =	vld [tilespmem:s9+$0xFFFFFFB0]  }
0x102: {  	v17 =	vunpack.i.u.bf16.f32 v11;
	v20 =	vunpack.i.l.bf16.f32 v11;
	v13 =	vunpack.i.u.bf16.f32 v9  }
0x103: {  	v9 =	vunpack.i.l.bf16.f32 v9;
	v11 =	vunpack.i.u.bf16.f32 v8;
	v8 =	vunpack.i.l.bf16.f32 v8;
	v21 =	vld [tilespmem:s9+$0xFFFFFFD0]  }
0x104: {  	v22 =	vunpack.i.u.bf16.f32 v14;
	v14 =	vunpack.i.l.bf16.f32 v14;
	v23 =	vunpack.i.u.bf16.f32 v19  }
0x105: {  	v10 =	vadd.f32 v14, v10;
	v12 =	vadd.f32 v22, v12;
	v14 =	vunpack.i.l.bf16.f32 v19;
	v19 =	vld [tilespmem:s9+$0xFFFFFFF0]  }
0x106: {  	v14 =	vadd.f32 v14, v16;
	v16 =	vadd.f32 v23, v18;
	v18 =	vunpack.i.u.bf16.f32 v15  }
.Ltmp3:
0x107: {  	v8 =	vadd.f32 v8, v10;
	v11 =	vadd.f32 v11, v12;
	v12 =	vunpack.i.l.bf16.f32 v15;
	v10 =	vld [tilespmem:s9+$0x10];
	(pc) =	sbr.rel @p0 .LBB2_9-.Ltmp3, $4  }
0x108: {  	v12 =	vadd.f32 v12, v14;
	v14 =	vadd.f32 v18, v16;
	v15 =	vunpack.i.u.bf16.f32 v21  }
0x109: {  	v9 =	vadd.f32 v9, v8;
	v16 =	vadd.f32 v13, v11;
	v11 =	vunpack.i.l.bf16.f32 v21;
	v8 =	vld [tilespmem:s9+$0x30]  }
0x10a: {  	v12 =	vadd.f32 v11, v12;
	v11 =	vadd.f32 v15, v14;
	v13 =	vunpack.i.u.bf16.f32 v19  }
0x10b: {  	s9 =	sadd.s32 $0x100, s9;
	v15 =	vadd.f32 v20, v9;
	v14 =	vadd.f32 v17, v16;
	v16 =	vunpack.i.l.bf16.f32 v19;
	v9 =	vld [tilespmem:s0+$0x50]  }
0x10c: {  	_ = 	snop  }
0x10d: {  	v12 =	vadd.f32 v16, v12;
	v7 =	vadd.f32 v7, v15  }
0x10e: {  	v11 =	vadd.f32 v13, v11;
	v51 =	vunpack.i.l.bf16.f32 v10;
	v6 =	vadd.f32 v6, v14  }
0x10f: {  	v52 =	vunpack.i.u.bf16.f32 v10;
	v53 =	vld [tilespmem:s0+$0x70];
	v12 =	vadd.f32 v51, v12;
	v5 =	vadd.f32 v5, v7  }
0x110: {  	v54 =	vadd.f32 v52, v11;
	v55 =	vunpack.i.l.bf16.f32 v8;
	v4 =	vadd.f32 v4, v6  }
0x111: {  	v56 =	vunpack.i.u.bf16.f32 v8;
	v6 =	vadd.f32 v55, v12;
	v3 =	vadd.f32 v3, v5  }
0x112: {  	s29 =	sadd.s32 $0x1, s29;
	v57 =	vadd.f32 v56, v54;
	v58 =	vunpack.i.l.bf16.f32 v9;
	v2 =	vadd.f32 v2, v4  }
0x113: {  	s31 =	sshll.u32 s30, $0x6;
	p0 =	sne.s32 s29, $0x20;
	v59 =	vunpack.i.u.bf16.f32 v9;
	v4 =	vadd.f32 v58, v6;
	v1 =	vadd.f32 v1, v3  }
.Ltmp4:
0x114: {  	s0 =	sand.u32 $0x3FFFFFC0, s31;
	v61 =	vunpack.i.l.bf16.f32 v53;
	v60 =	vadd.f32 v59, v57;
	v0 =	vadd.f32 v0, v2;
	(pc) =	sbr.rel @p0 .LBB2_2-.Ltmp4, $4  }
0x115: {  	v62 =	vunpack.i.u.bf16.f32 v53;
	v2 =	vadd.f32 v61, v4;
	[tilespmem:s0+$0xC800] =	vst v1  }
0x116: {  	v63 =	vadd.f32 v62, v60;
	[tilespmem:s0+$0xC810] =	vst v0  }
0x117: {  	[tilespmem:s0+$0xC820] =	vst v2  }
0x118: {  	[tilespmem:s0+$0xC830] =	vst v63  }
0x119: {  	s28 =	sadd.s32 $0x1, s28  }
0x11a: {  	p0 =	sne.s32 s28, s6  }
.Ltmp5:
0x11b: {  	_ = 	snop;
	(pc) =	sbr.rel @p0 .LBB2_1-.Ltmp5, $4  }
0x11c: {  	[hbm4b:s5+s2] =	stream.linear.scatter [tilespmem:s26], [sflag:$0x5], $0x2000, $0x38;
	[tilespmem:$0xE800] =	vst v63  }
0x11d: {  	_ =	swait.ge [sflag:s7], $0x2000  }
0x11e: {  	[sflag:s7] =	ssyncset.done $0x0  }
0x11f: {  	[sflag:s7] =	ssyncadd.s32 $0xFFFFE000  }
0x120: {  	_ =	sfence.sel $0x180000  }
0x121: {  	[bflag:$0x0] =	sbarrier.arrive $0xFFFF  }
0x122: {  	_ =	strace $0x9000004A  }
0x123: {  	s0 =	stileid.u32;
	[bflag:$0x2] =	sbarrier.arrive $0xFFFF  }
0x124: {  	p0 =	sne.s32 s0, $0x0;
	s0 =	rddreg [dreg:$0x1]  }
0x125: {  	s0 =	sadd.s32 @!p0 $0x100000, s0  }
0x126: {  	[sflag:s0] =	ssyncadd.tile.s32 @!p0 $0x1;
	_ =	shalt  }
.Lfunc_end2:
_tile_overlayer_lowered:
.L_overlay_start_2:
0x127: {  	(tag) =	ssettag $0x2  }
0x128: {  	s0 =	rddreg [dreg:$0x0];
	s2 =	stileid.u32  }
0x129: {  	s1 =	rddreg [dreg:$0x1];
	p0 =	sne.s32 s2, $0x0  }
0x12a: {  	s3 =	rddreg [dreg:$0x2];
	[bflag:$0x3] =	sbarrier.arrive $0xFFFF;
	s2 =	simm.s32 @!p0 $0x1C05  }
0x12b: {  	[timem:s3], [sflag:s2] =	dma.local @!p0 [hbm:s0], s1  }
0x12c: {  	s0 =	simm.s32 @!p0 $0x5  }
0x12d: {  	_ =	swait.ge @!p0 [sflag:s0], s1  }
0x12e: {  	s1 =	ssub.s32 @!p0 $0x0, s1;
	[sflag:s0] =	ssyncset.done @!p0 $0x0  }
0x12f: {  	[sflag:s0] =	ssyncadd.s32 @!p0 s1  }
0x130: {  	[bflag:$0x3] =	sbarrier.arrive $0xFFFF  }
0x131: {  	_ =	shalt  }

</sc_bundles>
